<compile_context>
chip_gen: v7x
topology: tpu7x:2x2x1
jax: 0.10.2.dev20260603
libtpu: 0.0.44.dev20260713+nightly
codegen_flags: <defaults>
</compile_context>

<pallas_src>
import jax
import jax.numpy as jnp
from jax import lax
from jax.experimental import pallas as pl
from jax.experimental.pallas import tpu as pltpu
from jax.experimental.pallas import tpu_sc as plsc

ROWS = 100000
COLS = 64
NIDX = 16384
NC = 2
NS = 16
PHASES = 5
PIECE = ROWS // (NC * PHASES)
TROWS = 624
REM = PIECE - NS * TROWS
IDX_PER_TILE = NIDX // NS
CH = 128
PAD = CH + 16
TRASH = 16


def _body(x_hbm, idx_hbm, src_hbm, alpha_hbm, out_hbm,
          idxbuf, selpos, selloc, poschunk, locchunk, srcbuf, alphabuf,
          piece0, piece1, sem_in, sem_g, sem_out0, sem_out1):
    c = lax.axis_index("c")
    t = lax.axis_index("s")
    lanes = lax.iota(jnp.int32, 16)

    pltpu.sync_copy(idx_hbm.at[pl.ds(t * IDX_PER_TILE, IDX_PER_TILE)], idxbuf)
    pltpu.sync_copy(alpha_hbm, alphabuf)
    alpha_v = alphabuf[...]
    alpha_s = alpha_v[0]

    pieces = (piece0, piece1)
    out_sems = (sem_out0, sem_out1)

    def phase_base(p):
        return (c * PHASES + p) * PIECE

    def issue_in(p):
        buf = pieces[p % 2]
        row0 = pl.multiple_of(phase_base(p) + t * TROWS, 8)
        return pltpu.async_copy(x_hbm.at[pl.ds(row0, TROWS), :],
                                buf.at[pl.ds(t * TROWS, TROWS), :], sem_in)

    h_in = issue_in(0)
    h_out = [None] * PHASES

    for p in range(PHASES):
        buf = pieces[p % 2]
        base = phase_base(p)

        def scan_step(j, cnt):
            v = idxbuf[pl.ds(j * 16, 16)]
            m = (v >= base) & (v < base + PIECE)
            plsc.store_compressed(selloc.at[pl.ds(cnt, 16)], v - base, mask=m)
            plsc.store_compressed(selpos.at[pl.ds(cnt, 16)],
                                  t * IDX_PER_TILE + j * 16 + lanes, mask=m)
            return cnt + jnp.sum(m.astype(jnp.int32))
        cnt = lax.fori_loop(0, IDX_PER_TILE // 16, scan_step, jnp.int32(0))

        for k in range(CH // 16 + 1):
            selloc[pl.ds(cnt + k * 16, 16)] = PIECE + lanes
            selpos[pl.ds(cnt + k * 16, 16)] = lanes

        h_in.wait()

        @pl.when(t == 0)
        def _():
            rem0 = pl.multiple_of(base + NS * TROWS, 8)
            pltpu.sync_copy(x_hbm.at[pl.ds(rem0, REM), :],
                            buf.at[pl.ds(NS * TROWS, REM), :])

        plsc.subcore_barrier()

        nchunks = (cnt + (CH - 1)) // CH

        def chunk_step(ci, carry):
            for k in range(CH // 16):
                poschunk[pl.ds(k * 16, 16)] = selpos[pl.ds(ci * CH + k * 16, 16)]
                locchunk[pl.ds(k * 16, 16)] = selloc[pl.ds(ci * CH + k * 16, 16)]
            pltpu.async_copy(src_hbm.at[poschunk], srcbuf, sem_g).wait()

            @pl.when(alpha_s != 1.0)
            def _():
                def scale_row(r, carry2):
                    for q in range(COLS // 16):
                        srcbuf[r, pl.ds(q * 16, 16)] = (
                            srcbuf[r, pl.ds(q * 16, 16)] * alpha_v)
                    return carry2
                lax.fori_loop(0, CH, scale_row, jnp.int32(0))

            pltpu.sync_copy(srcbuf, buf.at[locchunk], add=True)
            return carry
        lax.fori_loop(0, nchunks, chunk_step, jnp.int32(0))

        plsc.subcore_barrier()

        row0 = pl.multiple_of(base + t * TROWS, 8)
        h_out[p] = pltpu.async_copy(buf.at[pl.ds(t * TROWS, TROWS), :],
                                    out_hbm.at[pl.ds(row0, TROWS), :],
                                    out_sems[p % 2])

        @pl.when(t == 0)
        def _():
            rem0 = pl.multiple_of(base + NS * TROWS, 8)
            pltpu.sync_copy(buf.at[pl.ds(NS * TROWS, REM), :],
                            out_hbm.at[pl.ds(rem0, REM), :])

        if p + 1 < PHASES:
            if p >= 1:
                h_out[p - 1].wait()
            h_in = issue_in(p + 1)

    h_out[PHASES - 2].wait()
    h_out[PHASES - 1].wait()


def kernel(x, dim, index, source, alpha):
    idx32 = (index + dim).astype(jnp.int32)
    alpha_arr = jnp.full((16,), alpha, dtype=jnp.float32)

    mesh = plsc.VectorSubcoreMesh(core_axis_name="c", subcore_axis_name="s")
    f = pl.kernel(
        _body,
        mesh=mesh,
        compiler_params=pltpu.CompilerParams(needs_layout_passes=False,
                                             use_tc_tiling_on_sc=False),
        out_type=jax.ShapeDtypeStruct((ROWS, COLS), jnp.float32),
        scratch_types=[
            pltpu.VMEM((IDX_PER_TILE,), jnp.int32),
            pltpu.VMEM((IDX_PER_TILE + PAD,), jnp.int32),
            pltpu.VMEM((IDX_PER_TILE + PAD,), jnp.int32),
            pltpu.VMEM((CH,), jnp.int32),
            pltpu.VMEM((CH,), jnp.int32),
            pltpu.VMEM((CH, COLS), jnp.float32),
            pltpu.VMEM((16,), jnp.float32),
            pltpu.VMEM_SHARED((PIECE + TRASH, COLS), jnp.float32),
            pltpu.VMEM_SHARED((PIECE + TRASH, COLS), jnp.float32),
            pltpu.SemaphoreType.DMA,
            pltpu.SemaphoreType.DMA,
            pltpu.SemaphoreType.DMA,
            pltpu.SemaphoreType.DMA,
        ],
    )
    return f(x, idx32, source, alpha_arr)

# --- scband reference (transcript-rebuilt; emitter-appended) ---
"""Pipeline reference for scband-torch-ops-aten-index-add-dimname-module-66236985639534 (READ-ONLY COPY).

The authoritative reference and input builder live on the scoring server;
editing this copy changes nothing except your own understanding.
"""

import jax, jax.numpy as jnp
import numpy as np


def setup_inputs(seed: int = 0) -> dict:
    key = jax.random.key(seed)
    k1, k2, k3 = jax.random.split(key, 3)
    x = jax.random.normal(k1, (100000, 64), dtype=jnp.float32)
    index = jax.random.randint(k2, (16384,), 0, 100000, dtype=jnp.int32).astype(jnp.int64)
    source = jax.random.normal(k3, (16384, 64), dtype=jnp.float32)
    return {"x": x, "dim": 0, "index": index, "source": source, "alpha": 1}


def reference(x, dim, index, source, alpha):
    # Faithful translation of torch.ops.aten.index_add(x, dim, index, source, alpha):
    # out = x; out[index[i], :] += alpha * source[i, :]  (for dim == 0)
    # Duplicate indices accumulate, matching index_add semantics.
    idx = index + dim
    out = x.at[idx].add(alpha * source)
    return out

if __name__ == "__main__":
    import jax
    _d = setup_inputs()
    print(jax.jit(kernel)(*tuple(_d.values())))

</pallas_src>

<mosaic_0001>
#map = affine_map<(d0, d1) -> (0, 0)>
#map1 = affine_map<(d0, d1) -> (0)>
module attributes {stable_mosaic.version = 14 : i64} {
  func.func @_body(%arg0: i32, %arg1: i32, %arg2: memref<100000x64xf32, #tpu.memory_space<hbm>>, %arg3: memref<16384xi32, #tpu.memory_space<hbm>>, %arg4: memref<16384x64xf32, #tpu.memory_space<hbm>>, %arg5: memref<16xf32, #tpu.memory_space<hbm>>, %arg6: memref<100000x64xf32, #tpu.memory_space<hbm>>, %arg7: memref<1024xi32, #tpu.memory_space<vmem>>, %arg8: memref<1168xi32, #tpu.memory_space<vmem>>, %arg9: memref<1168xi32, #tpu.memory_space<vmem>>, %arg10: memref<128xi32, #tpu.memory_space<vmem>>, %arg11: memref<128xi32, #tpu.memory_space<vmem>>, %arg12: memref<128x64xf32, #tpu.memory_space<vmem>>, %arg13: memref<16xf32, #tpu.memory_space<vmem>>, %arg14: memref<10016x64xf32, #tpu.memory_space<vmem_shared>>, %arg15: memref<10016x64xf32, #tpu.memory_space<vmem_shared>>, %arg16: memref<!tpu.dma_semaphore, #tpu.memory_space<semaphore_mem>>, %arg17: memref<!tpu.dma_semaphore, #tpu.memory_space<semaphore_mem>>, %arg18: memref<!tpu.dma_semaphore, #tpu.memory_space<semaphore_mem>>, %arg19: memref<!tpu.dma_semaphore, #tpu.memory_space<semaphore_mem>>) attributes {dimension_semantics = [#tpu.dimension_semantics<core_parallel>, #tpu.dimension_semantics<subcore_parallel>], iteration_bounds = array<i64: 2, 16>, scalar_prefetch = 0 : i64, scratch_operands = 13 : i64, tpu.core_type = #tpu.core_type<sc_vector_subcore>, window_params = [{transform_indices = #map}, {transform_indices = #map1}, {transform_indices = #map}, {transform_indices = #map1}, {transform_indices = #map}]} {
    %iota3A = tpu.iota {dimensions = array<i32: 0>} : vector<16xi32>
    %mul3A = arith.constant 1024 : i32
    %mul3A_0 = arith.muli %arg1, %mul3A : i32
    "tpu.region"() ({
      %run_scoped3A = tpu.sem_alloc : memref<!tpu.dma_semaphore, #tpu.memory_space<semaphore_mem>>
      %dma_start3A_953 = tpu.memref_slice %arg3[%mul3A_0] : memref<16384xi32, #tpu.memory_space<hbm>> -> memref<1024xi32, #tpu.memory_space<hbm>>
      %dma_start3A_954 = tpu.memref_slice %arg3[%mul3A_0] : memref<16384xi32, #tpu.memory_space<hbm>> -> memref<1024xi32, #tpu.memory_space<hbm>>
      tpu.enqueue_dma source(%dma_start3A_954 : memref<1024xi32, #tpu.memory_space<hbm>>) target(%arg7 : memref<1024xi32, #tpu.memory_space<vmem>>) target_semaphore(%run_scoped3A : memref<!tpu.dma_semaphore, #tpu.memory_space<semaphore_mem>>)
      %dma_wait3A_955 = tpu.memref_slice %arg3[%mul3A_0] : memref<16384xi32, #tpu.memory_space<hbm>> -> memref<1024xi32, #tpu.memory_space<hbm>>
      %dma_wait3A_956 = tpu.memref_slice %arg3[%mul3A_0] : memref<16384xi32, #tpu.memory_space<hbm>> -> memref<1024xi32, #tpu.memory_space<hbm>>
      tpu.wait_dma2 semaphore(%run_scoped3A : memref<!tpu.dma_semaphore, #tpu.memory_space<semaphore_mem>>) src(%dma_wait3A_956 : memref<1024xi32, #tpu.memory_space<hbm>>) dst(%arg7 : memref<1024xi32, #tpu.memory_space<vmem>>)
      tpu.yield
    }) : () -> ()
    "tpu.region"() ({
      %run_scoped3A = tpu.sem_alloc : memref<!tpu.dma_semaphore, #tpu.memory_space<semaphore_mem>>
      tpu.enqueue_dma source(%arg5 : memref<16xf32, #tpu.memory_space<hbm>>) target(%arg13 : memref<16xf32, #tpu.memory_space<vmem>>) target_semaphore(%run_scoped3A : memref<!tpu.dma_semaphore, #tpu.memory_space<semaphore_mem>>)
      tpu.wait_dma2 semaphore(%run_scoped3A : memref<!tpu.dma_semaphore, #tpu.memory_space<semaphore_mem>>) src(%arg5 : memref<16xf32, #tpu.memory_space<hbm>>) dst(%arg13 : memref<16xf32, #tpu.memory_space<vmem>>)
      tpu.yield
    }) : () -> ()
    %get3A = arith.constant 0 : index
    %get3A_1 = tpu.vector_load %arg13[%get3A] {strides = array<i32>} : memref<16xf32, #tpu.memory_space<vmem>>, vector<16xf32>,
    %slice3A = vector.extract_strided_slice %get3A_1 {offsets = [0], sizes = [1], strides = [1]} : vector<16xf32> to vector<1xf32>
    %squeeze3A = vector.extract %slice3A[0] : f32 from vector<1xf32>
    %mul3A_2 = arith.constant 5 : i32
    %mul3A_3 = arith.muli %arg0, %mul3A_2 : i32
    %add3A = arith.constant 0 : i32
    %add3A_4 = arith.addi %mul3A_3, %add3A : i32
    %mul3A_5 = arith.constant 10000 : i32
    %mul3A_6 = arith.muli %add3A_4, %mul3A_5 : i32
    %mul3A_7 = arith.constant 624 : i32
    %mul3A_8 = arith.muli %arg1, %mul3A_7 : i32
    %add3A_9 = arith.addi %mul3A_6, %mul3A_8 : i32
    %multiple_of3A = tpu.assume_multiple %add3A_9, 8 : i32
    %mul3A_10 = arith.constant 624 : i32
    %mul3A_11 = arith.muli %arg1, %mul3A_10 : i32
    %dma_start3A = arith.constant 0 : i32
    %dma_start3A_12 = tpu.memref_slice %arg14[%mul3A_11, %dma_start3A] : memref<10016x64xf32, #tpu.memory_space<vmem_shared>> -> memref<624x64xf32, #tpu.memory_space<vmem_shared>>
    %dma_start3A_13 = arith.constant 0 : i32
    %dma_start3A_14 = tpu.memref_slice %arg2[%multiple_of3A, %dma_start3A_13] : memref<100000x64xf32, #tpu.memory_space<hbm>> -> memref<624x64xf32, #tpu.memory_space<hbm>>
    tpu.enqueue_dma source(%dma_start3A_14 : memref<624x64xf32, #tpu.memory_space<hbm>>) target(%dma_start3A_12 : memref<624x64xf32, #tpu.memory_space<vmem_shared>>) target_semaphore(%arg16 : memref<!tpu.dma_semaphore, #tpu.memory_space<semaphore_mem>>)
    %mul3A_15 = arith.constant 5 : i32
    %mul3A_16 = arith.muli %arg0, %mul3A_15 : i32
    %add3A_17 = arith.constant 0 : i32
    %add3A_18 = arith.addi %mul3A_16, %add3A_17 : i32
    %mul3A_19 = arith.constant 10000 : i32
    %mul3A_20 = arith.muli %add3A_18, %mul3A_19 : i32
    %scan3A = arith.constant 0 : i32
    %scan3A_21 = arith.constant 0 : i32
    %scan3A_22 = arith.constant 64 : i32
    %scan3A_23 = arith.addi %scan3A_21, %scan3A_22 : i32
    %scan3A_24 = arith.constant 1 : i32
    %scan3A_25 = scf.for %scan3A_953 = %scan3A_21 to %scan3A_23 step %scan3A_24 iter_args(%scan3A_954 = %scan3A) -> (i32)  : i32 {
      %mul3A_955 = arith.constant 16 : i32
      %mul3A_956 = arith.muli %scan3A_953, %mul3A_955 : i32
      %get3A_957 = arith.index_cast %mul3A_956 : i32 to index
      %get3A_958 = tpu.vector_load %arg7[%get3A_957] {strides = array<i32>} : memref<1024xi32, #tpu.memory_space<vmem>>, vector<16xi32>,
      %ge3A = vector.broadcast %mul3A_20 : i32 to vector<16xi32>
      %ge3A_959 = arith.cmpi sge, %get3A_958, %ge3A : vector<16xi32>
      %add3A_960 = arith.constant 10000 : i32
      %add3A_961 = arith.addi %mul3A_20, %add3A_960 : i32
      %lt3A = vector.broadcast %add3A_961 : i32 to vector<16xi32>
      %lt3A_962 = arith.cmpi slt, %get3A_958, %lt3A : vector<16xi32>
      %and3A_963 = arith.andi %ge3A_959, %lt3A_962 : vector<16xi1>
      %sub3A_964 = vector.broadcast %mul3A_20 : i32 to vector<16xi32>
      %sub3A_965 = arith.subi %get3A_958, %sub3A_964 : vector<16xi32>
      %swap3A_966 = arith.index_cast %scan3A_954 : i32 to index
      %swap3A_967 = tpu.vector_load %arg9[%swap3A_966] masked %and3A_963 {strides = array<i32>} : memref<1168xi32, #tpu.memory_space<vmem>>, vector<16xi32>, vector<16xi1>
      tpu.vector_store %arg9[%swap3A_966], %sub3A_965 masked %and3A_963 {strides = array<i32>} : memref<1168xi32, #tpu.memory_space<vmem>>, vector<16xi32>, vector<16xi1>
      %mul3A_968 = arith.constant 1024 : i32
      %mul3A_969 = arith.muli %arg1, %mul3A_968 : i32
      %mul3A_970 = arith.constant 16 : i32
      %mul3A_971 = arith.muli %scan3A_953, %mul3A_970 : i32
      %add3A_972 = arith.addi %mul3A_969, %mul3A_971 : i32
      %add3A_973 = vector.broadcast %add3A_972 : i32 to vector<16xi32>
      %add3A_974 = arith.addi %add3A_973, %iota3A : vector<16xi32>
      %swap3A_975 = arith.index_cast %scan3A_954 : i32 to index
      %swap3A_976 = tpu.vector_load %arg8[%swap3A_975] masked %and3A_963 {strides = array<i32>} : memref<1168xi32, #tpu.memory_space<vmem>>, vector<16xi32>, vector<16xi1>
      tpu.vector_store %arg8[%swap3A_975], %add3A_974 masked %and3A_963 {strides = array<i32>} : memref<1168xi32, #tpu.memory_space<vmem>>, vector<16xi32>, vector<16xi1>
      %convert_element_type3A_977 = arith.extui %and3A_963 : vector<16xi1> to vector<16xi32>
      %reduce_sum3A = arith.constant true
      %reduce_sum3A_978 = vector.broadcast %reduce_sum3A : i1 to vector<16xi1>
      %reduce_sum3A_979 = tpu.scan <sum>, %convert_element_type3A_977 masked %reduce_sum3A_978 : vector<16xi32>, vector<16xi1> -> vector<16xi32>
      %reduce_sum3A_980 = vector.extract %reduce_sum3A_979[15] : i32 from vector<16xi32>
      %add3A_981 = arith.addi %scan3A_954, %reduce_sum3A_980 : i32
      scf.yield %add3A_981 : i32
    }
    %scan3A_26 = arith.constant 64 : i32
    %add3A_27 = arith.constant 10000 : i32
    %add3A_28 = vector.broadcast %add3A_27 : i32 to vector<16xi32>
    %add3A_29 = arith.addi %add3A_28, %iota3A : vector<16xi32>
    %add3A_30 = arith.constant 0 : i32
    %add3A_31 = arith.addi %scan3A_25, %add3A_30 : i32
    %swap3A = arith.index_cast %add3A_31 : i32 to index
    %swap3A_32 = tpu.vector_load %arg9[%swap3A] {strides = array<i32>} : memref<1168xi32, #tpu.memory_space<vmem>>, vector<16xi32>,
    tpu.vector_store %arg9[%swap3A], %add3A_29 {strides = array<i32>} : memref<1168xi32, #tpu.memory_space<vmem>>, vector<16xi32>,
    %add3A_33 = arith.constant 0 : i32
    %add3A_34 = arith.addi %scan3A_25, %add3A_33 : i32
    %swap3A_35 = arith.index_cast %add3A_34 : i32 to index
    %swap3A_36 = tpu.vector_load %arg8[%swap3A_35] {strides = array<i32>} : memref<1168xi32, #tpu.memory_space<vmem>>, vector<16xi32>,
    tpu.vector_store %arg8[%swap3A_35], %iota3A {strides = array<i32>} : memref<1168xi32, #tpu.memory_space<vmem>>, vector<16xi32>,
    %add3A_37 = arith.constant 10000 : i32
    %add3A_38 = vector.broadcast %add3A_37 : i32 to vector<16xi32>
    %add3A_39 = arith.addi %add3A_38, %iota3A : vector<16xi32>
    %add3A_40 = arith.constant 16 : i32
    %add3A_41 = arith.addi %scan3A_25, %add3A_40 : i32
    %swap3A_42 = arith.index_cast %add3A_41 : i32 to index
    %swap3A_43 = tpu.vector_load %arg9[%swap3A_42] {strides = array<i32>} : memref<1168xi32, #tpu.memory_space<vmem>>, vector<16xi32>,
    tpu.vector_store %arg9[%swap3A_42], %add3A_39 {strides = array<i32>} : memref<1168xi32, #tpu.memory_space<vmem>>, vector<16xi32>,
    %add3A_44 = arith.constant 16 : i32
    %add3A_45 = arith.addi %scan3A_25, %add3A_44 : i32
    %swap3A_46 = arith.index_cast %add3A_45 : i32 to index
    %swap3A_47 = tpu.vector_load %arg8[%swap3A_46] {strides = array<i32>} : memref<1168xi32, #tpu.memory_space<vmem>>, vector<16xi32>,
    tpu.vector_store %arg8[%swap3A_46], %iota3A {strides = array<i32>} : memref<1168xi32, #tpu.memory_space<vmem>>, vector<16xi32>,
    %add3A_48 = arith.constant 10000 : i32
    %add3A_49 = vector.broadcast %add3A_48 : i32 to vector<16xi32>
    %add3A_50 = arith.addi %add3A_49, %iota3A : vector<16xi32>
    %add3A_51 = arith.constant 32 : i32
    %add3A_52 = arith.addi %scan3A_25, %add3A_51 : i32
    %swap3A_53 = arith.index_cast %add3A_52 : i32 to index
    %swap3A_54 = tpu.vector_load %arg9[%swap3A_53] {strides = array<i32>} : memref<1168xi32, #tpu.memory_space<vmem>>, vector<16xi32>,
    tpu.vector_store %arg9[%swap3A_53], %add3A_50 {strides = array<i32>} : memref<1168xi32, #tpu.memory_space<vmem>>, vector<16xi32>,
    %add3A_55 = arith.constant 32 : i32
    %add3A_56 = arith.addi %scan3A_25, %add3A_55 : i32
    %swap3A_57 = arith.index_cast %add3A_56 : i32 to index
    %swap3A_58 = tpu.vector_load %arg8[%swap3A_57] {strides = array<i32>} : memref<1168xi32, #tpu.memory_space<vmem>>, vector<16xi32>,
    tpu.vector_store %arg8[%swap3A_57], %iota3A {strides = array<i32>} : memref<1168xi32, #tpu.memory_space<vmem>>, vector<16xi32>,
    %add3A_59 = arith.constant 10000 : i32
    %add3A_60 = vector.broadcast %add3A_59 : i32 to vector<16xi32>
    %add3A_61 = arith.addi %add3A_60, %iota3A : vector<16xi32>
    %add3A_62 = arith.constant 48 : i32
    %add3A_63 = arith.addi %scan3A_25, %add3A_62 : i32
    %swap3A_64 = arith.index_cast %add3A_63 : i32 to index
    %swap3A_65 = tpu.vector_load %arg9[%swap3A_64] {strides = array<i32>} : memref<1168xi32, #tpu.memory_space<vmem>>, vector<16xi32>,
    tpu.vector_store %arg9[%swap3A_64], %add3A_61 {strides = array<i32>} : memref<1168xi32, #tpu.memory_space<vmem>>, vector<16xi32>,
    %add3A_66 = arith.constant 48 : i32
    %add3A_67 = arith.addi %scan3A_25, %add3A_66 : i32
    %swap3A_68 = arith.index_cast %add3A_67 : i32 to index
    %swap3A_69 = tpu.vector_load %arg8[%swap3A_68] {strides = array<i32>} : memref<1168xi32, #tpu.memory_space<vmem>>, vector<16xi32>,
    tpu.vector_store %arg8[%swap3A_68], %iota3A {strides = array<i32>} : memref<1168xi32, #tpu.memory_space<vmem>>, vector<16xi32>,
    %add3A_70 = arith.constant 10000 : i32
    %add3A_71 = vector.broadcast %add3A_70 : i32 to vector<16xi32>
    %add3A_72 = arith.addi %add3A_71, %iota3A : vector<16xi32>
    %add3A_73 = arith.constant 64 : i32
    %add3A_74 = arith.addi %scan3A_25, %add3A_73 : i32
    %swap3A_75 = arith.index_cast %add3A_74 : i32 to index
    %swap3A_76 = tpu.vector_load %arg9[%swap3A_75] {strides = array<i32>} : memref<1168xi32, #tpu.memory_space<vmem>>, vector<16xi32>,
    tpu.vector_store %arg9[%swap3A_75], %add3A_72 {strides = array<i32>} : memref<1168xi32, #tpu.memory_space<vmem>>, vector<16xi32>,
    %add3A_77 = arith.constant 64 : i32
    %add3A_78 = arith.addi %scan3A_25, %add3A_77 : i32
    %swap3A_79 = arith.index_cast %add3A_78 : i32 to index
    %swap3A_80 = tpu.vector_load %arg8[%swap3A_79] {strides = array<i32>} : memref<1168xi32, #tpu.memory_space<vmem>>, vector<16xi32>,
    tpu.vector_store %arg8[%swap3A_79], %iota3A {strides = array<i32>} : memref<1168xi32, #tpu.memory_space<vmem>>, vector<16xi32>,
    %add3A_81 = arith.constant 10000 : i32
    %add3A_82 = vector.broadcast %add3A_81 : i32 to vector<16xi32>
    %add3A_83 = arith.addi %add3A_82, %iota3A : vector<16xi32>
    %add3A_84 = arith.constant 80 : i32
    %add3A_85 = arith.addi %scan3A_25, %add3A_84 : i32
    %swap3A_86 = arith.index_cast %add3A_85 : i32 to index
    %swap3A_87 = tpu.vector_load %arg9[%swap3A_86] {strides = array<i32>} : memref<1168xi32, #tpu.memory_space<vmem>>, vector<16xi32>,
    tpu.vector_store %arg9[%swap3A_86], %add3A_83 {strides = array<i32>} : memref<1168xi32, #tpu.memory_space<vmem>>, vector<16xi32>,
    %add3A_88 = arith.constant 80 : i32
    %add3A_89 = arith.addi %scan3A_25, %add3A_88 : i32
    %swap3A_90 = arith.index_cast %add3A_89 : i32 to index
    %swap3A_91 = tpu.vector_load %arg8[%swap3A_90] {strides = array<i32>} : memref<1168xi32, #tpu.memory_space<vmem>>, vector<16xi32>,
    tpu.vector_store %arg8[%swap3A_90], %iota3A {strides = array<i32>} : memref<1168xi32, #tpu.memory_space<vmem>>, vector<16xi32>,
    %add3A_92 = arith.constant 10000 : i32
    %add3A_93 = vector.broadcast %add3A_92 : i32 to vector<16xi32>
    %add3A_94 = arith.addi %add3A_93, %iota3A : vector<16xi32>
    %add3A_95 = arith.constant 96 : i32
    %add3A_96 = arith.addi %scan3A_25, %add3A_95 : i32
    %swap3A_97 = arith.index_cast %add3A_96 : i32 to index
    %swap3A_98 = tpu.vector_load %arg9[%swap3A_97] {strides = array<i32>} : memref<1168xi32, #tpu.memory_space<vmem>>, vector<16xi32>,
    tpu.vector_store %arg9[%swap3A_97], %add3A_94 {strides = array<i32>} : memref<1168xi32, #tpu.memory_space<vmem>>, vector<16xi32>,
    %add3A_99 = arith.constant 96 : i32
    %add3A_100 = arith.addi %scan3A_25, %add3A_99 : i32
    %swap3A_101 = arith.index_cast %add3A_100 : i32 to index
    %swap3A_102 = tpu.vector_load %arg8[%swap3A_101] {strides = array<i32>} : memref<1168xi32, #tpu.memory_space<vmem>>, vector<16xi32>,
    tpu.vector_store %arg8[%swap3A_101], %iota3A {strides = array<i32>} : memref<1168xi32, #tpu.memory_space<vmem>>, vector<16xi32>,
    %add3A_103 = arith.constant 10000 : i32
    %add3A_104 = vector.broadcast %add3A_103 : i32 to vector<16xi32>
    %add3A_105 = arith.addi %add3A_104, %iota3A : vector<16xi32>
    %add3A_106 = arith.constant 112 : i32
    %add3A_107 = arith.addi %scan3A_25, %add3A_106 : i32
    %swap3A_108 = arith.index_cast %add3A_107 : i32 to index
    %swap3A_109 = tpu.vector_load %arg9[%swap3A_108] {strides = array<i32>} : memref<1168xi32, #tpu.memory_space<vmem>>, vector<16xi32>,
    tpu.vector_store %arg9[%swap3A_108], %add3A_105 {strides = array<i32>} : memref<1168xi32, #tpu.memory_space<vmem>>, vector<16xi32>,
    %add3A_110 = arith.constant 112 : i32
    %add3A_111 = arith.addi %scan3A_25, %add3A_110 : i32
    %swap3A_112 = arith.index_cast %add3A_111 : i32 to index
    %swap3A_113 = tpu.vector_load %arg8[%swap3A_112] {strides = array<i32>} : memref<1168xi32, #tpu.memory_space<vmem>>, vector<16xi32>,
    tpu.vector_store %arg8[%swap3A_112], %iota3A {strides = array<i32>} : memref<1168xi32, #tpu.memory_space<vmem>>, vector<16xi32>,
    %add3A_114 = arith.constant 10000 : i32
    %add3A_115 = vector.broadcast %add3A_114 : i32 to vector<16xi32>
    %add3A_116 = arith.addi %add3A_115, %iota3A : vector<16xi32>
    %add3A_117 = arith.constant 128 : i32
    %add3A_118 = arith.addi %scan3A_25, %add3A_117 : i32
    %swap3A_119 = arith.index_cast %add3A_118 : i32 to index
    %swap3A_120 = tpu.vector_load %arg9[%swap3A_119] {strides = array<i32>} : memref<1168xi32, #tpu.memory_space<vmem>>, vector<16xi32>,
    tpu.vector_store %arg9[%swap3A_119], %add3A_116 {strides = array<i32>} : memref<1168xi32, #tpu.memory_space<vmem>>, vector<16xi32>,
    %add3A_121 = arith.constant 128 : i32
    %add3A_122 = arith.addi %scan3A_25, %add3A_121 : i32
    %swap3A_123 = arith.index_cast %add3A_122 : i32 to index
    %swap3A_124 = tpu.vector_load %arg8[%swap3A_123] {strides = array<i32>} : memref<1168xi32, #tpu.memory_space<vmem>>, vector<16xi32>,
    tpu.vector_store %arg8[%swap3A_123], %iota3A {strides = array<i32>} : memref<1168xi32, #tpu.memory_space<vmem>>, vector<16xi32>,
    %dma_wait3A = arith.constant 0 : i32
    %dma_wait3A_125 = tpu.memref_slice %arg14[%mul3A_11, %dma_wait3A] : memref<10016x64xf32, #tpu.memory_space<vmem_shared>> -> memref<624x64xf32, #tpu.memory_space<vmem_shared>>
    %dma_wait3A_126 = arith.constant 0 : i32
    %dma_wait3A_127 = tpu.memref_slice %arg2[%multiple_of3A, %dma_wait3A_126] : memref<100000x64xf32, #tpu.memory_space<hbm>> -> memref<624x64xf32, #tpu.memory_space<hbm>>
    tpu.wait_dma2 semaphore(%arg16 : memref<!tpu.dma_semaphore, #tpu.memory_space<semaphore_mem>>) src(%dma_wait3A_127 : memref<624x64xf32, #tpu.memory_space<hbm>>) dst(%dma_wait3A_125 : memref<624x64xf32, #tpu.memory_space<vmem_shared>>)
    %eq3A = arith.constant 0 : i32
    %eq3A_128 = arith.cmpi eq, %arg1, %eq3A : i32
    %convert_element_type3A = arith.extui %eq3A_128 : i1 to i32
    %cond3A = arith.constant 0 : i32
    %cond3A_129 = arith.cmpi ne, %convert_element_type3A, %cond3A : i32
    scf.if %cond3A_129 {
      %add3A_953 = arith.constant 9984 : i32
      %add3A_954 = arith.addi %mul3A_20, %add3A_953 : i32
      %multiple_of3A_955 = tpu.assume_multiple %add3A_954, 8 : i32
      "tpu.region"() ({
        %run_scoped3A = tpu.sem_alloc : memref<!tpu.dma_semaphore, #tpu.memory_space<semaphore_mem>>
        %dma_start3A_956 = arith.constant 9984 : i32
        %dma_start3A_957 = arith.constant 0 : i32
        %dma_start3A_958 = tpu.memref_slice %arg14[%dma_start3A_956, %dma_start3A_957] : memref<10016x64xf32, #tpu.memory_space<vmem_shared>> -> memref<16x64xf32, #tpu.memory_space<vmem_shared>>
        %dma_start3A_959 = arith.constant 0 : i32
        %dma_start3A_960 = tpu.memref_slice %arg2[%multiple_of3A_955, %dma_start3A_959] : memref<100000x64xf32, #tpu.memory_space<hbm>> -> memref<16x64xf32, #tpu.memory_space<hbm>>
        tpu.enqueue_dma source(%dma_start3A_960 : memref<16x64xf32, #tpu.memory_space<hbm>>) target(%dma_start3A_958 : memref<16x64xf32, #tpu.memory_space<vmem_shared>>) target_semaphore(%run_scoped3A : memref<!tpu.dma_semaphore, #tpu.memory_space<semaphore_mem>>)
        %dma_wait3A_961 = arith.constant 9984 : i32
        %dma_wait3A_962 = arith.constant 0 : i32
        %dma_wait3A_963 = tpu.memref_slice %arg14[%dma_wait3A_961, %dma_wait3A_962] : memref<10016x64xf32, #tpu.memory_space<vmem_shared>> -> memref<16x64xf32, #tpu.memory_space<vmem_shared>>
        %dma_wait3A_964 = arith.constant 0 : i32
        %dma_wait3A_965 = tpu.memref_slice %arg2[%multiple_of3A_955, %dma_wait3A_964] : memref<100000x64xf32, #tpu.memory_space<hbm>> -> memref<16x64xf32, #tpu.memory_space<hbm>>
        tpu.wait_dma2 semaphore(%run_scoped3A : memref<!tpu.dma_semaphore, #tpu.memory_space<semaphore_mem>>) src(%dma_wait3A_965 : memref<16x64xf32, #tpu.memory_space<hbm>>) dst(%dma_wait3A_963 : memref<16x64xf32, #tpu.memory_space<vmem_shared>>)
        tpu.yield
      }) : () -> ()
    } else {
    }
    %barrier3A = arith.constant 0 : index
    tpu.barrier barrier_id(%barrier3A)
    %add3A_130 = arith.constant 127 : i32
    %add3A_131 = arith.addi %scan3A_25, %add3A_130 : i32
    %jit3A = arith.constant 128 : i32
    %div3A = arith.divsi %add3A_131, %jit3A : i32
    %sign3A = arith.constant 0 : i32
    %sign3A_132 = arith.cmpi sgt, %add3A_131, %sign3A : i32
    %sign3A_133 = arith.extui %sign3A_132 : i1 to i32
    %sign3A_134 = arith.constant 0 : i32
    %sign3A_135 = arith.cmpi slt, %add3A_131, %sign3A_134 : i32
    %sign3A_136 = arith.extui %sign3A_135 : i1 to i32
    %sign3A_137 = arith.subi %sign3A_133, %sign3A_136 : i32
    %sign3A_138 = arith.constant 0 : i32
    %sign3A_139 = arith.cmpi sgt, %jit3A, %sign3A_138 : i32
    %sign3A_140 = arith.extui %sign3A_139 : i1 to i32
    %sign3A_141 = arith.constant 0 : i32
    %sign3A_142 = arith.cmpi slt, %jit3A, %sign3A_141 : i32
    %sign3A_143 = arith.extui %sign3A_142 : i1 to i32
    %sign3A_144 = arith.subi %sign3A_140, %sign3A_143 : i32
    %ne3A = arith.cmpi ne, %sign3A_137, %sign3A_144 : i32
    %rem3A = arith.remsi %add3A_131, %jit3A : i32
    %ne3A_145 = arith.constant 0 : i32
    %ne3A_146 = arith.cmpi ne, %rem3A, %ne3A_145 : i32
    %and3A = arith.andi %ne3A, %ne3A_146 : i1
    %sub3A = arith.constant 1 : i32
    %sub3A_147 = arith.subi %div3A, %sub3A : i32
    %select_n3A = arith.select %and3A, %sub3A_147, %div3A : i32
    %while3A = arith.constant 0 : i32
    %while3A_148 = arith.constant 0 : i32
    %while3A_149 = arith.subi %select_n3A, %while3A_148 : i32
    %while3A_150 = arith.addi %while3A_148, %while3A_149 : i32
    %while3A_151 = arith.constant 1 : i32
    %while3A_152 = arith.divsi %while3A_149, %while3A_151 : i32
    %while3A_153 = arith.muli %while3A_152, %while3A_151 : i32
    %while3A_154 = arith.addi %while3A_148, %while3A_153 : i32
    %while3A_155 = arith.constant 1 : i32
    scf.for %while3A_953 = %while3A_148 to %while3A_154 step %while3A_155  : i32 {
      %mul3A_954 = arith.constant 128 : i32
      %mul3A_955 = arith.muli %while3A_953, %mul3A_954 : i32
      %add3A_956 = arith.constant 0 : i32
      %add3A_957 = arith.addi %mul3A_955, %add3A_956 : i32
      %get3A_958 = arith.index_cast %add3A_957 : i32 to index
      %get3A_959 = tpu.vector_load %arg8[%get3A_958] {strides = array<i32>} : memref<1168xi32, #tpu.memory_space<vmem>>, vector<16xi32>,
      %swap3A_960 = arith.constant 0 : index
      %swap3A_961 = tpu.vector_load %arg10[%swap3A_960] {strides = array<i32>} : memref<128xi32, #tpu.memory_space<vmem>>, vector<16xi32>,
      tpu.vector_store %arg10[%swap3A_960], %get3A_959 {strides = array<i32>} : memref<128xi32, #tpu.memory_space<vmem>>, vector<16xi32>,
      %mul3A_962 = arith.constant 128 : i32
      %mul3A_963 = arith.muli %while3A_953, %mul3A_962 : i32
      %add3A_964 = arith.constant 0 : i32
      %add3A_965 = arith.addi %mul3A_963, %add3A_964 : i32
      %get3A_966 = arith.index_cast %add3A_965 : i32 to index
      %get3A_967 = tpu.vector_load %arg9[%get3A_966] {strides = array<i32>} : memref<1168xi32, #tpu.memory_space<vmem>>, vector<16xi32>,
      %swap3A_968 = arith.constant 0 : index
      %swap3A_969 = tpu.vector_load %arg11[%swap3A_968] {strides = array<i32>} : memref<128xi32, #tpu.memory_space<vmem>>, vector<16xi32>,
      tpu.vector_store %arg11[%swap3A_968], %get3A_967 {strides = array<i32>} : memref<128xi32, #tpu.memory_space<vmem>>, vector<16xi32>,
      %mul3A_970 = arith.constant 128 : i32
      %mul3A_971 = arith.muli %while3A_953, %mul3A_970 : i32
      %add3A_972 = arith.constant 16 : i32
      %add3A_973 = arith.addi %mul3A_971, %add3A_972 : i32
      %get3A_974 = arith.index_cast %add3A_973 : i32 to index
      %get3A_975 = tpu.vector_load %arg8[%get3A_974] {strides = array<i32>} : memref<1168xi32, #tpu.memory_space<vmem>>, vector<16xi32>,
      %swap3A_976 = arith.constant 16 : index
      %swap3A_977 = tpu.vector_load %arg10[%swap3A_976] {strides = array<i32>} : memref<128xi32, #tpu.memory_space<vmem>>, vector<16xi32>,
      tpu.vector_store %arg10[%swap3A_976], %get3A_975 {strides = array<i32>} : memref<128xi32, #tpu.memory_space<vmem>>, vector<16xi32>,
      %mul3A_978 = arith.constant 128 : i32
      %mul3A_979 = arith.muli %while3A_953, %mul3A_978 : i32
      %add3A_980 = arith.constant 16 : i32
      %add3A_981 = arith.addi %mul3A_979, %add3A_980 : i32
      %get3A_982 = arith.index_cast %add3A_981 : i32 to index
      %get3A_983 = tpu.vector_load %arg9[%get3A_982] {strides = array<i32>} : memref<1168xi32, #tpu.memory_space<vmem>>, vector<16xi32>,
      %swap3A_984 = arith.constant 16 : index
      %swap3A_985 = tpu.vector_load %arg11[%swap3A_984] {strides = array<i32>} : memref<128xi32, #tpu.memory_space<vmem>>, vector<16xi32>,
      tpu.vector_store %arg11[%swap3A_984], %get3A_983 {strides = array<i32>} : memref<128xi32, #tpu.memory_space<vmem>>, vector<16xi32>,
      %mul3A_986 = arith.constant 128 : i32
      %mul3A_987 = arith.muli %while3A_953, %mul3A_986 : i32
      %add3A_988 = arith.constant 32 : i32
      %add3A_989 = arith.addi %mul3A_987, %add3A_988 : i32
      %get3A_990 = arith.index_cast %add3A_989 : i32 to index
      %get3A_991 = tpu.vector_load %arg8[%get3A_990] {strides = array<i32>} : memref<1168xi32, #tpu.memory_space<vmem>>, vector<16xi32>,
      %swap3A_992 = arith.constant 32 : index
      %swap3A_993 = tpu.vector_load %arg10[%swap3A_992] {strides = array<i32>} : memref<128xi32, #tpu.memory_space<vmem>>, vector<16xi32>,
      tpu.vector_store %arg10[%swap3A_992], %get3A_991 {strides = array<i32>} : memref<128xi32, #tpu.memory_space<vmem>>, vector<16xi32>,
      %mul3A_994 = arith.constant 128 : i32
      %mul3A_995 = arith.muli %while3A_953, %mul3A_994 : i32
      %add3A_996 = arith.constant 32 : i32
      %add3A_997 = arith.addi %mul3A_995, %add3A_996 : i32
      %get3A_998 = arith.index_cast %add3A_997 : i32 to index
      %get3A_999 = tpu.vector_load %arg9[%get3A_998] {strides = array<i32>} : memref<1168xi32, #tpu.memory_space<vmem>>, vector<16xi32>,
      %swap3A_1000 = arith.constant 32 : index
      %swap3A_1001 = tpu.vector_load %arg11[%swap3A_1000] {strides = array<i32>} : memref<128xi32, #tpu.memory_space<vmem>>, vector<16xi32>,
      tpu.vector_store %arg11[%swap3A_1000], %get3A_999 {strides = array<i32>} : memref<128xi32, #tpu.memory_space<vmem>>, vector<16xi32>,
      %mul3A_1002 = arith.constant 128 : i32
      %mul3A_1003 = arith.muli %while3A_953, %mul3A_1002 : i32
      %add3A_1004 = arith.constant 48 : i32
      %add3A_1005 = arith.addi %mul3A_1003, %add3A_1004 : i32
      %get3A_1006 = arith.index_cast %add3A_1005 : i32 to index
      %get3A_1007 = tpu.vector_load %arg8[%get3A_1006] {strides = array<i32>} : memref<1168xi32, #tpu.memory_space<vmem>>, vector<16xi32>,
      %swap3A_1008 = arith.constant 48 : index
      %swap3A_1009 = tpu.vector_load %arg10[%swap3A_1008] {strides = array<i32>} : memref<128xi32, #tpu.memory_space<vmem>>, vector<16xi32>,
      tpu.vector_store %arg10[%swap3A_1008], %get3A_1007 {strides = array<i32>} : memref<128xi32, #tpu.memory_space<vmem>>, vector<16xi32>,
      %mul3A_1010 = arith.constant 128 : i32
      %mul3A_1011 = arith.muli %while3A_953, %mul3A_1010 : i32
      %add3A_1012 = arith.constant 48 : i32
      %add3A_1013 = arith.addi %mul3A_1011, %add3A_1012 : i32
      %get3A_1014 = arith.index_cast %add3A_1013 : i32 to index
      %get3A_1015 = tpu.vector_load %arg9[%get3A_1014] {strides = array<i32>} : memref<1168xi32, #tpu.memory_space<vmem>>, vector<16xi32>,
      %swap3A_1016 = arith.constant 48 : index
      %swap3A_1017 = tpu.vector_load %arg11[%swap3A_1016] {strides = array<i32>} : memref<128xi32, #tpu.memory_space<vmem>>, vector<16xi32>,
      tpu.vector_store %arg11[%swap3A_1016], %get3A_1015 {strides = array<i32>} : memref<128xi32, #tpu.memory_space<vmem>>, vector<16xi32>,
      %mul3A_1018 = arith.constant 128 : i32
      %mul3A_1019 = arith.muli %while3A_953, %mul3A_1018 : i32
      %add3A_1020 = arith.constant 64 : i32
      %add3A_1021 = arith.addi %mul3A_1019, %add3A_1020 : i32
      %get3A_1022 = arith.index_cast %add3A_1021 : i32 to index
      %get3A_1023 = tpu.vector_load %arg8[%get3A_1022] {strides = array<i32>} : memref<1168xi32, #tpu.memory_space<vmem>>, vector<16xi32>,
      %swap3A_1024 = arith.constant 64 : index
      %swap3A_1025 = tpu.vector_load %arg10[%swap3A_1024] {strides = array<i32>} : memref<128xi32, #tpu.memory_space<vmem>>, vector<16xi32>,
      tpu.vector_store %arg10[%swap3A_1024], %get3A_1023 {strides = array<i32>} : memref<128xi32, #tpu.memory_space<vmem>>, vector<16xi32>,
      %mul3A_1026 = arith.constant 128 : i32
      %mul3A_1027 = arith.muli %while3A_953, %mul3A_1026 : i32
      %add3A_1028 = arith.constant 64 : i32
      %add3A_1029 = arith.addi %mul3A_1027, %add3A_1028 : i32
      %get3A_1030 = arith.index_cast %add3A_1029 : i32 to index
      %get3A_1031 = tpu.vector_load %arg9[%get3A_1030] {strides = array<i32>} : memref<1168xi32, #tpu.memory_space<vmem>>, vector<16xi32>,
      %swap3A_1032 = arith.constant 64 : index
      %swap3A_1033 = tpu.vector_load %arg11[%swap3A_1032] {strides = array<i32>} : memref<128xi32, #tpu.memory_space<vmem>>, vector<16xi32>,
      tpu.vector_store %arg11[%swap3A_1032], %get3A_1031 {strides = array<i32>} : memref<128xi32, #tpu.memory_space<vmem>>, vector<16xi32>,
      %mul3A_1034 = arith.constant 128 : i32
      %mul3A_1035 = arith.muli %while3A_953, %mul3A_1034 : i32
      %add3A_1036 = arith.constant 80 : i32
      %add3A_1037 = arith.addi %mul3A_1035, %add3A_1036 : i32
      %get3A_1038 = arith.index_cast %add3A_1037 : i32 to index
      %get3A_1039 = tpu.vector_load %arg8[%get3A_1038] {strides = array<i32>} : memref<1168xi32, #tpu.memory_space<vmem>>, vector<16xi32>,
      %swap3A_1040 = arith.constant 80 : index
      %swap3A_1041 = tpu.vector_load %arg10[%swap3A_1040] {strides = array<i32>} : memref<128xi32, #tpu.memory_space<vmem>>, vector<16xi32>,
      tpu.vector_store %arg10[%swap3A_1040], %get3A_1039 {strides = array<i32>} : memref<128xi32, #tpu.memory_space<vmem>>, vector<16xi32>,
      %mul3A_1042 = arith.constant 128 : i32
      %mul3A_1043 = arith.muli %while3A_953, %mul3A_1042 : i32
      %add3A_1044 = arith.constant 80 : i32
      %add3A_1045 = arith.addi %mul3A_1043, %add3A_1044 : i32
      %get3A_1046 = arith.index_cast %add3A_1045 : i32 to index
      %get3A_1047 = tpu.vector_load %arg9[%get3A_1046] {strides = array<i32>} : memref<1168xi32, #tpu.memory_space<vmem>>, vector<16xi32>,
      %swap3A_1048 = arith.constant 80 : index
      %swap3A_1049 = tpu.vector_load %arg11[%swap3A_1048] {strides = array<i32>} : memref<128xi32, #tpu.memory_space<vmem>>, vector<16xi32>,
      tpu.vector_store %arg11[%swap3A_1048], %get3A_1047 {strides = array<i32>} : memref<128xi32, #tpu.memory_space<vmem>>, vector<16xi32>,
      %mul3A_1050 = arith.constant 128 : i32
      %mul3A_1051 = arith.muli %while3A_953, %mul3A_1050 : i32
      %add3A_1052 = arith.constant 96 : i32
      %add3A_1053 = arith.addi %mul3A_1051, %add3A_1052 : i32
      %get3A_1054 = arith.index_cast %add3A_1053 : i32 to index
      %get3A_1055 = tpu.vector_load %arg8[%get3A_1054] {strides = array<i32>} : memref<1168xi32, #tpu.memory_space<vmem>>, vector<16xi32>,
      %swap3A_1056 = arith.constant 96 : index
      %swap3A_1057 = tpu.vector_load %arg10[%swap3A_1056] {strides = array<i32>} : memref<128xi32, #tpu.memory_space<vmem>>, vector<16xi32>,
      tpu.vector_store %arg10[%swap3A_1056], %get3A_1055 {strides = array<i32>} : memref<128xi32, #tpu.memory_space<vmem>>, vector<16xi32>,
      %mul3A_1058 = arith.constant 128 : i32
      %mul3A_1059 = arith.muli %while3A_953, %mul3A_1058 : i32
      %add3A_1060 = arith.constant 96 : i32
      %add3A_1061 = arith.addi %mul3A_1059, %add3A_1060 : i32
      %get3A_1062 = arith.index_cast %add3A_1061 : i32 to index
      %get3A_1063 = tpu.vector_load %arg9[%get3A_1062] {strides = array<i32>} : memref<1168xi32, #tpu.memory_space<vmem>>, vector<16xi32>,
      %swap3A_1064 = arith.constant 96 : index
      %swap3A_1065 = tpu.vector_load %arg11[%swap3A_1064] {strides = array<i32>} : memref<128xi32, #tpu.memory_space<vmem>>, vector<16xi32>,
      tpu.vector_store %arg11[%swap3A_1064], %get3A_1063 {strides = array<i32>} : memref<128xi32, #tpu.memory_space<vmem>>, vector<16xi32>,
      %mul3A_1066 = arith.constant 128 : i32
      %mul3A_1067 = arith.muli %while3A_953, %mul3A_1066 : i32
      %add3A_1068 = arith.constant 112 : i32
      %add3A_1069 = arith.addi %mul3A_1067, %add3A_1068 : i32
      %get3A_1070 = arith.index_cast %add3A_1069 : i32 to index
      %get3A_1071 = tpu.vector_load %arg8[%get3A_1070] {strides = array<i32>} : memref<1168xi32, #tpu.memory_space<vmem>>, vector<16xi32>,
      %swap3A_1072 = arith.constant 112 : index
      %swap3A_1073 = tpu.vector_load %arg10[%swap3A_1072] {strides = array<i32>} : memref<128xi32, #tpu.memory_space<vmem>>, vector<16xi32>,
      tpu.vector_store %arg10[%swap3A_1072], %get3A_1071 {strides = array<i32>} : memref<128xi32, #tpu.memory_space<vmem>>, vector<16xi32>,
      %mul3A_1074 = arith.constant 128 : i32
      %mul3A_1075 = arith.muli %while3A_953, %mul3A_1074 : i32
      %add3A_1076 = arith.constant 112 : i32
      %add3A_1077 = arith.addi %mul3A_1075, %add3A_1076 : i32
      %get3A_1078 = arith.index_cast %add3A_1077 : i32 to index
      %get3A_1079 = tpu.vector_load %arg9[%get3A_1078] {strides = array<i32>} : memref<1168xi32, #tpu.memory_space<vmem>>, vector<16xi32>,
      %swap3A_1080 = arith.constant 112 : index
      %swap3A_1081 = tpu.vector_load %arg11[%swap3A_1080] {strides = array<i32>} : memref<128xi32, #tpu.memory_space<vmem>>, vector<16xi32>,
      tpu.vector_store %arg11[%swap3A_1080], %get3A_1079 {strides = array<i32>} : memref<128xi32, #tpu.memory_space<vmem>>, vector<16xi32>,
      %dma_start3A_1082 = arith.constant 0 : i32
      %dma_start3A_1083 = arith.constant 0 : i32
      %dma_start3A_1084 = tpu.memref_slice %arg4[%dma_start3A_1082, %dma_start3A_1083] : memref<16384x64xf32, #tpu.memory_space<hbm>> -> memref<16384x64xf32, #tpu.memory_space<hbm>>
      tpu.enqueue_indirect_dma source(%dma_start3A_1084 : memref<16384x64xf32, #tpu.memory_space<hbm>>) target(%arg12 : memref<128x64xf32, #tpu.memory_space<vmem>>) offsets(%arg10 : memref<128xi32, #tpu.memory_space<vmem>>) semaphore(%arg17 : memref<!tpu.dma_semaphore, #tpu.memory_space<semaphore_mem>>)
      %dma_wait3A_1085 = arith.constant 0 : i32
      %dma_wait3A_1086 = arith.constant 0 : i32
      %dma_wait3A_1087 = tpu.memref_slice %arg4[%dma_wait3A_1085, %dma_wait3A_1086] : memref<16384x64xf32, #tpu.memory_space<hbm>> -> memref<16384x64xf32, #tpu.memory_space<hbm>>
      tpu.wait_indirect_dma semaphore(%arg17 : memref<!tpu.dma_semaphore, #tpu.memory_space<semaphore_mem>>) src(%dma_wait3A_1087 : memref<16384x64xf32, #tpu.memory_space<hbm>>) dst(%arg12 : memref<128x64xf32, #tpu.memory_space<vmem>>)
      %ne3A_1088 = arith.constant 1.000000e+00 : f32
      %ne3A_1089 = arith.cmpf one, %squeeze3A, %ne3A_1088 : f32
      %convert_element_type3A_1090 = arith.extui %ne3A_1089 : i1 to i32
      %cond3A_1091 = arith.constant 0 : i32
      %cond3A_1092 = arith.cmpi ne, %convert_element_type3A_1090, %cond3A_1091 : i32
      scf.if %cond3A_1092 {
        %scan3A_1093 = arith.constant 0 : i32
        %scan3A_1094 = arith.constant 0 : i32
        %scan3A_1095 = arith.constant 128 : i32
        %scan3A_1096 = arith.addi %scan3A_1094, %scan3A_1095 : i32
        %scan3A_1097 = arith.constant 1 : i32
        scf.for %scan3A_1099 = %scan3A_1094 to %scan3A_1096 step %scan3A_1097  : i32 {
          %get3A_1100 = arith.index_cast %scan3A_1099 : i32 to index
          %get3A_1101 = arith.constant 0 : index
          %get3A_1102 = tpu.vector_load %arg12[%get3A_1100, %get3A_1101] {strides = array<i32>} : memref<128x64xf32, #tpu.memory_space<vmem>>, vector<16xf32>,
          %mul3A_1103 = arith.mulf %get3A_1102, %get3A_1 : vector<16xf32>
          %swap3A_1104 = arith.index_cast %scan3A_1099 : i32 to index
          %swap3A_1105 = arith.constant 0 : index
          %swap3A_1106 = tpu.vector_load %arg12[%swap3A_1104, %swap3A_1105] {strides = array<i32>} : memref<128x64xf32, #tpu.memory_space<vmem>>, vector<16xf32>,
          tpu.vector_store %arg12[%swap3A_1104, %swap3A_1105], %mul3A_1103 {strides = array<i32>} : memref<128x64xf32, #tpu.memory_space<vmem>>, vector<16xf32>,
          %get3A_1107 = arith.index_cast %scan3A_1099 : i32 to index
          %get3A_1108 = arith.constant 16 : index
          %get3A_1109 = tpu.vector_load %arg12[%get3A_1107, %get3A_1108] {strides = array<i32>} : memref<128x64xf32, #tpu.memory_space<vmem>>, vector<16xf32>,
          %mul3A_1110 = arith.mulf %get3A_1109, %get3A_1 : vector<16xf32>
          %swap3A_1111 = arith.index_cast %scan3A_1099 : i32 to index
          %swap3A_1112 = arith.constant 16 : index
          %swap3A_1113 = tpu.vector_load %arg12[%swap3A_1111, %swap3A_1112] {strides = array<i32>} : memref<128x64xf32, #tpu.memory_space<vmem>>, vector<16xf32>,
          tpu.vector_store %arg12[%swap3A_1111, %swap3A_1112], %mul3A_1110 {strides = array<i32>} : memref<128x64xf32, #tpu.memory_space<vmem>>, vector<16xf32>,
          %get3A_1114 = arith.index_cast %scan3A_1099 : i32 to index
          %get3A_1115 = arith.constant 32 : index
          %get3A_1116 = tpu.vector_load %arg12[%get3A_1114, %get3A_1115] {strides = array<i32>} : memref<128x64xf32, #tpu.memory_space<vmem>>, vector<16xf32>,
          %mul3A_1117 = arith.mulf %get3A_1116, %get3A_1 : vector<16xf32>
          %swap3A_1118 = arith.index_cast %scan3A_1099 : i32 to index
          %swap3A_1119 = arith.constant 32 : index
          %swap3A_1120 = tpu.vector_load %arg12[%swap3A_1118, %swap3A_1119] {strides = array<i32>} : memref<128x64xf32, #tpu.memory_space<vmem>>, vector<16xf32>,
          tpu.vector_store %arg12[%swap3A_1118, %swap3A_1119], %mul3A_1117 {strides = array<i32>} : memref<128x64xf32, #tpu.memory_space<vmem>>, vector<16xf32>,
          %get3A_1121 = arith.index_cast %scan3A_1099 : i32 to index
          %get3A_1122 = arith.constant 48 : index
          %get3A_1123 = tpu.vector_load %arg12[%get3A_1121, %get3A_1122] {strides = array<i32>} : memref<128x64xf32, #tpu.memory_space<vmem>>, vector<16xf32>,
          %mul3A_1124 = arith.mulf %get3A_1123, %get3A_1 : vector<16xf32>
          %swap3A_1125 = arith.index_cast %scan3A_1099 : i32 to index
          %swap3A_1126 = arith.constant 48 : index
          %swap3A_1127 = tpu.vector_load %arg12[%swap3A_1125, %swap3A_1126] {strides = array<i32>} : memref<128x64xf32, #tpu.memory_space<vmem>>, vector<16xf32>,
          tpu.vector_store %arg12[%swap3A_1125, %swap3A_1126], %mul3A_1124 {strides = array<i32>} : memref<128x64xf32, #tpu.memory_space<vmem>>, vector<16xf32>,
        }
        %scan3A_1098 = arith.constant 128 : i32
      } else {
      }
      "tpu.region"() ({
        %run_scoped3A = tpu.sem_alloc : memref<!tpu.dma_semaphore, #tpu.memory_space<semaphore_mem>>
        %dma_start3A_1093 = arith.constant 0 : i32
        %dma_start3A_1094 = arith.constant 0 : i32
        %dma_start3A_1095 = tpu.memref_slice %arg14[%dma_start3A_1093, %dma_start3A_1094] : memref<10016x64xf32, #tpu.memory_space<vmem_shared>> -> memref<10016x64xf32, #tpu.memory_space<vmem_shared>>
        tpu.enqueue_indirect_dma source(%arg12 : memref<128x64xf32, #tpu.memory_space<vmem>>) target(%dma_start3A_1095 : memref<10016x64xf32, #tpu.memory_space<vmem_shared>>) offsets(%arg11 : memref<128xi32, #tpu.memory_space<vmem>>) semaphore(%run_scoped3A : memref<!tpu.dma_semaphore, #tpu.memory_space<semaphore_mem>>) {add = true}
        %dma_wait3A_1096 = arith.constant 0 : i32
        %dma_wait3A_1097 = arith.constant 0 : i32
        %dma_wait3A_1098 = tpu.memref_slice %arg14[%dma_wait3A_1096, %dma_wait3A_1097] : memref<10016x64xf32, #tpu.memory_space<vmem_shared>> -> memref<10016x64xf32, #tpu.memory_space<vmem_shared>>
        tpu.wait_indirect_dma semaphore(%run_scoped3A : memref<!tpu.dma_semaphore, #tpu.memory_space<semaphore_mem>>) src(%arg12 : memref<128x64xf32, #tpu.memory_space<vmem>>) dst(%dma_wait3A_1098 : memref<10016x64xf32, #tpu.memory_space<vmem_shared>>)
        tpu.yield
      }) : () -> ()
    }
    %while3A_156 = arith.constant 1 : i32
    scf.for %while3A_953 = %while3A_154 to %while3A_150 step %while3A_156  : i32 {
      %mul3A_954 = arith.constant 128 : i32
      %mul3A_955 = arith.muli %while3A_953, %mul3A_954 : i32
      %add3A_956 = arith.constant 0 : i32
      %add3A_957 = arith.addi %mul3A_955, %add3A_956 : i32
      %get3A_958 = arith.index_cast %add3A_957 : i32 to index
      %get3A_959 = tpu.vector_load %arg8[%get3A_958] {strides = array<i32>} : memref<1168xi32, #tpu.memory_space<vmem>>, vector<16xi32>,
      %swap3A_960 = arith.constant 0 : index
      %swap3A_961 = tpu.vector_load %arg10[%swap3A_960] {strides = array<i32>} : memref<128xi32, #tpu.memory_space<vmem>>, vector<16xi32>,
      tpu.vector_store %arg10[%swap3A_960], %get3A_959 {strides = array<i32>} : memref<128xi32, #tpu.memory_space<vmem>>, vector<16xi32>,
      %mul3A_962 = arith.constant 128 : i32
      %mul3A_963 = arith.muli %while3A_953, %mul3A_962 : i32
      %add3A_964 = arith.constant 0 : i32
      %add3A_965 = arith.addi %mul3A_963, %add3A_964 : i32
      %get3A_966 = arith.index_cast %add3A_965 : i32 to index
      %get3A_967 = tpu.vector_load %arg9[%get3A_966] {strides = array<i32>} : memref<1168xi32, #tpu.memory_space<vmem>>, vector<16xi32>,
      %swap3A_968 = arith.constant 0 : index
      %swap3A_969 = tpu.vector_load %arg11[%swap3A_968] {strides = array<i32>} : memref<128xi32, #tpu.memory_space<vmem>>, vector<16xi32>,
      tpu.vector_store %arg11[%swap3A_968], %get3A_967 {strides = array<i32>} : memref<128xi32, #tpu.memory_space<vmem>>, vector<16xi32>,
      %mul3A_970 = arith.constant 128 : i32
      %mul3A_971 = arith.muli %while3A_953, %mul3A_970 : i32
      %add3A_972 = arith.constant 16 : i32
      %add3A_973 = arith.addi %mul3A_971, %add3A_972 : i32
      %get3A_974 = arith.index_cast %add3A_973 : i32 to index
      %get3A_975 = tpu.vector_load %arg8[%get3A_974] {strides = array<i32>} : memref<1168xi32, #tpu.memory_space<vmem>>, vector<16xi32>,
      %swap3A_976 = arith.constant 16 : index
      %swap3A_977 = tpu.vector_load %arg10[%swap3A_976] {strides = array<i32>} : memref<128xi32, #tpu.memory_space<vmem>>, vector<16xi32>,
      tpu.vector_store %arg10[%swap3A_976], %get3A_975 {strides = array<i32>} : memref<128xi32, #tpu.memory_space<vmem>>, vector<16xi32>,
      %mul3A_978 = arith.constant 128 : i32
      %mul3A_979 = arith.muli %while3A_953, %mul3A_978 : i32
      %add3A_980 = arith.constant 16 : i32
      %add3A_981 = arith.addi %mul3A_979, %add3A_980 : i32
      %get3A_982 = arith.index_cast %add3A_981 : i32 to index
      %get3A_983 = tpu.vector_load %arg9[%get3A_982] {strides = array<i32>} : memref<1168xi32, #tpu.memory_space<vmem>>, vector<16xi32>,
      %swap3A_984 = arith.constant 16 : index
      %swap3A_985 = tpu.vector_load %arg11[%swap3A_984] {strides = array<i32>} : memref<128xi32, #tpu.memory_space<vmem>>, vector<16xi32>,
      tpu.vector_store %arg11[%swap3A_984], %get3A_983 {strides = array<i32>} : memref<128xi32, #tpu.memory_space<vmem>>, vector<16xi32>,
      %mul3A_986 = arith.constant 128 : i32
      %mul3A_987 = arith.muli %while3A_953, %mul3A_986 : i32
      %add3A_988 = arith.constant 32 : i32
      %add3A_989 = arith.addi %mul3A_987, %add3A_988 : i32
      %get3A_990 = arith.index_cast %add3A_989 : i32 to index
      %get3A_991 = tpu.vector_load %arg8[%get3A_990] {strides = array<i32>} : memref<1168xi32, #tpu.memory_space<vmem>>, vector<16xi32>,
      %swap3A_992 = arith.constant 32 : index
      %swap3A_993 = tpu.vector_load %arg10[%swap3A_992] {strides = array<i32>} : memref<128xi32, #tpu.memory_space<vmem>>, vector<16xi32>,
      tpu.vector_store %arg10[%swap3A_992], %get3A_991 {strides = array<i32>} : memref<128xi32, #tpu.memory_space<vmem>>, vector<16xi32>,
      %mul3A_994 = arith.constant 128 : i32
      %mul3A_995 = arith.muli %while3A_953, %mul3A_994 : i32
      %add3A_996 = arith.constant 32 : i32
      %add3A_997 = arith.addi %mul3A_995, %add3A_996 : i32
      %get3A_998 = arith.index_cast %add3A_997 : i32 to index
      %get3A_999 = tpu.vector_load %arg9[%get3A_998] {strides = array<i32>} : memref<1168xi32, #tpu.memory_space<vmem>>, vector<16xi32>,
      %swap3A_1000 = arith.constant 32 : index
      %swap3A_1001 = tpu.vector_load %arg11[%swap3A_1000] {strides = array<i32>} : memref<128xi32, #tpu.memory_space<vmem>>, vector<16xi32>,
      tpu.vector_store %arg11[%swap3A_1000], %get3A_999 {strides = array<i32>} : memref<128xi32, #tpu.memory_space<vmem>>, vector<16xi32>,
      %mul3A_1002 = arith.constant 128 : i32
      %mul3A_1003 = arith.muli %while3A_953, %mul3A_1002 : i32
      %add3A_1004 = arith.constant 48 : i32
      %add3A_1005 = arith.addi %mul3A_1003, %add3A_1004 : i32
      %get3A_1006 = arith.index_cast %add3A_1005 : i32 to index
      %get3A_1007 = tpu.vector_load %arg8[%get3A_1006] {strides = array<i32>} : memref<1168xi32, #tpu.memory_space<vmem>>, vector<16xi32>,
      %swap3A_1008 = arith.constant 48 : index
      %swap3A_1009 = tpu.vector_load %arg10[%swap3A_1008] {strides = array<i32>} : memref<128xi32, #tpu.memory_space<vmem>>, vector<16xi32>,
      tpu.vector_store %arg10[%swap3A_1008], %get3A_1007 {strides = array<i32>} : memref<128xi32, #tpu.memory_space<vmem>>, vector<16xi32>,
      %mul3A_1010 = arith.constant 128 : i32
      %mul3A_1011 = arith.muli %while3A_953, %mul3A_1010 : i32
      %add3A_1012 = arith.constant 48 : i32
      %add3A_1013 = arith.addi %mul3A_1011, %add3A_1012 : i32
      %get3A_1014 = arith.index_cast %add3A_1013 : i32 to index
      %get3A_1015 = tpu.vector_load %arg9[%get3A_1014] {strides = array<i32>} : memref<1168xi32, #tpu.memory_space<vmem>>, vector<16xi32>,
      %swap3A_1016 = arith.constant 48 : index
      %swap3A_1017 = tpu.vector_load %arg11[%swap3A_1016] {strides = array<i32>} : memref<128xi32, #tpu.memory_space<vmem>>, vector<16xi32>,
      tpu.vector_store %arg11[%swap3A_1016], %get3A_1015 {strides = array<i32>} : memref<128xi32, #tpu.memory_space<vmem>>, vector<16xi32>,
      %mul3A_1018 = arith.constant 128 : i32
      %mul3A_1019 = arith.muli %while3A_953, %mul3A_1018 : i32
      %add3A_1020 = arith.constant 64 : i32
      %add3A_1021 = arith.addi %mul3A_1019, %add3A_1020 : i32
      %get3A_1022 = arith.index_cast %add3A_1021 : i32 to index
      %get3A_1023 = tpu.vector_load %arg8[%get3A_1022] {strides = array<i32>} : memref<1168xi32, #tpu.memory_space<vmem>>, vector<16xi32>,
      %swap3A_1024 = arith.constant 64 : index
      %swap3A_1025 = tpu.vector_load %arg10[%swap3A_1024] {strides = array<i32>} : memref<128xi32, #tpu.memory_space<vmem>>, vector<16xi32>,
      tpu.vector_store %arg10[%swap3A_1024], %get3A_1023 {strides = array<i32>} : memref<128xi32, #tpu.memory_space<vmem>>, vector<16xi32>,
      %mul3A_1026 = arith.constant 128 : i32
      %mul3A_1027 = arith.muli %while3A_953, %mul3A_1026 : i32
      %add3A_1028 = arith.constant 64 : i32
      %add3A_1029 = arith.addi %mul3A_1027, %add3A_1028 : i32
      %get3A_1030 = arith.index_cast %add3A_1029 : i32 to index
      %get3A_1031 = tpu.vector_load %arg9[%get3A_1030] {strides = array<i32>} : memref<1168xi32, #tpu.memory_space<vmem>>, vector<16xi32>,
      %swap3A_1032 = arith.constant 64 : index
      %swap3A_1033 = tpu.vector_load %arg11[%swap3A_1032] {strides = array<i32>} : memref<128xi32, #tpu.memory_space<vmem>>, vector<16xi32>,
      tpu.vector_store %arg11[%swap3A_1032], %get3A_1031 {strides = array<i32>} : memref<128xi32, #tpu.memory_space<vmem>>, vector<16xi32>,
      %mul3A_1034 = arith.constant 128 : i32
      %mul3A_1035 = arith.muli %while3A_953, %mul3A_1034 : i32
      %add3A_1036 = arith.constant 80 : i32
      %add3A_1037 = arith.addi %mul3A_1035, %add3A_1036 : i32
      %get3A_1038 = arith.index_cast %add3A_1037 : i32 to index
      %get3A_1039 = tpu.vector_load %arg8[%get3A_1038] {strides = array<i32>} : memref<1168xi32, #tpu.memory_space<vmem>>, vector<16xi32>,
      %swap3A_1040 = arith.constant 80 : index
      %swap3A_1041 = tpu.vector_load %arg10[%swap3A_1040] {strides = array<i32>} : memref<128xi32, #tpu.memory_space<vmem>>, vector<16xi32>,
      tpu.vector_store %arg10[%swap3A_1040], %get3A_1039 {strides = array<i32>} : memref<128xi32, #tpu.memory_space<vmem>>, vector<16xi32>,
      %mul3A_1042 = arith.constant 128 : i32
      %mul3A_1043 = arith.muli %while3A_953, %mul3A_1042 : i32
      %add3A_1044 = arith.constant 80 : i32
      %add3A_1045 = arith.addi %mul3A_1043, %add3A_1044 : i32
      %get3A_1046 = arith.index_cast %add3A_1045 : i32 to index
      %get3A_1047 = tpu.vector_load %arg9[%get3A_1046] {strides = array<i32>} : memref<1168xi32, #tpu.memory_space<vmem>>, vector<16xi32>,
      %swap3A_1048 = arith.constant 80 : index
      %swap3A_1049 = tpu.vector_load %arg11[%swap3A_1048] {strides = array<i32>} : memref<128xi32, #tpu.memory_space<vmem>>, vector<16xi32>,
      tpu.vector_store %arg11[%swap3A_1048], %get3A_1047 {strides = array<i32>} : memref<128xi32, #tpu.memory_space<vmem>>, vector<16xi32>,
      %mul3A_1050 = arith.constant 128 : i32
      %mul3A_1051 = arith.muli %while3A_953, %mul3A_1050 : i32
      %add3A_1052 = arith.constant 96 : i32
      %add3A_1053 = arith.addi %mul3A_1051, %add3A_1052 : i32
      %get3A_1054 = arith.index_cast %add3A_1053 : i32 to index
      %get3A_1055 = tpu.vector_load %arg8[%get3A_1054] {strides = array<i32>} : memref<1168xi32, #tpu.memory_space<vmem>>, vector<16xi32>,
      %swap3A_1056 = arith.constant 96 : index
      %swap3A_1057 = tpu.vector_load %arg10[%swap3A_1056] {strides = array<i32>} : memref<128xi32, #tpu.memory_space<vmem>>, vector<16xi32>,
      tpu.vector_store %arg10[%swap3A_1056], %get3A_1055 {strides = array<i32>} : memref<128xi32, #tpu.memory_space<vmem>>, vector<16xi32>,
      %mul3A_1058 = arith.constant 128 : i32
      %mul3A_1059 = arith.muli %while3A_953, %mul3A_1058 : i32
      %add3A_1060 = arith.constant 96 : i32
      %add3A_1061 = arith.addi %mul3A_1059, %add3A_1060 : i32
      %get3A_1062 = arith.index_cast %add3A_1061 : i32 to index
      %get3A_1063 = tpu.vector_load %arg9[%get3A_1062] {strides = array<i32>} : memref<1168xi32, #tpu.memory_space<vmem>>, vector<16xi32>,
      %swap3A_1064 = arith.constant 96 : index
      %swap3A_1065 = tpu.vector_load %arg11[%swap3A_1064] {strides = array<i32>} : memref<128xi32, #tpu.memory_space<vmem>>, vector<16xi32>,
      tpu.vector_store %arg11[%swap3A_1064], %get3A_1063 {strides = array<i32>} : memref<128xi32, #tpu.memory_space<vmem>>, vector<16xi32>,
      %mul3A_1066 = arith.constant 128 : i32
      %mul3A_1067 = arith.muli %while3A_953, %mul3A_1066 : i32
      %add3A_1068 = arith.constant 112 : i32
      %add3A_1069 = arith.addi %mul3A_1067, %add3A_1068 : i32
      %get3A_1070 = arith.index_cast %add3A_1069 : i32 to index
      %get3A_1071 = tpu.vector_load %arg8[%get3A_1070] {strides = array<i32>} : memref<1168xi32, #tpu.memory_space<vmem>>, vector<16xi32>,
      %swap3A_1072 = arith.constant 112 : index
      %swap3A_1073 = tpu.vector_load %arg10[%swap3A_1072] {strides = array<i32>} : memref<128xi32, #tpu.memory_space<vmem>>, vector<16xi32>,
      tpu.vector_store %arg10[%swap3A_1072], %get3A_1071 {strides = array<i32>} : memref<128xi32, #tpu.memory_space<vmem>>, vector<16xi32>,
      %mul3A_1074 = arith.constant 128 : i32
      %mul3A_1075 = arith.muli %while3A_953, %mul3A_1074 : i32
      %add3A_1076 = arith.constant 112 : i32
      %add3A_1077 = arith.addi %mul3A_1075, %add3A_1076 : i32
      %get3A_1078 = arith.index_cast %add3A_1077 : i32 to index
      %get3A_1079 = tpu.vector_load %arg9[%get3A_1078] {strides = array<i32>} : memref<1168xi32, #tpu.memory_space<vmem>>, vector<16xi32>,
      %swap3A_1080 = arith.constant 112 : index
      %swap3A_1081 = tpu.vector_load %arg11[%swap3A_1080] {strides = array<i32>} : memref<128xi32, #tpu.memory_space<vmem>>, vector<16xi32>,
      tpu.vector_store %arg11[%swap3A_1080], %get3A_1079 {strides = array<i32>} : memref<128xi32, #tpu.memory_space<vmem>>, vector<16xi32>,
      %dma_start3A_1082 = arith.constant 0 : i32
      %dma_start3A_1083 = arith.constant 0 : i32
      %dma_start3A_1084 = tpu.memref_slice %arg4[%dma_start3A_1082, %dma_start3A_1083] : memref<16384x64xf32, #tpu.memory_space<hbm>> -> memref<16384x64xf32, #tpu.memory_space<hbm>>
      tpu.enqueue_indirect_dma source(%dma_start3A_1084 : memref<16384x64xf32, #tpu.memory_space<hbm>>) target(%arg12 : memref<128x64xf32, #tpu.memory_space<vmem>>) offsets(%arg10 : memref<128xi32, #tpu.memory_space<vmem>>) semaphore(%arg17 : memref<!tpu.dma_semaphore, #tpu.memory_space<semaphore_mem>>)
      %dma_wait3A_1085 = arith.constant 0 : i32
      %dma_wait3A_1086 = arith.constant 0 : i32
      %dma_wait3A_1087 = tpu.memref_slice %arg4[%dma_wait3A_1085, %dma_wait3A_1086] : memref<16384x64xf32, #tpu.memory_space<hbm>> -> memref<16384x64xf32, #tpu.memory_space<hbm>>
      tpu.wait_indirect_dma semaphore(%arg17 : memref<!tpu.dma_semaphore, #tpu.memory_space<semaphore_mem>>) src(%dma_wait3A_1087 : memref<16384x64xf32, #tpu.memory_space<hbm>>) dst(%arg12 : memref<128x64xf32, #tpu.memory_space<vmem>>)
      %ne3A_1088 = arith.constant 1.000000e+00 : f32
      %ne3A_1089 = arith.cmpf one, %squeeze3A, %ne3A_1088 : f32
      %convert_element_type3A_1090 = arith.extui %ne3A_1089 : i1 to i32
      %cond3A_1091 = arith.constant 0 : i32
      %cond3A_1092 = arith.cmpi ne, %convert_element_type3A_1090, %cond3A_1091 : i32
      scf.if %cond3A_1092 {
        %scan3A_1093 = arith.constant 0 : i32
        %scan3A_1094 = arith.constant 0 : i32
        %scan3A_1095 = arith.constant 128 : i32
        %scan3A_1096 = arith.addi %scan3A_1094, %scan3A_1095 : i32
        %scan3A_1097 = arith.constant 1 : i32
        scf.for %scan3A_1099 = %scan3A_1094 to %scan3A_1096 step %scan3A_1097  : i32 {
          %get3A_1100 = arith.index_cast %scan3A_1099 : i32 to index
          %get3A_1101 = arith.constant 0 : index
          %get3A_1102 = tpu.vector_load %arg12[%get3A_1100, %get3A_1101] {strides = array<i32>} : memref<128x64xf32, #tpu.memory_space<vmem>>, vector<16xf32>,
          %mul3A_1103 = arith.mulf %get3A_1102, %get3A_1 : vector<16xf32>
          %swap3A_1104 = arith.index_cast %scan3A_1099 : i32 to index
          %swap3A_1105 = arith.constant 0 : index
          %swap3A_1106 = tpu.vector_load %arg12[%swap3A_1104, %swap3A_1105] {strides = array<i32>} : memref<128x64xf32, #tpu.memory_space<vmem>>, vector<16xf32>,
          tpu.vector_store %arg12[%swap3A_1104, %swap3A_1105], %mul3A_1103 {strides = array<i32>} : memref<128x64xf32, #tpu.memory_space<vmem>>, vector<16xf32>,
          %get3A_1107 = arith.index_cast %scan3A_1099 : i32 to index
          %get3A_1108 = arith.constant 16 : index
          %get3A_1109 = tpu.vector_load %arg12[%get3A_1107, %get3A_1108] {strides = array<i32>} : memref<128x64xf32, #tpu.memory_space<vmem>>, vector<16xf32>,
          %mul3A_1110 = arith.mulf %get3A_1109, %get3A_1 : vector<16xf32>
          %swap3A_1111 = arith.index_cast %scan3A_1099 : i32 to index
          %swap3A_1112 = arith.constant 16 : index
          %swap3A_1113 = tpu.vector_load %arg12[%swap3A_1111, %swap3A_1112] {strides = array<i32>} : memref<128x64xf32, #tpu.memory_space<vmem>>, vector<16xf32>,
          tpu.vector_store %arg12[%swap3A_1111, %swap3A_1112], %mul3A_1110 {strides = array<i32>} : memref<128x64xf32, #tpu.memory_space<vmem>>, vector<16xf32>,
          %get3A_1114 = arith.index_cast %scan3A_1099 : i32 to index
          %get3A_1115 = arith.constant 32 : index
          %get3A_1116 = tpu.vector_load %arg12[%get3A_1114, %get3A_1115] {strides = array<i32>} : memref<128x64xf32, #tpu.memory_space<vmem>>, vector<16xf32>,
          %mul3A_1117 = arith.mulf %get3A_1116, %get3A_1 : vector<16xf32>
          %swap3A_1118 = arith.index_cast %scan3A_1099 : i32 to index
          %swap3A_1119 = arith.constant 32 : index
          %swap3A_1120 = tpu.vector_load %arg12[%swap3A_1118, %swap3A_1119] {strides = array<i32>} : memref<128x64xf32, #tpu.memory_space<vmem>>, vector<16xf32>,
          tpu.vector_store %arg12[%swap3A_1118, %swap3A_1119], %mul3A_1117 {strides = array<i32>} : memref<128x64xf32, #tpu.memory_space<vmem>>, vector<16xf32>,
          %get3A_1121 = arith.index_cast %scan3A_1099 : i32 to index
          %get3A_1122 = arith.constant 48 : index
          %get3A_1123 = tpu.vector_load %arg12[%get3A_1121, %get3A_1122] {strides = array<i32>} : memref<128x64xf32, #tpu.memory_space<vmem>>, vector<16xf32>,
          %mul3A_1124 = arith.mulf %get3A_1123, %get3A_1 : vector<16xf32>
          %swap3A_1125 = arith.index_cast %scan3A_1099 : i32 to index
          %swap3A_1126 = arith.constant 48 : index
          %swap3A_1127 = tpu.vector_load %arg12[%swap3A_1125, %swap3A_1126] {strides = array<i32>} : memref<128x64xf32, #tpu.memory_space<vmem>>, vector<16xf32>,
          tpu.vector_store %arg12[%swap3A_1125, %swap3A_1126], %mul3A_1124 {strides = array<i32>} : memref<128x64xf32, #tpu.memory_space<vmem>>, vector<16xf32>,
        }
        %scan3A_1098 = arith.constant 128 : i32
      } else {
      }
      "tpu.region"() ({
        %run_scoped3A = tpu.sem_alloc : memref<!tpu.dma_semaphore, #tpu.memory_space<semaphore_mem>>
        %dma_start3A_1093 = arith.constant 0 : i32
        %dma_start3A_1094 = arith.constant 0 : i32
        %dma_start3A_1095 = tpu.memref_slice %arg14[%dma_start3A_1093, %dma_start3A_1094] : memref<10016x64xf32, #tpu.memory_space<vmem_shared>> -> memref<10016x64xf32, #tpu.memory_space<vmem_shared>>
        tpu.enqueue_indirect_dma source(%arg12 : memref<128x64xf32, #tpu.memory_space<vmem>>) target(%dma_start3A_1095 : memref<10016x64xf32, #tpu.memory_space<vmem_shared>>) offsets(%arg11 : memref<128xi32, #tpu.memory_space<vmem>>) semaphore(%run_scoped3A : memref<!tpu.dma_semaphore, #tpu.memory_space<semaphore_mem>>) {add = true}
        %dma_wait3A_1096 = arith.constant 0 : i32
        %dma_wait3A_1097 = arith.constant 0 : i32
        %dma_wait3A_1098 = tpu.memref_slice %arg14[%dma_wait3A_1096, %dma_wait3A_1097] : memref<10016x64xf32, #tpu.memory_space<vmem_shared>> -> memref<10016x64xf32, #tpu.memory_space<vmem_shared>>
        tpu.wait_indirect_dma semaphore(%run_scoped3A : memref<!tpu.dma_semaphore, #tpu.memory_space<semaphore_mem>>) src(%arg12 : memref<128x64xf32, #tpu.memory_space<vmem>>) dst(%dma_wait3A_1098 : memref<10016x64xf32, #tpu.memory_space<vmem_shared>>)
        tpu.yield
      }) : () -> ()
    }
    %barrier3A_157 = arith.constant 0 : index
    tpu.barrier barrier_id(%barrier3A_157)
    %mul3A_158 = arith.constant 624 : i32
    %mul3A_159 = arith.muli %arg1, %mul3A_158 : i32
    %add3A_160 = arith.addi %mul3A_20, %mul3A_159 : i32
    %multiple_of3A_161 = tpu.assume_multiple %add3A_160, 8 : i32
    %mul3A_162 = arith.constant 624 : i32
    %mul3A_163 = arith.muli %arg1, %mul3A_162 : i32
    %dma_start3A_164 = arith.constant 0 : i32
    %dma_start3A_165 = tpu.memref_slice %arg6[%multiple_of3A_161, %dma_start3A_164] : memref<100000x64xf32, #tpu.memory_space<hbm>> -> memref<624x64xf32, #tpu.memory_space<hbm>>
    %dma_start3A_166 = arith.constant 0 : i32
    %dma_start3A_167 = tpu.memref_slice %arg14[%mul3A_163, %dma_start3A_166] : memref<10016x64xf32, #tpu.memory_space<vmem_shared>> -> memref<624x64xf32, #tpu.memory_space<vmem_shared>>
    tpu.enqueue_dma source(%dma_start3A_167 : memref<624x64xf32, #tpu.memory_space<vmem_shared>>) target(%dma_start3A_165 : memref<624x64xf32, #tpu.memory_space<hbm>>) target_semaphore(%arg18 : memref<!tpu.dma_semaphore, #tpu.memory_space<semaphore_mem>>)
    %eq3A_168 = arith.constant 0 : i32
    %eq3A_169 = arith.cmpi eq, %arg1, %eq3A_168 : i32
    %convert_element_type3A_170 = arith.extui %eq3A_169 : i1 to i32
    %cond3A_171 = arith.constant 0 : i32
    %cond3A_172 = arith.cmpi ne, %convert_element_type3A_170, %cond3A_171 : i32
    scf.if %cond3A_172 {
      %add3A_953 = arith.constant 9984 : i32
      %add3A_954 = arith.addi %mul3A_20, %add3A_953 : i32
      %multiple_of3A_955 = tpu.assume_multiple %add3A_954, 8 : i32
      "tpu.region"() ({
        %run_scoped3A = tpu.sem_alloc : memref<!tpu.dma_semaphore, #tpu.memory_space<semaphore_mem>>
        %dma_start3A_956 = arith.constant 0 : i32
        %dma_start3A_957 = tpu.memref_slice %arg6[%multiple_of3A_955, %dma_start3A_956] : memref<100000x64xf32, #tpu.memory_space<hbm>> -> memref<16x64xf32, #tpu.memory_space<hbm>>
        %dma_start3A_958 = arith.constant 9984 : i32
        %dma_start3A_959 = arith.constant 0 : i32
        %dma_start3A_960 = tpu.memref_slice %arg14[%dma_start3A_958, %dma_start3A_959] : memref<10016x64xf32, #tpu.memory_space<vmem_shared>> -> memref<16x64xf32, #tpu.memory_space<vmem_shared>>
        tpu.enqueue_dma source(%dma_start3A_960 : memref<16x64xf32, #tpu.memory_space<vmem_shared>>) target(%dma_start3A_957 : memref<16x64xf32, #tpu.memory_space<hbm>>) target_semaphore(%run_scoped3A : memref<!tpu.dma_semaphore, #tpu.memory_space<semaphore_mem>>)
        %dma_wait3A_961 = arith.constant 0 : i32
        %dma_wait3A_962 = tpu.memref_slice %arg6[%multiple_of3A_955, %dma_wait3A_961] : memref<100000x64xf32, #tpu.memory_space<hbm>> -> memref<16x64xf32, #tpu.memory_space<hbm>>
        %dma_wait3A_963 = arith.constant 9984 : i32
        %dma_wait3A_964 = arith.constant 0 : i32
        %dma_wait3A_965 = tpu.memref_slice %arg14[%dma_wait3A_963, %dma_wait3A_964] : memref<10016x64xf32, #tpu.memory_space<vmem_shared>> -> memref<16x64xf32, #tpu.memory_space<vmem_shared>>
        tpu.wait_dma2 semaphore(%run_scoped3A : memref<!tpu.dma_semaphore, #tpu.memory_space<semaphore_mem>>) src(%dma_wait3A_965 : memref<16x64xf32, #tpu.memory_space<vmem_shared>>) dst(%dma_wait3A_962 : memref<16x64xf32, #tpu.memory_space<hbm>>)
        tpu.yield
      }) : () -> ()
    } else {
    }
    %mul3A_173 = arith.constant 5 : i32
    %mul3A_174 = arith.muli %arg0, %mul3A_173 : i32
    %add3A_175 = arith.constant 1 : i32
    %add3A_176 = arith.addi %mul3A_174, %add3A_175 : i32
    %mul3A_177 = arith.constant 10000 : i32
    %mul3A_178 = arith.muli %add3A_176, %mul3A_177 : i32
    %mul3A_179 = arith.constant 624 : i32
    %mul3A_180 = arith.muli %arg1, %mul3A_179 : i32
    %add3A_181 = arith.addi %mul3A_178, %mul3A_180 : i32
    %multiple_of3A_182 = tpu.assume_multiple %add3A_181, 8 : i32
    %mul3A_183 = arith.constant 624 : i32
    %mul3A_184 = arith.muli %arg1, %mul3A_183 : i32
    %dma_start3A_185 = arith.constant 0 : i32
    %dma_start3A_186 = tpu.memref_slice %arg15[%mul3A_184, %dma_start3A_185] : memref<10016x64xf32, #tpu.memory_space<vmem_shared>> -> memref<624x64xf32, #tpu.memory_space<vmem_shared>>
    %dma_start3A_187 = arith.constant 0 : i32
    %dma_start3A_188 = tpu.memref_slice %arg2[%multiple_of3A_182, %dma_start3A_187] : memref<100000x64xf32, #tpu.memory_space<hbm>> -> memref<624x64xf32, #tpu.memory_space<hbm>>
    tpu.enqueue_dma source(%dma_start3A_188 : memref<624x64xf32, #tpu.memory_space<hbm>>) target(%dma_start3A_186 : memref<624x64xf32, #tpu.memory_space<vmem_shared>>) target_semaphore(%arg16 : memref<!tpu.dma_semaphore, #tpu.memory_space<semaphore_mem>>)
    %mul3A_189 = arith.constant 5 : i32
    %mul3A_190 = arith.muli %arg0, %mul3A_189 : i32
    %add3A_191 = arith.constant 1 : i32
    %add3A_192 = arith.addi %mul3A_190, %add3A_191 : i32
    %mul3A_193 = arith.constant 10000 : i32
    %mul3A_194 = arith.muli %add3A_192, %mul3A_193 : i32
    %scan3A_195 = arith.constant 0 : i32
    %scan3A_196 = arith.constant 0 : i32
    %scan3A_197 = arith.constant 64 : i32
    %scan3A_198 = arith.addi %scan3A_196, %scan3A_197 : i32
    %scan3A_199 = arith.constant 1 : i32
    %scan3A_200 = scf.for %scan3A_953 = %scan3A_196 to %scan3A_198 step %scan3A_199 iter_args(%scan3A_954 = %scan3A_195) -> (i32)  : i32 {
      %mul3A_955 = arith.constant 16 : i32
      %mul3A_956 = arith.muli %scan3A_953, %mul3A_955 : i32
      %get3A_957 = arith.index_cast %mul3A_956 : i32 to index
      %get3A_958 = tpu.vector_load %arg7[%get3A_957] {strides = array<i32>} : memref<1024xi32, #tpu.memory_space<vmem>>, vector<16xi32>,
      %ge3A = vector.broadcast %mul3A_194 : i32 to vector<16xi32>
      %ge3A_959 = arith.cmpi sge, %get3A_958, %ge3A : vector<16xi32>
      %add3A_960 = arith.constant 10000 : i32
      %add3A_961 = arith.addi %mul3A_194, %add3A_960 : i32
      %lt3A = vector.broadcast %add3A_961 : i32 to vector<16xi32>
      %lt3A_962 = arith.cmpi slt, %get3A_958, %lt3A : vector<16xi32>
      %and3A_963 = arith.andi %ge3A_959, %lt3A_962 : vector<16xi1>
      %sub3A_964 = vector.broadcast %mul3A_194 : i32 to vector<16xi32>
      %sub3A_965 = arith.subi %get3A_958, %sub3A_964 : vector<16xi32>
      %swap3A_966 = arith.index_cast %scan3A_954 : i32 to index
      %swap3A_967 = tpu.vector_load %arg9[%swap3A_966] masked %and3A_963 {strides = array<i32>} : memref<1168xi32, #tpu.memory_space<vmem>>, vector<16xi32>, vector<16xi1>
      tpu.vector_store %arg9[%swap3A_966], %sub3A_965 masked %and3A_963 {strides = array<i32>} : memref<1168xi32, #tpu.memory_space<vmem>>, vector<16xi32>, vector<16xi1>
      %mul3A_968 = arith.constant 1024 : i32
      %mul3A_969 = arith.muli %arg1, %mul3A_968 : i32
      %mul3A_970 = arith.constant 16 : i32
      %mul3A_971 = arith.muli %scan3A_953, %mul3A_970 : i32
      %add3A_972 = arith.addi %mul3A_969, %mul3A_971 : i32
      %add3A_973 = vector.broadcast %add3A_972 : i32 to vector<16xi32>
      %add3A_974 = arith.addi %add3A_973, %iota3A : vector<16xi32>
      %swap3A_975 = arith.index_cast %scan3A_954 : i32 to index
      %swap3A_976 = tpu.vector_load %arg8[%swap3A_975] masked %and3A_963 {strides = array<i32>} : memref<1168xi32, #tpu.memory_space<vmem>>, vector<16xi32>, vector<16xi1>
      tpu.vector_store %arg8[%swap3A_975], %add3A_974 masked %and3A_963 {strides = array<i32>} : memref<1168xi32, #tpu.memory_space<vmem>>, vector<16xi32>, vector<16xi1>
      %convert_element_type3A_977 = arith.extui %and3A_963 : vector<16xi1> to vector<16xi32>
      %reduce_sum3A = arith.constant true
      %reduce_sum3A_978 = vector.broadcast %reduce_sum3A : i1 to vector<16xi1>
      %reduce_sum3A_979 = tpu.scan <sum>, %convert_element_type3A_977 masked %reduce_sum3A_978 : vector<16xi32>, vector<16xi1> -> vector<16xi32>
      %reduce_sum3A_980 = vector.extract %reduce_sum3A_979[15] : i32 from vector<16xi32>
      %add3A_981 = arith.addi %scan3A_954, %reduce_sum3A_980 : i32
      scf.yield %add3A_981 : i32
    }
    %scan3A_201 = arith.constant 64 : i32
    %add3A_202 = arith.constant 10000 : i32
    %add3A_203 = vector.broadcast %add3A_202 : i32 to vector<16xi32>
    %add3A_204 = arith.addi %add3A_203, %iota3A : vector<16xi32>
    %add3A_205 = arith.constant 0 : i32
    %add3A_206 = arith.addi %scan3A_200, %add3A_205 : i32
    %swap3A_207 = arith.index_cast %add3A_206 : i32 to index
    %swap3A_208 = tpu.vector_load %arg9[%swap3A_207] {strides = array<i32>} : memref<1168xi32, #tpu.memory_space<vmem>>, vector<16xi32>,
    tpu.vector_store %arg9[%swap3A_207], %add3A_204 {strides = array<i32>} : memref<1168xi32, #tpu.memory_space<vmem>>, vector<16xi32>,
    %add3A_209 = arith.constant 0 : i32
    %add3A_210 = arith.addi %scan3A_200, %add3A_209 : i32
    %swap3A_211 = arith.index_cast %add3A_210 : i32 to index
    %swap3A_212 = tpu.vector_load %arg8[%swap3A_211] {strides = array<i32>} : memref<1168xi32, #tpu.memory_space<vmem>>, vector<16xi32>,
    tpu.vector_store %arg8[%swap3A_211], %iota3A {strides = array<i32>} : memref<1168xi32, #tpu.memory_space<vmem>>, vector<16xi32>,
    %add3A_213 = arith.constant 10000 : i32
    %add3A_214 = vector.broadcast %add3A_213 : i32 to vector<16xi32>
    %add3A_215 = arith.addi %add3A_214, %iota3A : vector<16xi32>
    %add3A_216 = arith.constant 16 : i32
    %add3A_217 = arith.addi %scan3A_200, %add3A_216 : i32
    %swap3A_218 = arith.index_cast %add3A_217 : i32 to index
    %swap3A_219 = tpu.vector_load %arg9[%swap3A_218] {strides = array<i32>} : memref<1168xi32, #tpu.memory_space<vmem>>, vector<16xi32>,
    tpu.vector_store %arg9[%swap3A_218], %add3A_215 {strides = array<i32>} : memref<1168xi32, #tpu.memory_space<vmem>>, vector<16xi32>,
    %add3A_220 = arith.constant 16 : i32
    %add3A_221 = arith.addi %scan3A_200, %add3A_220 : i32
    %swap3A_222 = arith.index_cast %add3A_221 : i32 to index
    %swap3A_223 = tpu.vector_load %arg8[%swap3A_222] {strides = array<i32>} : memref<1168xi32, #tpu.memory_space<vmem>>, vector<16xi32>,
    tpu.vector_store %arg8[%swap3A_222], %iota3A {strides = array<i32>} : memref<1168xi32, #tpu.memory_space<vmem>>, vector<16xi32>,
    %add3A_224 = arith.constant 10000 : i32
    %add3A_225 = vector.broadcast %add3A_224 : i32 to vector<16xi32>
    %add3A_226 = arith.addi %add3A_225, %iota3A : vector<16xi32>
    %add3A_227 = arith.constant 32 : i32
    %add3A_228 = arith.addi %scan3A_200, %add3A_227 : i32
    %swap3A_229 = arith.index_cast %add3A_228 : i32 to index
    %swap3A_230 = tpu.vector_load %arg9[%swap3A_229] {strides = array<i32>} : memref<1168xi32, #tpu.memory_space<vmem>>, vector<16xi32>,
    tpu.vector_store %arg9[%swap3A_229], %add3A_226 {strides = array<i32>} : memref<1168xi32, #tpu.memory_space<vmem>>, vector<16xi32>,
    %add3A_231 = arith.constant 32 : i32
    %add3A_232 = arith.addi %scan3A_200, %add3A_231 : i32
    %swap3A_233 = arith.index_cast %add3A_232 : i32 to index
    %swap3A_234 = tpu.vector_load %arg8[%swap3A_233] {strides = array<i32>} : memref<1168xi32, #tpu.memory_space<vmem>>, vector<16xi32>,
    tpu.vector_store %arg8[%swap3A_233], %iota3A {strides = array<i32>} : memref<1168xi32, #tpu.memory_space<vmem>>, vector<16xi32>,
    %add3A_235 = arith.constant 10000 : i32
    %add3A_236 = vector.broadcast %add3A_235 : i32 to vector<16xi32>
    %add3A_237 = arith.addi %add3A_236, %iota3A : vector<16xi32>
    %add3A_238 = arith.constant 48 : i32
    %add3A_239 = arith.addi %scan3A_200, %add3A_238 : i32
    %swap3A_240 = arith.index_cast %add3A_239 : i32 to index
    %swap3A_241 = tpu.vector_load %arg9[%swap3A_240] {strides = array<i32>} : memref<1168xi32, #tpu.memory_space<vmem>>, vector<16xi32>,
    tpu.vector_store %arg9[%swap3A_240], %add3A_237 {strides = array<i32>} : memref<1168xi32, #tpu.memory_space<vmem>>, vector<16xi32>,
    %add3A_242 = arith.constant 48 : i32
    %add3A_243 = arith.addi %scan3A_200, %add3A_242 : i32
    %swap3A_244 = arith.index_cast %add3A_243 : i32 to index
    %swap3A_245 = tpu.vector_load %arg8[%swap3A_244] {strides = array<i32>} : memref<1168xi32, #tpu.memory_space<vmem>>, vector<16xi32>,
    tpu.vector_store %arg8[%swap3A_244], %iota3A {strides = array<i32>} : memref<1168xi32, #tpu.memory_space<vmem>>, vector<16xi32>,
    %add3A_246 = arith.constant 10000 : i32
    %add3A_247 = vector.broadcast %add3A_246 : i32 to vector<16xi32>
    %add3A_248 = arith.addi %add3A_247, %iota3A : vector<16xi32>
    %add3A_249 = arith.constant 64 : i32
    %add3A_250 = arith.addi %scan3A_200, %add3A_249 : i32
    %swap3A_251 = arith.index_cast %add3A_250 : i32 to index
    %swap3A_252 = tpu.vector_load %arg9[%swap3A_251] {strides = array<i32>} : memref<1168xi32, #tpu.memory_space<vmem>>, vector<16xi32>,
    tpu.vector_store %arg9[%swap3A_251], %add3A_248 {strides = array<i32>} : memref<1168xi32, #tpu.memory_space<vmem>>, vector<16xi32>,
    %add3A_253 = arith.constant 64 : i32
    %add3A_254 = arith.addi %scan3A_200, %add3A_253 : i32
    %swap3A_255 = arith.index_cast %add3A_254 : i32 to index
    %swap3A_256 = tpu.vector_load %arg8[%swap3A_255] {strides = array<i32>} : memref<1168xi32, #tpu.memory_space<vmem>>, vector<16xi32>,
    tpu.vector_store %arg8[%swap3A_255], %iota3A {strides = array<i32>} : memref<1168xi32, #tpu.memory_space<vmem>>, vector<16xi32>,
    %add3A_257 = arith.constant 10000 : i32
    %add3A_258 = vector.broadcast %add3A_257 : i32 to vector<16xi32>
    %add3A_259 = arith.addi %add3A_258, %iota3A : vector<16xi32>
    %add3A_260 = arith.constant 80 : i32
    %add3A_261 = arith.addi %scan3A_200, %add3A_260 : i32
    %swap3A_262 = arith.index_cast %add3A_261 : i32 to index
    %swap3A_263 = tpu.vector_load %arg9[%swap3A_262] {strides = array<i32>} : memref<1168xi32, #tpu.memory_space<vmem>>, vector<16xi32>,
    tpu.vector_store %arg9[%swap3A_262], %add3A_259 {strides = array<i32>} : memref<1168xi32, #tpu.memory_space<vmem>>, vector<16xi32>,
    %add3A_264 = arith.constant 80 : i32
    %add3A_265 = arith.addi %scan3A_200, %add3A_264 : i32
    %swap3A_266 = arith.index_cast %add3A_265 : i32 to index
    %swap3A_267 = tpu.vector_load %arg8[%swap3A_266] {strides = array<i32>} : memref<1168xi32, #tpu.memory_space<vmem>>, vector<16xi32>,
    tpu.vector_store %arg8[%swap3A_266], %iota3A {strides = array<i32>} : memref<1168xi32, #tpu.memory_space<vmem>>, vector<16xi32>,
    %add3A_268 = arith.constant 10000 : i32
    %add3A_269 = vector.broadcast %add3A_268 : i32 to vector<16xi32>
    %add3A_270 = arith.addi %add3A_269, %iota3A : vector<16xi32>
    %add3A_271 = arith.constant 96 : i32
    %add3A_272 = arith.addi %scan3A_200, %add3A_271 : i32
    %swap3A_273 = arith.index_cast %add3A_272 : i32 to index
    %swap3A_274 = tpu.vector_load %arg9[%swap3A_273] {strides = array<i32>} : memref<1168xi32, #tpu.memory_space<vmem>>, vector<16xi32>,
    tpu.vector_store %arg9[%swap3A_273], %add3A_270 {strides = array<i32>} : memref<1168xi32, #tpu.memory_space<vmem>>, vector<16xi32>,
    %add3A_275 = arith.constant 96 : i32
    %add3A_276 = arith.addi %scan3A_200, %add3A_275 : i32
    %swap3A_277 = arith.index_cast %add3A_276 : i32 to index
    %swap3A_278 = tpu.vector_load %arg8[%swap3A_277] {strides = array<i32>} : memref<1168xi32, #tpu.memory_space<vmem>>, vector<16xi32>,
    tpu.vector_store %arg8[%swap3A_277], %iota3A {strides = array<i32>} : memref<1168xi32, #tpu.memory_space<vmem>>, vector<16xi32>,
    %add3A_279 = arith.constant 10000 : i32
    %add3A_280 = vector.broadcast %add3A_279 : i32 to vector<16xi32>
    %add3A_281 = arith.addi %add3A_280, %iota3A : vector<16xi32>
    %add3A_282 = arith.constant 112 : i32
    %add3A_283 = arith.addi %scan3A_200, %add3A_282 : i32
    %swap3A_284 = arith.index_cast %add3A_283 : i32 to index
    %swap3A_285 = tpu.vector_load %arg9[%swap3A_284] {strides = array<i32>} : memref<1168xi32, #tpu.memory_space<vmem>>, vector<16xi32>,
    tpu.vector_store %arg9[%swap3A_284], %add3A_281 {strides = array<i32>} : memref<1168xi32, #tpu.memory_space<vmem>>, vector<16xi32>,
    %add3A_286 = arith.constant 112 : i32
    %add3A_287 = arith.addi %scan3A_200, %add3A_286 : i32
    %swap3A_288 = arith.index_cast %add3A_287 : i32 to index
    %swap3A_289 = tpu.vector_load %arg8[%swap3A_288] {strides = array<i32>} : memref<1168xi32, #tpu.memory_space<vmem>>, vector<16xi32>,
    tpu.vector_store %arg8[%swap3A_288], %iota3A {strides = array<i32>} : memref<1168xi32, #tpu.memory_space<vmem>>, vector<16xi32>,
    %add3A_290 = arith.constant 10000 : i32
    %add3A_291 = vector.broadcast %add3A_290 : i32 to vector<16xi32>
    %add3A_292 = arith.addi %add3A_291, %iota3A : vector<16xi32>
    %add3A_293 = arith.constant 128 : i32
    %add3A_294 = arith.addi %scan3A_200, %add3A_293 : i32
    %swap3A_295 = arith.index_cast %add3A_294 : i32 to index
    %swap3A_296 = tpu.vector_load %arg9[%swap3A_295] {strides = array<i32>} : memref<1168xi32, #tpu.memory_space<vmem>>, vector<16xi32>,
    tpu.vector_store %arg9[%swap3A_295], %add3A_292 {strides = array<i32>} : memref<1168xi32, #tpu.memory_space<vmem>>, vector<16xi32>,
    %add3A_297 = arith.constant 128 : i32
    %add3A_298 = arith.addi %scan3A_200, %add3A_297 : i32
    %swap3A_299 = arith.index_cast %add3A_298 : i32 to index
    %swap3A_300 = tpu.vector_load %arg8[%swap3A_299] {strides = array<i32>} : memref<1168xi32, #tpu.memory_space<vmem>>, vector<16xi32>,
    tpu.vector_store %arg8[%swap3A_299], %iota3A {strides = array<i32>} : memref<1168xi32, #tpu.memory_space<vmem>>, vector<16xi32>,
    %dma_wait3A_301 = arith.constant 0 : i32
    %dma_wait3A_302 = tpu.memref_slice %arg15[%mul3A_184, %dma_wait3A_301] : memref<10016x64xf32, #tpu.memory_space<vmem_shared>> -> memref<624x64xf32, #tpu.memory_space<vmem_shared>>
    %dma_wait3A_303 = arith.constant 0 : i32
    %dma_wait3A_304 = tpu.memref_slice %arg2[%multiple_of3A_182, %dma_wait3A_303] : memref<100000x64xf32, #tpu.memory_space<hbm>> -> memref<624x64xf32, #tpu.memory_space<hbm>>
    tpu.wait_dma2 semaphore(%arg16 : memref<!tpu.dma_semaphore, #tpu.memory_space<semaphore_mem>>) src(%dma_wait3A_304 : memref<624x64xf32, #tpu.memory_space<hbm>>) dst(%dma_wait3A_302 : memref<624x64xf32, #tpu.memory_space<vmem_shared>>)
    %eq3A_305 = arith.constant 0 : i32
    %eq3A_306 = arith.cmpi eq, %arg1, %eq3A_305 : i32
    %convert_element_type3A_307 = arith.extui %eq3A_306 : i1 to i32
    %cond3A_308 = arith.constant 0 : i32
    %cond3A_309 = arith.cmpi ne, %convert_element_type3A_307, %cond3A_308 : i32
    scf.if %cond3A_309 {
      %add3A_953 = arith.constant 9984 : i32
      %add3A_954 = arith.addi %mul3A_194, %add3A_953 : i32
      %multiple_of3A_955 = tpu.assume_multiple %add3A_954, 8 : i32
      "tpu.region"() ({
        %run_scoped3A = tpu.sem_alloc : memref<!tpu.dma_semaphore, #tpu.memory_space<semaphore_mem>>
        %dma_start3A_956 = arith.constant 9984 : i32
        %dma_start3A_957 = arith.constant 0 : i32
        %dma_start3A_958 = tpu.memref_slice %arg15[%dma_start3A_956, %dma_start3A_957] : memref<10016x64xf32, #tpu.memory_space<vmem_shared>> -> memref<16x64xf32, #tpu.memory_space<vmem_shared>>
        %dma_start3A_959 = arith.constant 0 : i32
        %dma_start3A_960 = tpu.memref_slice %arg2[%multiple_of3A_955, %dma_start3A_959] : memref<100000x64xf32, #tpu.memory_space<hbm>> -> memref<16x64xf32, #tpu.memory_space<hbm>>
        tpu.enqueue_dma source(%dma_start3A_960 : memref<16x64xf32, #tpu.memory_space<hbm>>) target(%dma_start3A_958 : memref<16x64xf32, #tpu.memory_space<vmem_shared>>) target_semaphore(%run_scoped3A : memref<!tpu.dma_semaphore, #tpu.memory_space<semaphore_mem>>)
        %dma_wait3A_961 = arith.constant 9984 : i32
        %dma_wait3A_962 = arith.constant 0 : i32
        %dma_wait3A_963 = tpu.memref_slice %arg15[%dma_wait3A_961, %dma_wait3A_962] : memref<10016x64xf32, #tpu.memory_space<vmem_shared>> -> memref<16x64xf32, #tpu.memory_space<vmem_shared>>
        %dma_wait3A_964 = arith.constant 0 : i32
        %dma_wait3A_965 = tpu.memref_slice %arg2[%multiple_of3A_955, %dma_wait3A_964] : memref<100000x64xf32, #tpu.memory_space<hbm>> -> memref<16x64xf32, #tpu.memory_space<hbm>>
        tpu.wait_dma2 semaphore(%run_scoped3A : memref<!tpu.dma_semaphore, #tpu.memory_space<semaphore_mem>>) src(%dma_wait3A_965 : memref<16x64xf32, #tpu.memory_space<hbm>>) dst(%dma_wait3A_963 : memref<16x64xf32, #tpu.memory_space<vmem_shared>>)
        tpu.yield
      }) : () -> ()
    } else {
    }
    %barrier3A_310 = arith.constant 0 : index
    tpu.barrier barrier_id(%barrier3A_310)
    %add3A_311 = arith.constant 127 : i32
    %add3A_312 = arith.addi %scan3A_200, %add3A_311 : i32
    %jit3A_313 = arith.constant 128 : i32
    %div3A_314 = arith.divsi %add3A_312, %jit3A_313 : i32
    %sign3A_315 = arith.constant 0 : i32
    %sign3A_316 = arith.cmpi sgt, %add3A_312, %sign3A_315 : i32
    %sign3A_317 = arith.extui %sign3A_316 : i1 to i32
    %sign3A_318 = arith.constant 0 : i32
    %sign3A_319 = arith.cmpi slt, %add3A_312, %sign3A_318 : i32
    %sign3A_320 = arith.extui %sign3A_319 : i1 to i32
    %sign3A_321 = arith.subi %sign3A_317, %sign3A_320 : i32
    %sign3A_322 = arith.constant 0 : i32
    %sign3A_323 = arith.cmpi sgt, %jit3A_313, %sign3A_322 : i32
    %sign3A_324 = arith.extui %sign3A_323 : i1 to i32
    %sign3A_325 = arith.constant 0 : i32
    %sign3A_326 = arith.cmpi slt, %jit3A_313, %sign3A_325 : i32
    %sign3A_327 = arith.extui %sign3A_326 : i1 to i32
    %sign3A_328 = arith.subi %sign3A_324, %sign3A_327 : i32
    %ne3A_329 = arith.cmpi ne, %sign3A_321, %sign3A_328 : i32
    %rem3A_330 = arith.remsi %add3A_312, %jit3A_313 : i32
    %ne3A_331 = arith.constant 0 : i32
    %ne3A_332 = arith.cmpi ne, %rem3A_330, %ne3A_331 : i32
    %and3A_333 = arith.andi %ne3A_329, %ne3A_332 : i1
    %sub3A_334 = arith.constant 1 : i32
    %sub3A_335 = arith.subi %div3A_314, %sub3A_334 : i32
    %select_n3A_336 = arith.select %and3A_333, %sub3A_335, %div3A_314 : i32
    %while3A_337 = arith.constant 0 : i32
    %while3A_338 = arith.constant 0 : i32
    %while3A_339 = arith.subi %select_n3A_336, %while3A_338 : i32
    %while3A_340 = arith.addi %while3A_338, %while3A_339 : i32
    %while3A_341 = arith.constant 1 : i32
    %while3A_342 = arith.divsi %while3A_339, %while3A_341 : i32
    %while3A_343 = arith.muli %while3A_342, %while3A_341 : i32
    %while3A_344 = arith.addi %while3A_338, %while3A_343 : i32
    %while3A_345 = arith.constant 1 : i32
    scf.for %while3A_953 = %while3A_338 to %while3A_344 step %while3A_345  : i32 {
      %mul3A_954 = arith.constant 128 : i32
      %mul3A_955 = arith.muli %while3A_953, %mul3A_954 : i32
      %add3A_956 = arith.constant 0 : i32
      %add3A_957 = arith.addi %mul3A_955, %add3A_956 : i32
      %get3A_958 = arith.index_cast %add3A_957 : i32 to index
      %get3A_959 = tpu.vector_load %arg8[%get3A_958] {strides = array<i32>} : memref<1168xi32, #tpu.memory_space<vmem>>, vector<16xi32>,
      %swap3A_960 = arith.constant 0 : index
      %swap3A_961 = tpu.vector_load %arg10[%swap3A_960] {strides = array<i32>} : memref<128xi32, #tpu.memory_space<vmem>>, vector<16xi32>,
      tpu.vector_store %arg10[%swap3A_960], %get3A_959 {strides = array<i32>} : memref<128xi32, #tpu.memory_space<vmem>>, vector<16xi32>,
      %mul3A_962 = arith.constant 128 : i32
      %mul3A_963 = arith.muli %while3A_953, %mul3A_962 : i32
      %add3A_964 = arith.constant 0 : i32
      %add3A_965 = arith.addi %mul3A_963, %add3A_964 : i32
      %get3A_966 = arith.index_cast %add3A_965 : i32 to index
      %get3A_967 = tpu.vector_load %arg9[%get3A_966] {strides = array<i32>} : memref<1168xi32, #tpu.memory_space<vmem>>, vector<16xi32>,
      %swap3A_968 = arith.constant 0 : index
      %swap3A_969 = tpu.vector_load %arg11[%swap3A_968] {strides = array<i32>} : memref<128xi32, #tpu.memory_space<vmem>>, vector<16xi32>,
      tpu.vector_store %arg11[%swap3A_968], %get3A_967 {strides = array<i32>} : memref<128xi32, #tpu.memory_space<vmem>>, vector<16xi32>,
      %mul3A_970 = arith.constant 128 : i32
      %mul3A_971 = arith.muli %while3A_953, %mul3A_970 : i32
      %add3A_972 = arith.constant 16 : i32
      %add3A_973 = arith.addi %mul3A_971, %add3A_972 : i32
      %get3A_974 = arith.index_cast %add3A_973 : i32 to index
      %get3A_975 = tpu.vector_load %arg8[%get3A_974] {strides = array<i32>} : memref<1168xi32, #tpu.memory_space<vmem>>, vector<16xi32>,
      %swap3A_976 = arith.constant 16 : index
      %swap3A_977 = tpu.vector_load %arg10[%swap3A_976] {strides = array<i32>} : memref<128xi32, #tpu.memory_space<vmem>>, vector<16xi32>,
      tpu.vector_store %arg10[%swap3A_976], %get3A_975 {strides = array<i32>} : memref<128xi32, #tpu.memory_space<vmem>>, vector<16xi32>,
      %mul3A_978 = arith.constant 128 : i32
      %mul3A_979 = arith.muli %while3A_953, %mul3A_978 : i32
      %add3A_980 = arith.constant 16 : i32
      %add3A_981 = arith.addi %mul3A_979, %add3A_980 : i32
      %get3A_982 = arith.index_cast %add3A_981 : i32 to index
      %get3A_983 = tpu.vector_load %arg9[%get3A_982] {strides = array<i32>} : memref<1168xi32, #tpu.memory_space<vmem>>, vector<16xi32>,
      %swap3A_984 = arith.constant 16 : index
      %swap3A_985 = tpu.vector_load %arg11[%swap3A_984] {strides = array<i32>} : memref<128xi32, #tpu.memory_space<vmem>>, vector<16xi32>,
      tpu.vector_store %arg11[%swap3A_984], %get3A_983 {strides = array<i32>} : memref<128xi32, #tpu.memory_space<vmem>>, vector<16xi32>,
      %mul3A_986 = arith.constant 128 : i32
      %mul3A_987 = arith.muli %while3A_953, %mul3A_986 : i32
      %add3A_988 = arith.constant 32 : i32
      %add3A_989 = arith.addi %mul3A_987, %add3A_988 : i32
      %get3A_990 = arith.index_cast %add3A_989 : i32 to index
      %get3A_991 = tpu.vector_load %arg8[%get3A_990] {strides = array<i32>} : memref<1168xi32, #tpu.memory_space<vmem>>, vector<16xi32>,
      %swap3A_992 = arith.constant 32 : index
      %swap3A_993 = tpu.vector_load %arg10[%swap3A_992] {strides = array<i32>} : memref<128xi32, #tpu.memory_space<vmem>>, vector<16xi32>,
      tpu.vector_store %arg10[%swap3A_992], %get3A_991 {strides = array<i32>} : memref<128xi32, #tpu.memory_space<vmem>>, vector<16xi32>,
      %mul3A_994 = arith.constant 128 : i32
      %mul3A_995 = arith.muli %while3A_953, %mul3A_994 : i32
      %add3A_996 = arith.constant 32 : i32
      %add3A_997 = arith.addi %mul3A_995, %add3A_996 : i32
      %get3A_998 = arith.index_cast %add3A_997 : i32 to index
      %get3A_999 = tpu.vector_load %arg9[%get3A_998] {strides = array<i32>} : memref<1168xi32, #tpu.memory_space<vmem>>, vector<16xi32>,
      %swap3A_1000 = arith.constant 32 : index
      %swap3A_1001 = tpu.vector_load %arg11[%swap3A_1000] {strides = array<i32>} : memref<128xi32, #tpu.memory_space<vmem>>, vector<16xi32>,
      tpu.vector_store %arg11[%swap3A_1000], %get3A_999 {strides = array<i32>} : memref<128xi32, #tpu.memory_space<vmem>>, vector<16xi32>,
      %mul3A_1002 = arith.constant 128 : i32
      %mul3A_1003 = arith.muli %while3A_953, %mul3A_1002 : i32
      %add3A_1004 = arith.constant 48 : i32
      %add3A_1005 = arith.addi %mul3A_1003, %add3A_1004 : i32
      %get3A_1006 = arith.index_cast %add3A_1005 : i32 to index
      %get3A_1007 = tpu.vector_load %arg8[%get3A_1006] {strides = array<i32>} : memref<1168xi32, #tpu.memory_space<vmem>>, vector<16xi32>,
      %swap3A_1008 = arith.constant 48 : index
      %swap3A_1009 = tpu.vector_load %arg10[%swap3A_1008] {strides = array<i32>} : memref<128xi32, #tpu.memory_space<vmem>>, vector<16xi32>,
      tpu.vector_store %arg10[%swap3A_1008], %get3A_1007 {strides = array<i32>} : memref<128xi32, #tpu.memory_space<vmem>>, vector<16xi32>,
      %mul3A_1010 = arith.constant 128 : i32
      %mul3A_1011 = arith.muli %while3A_953, %mul3A_1010 : i32
      %add3A_1012 = arith.constant 48 : i32
      %add3A_1013 = arith.addi %mul3A_1011, %add3A_1012 : i32
      %get3A_1014 = arith.index_cast %add3A_1013 : i32 to index
      %get3A_1015 = tpu.vector_load %arg9[%get3A_1014] {strides = array<i32>} : memref<1168xi32, #tpu.memory_space<vmem>>, vector<16xi32>,
      %swap3A_1016 = arith.constant 48 : index
      %swap3A_1017 = tpu.vector_load %arg11[%swap3A_1016] {strides = array<i32>} : memref<128xi32, #tpu.memory_space<vmem>>, vector<16xi32>,
      tpu.vector_store %arg11[%swap3A_1016], %get3A_1015 {strides = array<i32>} : memref<128xi32, #tpu.memory_space<vmem>>, vector<16xi32>,
      %mul3A_1018 = arith.constant 128 : i32
      %mul3A_1019 = arith.muli %while3A_953, %mul3A_1018 : i32
      %add3A_1020 = arith.constant 64 : i32
      %add3A_1021 = arith.addi %mul3A_1019, %add3A_1020 : i32
      %get3A_1022 = arith.index_cast %add3A_1021 : i32 to index
      %get3A_1023 = tpu.vector_load %arg8[%get3A_1022] {strides = array<i32>} : memref<1168xi32, #tpu.memory_space<vmem>>, vector<16xi32>,
      %swap3A_1024 = arith.constant 64 : index
      %swap3A_1025 = tpu.vector_load %arg10[%swap3A_1024] {strides = array<i32>} : memref<128xi32, #tpu.memory_space<vmem>>, vector<16xi32>,
      tpu.vector_store %arg10[%swap3A_1024], %get3A_1023 {strides = array<i32>} : memref<128xi32, #tpu.memory_space<vmem>>, vector<16xi32>,
      %mul3A_1026 = arith.constant 128 : i32
      %mul3A_1027 = arith.muli %while3A_953, %mul3A_1026 : i32
      %add3A_1028 = arith.constant 64 : i32
      %add3A_1029 = arith.addi %mul3A_1027, %add3A_1028 : i32
      %get3A_1030 = arith.index_cast %add3A_1029 : i32 to index
      %get3A_1031 = tpu.vector_load %arg9[%get3A_1030] {strides = array<i32>} : memref<1168xi32, #tpu.memory_space<vmem>>, vector<16xi32>,
      %swap3A_1032 = arith.constant 64 : index
      %swap3A_1033 = tpu.vector_load %arg11[%swap3A_1032] {strides = array<i32>} : memref<128xi32, #tpu.memory_space<vmem>>, vector<16xi32>,
      tpu.vector_store %arg11[%swap3A_1032], %get3A_1031 {strides = array<i32>} : memref<128xi32, #tpu.memory_space<vmem>>, vector<16xi32>,
      %mul3A_1034 = arith.constant 128 : i32
      %mul3A_1035 = arith.muli %while3A_953, %mul3A_1034 : i32
      %add3A_1036 = arith.constant 80 : i32
      %add3A_1037 = arith.addi %mul3A_1035, %add3A_1036 : i32
      %get3A_1038 = arith.index_cast %add3A_1037 : i32 to index
      %get3A_1039 = tpu.vector_load %arg8[%get3A_1038] {strides = array<i32>} : memref<1168xi32, #tpu.memory_space<vmem>>, vector<16xi32>,
      %swap3A_1040 = arith.constant 80 : index
      %swap3A_1041 = tpu.vector_load %arg10[%swap3A_1040] {strides = array<i32>} : memref<128xi32, #tpu.memory_space<vmem>>, vector<16xi32>,
      tpu.vector_store %arg10[%swap3A_1040], %get3A_1039 {strides = array<i32>} : memref<128xi32, #tpu.memory_space<vmem>>, vector<16xi32>,
      %mul3A_1042 = arith.constant 128 : i32
      %mul3A_1043 = arith.muli %while3A_953, %mul3A_1042 : i32
      %add3A_1044 = arith.constant 80 : i32
      %add3A_1045 = arith.addi %mul3A_1043, %add3A_1044 : i32
      %get3A_1046 = arith.index_cast %add3A_1045 : i32 to index
      %get3A_1047 = tpu.vector_load %arg9[%get3A_1046] {strides = array<i32>} : memref<1168xi32, #tpu.memory_space<vmem>>, vector<16xi32>,
      %swap3A_1048 = arith.constant 80 : index
      %swap3A_1049 = tpu.vector_load %arg11[%swap3A_1048] {strides = array<i32>} : memref<128xi32, #tpu.memory_space<vmem>>, vector<16xi32>,
      tpu.vector_store %arg11[%swap3A_1048], %get3A_1047 {strides = array<i32>} : memref<128xi32, #tpu.memory_space<vmem>>, vector<16xi32>,
      %mul3A_1050 = arith.constant 128 : i32
      %mul3A_1051 = arith.muli %while3A_953, %mul3A_1050 : i32
      %add3A_1052 = arith.constant 96 : i32
      %add3A_1053 = arith.addi %mul3A_1051, %add3A_1052 : i32
      %get3A_1054 = arith.index_cast %add3A_1053 : i32 to index
      %get3A_1055 = tpu.vector_load %arg8[%get3A_1054] {strides = array<i32>} : memref<1168xi32, #tpu.memory_space<vmem>>, vector<16xi32>,
      %swap3A_1056 = arith.constant 96 : index
      %swap3A_1057 = tpu.vector_load %arg10[%swap3A_1056] {strides = array<i32>} : memref<128xi32, #tpu.memory_space<vmem>>, vector<16xi32>,
      tpu.vector_store %arg10[%swap3A_1056], %get3A_1055 {strides = array<i32>} : memref<128xi32, #tpu.memory_space<vmem>>, vector<16xi32>,
      %mul3A_1058 = arith.constant 128 : i32
      %mul3A_1059 = arith.muli %while3A_953, %mul3A_1058 : i32
      %add3A_1060 = arith.constant 96 : i32
      %add3A_1061 = arith.addi %mul3A_1059, %add3A_1060 : i32
      %get3A_1062 = arith.index_cast %add3A_1061 : i32 to index
      %get3A_1063 = tpu.vector_load %arg9[%get3A_1062] {strides = array<i32>} : memref<1168xi32, #tpu.memory_space<vmem>>, vector<16xi32>,
      %swap3A_1064 = arith.constant 96 : index
      %swap3A_1065 = tpu.vector_load %arg11[%swap3A_1064] {strides = array<i32>} : memref<128xi32, #tpu.memory_space<vmem>>, vector<16xi32>,
      tpu.vector_store %arg11[%swap3A_1064], %get3A_1063 {strides = array<i32>} : memref<128xi32, #tpu.memory_space<vmem>>, vector<16xi32>,
      %mul3A_1066 = arith.constant 128 : i32
      %mul3A_1067 = arith.muli %while3A_953, %mul3A_1066 : i32
      %add3A_1068 = arith.constant 112 : i32
      %add3A_1069 = arith.addi %mul3A_1067, %add3A_1068 : i32
      %get3A_1070 = arith.index_cast %add3A_1069 : i32 to index
      %get3A_1071 = tpu.vector_load %arg8[%get3A_1070] {strides = array<i32>} : memref<1168xi32, #tpu.memory_space<vmem>>, vector<16xi32>,
      %swap3A_1072 = arith.constant 112 : index
      %swap3A_1073 = tpu.vector_load %arg10[%swap3A_1072] {strides = array<i32>} : memref<128xi32, #tpu.memory_space<vmem>>, vector<16xi32>,
      tpu.vector_store %arg10[%swap3A_1072], %get3A_1071 {strides = array<i32>} : memref<128xi32, #tpu.memory_space<vmem>>, vector<16xi32>,
      %mul3A_1074 = arith.constant 128 : i32
      %mul3A_1075 = arith.muli %while3A_953, %mul3A_1074 : i32
      %add3A_1076 = arith.constant 112 : i32
      %add3A_1077 = arith.addi %mul3A_1075, %add3A_1076 : i32
      %get3A_1078 = arith.index_cast %add3A_1077 : i32 to index
      %get3A_1079 = tpu.vector_load %arg9[%get3A_1078] {strides = array<i32>} : memref<1168xi32, #tpu.memory_space<vmem>>, vector<16xi32>,
      %swap3A_1080 = arith.constant 112 : index
      %swap3A_1081 = tpu.vector_load %arg11[%swap3A_1080] {strides = array<i32>} : memref<128xi32, #tpu.memory_space<vmem>>, vector<16xi32>,
      tpu.vector_store %arg11[%swap3A_1080], %get3A_1079 {strides = array<i32>} : memref<128xi32, #tpu.memory_space<vmem>>, vector<16xi32>,
      %dma_start3A_1082 = arith.constant 0 : i32
      %dma_start3A_1083 = arith.constant 0 : i32
      %dma_start3A_1084 = tpu.memref_slice %arg4[%dma_start3A_1082, %dma_start3A_1083] : memref<16384x64xf32, #tpu.memory_space<hbm>> -> memref<16384x64xf32, #tpu.memory_space<hbm>>
      tpu.enqueue_indirect_dma source(%dma_start3A_1084 : memref<16384x64xf32, #tpu.memory_space<hbm>>) target(%arg12 : memref<128x64xf32, #tpu.memory_space<vmem>>) offsets(%arg10 : memref<128xi32, #tpu.memory_space<vmem>>) semaphore(%arg17 : memref<!tpu.dma_semaphore, #tpu.memory_space<semaphore_mem>>)
      %dma_wait3A_1085 = arith.constant 0 : i32
      %dma_wait3A_1086 = arith.constant 0 : i32
      %dma_wait3A_1087 = tpu.memref_slice %arg4[%dma_wait3A_1085, %dma_wait3A_1086] : memref<16384x64xf32, #tpu.memory_space<hbm>> -> memref<16384x64xf32, #tpu.memory_space<hbm>>
      tpu.wait_indirect_dma semaphore(%arg17 : memref<!tpu.dma_semaphore, #tpu.memory_space<semaphore_mem>>) src(%dma_wait3A_1087 : memref<16384x64xf32, #tpu.memory_space<hbm>>) dst(%arg12 : memref<128x64xf32, #tpu.memory_space<vmem>>)
      %ne3A_1088 = arith.constant 1.000000e+00 : f32
      %ne3A_1089 = arith.cmpf one, %squeeze3A, %ne3A_1088 : f32
      %convert_element_type3A_1090 = arith.extui %ne3A_1089 : i1 to i32
      %cond3A_1091 = arith.constant 0 : i32
      %cond3A_1092 = arith.cmpi ne, %convert_element_type3A_1090, %cond3A_1091 : i32
      scf.if %cond3A_1092 {
        %scan3A_1093 = arith.constant 0 : i32
        %scan3A_1094 = arith.constant 0 : i32
        %scan3A_1095 = arith.constant 128 : i32
        %scan3A_1096 = arith.addi %scan3A_1094, %scan3A_1095 : i32
        %scan3A_1097 = arith.constant 1 : i32
        scf.for %scan3A_1099 = %scan3A_1094 to %scan3A_1096 step %scan3A_1097  : i32 {
          %get3A_1100 = arith.index_cast %scan3A_1099 : i32 to index
          %get3A_1101 = arith.constant 0 : index
          %get3A_1102 = tpu.vector_load %arg12[%get3A_1100, %get3A_1101] {strides = array<i32>} : memref<128x64xf32, #tpu.memory_space<vmem>>, vector<16xf32>,
          %mul3A_1103 = arith.mulf %get3A_1102, %get3A_1 : vector<16xf32>
          %swap3A_1104 = arith.index_cast %scan3A_1099 : i32 to index
          %swap3A_1105 = arith.constant 0 : index
          %swap3A_1106 = tpu.vector_load %arg12[%swap3A_1104, %swap3A_1105] {strides = array<i32>} : memref<128x64xf32, #tpu.memory_space<vmem>>, vector<16xf32>,
          tpu.vector_store %arg12[%swap3A_1104, %swap3A_1105], %mul3A_1103 {strides = array<i32>} : memref<128x64xf32, #tpu.memory_space<vmem>>, vector<16xf32>,
          %get3A_1107 = arith.index_cast %scan3A_1099 : i32 to index
          %get3A_1108 = arith.constant 16 : index
          %get3A_1109 = tpu.vector_load %arg12[%get3A_1107, %get3A_1108] {strides = array<i32>} : memref<128x64xf32, #tpu.memory_space<vmem>>, vector<16xf32>,
          %mul3A_1110 = arith.mulf %get3A_1109, %get3A_1 : vector<16xf32>
          %swap3A_1111 = arith.index_cast %scan3A_1099 : i32 to index
          %swap3A_1112 = arith.constant 16 : index
          %swap3A_1113 = tpu.vector_load %arg12[%swap3A_1111, %swap3A_1112] {strides = array<i32>} : memref<128x64xf32, #tpu.memory_space<vmem>>, vector<16xf32>,
          tpu.vector_store %arg12[%swap3A_1111, %swap3A_1112], %mul3A_1110 {strides = array<i32>} : memref<128x64xf32, #tpu.memory_space<vmem>>, vector<16xf32>,
          %get3A_1114 = arith.index_cast %scan3A_1099 : i32 to index
          %get3A_1115 = arith.constant 32 : index
          %get3A_1116 = tpu.vector_load %arg12[%get3A_1114, %get3A_1115] {strides = array<i32>} : memref<128x64xf32, #tpu.memory_space<vmem>>, vector<16xf32>,
          %mul3A_1117 = arith.mulf %get3A_1116, %get3A_1 : vector<16xf32>
          %swap3A_1118 = arith.index_cast %scan3A_1099 : i32 to index
          %swap3A_1119 = arith.constant 32 : index
          %swap3A_1120 = tpu.vector_load %arg12[%swap3A_1118, %swap3A_1119] {strides = array<i32>} : memref<128x64xf32, #tpu.memory_space<vmem>>, vector<16xf32>,
          tpu.vector_store %arg12[%swap3A_1118, %swap3A_1119], %mul3A_1117 {strides = array<i32>} : memref<128x64xf32, #tpu.memory_space<vmem>>, vector<16xf32>,
          %get3A_1121 = arith.index_cast %scan3A_1099 : i32 to index
          %get3A_1122 = arith.constant 48 : index
          %get3A_1123 = tpu.vector_load %arg12[%get3A_1121, %get3A_1122] {strides = array<i32>} : memref<128x64xf32, #tpu.memory_space<vmem>>, vector<16xf32>,
          %mul3A_1124 = arith.mulf %get3A_1123, %get3A_1 : vector<16xf32>
          %swap3A_1125 = arith.index_cast %scan3A_1099 : i32 to index
          %swap3A_1126 = arith.constant 48 : index
          %swap3A_1127 = tpu.vector_load %arg12[%swap3A_1125, %swap3A_1126] {strides = array<i32>} : memref<128x64xf32, #tpu.memory_space<vmem>>, vector<16xf32>,
          tpu.vector_store %arg12[%swap3A_1125, %swap3A_1126], %mul3A_1124 {strides = array<i32>} : memref<128x64xf32, #tpu.memory_space<vmem>>, vector<16xf32>,
        }
        %scan3A_1098 = arith.constant 128 : i32
      } else {
      }
      "tpu.region"() ({
        %run_scoped3A = tpu.sem_alloc : memref<!tpu.dma_semaphore, #tpu.memory_space<semaphore_mem>>
        %dma_start3A_1093 = arith.constant 0 : i32
        %dma_start3A_1094 = arith.constant 0 : i32
        %dma_start3A_1095 = tpu.memref_slice %arg15[%dma_start3A_1093, %dma_start3A_1094] : memref<10016x64xf32, #tpu.memory_space<vmem_shared>> -> memref<10016x64xf32, #tpu.memory_space<vmem_shared>>
        tpu.enqueue_indirect_dma source(%arg12 : memref<128x64xf32, #tpu.memory_space<vmem>>) target(%dma_start3A_1095 : memref<10016x64xf32, #tpu.memory_space<vmem_shared>>) offsets(%arg11 : memref<128xi32, #tpu.memory_space<vmem>>) semaphore(%run_scoped3A : memref<!tpu.dma_semaphore, #tpu.memory_space<semaphore_mem>>) {add = true}
        %dma_wait3A_1096 = arith.constant 0 : i32
        %dma_wait3A_1097 = arith.constant 0 : i32
        %dma_wait3A_1098 = tpu.memref_slice %arg15[%dma_wait3A_1096, %dma_wait3A_1097] : memref<10016x64xf32, #tpu.memory_space<vmem_shared>> -> memref<10016x64xf32, #tpu.memory_space<vmem_shared>>
        tpu.wait_indirect_dma semaphore(%run_scoped3A : memref<!tpu.dma_semaphore, #tpu.memory_space<semaphore_mem>>) src(%arg12 : memref<128x64xf32, #tpu.memory_space<vmem>>) dst(%dma_wait3A_1098 : memref<10016x64xf32, #tpu.memory_space<vmem_shared>>)
        tpu.yield
      }) : () -> ()
    }
    %while3A_346 = arith.constant 1 : i32
    scf.for %while3A_953 = %while3A_344 to %while3A_340 step %while3A_346  : i32 {
      %mul3A_954 = arith.constant 128 : i32
      %mul3A_955 = arith.muli %while3A_953, %mul3A_954 : i32
      %add3A_956 = arith.constant 0 : i32
      %add3A_957 = arith.addi %mul3A_955, %add3A_956 : i32
      %get3A_958 = arith.index_cast %add3A_957 : i32 to index
      %get3A_959 = tpu.vector_load %arg8[%get3A_958] {strides = array<i32>} : memref<1168xi32, #tpu.memory_space<vmem>>, vector<16xi32>,
      %swap3A_960 = arith.constant 0 : index
      %swap3A_961 = tpu.vector_load %arg10[%swap3A_960] {strides = array<i32>} : memref<128xi32, #tpu.memory_space<vmem>>, vector<16xi32>,
      tpu.vector_store %arg10[%swap3A_960], %get3A_959 {strides = array<i32>} : memref<128xi32, #tpu.memory_space<vmem>>, vector<16xi32>,
      %mul3A_962 = arith.constant 128 : i32
      %mul3A_963 = arith.muli %while3A_953, %mul3A_962 : i32
      %add3A_964 = arith.constant 0 : i32
      %add3A_965 = arith.addi %mul3A_963, %add3A_964 : i32
      %get3A_966 = arith.index_cast %add3A_965 : i32 to index
      %get3A_967 = tpu.vector_load %arg9[%get3A_966] {strides = array<i32>} : memref<1168xi32, #tpu.memory_space<vmem>>, vector<16xi32>,
      %swap3A_968 = arith.constant 0 : index
      %swap3A_969 = tpu.vector_load %arg11[%swap3A_968] {strides = array<i32>} : memref<128xi32, #tpu.memory_space<vmem>>, vector<16xi32>,
      tpu.vector_store %arg11[%swap3A_968], %get3A_967 {strides = array<i32>} : memref<128xi32, #tpu.memory_space<vmem>>, vector<16xi32>,
      %mul3A_970 = arith.constant 128 : i32
      %mul3A_971 = arith.muli %while3A_953, %mul3A_970 : i32
      %add3A_972 = arith.constant 16 : i32
      %add3A_973 = arith.addi %mul3A_971, %add3A_972 : i32
      %get3A_974 = arith.index_cast %add3A_973 : i32 to index
      %get3A_975 = tpu.vector_load %arg8[%get3A_974] {strides = array<i32>} : memref<1168xi32, #tpu.memory_space<vmem>>, vector<16xi32>,
      %swap3A_976 = arith.constant 16 : index
      %swap3A_977 = tpu.vector_load %arg10[%swap3A_976] {strides = array<i32>} : memref<128xi32, #tpu.memory_space<vmem>>, vector<16xi32>,
      tpu.vector_store %arg10[%swap3A_976], %get3A_975 {strides = array<i32>} : memref<128xi32, #tpu.memory_space<vmem>>, vector<16xi32>,
      %mul3A_978 = arith.constant 128 : i32
      %mul3A_979 = arith.muli %while3A_953, %mul3A_978 : i32
      %add3A_980 = arith.constant 16 : i32
      %add3A_981 = arith.addi %mul3A_979, %add3A_980 : i32
      %get3A_982 = arith.index_cast %add3A_981 : i32 to index
      %get3A_983 = tpu.vector_load %arg9[%get3A_982] {strides = array<i32>} : memref<1168xi32, #tpu.memory_space<vmem>>, vector<16xi32>,
      %swap3A_984 = arith.constant 16 : index
      %swap3A_985 = tpu.vector_load %arg11[%swap3A_984] {strides = array<i32>} : memref<128xi32, #tpu.memory_space<vmem>>, vector<16xi32>,
      tpu.vector_store %arg11[%swap3A_984], %get3A_983 {strides = array<i32>} : memref<128xi32, #tpu.memory_space<vmem>>, vector<16xi32>,
      %mul3A_986 = arith.constant 128 : i32
      %mul3A_987 = arith.muli %while3A_953, %mul3A_986 : i32
      %add3A_988 = arith.constant 32 : i32
      %add3A_989 = arith.addi %mul3A_987, %add3A_988 : i32
      %get3A_990 = arith.index_cast %add3A_989 : i32 to index
      %get3A_991 = tpu.vector_load %arg8[%get3A_990] {strides = array<i32>} : memref<1168xi32, #tpu.memory_space<vmem>>, vector<16xi32>,
      %swap3A_992 = arith.constant 32 : index
      %swap3A_993 = tpu.vector_load %arg10[%swap3A_992] {strides = array<i32>} : memref<128xi32, #tpu.memory_space<vmem>>, vector<16xi32>,
      tpu.vector_store %arg10[%swap3A_992], %get3A_991 {strides = array<i32>} : memref<128xi32, #tpu.memory_space<vmem>>, vector<16xi32>,
      %mul3A_994 = arith.constant 128 : i32
      %mul3A_995 = arith.muli %while3A_953, %mul3A_994 : i32
      %add3A_996 = arith.constant 32 : i32
      %add3A_997 = arith.addi %mul3A_995, %add3A_996 : i32
      %get3A_998 = arith.index_cast %add3A_997 : i32 to index
      %get3A_999 = tpu.vector_load %arg9[%get3A_998] {strides = array<i32>} : memref<1168xi32, #tpu.memory_space<vmem>>, vector<16xi32>,
      %swap3A_1000 = arith.constant 32 : index
      %swap3A_1001 = tpu.vector_load %arg11[%swap3A_1000] {strides = array<i32>} : memref<128xi32, #tpu.memory_space<vmem>>, vector<16xi32>,
      tpu.vector_store %arg11[%swap3A_1000], %get3A_999 {strides = array<i32>} : memref<128xi32, #tpu.memory_space<vmem>>, vector<16xi32>,
      %mul3A_1002 = arith.constant 128 : i32
      %mul3A_1003 = arith.muli %while3A_953, %mul3A_1002 : i32
      %add3A_1004 = arith.constant 48 : i32
      %add3A_1005 = arith.addi %mul3A_1003, %add3A_1004 : i32
      %get3A_1006 = arith.index_cast %add3A_1005 : i32 to index
      %get3A_1007 = tpu.vector_load %arg8[%get3A_1006] {strides = array<i32>} : memref<1168xi32, #tpu.memory_space<vmem>>, vector<16xi32>,
      %swap3A_1008 = arith.constant 48 : index
      %swap3A_1009 = tpu.vector_load %arg10[%swap3A_1008] {strides = array<i32>} : memref<128xi32, #tpu.memory_space<vmem>>, vector<16xi32>,
      tpu.vector_store %arg10[%swap3A_1008], %get3A_1007 {strides = array<i32>} : memref<128xi32, #tpu.memory_space<vmem>>, vector<16xi32>,
      %mul3A_1010 = arith.constant 128 : i32
      %mul3A_1011 = arith.muli %while3A_953, %mul3A_1010 : i32
      %add3A_1012 = arith.constant 48 : i32
      %add3A_1013 = arith.addi %mul3A_1011, %add3A_1012 : i32
      %get3A_1014 = arith.index_cast %add3A_1013 : i32 to index
      %get3A_1015 = tpu.vector_load %arg9[%get3A_1014] {strides = array<i32>} : memref<1168xi32, #tpu.memory_space<vmem>>, vector<16xi32>,
      %swap3A_1016 = arith.constant 48 : index
      %swap3A_1017 = tpu.vector_load %arg11[%swap3A_1016] {strides = array<i32>} : memref<128xi32, #tpu.memory_space<vmem>>, vector<16xi32>,
      tpu.vector_store %arg11[%swap3A_1016], %get3A_1015 {strides = array<i32>} : memref<128xi32, #tpu.memory_space<vmem>>, vector<16xi32>,
      %mul3A_1018 = arith.constant 128 : i32
      %mul3A_1019 = arith.muli %while3A_953, %mul3A_1018 : i32
      %add3A_1020 = arith.constant 64 : i32
      %add3A_1021 = arith.addi %mul3A_1019, %add3A_1020 : i32
      %get3A_1022 = arith.index_cast %add3A_1021 : i32 to index
      %get3A_1023 = tpu.vector_load %arg8[%get3A_1022] {strides = array<i32>} : memref<1168xi32, #tpu.memory_space<vmem>>, vector<16xi32>,
      %swap3A_1024 = arith.constant 64 : index
      %swap3A_1025 = tpu.vector_load %arg10[%swap3A_1024] {strides = array<i32>} : memref<128xi32, #tpu.memory_space<vmem>>, vector<16xi32>,
      tpu.vector_store %arg10[%swap3A_1024], %get3A_1023 {strides = array<i32>} : memref<128xi32, #tpu.memory_space<vmem>>, vector<16xi32>,
      %mul3A_1026 = arith.constant 128 : i32
      %mul3A_1027 = arith.muli %while3A_953, %mul3A_1026 : i32
      %add3A_1028 = arith.constant 64 : i32
      %add3A_1029 = arith.addi %mul3A_1027, %add3A_1028 : i32
      %get3A_1030 = arith.index_cast %add3A_1029 : i32 to index
      %get3A_1031 = tpu.vector_load %arg9[%get3A_1030] {strides = array<i32>} : memref<1168xi32, #tpu.memory_space<vmem>>, vector<16xi32>,
      %swap3A_1032 = arith.constant 64 : index
      %swap3A_1033 = tpu.vector_load %arg11[%swap3A_1032] {strides = array<i32>} : memref<128xi32, #tpu.memory_space<vmem>>, vector<16xi32>,
      tpu.vector_store %arg11[%swap3A_1032], %get3A_1031 {strides = array<i32>} : memref<128xi32, #tpu.memory_space<vmem>>, vector<16xi32>,
      %mul3A_1034 = arith.constant 128 : i32
      %mul3A_1035 = arith.muli %while3A_953, %mul3A_1034 : i32
      %add3A_1036 = arith.constant 80 : i32
      %add3A_1037 = arith.addi %mul3A_1035, %add3A_1036 : i32
      %get3A_1038 = arith.index_cast %add3A_1037 : i32 to index
      %get3A_1039 = tpu.vector_load %arg8[%get3A_1038] {strides = array<i32>} : memref<1168xi32, #tpu.memory_space<vmem>>, vector<16xi32>,
      %swap3A_1040 = arith.constant 80 : index
      %swap3A_1041 = tpu.vector_load %arg10[%swap3A_1040] {strides = array<i32>} : memref<128xi32, #tpu.memory_space<vmem>>, vector<16xi32>,
      tpu.vector_store %arg10[%swap3A_1040], %get3A_1039 {strides = array<i32>} : memref<128xi32, #tpu.memory_space<vmem>>, vector<16xi32>,
      %mul3A_1042 = arith.constant 128 : i32
      %mul3A_1043 = arith.muli %while3A_953, %mul3A_1042 : i32
      %add3A_1044 = arith.constant 80 : i32
      %add3A_1045 = arith.addi %mul3A_1043, %add3A_1044 : i32
      %get3A_1046 = arith.index_cast %add3A_1045 : i32 to index
      %get3A_1047 = tpu.vector_load %arg9[%get3A_1046] {strides = array<i32>} : memref<1168xi32, #tpu.memory_space<vmem>>, vector<16xi32>,
      %swap3A_1048 = arith.constant 80 : index
      %swap3A_1049 = tpu.vector_load %arg11[%swap3A_1048] {strides = array<i32>} : memref<128xi32, #tpu.memory_space<vmem>>, vector<16xi32>,
      tpu.vector_store %arg11[%swap3A_1048], %get3A_1047 {strides = array<i32>} : memref<128xi32, #tpu.memory_space<vmem>>, vector<16xi32>,
      %mul3A_1050 = arith.constant 128 : i32
      %mul3A_1051 = arith.muli %while3A_953, %mul3A_1050 : i32
      %add3A_1052 = arith.constant 96 : i32
      %add3A_1053 = arith.addi %mul3A_1051, %add3A_1052 : i32
      %get3A_1054 = arith.index_cast %add3A_1053 : i32 to index
      %get3A_1055 = tpu.vector_load %arg8[%get3A_1054] {strides = array<i32>} : memref<1168xi32, #tpu.memory_space<vmem>>, vector<16xi32>,
      %swap3A_1056 = arith.constant 96 : index
      %swap3A_1057 = tpu.vector_load %arg10[%swap3A_1056] {strides = array<i32>} : memref<128xi32, #tpu.memory_space<vmem>>, vector<16xi32>,
      tpu.vector_store %arg10[%swap3A_1056], %get3A_1055 {strides = array<i32>} : memref<128xi32, #tpu.memory_space<vmem>>, vector<16xi32>,
      %mul3A_1058 = arith.constant 128 : i32
      %mul3A_1059 = arith.muli %while3A_953, %mul3A_1058 : i32
      %add3A_1060 = arith.constant 96 : i32
      %add3A_1061 = arith.addi %mul3A_1059, %add3A_1060 : i32
      %get3A_1062 = arith.index_cast %add3A_1061 : i32 to index
      %get3A_1063 = tpu.vector_load %arg9[%get3A_1062] {strides = array<i32>} : memref<1168xi32, #tpu.memory_space<vmem>>, vector<16xi32>,
      %swap3A_1064 = arith.constant 96 : index
      %swap3A_1065 = tpu.vector_load %arg11[%swap3A_1064] {strides = array<i32>} : memref<128xi32, #tpu.memory_space<vmem>>, vector<16xi32>,
      tpu.vector_store %arg11[%swap3A_1064], %get3A_1063 {strides = array<i32>} : memref<128xi32, #tpu.memory_space<vmem>>, vector<16xi32>,
      %mul3A_1066 = arith.constant 128 : i32
      %mul3A_1067 = arith.muli %while3A_953, %mul3A_1066 : i32
      %add3A_1068 = arith.constant 112 : i32
      %add3A_1069 = arith.addi %mul3A_1067, %add3A_1068 : i32
      %get3A_1070 = arith.index_cast %add3A_1069 : i32 to index
      %get3A_1071 = tpu.vector_load %arg8[%get3A_1070] {strides = array<i32>} : memref<1168xi32, #tpu.memory_space<vmem>>, vector<16xi32>,
      %swap3A_1072 = arith.constant 112 : index
      %swap3A_1073 = tpu.vector_load %arg10[%swap3A_1072] {strides = array<i32>} : memref<128xi32, #tpu.memory_space<vmem>>, vector<16xi32>,
      tpu.vector_store %arg10[%swap3A_1072], %get3A_1071 {strides = array<i32>} : memref<128xi32, #tpu.memory_space<vmem>>, vector<16xi32>,
      %mul3A_1074 = arith.constant 128 : i32
      %mul3A_1075 = arith.muli %while3A_953, %mul3A_1074 : i32
      %add3A_1076 = arith.constant 112 : i32
      %add3A_1077 = arith.addi %mul3A_1075, %add3A_1076 : i32
      %get3A_1078 = arith.index_cast %add3A_1077 : i32 to index
      %get3A_1079 = tpu.vector_load %arg9[%get3A_1078] {strides = array<i32>} : memref<1168xi32, #tpu.memory_space<vmem>>, vector<16xi32>,
      %swap3A_1080 = arith.constant 112 : index
      %swap3A_1081 = tpu.vector_load %arg11[%swap3A_1080] {strides = array<i32>} : memref<128xi32, #tpu.memory_space<vmem>>, vector<16xi32>,
      tpu.vector_store %arg11[%swap3A_1080], %get3A_1079 {strides = array<i32>} : memref<128xi32, #tpu.memory_space<vmem>>, vector<16xi32>,
      %dma_start3A_1082 = arith.constant 0 : i32
      %dma_start3A_1083 = arith.constant 0 : i32
      %dma_start3A_1084 = tpu.memref_slice %arg4[%dma_start3A_1082, %dma_start3A_1083] : memref<16384x64xf32, #tpu.memory_space<hbm>> -> memref<16384x64xf32, #tpu.memory_space<hbm>>
      tpu.enqueue_indirect_dma source(%dma_start3A_1084 : memref<16384x64xf32, #tpu.memory_space<hbm>>) target(%arg12 : memref<128x64xf32, #tpu.memory_space<vmem>>) offsets(%arg10 : memref<128xi32, #tpu.memory_space<vmem>>) semaphore(%arg17 : memref<!tpu.dma_semaphore, #tpu.memory_space<semaphore_mem>>)
      %dma_wait3A_1085 = arith.constant 0 : i32
      %dma_wait3A_1086 = arith.constant 0 : i32
      %dma_wait3A_1087 = tpu.memref_slice %arg4[%dma_wait3A_1085, %dma_wait3A_1086] : memref<16384x64xf32, #tpu.memory_space<hbm>> -> memref<16384x64xf32, #tpu.memory_space<hbm>>
      tpu.wait_indirect_dma semaphore(%arg17 : memref<!tpu.dma_semaphore, #tpu.memory_space<semaphore_mem>>) src(%dma_wait3A_1087 : memref<16384x64xf32, #tpu.memory_space<hbm>>) dst(%arg12 : memref<128x64xf32, #tpu.memory_space<vmem>>)
      %ne3A_1088 = arith.constant 1.000000e+00 : f32
      %ne3A_1089 = arith.cmpf one, %squeeze3A, %ne3A_1088 : f32
      %convert_element_type3A_1090 = arith.extui %ne3A_1089 : i1 to i32
      %cond3A_1091 = arith.constant 0 : i32
      %cond3A_1092 = arith.cmpi ne, %convert_element_type3A_1090, %cond3A_1091 : i32
      scf.if %cond3A_1092 {
        %scan3A_1093 = arith.constant 0 : i32
        %scan3A_1094 = arith.constant 0 : i32
        %scan3A_1095 = arith.constant 128 : i32
        %scan3A_1096 = arith.addi %scan3A_1094, %scan3A_1095 : i32
        %scan3A_1097 = arith.constant 1 : i32
        scf.for %scan3A_1099 = %scan3A_1094 to %scan3A_1096 step %scan3A_1097  : i32 {
          %get3A_1100 = arith.index_cast %scan3A_1099 : i32 to index
          %get3A_1101 = arith.constant 0 : index
          %get3A_1102 = tpu.vector_load %arg12[%get3A_1100, %get3A_1101] {strides = array<i32>} : memref<128x64xf32, #tpu.memory_space<vmem>>, vector<16xf32>,
          %mul3A_1103 = arith.mulf %get3A_1102, %get3A_1 : vector<16xf32>
          %swap3A_1104 = arith.index_cast %scan3A_1099 : i32 to index
          %swap3A_1105 = arith.constant 0 : index
          %swap3A_1106 = tpu.vector_load %arg12[%swap3A_1104, %swap3A_1105] {strides = array<i32>} : memref<128x64xf32, #tpu.memory_space<vmem>>, vector<16xf32>,
          tpu.vector_store %arg12[%swap3A_1104, %swap3A_1105], %mul3A_1103 {strides = array<i32>} : memref<128x64xf32, #tpu.memory_space<vmem>>, vector<16xf32>,
          %get3A_1107 = arith.index_cast %scan3A_1099 : i32 to index
          %get3A_1108 = arith.constant 16 : index
          %get3A_1109 = tpu.vector_load %arg12[%get3A_1107, %get3A_1108] {strides = array<i32>} : memref<128x64xf32, #tpu.memory_space<vmem>>, vector<16xf32>,
          %mul3A_1110 = arith.mulf %get3A_1109, %get3A_1 : vector<16xf32>
          %swap3A_1111 = arith.index_cast %scan3A_1099 : i32 to index
          %swap3A_1112 = arith.constant 16 : index
          %swap3A_1113 = tpu.vector_load %arg12[%swap3A_1111, %swap3A_1112] {strides = array<i32>} : memref<128x64xf32, #tpu.memory_space<vmem>>, vector<16xf32>,
          tpu.vector_store %arg12[%swap3A_1111, %swap3A_1112], %mul3A_1110 {strides = array<i32>} : memref<128x64xf32, #tpu.memory_space<vmem>>, vector<16xf32>,
          %get3A_1114 = arith.index_cast %scan3A_1099 : i32 to index
          %get3A_1115 = arith.constant 32 : index
          %get3A_1116 = tpu.vector_load %arg12[%get3A_1114, %get3A_1115] {strides = array<i32>} : memref<128x64xf32, #tpu.memory_space<vmem>>, vector<16xf32>,
          %mul3A_1117 = arith.mulf %get3A_1116, %get3A_1 : vector<16xf32>
          %swap3A_1118 = arith.index_cast %scan3A_1099 : i32 to index
          %swap3A_1119 = arith.constant 32 : index
          %swap3A_1120 = tpu.vector_load %arg12[%swap3A_1118, %swap3A_1119] {strides = array<i32>} : memref<128x64xf32, #tpu.memory_space<vmem>>, vector<16xf32>,
          tpu.vector_store %arg12[%swap3A_1118, %swap3A_1119], %mul3A_1117 {strides = array<i32>} : memref<128x64xf32, #tpu.memory_space<vmem>>, vector<16xf32>,
          %get3A_1121 = arith.index_cast %scan3A_1099 : i32 to index
          %get3A_1122 = arith.constant 48 : index
          %get3A_1123 = tpu.vector_load %arg12[%get3A_1121, %get3A_1122] {strides = array<i32>} : memref<128x64xf32, #tpu.memory_space<vmem>>, vector<16xf32>,
          %mul3A_1124 = arith.mulf %get3A_1123, %get3A_1 : vector<16xf32>
          %swap3A_1125 = arith.index_cast %scan3A_1099 : i32 to index
          %swap3A_1126 = arith.constant 48 : index
          %swap3A_1127 = tpu.vector_load %arg12[%swap3A_1125, %swap3A_1126] {strides = array<i32>} : memref<128x64xf32, #tpu.memory_space<vmem>>, vector<16xf32>,
          tpu.vector_store %arg12[%swap3A_1125, %swap3A_1126], %mul3A_1124 {strides = array<i32>} : memref<128x64xf32, #tpu.memory_space<vmem>>, vector<16xf32>,
        }
        %scan3A_1098 = arith.constant 128 : i32
      } else {
      }
      "tpu.region"() ({
        %run_scoped3A = tpu.sem_alloc : memref<!tpu.dma_semaphore, #tpu.memory_space<semaphore_mem>>
        %dma_start3A_1093 = arith.constant 0 : i32
        %dma_start3A_1094 = arith.constant 0 : i32
        %dma_start3A_1095 = tpu.memref_slice %arg15[%dma_start3A_1093, %dma_start3A_1094] : memref<10016x64xf32, #tpu.memory_space<vmem_shared>> -> memref<10016x64xf32, #tpu.memory_space<vmem_shared>>
        tpu.enqueue_indirect_dma source(%arg12 : memref<128x64xf32, #tpu.memory_space<vmem>>) target(%dma_start3A_1095 : memref<10016x64xf32, #tpu.memory_space<vmem_shared>>) offsets(%arg11 : memref<128xi32, #tpu.memory_space<vmem>>) semaphore(%run_scoped3A : memref<!tpu.dma_semaphore, #tpu.memory_space<semaphore_mem>>) {add = true}
        %dma_wait3A_1096 = arith.constant 0 : i32
        %dma_wait3A_1097 = arith.constant 0 : i32
        %dma_wait3A_1098 = tpu.memref_slice %arg15[%dma_wait3A_1096, %dma_wait3A_1097] : memref<10016x64xf32, #tpu.memory_space<vmem_shared>> -> memref<10016x64xf32, #tpu.memory_space<vmem_shared>>
        tpu.wait_indirect_dma semaphore(%run_scoped3A : memref<!tpu.dma_semaphore, #tpu.memory_space<semaphore_mem>>) src(%arg12 : memref<128x64xf32, #tpu.memory_space<vmem>>) dst(%dma_wait3A_1098 : memref<10016x64xf32, #tpu.memory_space<vmem_shared>>)
        tpu.yield
      }) : () -> ()
    }
    %barrier3A_347 = arith.constant 0 : index
    tpu.barrier barrier_id(%barrier3A_347)
    %mul3A_348 = arith.constant 624 : i32
    %mul3A_349 = arith.muli %arg1, %mul3A_348 : i32
    %add3A_350 = arith.addi %mul3A_194, %mul3A_349 : i32
    %multiple_of3A_351 = tpu.assume_multiple %add3A_350, 8 : i32
    %mul3A_352 = arith.constant 624 : i32
    %mul3A_353 = arith.muli %arg1, %mul3A_352 : i32
    %dma_start3A_354 = arith.constant 0 : i32
    %dma_start3A_355 = tpu.memref_slice %arg6[%multiple_of3A_351, %dma_start3A_354] : memref<100000x64xf32, #tpu.memory_space<hbm>> -> memref<624x64xf32, #tpu.memory_space<hbm>>
    %dma_start3A_356 = arith.constant 0 : i32
    %dma_start3A_357 = tpu.memref_slice %arg15[%mul3A_353, %dma_start3A_356] : memref<10016x64xf32, #tpu.memory_space<vmem_shared>> -> memref<624x64xf32, #tpu.memory_space<vmem_shared>>
    tpu.enqueue_dma source(%dma_start3A_357 : memref<624x64xf32, #tpu.memory_space<vmem_shared>>) target(%dma_start3A_355 : memref<624x64xf32, #tpu.memory_space<hbm>>) target_semaphore(%arg19 : memref<!tpu.dma_semaphore, #tpu.memory_space<semaphore_mem>>)
    %eq3A_358 = arith.constant 0 : i32
    %eq3A_359 = arith.cmpi eq, %arg1, %eq3A_358 : i32
    %convert_element_type3A_360 = arith.extui %eq3A_359 : i1 to i32
    %cond3A_361 = arith.constant 0 : i32
    %cond3A_362 = arith.cmpi ne, %convert_element_type3A_360, %cond3A_361 : i32
    scf.if %cond3A_362 {
      %add3A_953 = arith.constant 9984 : i32
      %add3A_954 = arith.addi %mul3A_194, %add3A_953 : i32
      %multiple_of3A_955 = tpu.assume_multiple %add3A_954, 8 : i32
      "tpu.region"() ({
        %run_scoped3A = tpu.sem_alloc : memref<!tpu.dma_semaphore, #tpu.memory_space<semaphore_mem>>
        %dma_start3A_956 = arith.constant 0 : i32
        %dma_start3A_957 = tpu.memref_slice %arg6[%multiple_of3A_955, %dma_start3A_956] : memref<100000x64xf32, #tpu.memory_space<hbm>> -> memref<16x64xf32, #tpu.memory_space<hbm>>
        %dma_start3A_958 = arith.constant 9984 : i32
        %dma_start3A_959 = arith.constant 0 : i32
        %dma_start3A_960 = tpu.memref_slice %arg15[%dma_start3A_958, %dma_start3A_959] : memref<10016x64xf32, #tpu.memory_space<vmem_shared>> -> memref<16x64xf32, #tpu.memory_space<vmem_shared>>
        tpu.enqueue_dma source(%dma_start3A_960 : memref<16x64xf32, #tpu.memory_space<vmem_shared>>) target(%dma_start3A_957 : memref<16x64xf32, #tpu.memory_space<hbm>>) target_semaphore(%run_scoped3A : memref<!tpu.dma_semaphore, #tpu.memory_space<semaphore_mem>>)
        %dma_wait3A_961 = arith.constant 0 : i32
        %dma_wait3A_962 = tpu.memref_slice %arg6[%multiple_of3A_955, %dma_wait3A_961] : memref<100000x64xf32, #tpu.memory_space<hbm>> -> memref<16x64xf32, #tpu.memory_space<hbm>>
        %dma_wait3A_963 = arith.constant 9984 : i32
        %dma_wait3A_964 = arith.constant 0 : i32
        %dma_wait3A_965 = tpu.memref_slice %arg15[%dma_wait3A_963, %dma_wait3A_964] : memref<10016x64xf32, #tpu.memory_space<vmem_shared>> -> memref<16x64xf32, #tpu.memory_space<vmem_shared>>
        tpu.wait_dma2 semaphore(%run_scoped3A : memref<!tpu.dma_semaphore, #tpu.memory_space<semaphore_mem>>) src(%dma_wait3A_965 : memref<16x64xf32, #tpu.memory_space<vmem_shared>>) dst(%dma_wait3A_962 : memref<16x64xf32, #tpu.memory_space<hbm>>)
        tpu.yield
      }) : () -> ()
    } else {
    }
    %dma_wait3A_363 = arith.constant 0 : i32
    %dma_wait3A_364 = tpu.memref_slice %arg6[%multiple_of3A_161, %dma_wait3A_363] : memref<100000x64xf32, #tpu.memory_space<hbm>> -> memref<624x64xf32, #tpu.memory_space<hbm>>
    %dma_wait3A_365 = arith.constant 0 : i32
    %dma_wait3A_366 = tpu.memref_slice %arg14[%mul3A_163, %dma_wait3A_365] : memref<10016x64xf32, #tpu.memory_space<vmem_shared>> -> memref<624x64xf32, #tpu.memory_space<vmem_shared>>
    tpu.wait_dma2 semaphore(%arg18 : memref<!tpu.dma_semaphore, #tpu.memory_space<semaphore_mem>>) src(%dma_wait3A_366 : memref<624x64xf32, #tpu.memory_space<vmem_shared>>) dst(%dma_wait3A_364 : memref<624x64xf32, #tpu.memory_space<hbm>>)
    %mul3A_367 = arith.constant 5 : i32
    %mul3A_368 = arith.muli %arg0, %mul3A_367 : i32
    %add3A_369 = arith.constant 2 : i32
    %add3A_370 = arith.addi %mul3A_368, %add3A_369 : i32
    %mul3A_371 = arith.constant 10000 : i32
    %mul3A_372 = arith.muli %add3A_370, %mul3A_371 : i32
    %mul3A_373 = arith.constant 624 : i32
    %mul3A_374 = arith.muli %arg1, %mul3A_373 : i32
    %add3A_375 = arith.addi %mul3A_372, %mul3A_374 : i32
    %multiple_of3A_376 = tpu.assume_multiple %add3A_375, 8 : i32
    %mul3A_377 = arith.constant 624 : i32
    %mul3A_378 = arith.muli %arg1, %mul3A_377 : i32
    %dma_start3A_379 = arith.constant 0 : i32
    %dma_start3A_380 = tpu.memref_slice %arg14[%mul3A_378, %dma_start3A_379] : memref<10016x64xf32, #tpu.memory_space<vmem_shared>> -> memref<624x64xf32, #tpu.memory_space<vmem_shared>>
    %dma_start3A_381 = arith.constant 0 : i32
    %dma_start3A_382 = tpu.memref_slice %arg2[%multiple_of3A_376, %dma_start3A_381] : memref<100000x64xf32, #tpu.memory_space<hbm>> -> memref<624x64xf32, #tpu.memory_space<hbm>>
    tpu.enqueue_dma source(%dma_start3A_382 : memref<624x64xf32, #tpu.memory_space<hbm>>) target(%dma_start3A_380 : memref<624x64xf32, #tpu.memory_space<vmem_shared>>) target_semaphore(%arg16 : memref<!tpu.dma_semaphore, #tpu.memory_space<semaphore_mem>>)
    %mul3A_383 = arith.constant 5 : i32
    %mul3A_384 = arith.muli %arg0, %mul3A_383 : i32
    %add3A_385 = arith.constant 2 : i32
    %add3A_386 = arith.addi %mul3A_384, %add3A_385 : i32
    %mul3A_387 = arith.constant 10000 : i32
    %mul3A_388 = arith.muli %add3A_386, %mul3A_387 : i32
    %scan3A_389 = arith.constant 0 : i32
    %scan3A_390 = arith.constant 0 : i32
    %scan3A_391 = arith.constant 64 : i32
    %scan3A_392 = arith.addi %scan3A_390, %scan3A_391 : i32
    %scan3A_393 = arith.constant 1 : i32
    %scan3A_394 = scf.for %scan3A_953 = %scan3A_390 to %scan3A_392 step %scan3A_393 iter_args(%scan3A_954 = %scan3A_389) -> (i32)  : i32 {
      %mul3A_955 = arith.constant 16 : i32
      %mul3A_956 = arith.muli %scan3A_953, %mul3A_955 : i32
      %get3A_957 = arith.index_cast %mul3A_956 : i32 to index
      %get3A_958 = tpu.vector_load %arg7[%get3A_957] {strides = array<i32>} : memref<1024xi32, #tpu.memory_space<vmem>>, vector<16xi32>,
      %ge3A = vector.broadcast %mul3A_388 : i32 to vector<16xi32>
      %ge3A_959 = arith.cmpi sge, %get3A_958, %ge3A : vector<16xi32>
      %add3A_960 = arith.constant 10000 : i32
      %add3A_961 = arith.addi %mul3A_388, %add3A_960 : i32
      %lt3A = vector.broadcast %add3A_961 : i32 to vector<16xi32>
      %lt3A_962 = arith.cmpi slt, %get3A_958, %lt3A : vector<16xi32>
      %and3A_963 = arith.andi %ge3A_959, %lt3A_962 : vector<16xi1>
      %sub3A_964 = vector.broadcast %mul3A_388 : i32 to vector<16xi32>
      %sub3A_965 = arith.subi %get3A_958, %sub3A_964 : vector<16xi32>
      %swap3A_966 = arith.index_cast %scan3A_954 : i32 to index
      %swap3A_967 = tpu.vector_load %arg9[%swap3A_966] masked %and3A_963 {strides = array<i32>} : memref<1168xi32, #tpu.memory_space<vmem>>, vector<16xi32>, vector<16xi1>
      tpu.vector_store %arg9[%swap3A_966], %sub3A_965 masked %and3A_963 {strides = array<i32>} : memref<1168xi32, #tpu.memory_space<vmem>>, vector<16xi32>, vector<16xi1>
      %mul3A_968 = arith.constant 1024 : i32
      %mul3A_969 = arith.muli %arg1, %mul3A_968 : i32
      %mul3A_970 = arith.constant 16 : i32
      %mul3A_971 = arith.muli %scan3A_953, %mul3A_970 : i32
      %add3A_972 = arith.addi %mul3A_969, %mul3A_971 : i32
      %add3A_973 = vector.broadcast %add3A_972 : i32 to vector<16xi32>
      %add3A_974 = arith.addi %add3A_973, %iota3A : vector<16xi32>
      %swap3A_975 = arith.index_cast %scan3A_954 : i32 to index
      %swap3A_976 = tpu.vector_load %arg8[%swap3A_975] masked %and3A_963 {strides = array<i32>} : memref<1168xi32, #tpu.memory_space<vmem>>, vector<16xi32>, vector<16xi1>
      tpu.vector_store %arg8[%swap3A_975], %add3A_974 masked %and3A_963 {strides = array<i32>} : memref<1168xi32, #tpu.memory_space<vmem>>, vector<16xi32>, vector<16xi1>
      %convert_element_type3A_977 = arith.extui %and3A_963 : vector<16xi1> to vector<16xi32>
      %reduce_sum3A = arith.constant true
      %reduce_sum3A_978 = vector.broadcast %reduce_sum3A : i1 to vector<16xi1>
      %reduce_sum3A_979 = tpu.scan <sum>, %convert_element_type3A_977 masked %reduce_sum3A_978 : vector<16xi32>, vector<16xi1> -> vector<16xi32>
      %reduce_sum3A_980 = vector.extract %reduce_sum3A_979[15] : i32 from vector<16xi32>
      %add3A_981 = arith.addi %scan3A_954, %reduce_sum3A_980 : i32
      scf.yield %add3A_981 : i32
    }
    %scan3A_395 = arith.constant 64 : i32
    %add3A_396 = arith.constant 10000 : i32
    %add3A_397 = vector.broadcast %add3A_396 : i32 to vector<16xi32>
    %add3A_398 = arith.addi %add3A_397, %iota3A : vector<16xi32>
    %add3A_399 = arith.constant 0 : i32
    %add3A_400 = arith.addi %scan3A_394, %add3A_399 : i32
    %swap3A_401 = arith.index_cast %add3A_400 : i32 to index
    %swap3A_402 = tpu.vector_load %arg9[%swap3A_401] {strides = array<i32>} : memref<1168xi32, #tpu.memory_space<vmem>>, vector<16xi32>,
    tpu.vector_store %arg9[%swap3A_401], %add3A_398 {strides = array<i32>} : memref<1168xi32, #tpu.memory_space<vmem>>, vector<16xi32>,
    %add3A_403 = arith.constant 0 : i32
    %add3A_404 = arith.addi %scan3A_394, %add3A_403 : i32
    %swap3A_405 = arith.index_cast %add3A_404 : i32 to index
    %swap3A_406 = tpu.vector_load %arg8[%swap3A_405] {strides = array<i32>} : memref<1168xi32, #tpu.memory_space<vmem>>, vector<16xi32>,
    tpu.vector_store %arg8[%swap3A_405], %iota3A {strides = array<i32>} : memref<1168xi32, #tpu.memory_space<vmem>>, vector<16xi32>,
    %add3A_407 = arith.constant 10000 : i32
    %add3A_408 = vector.broadcast %add3A_407 : i32 to vector<16xi32>
    %add3A_409 = arith.addi %add3A_408, %iota3A : vector<16xi32>
    %add3A_410 = arith.constant 16 : i32
    %add3A_411 = arith.addi %scan3A_394, %add3A_410 : i32
    %swap3A_412 = arith.index_cast %add3A_411 : i32 to index
    %swap3A_413 = tpu.vector_load %arg9[%swap3A_412] {strides = array<i32>} : memref<1168xi32, #tpu.memory_space<vmem>>, vector<16xi32>,
    tpu.vector_store %arg9[%swap3A_412], %add3A_409 {strides = array<i32>} : memref<1168xi32, #tpu.memory_space<vmem>>, vector<16xi32>,
    %add3A_414 = arith.constant 16 : i32
    %add3A_415 = arith.addi %scan3A_394, %add3A_414 : i32
    %swap3A_416 = arith.index_cast %add3A_415 : i32 to index
    %swap3A_417 = tpu.vector_load %arg8[%swap3A_416] {strides = array<i32>} : memref<1168xi32, #tpu.memory_space<vmem>>, vector<16xi32>,
    tpu.vector_store %arg8[%swap3A_416], %iota3A {strides = array<i32>} : memref<1168xi32, #tpu.memory_space<vmem>>, vector<16xi32>,
    %add3A_418 = arith.constant 10000 : i32
    %add3A_419 = vector.broadcast %add3A_418 : i32 to vector<16xi32>
    %add3A_420 = arith.addi %add3A_419, %iota3A : vector<16xi32>
    %add3A_421 = arith.constant 32 : i32
    %add3A_422 = arith.addi %scan3A_394, %add3A_421 : i32
    %swap3A_423 = arith.index_cast %add3A_422 : i32 to index
    %swap3A_424 = tpu.vector_load %arg9[%swap3A_423] {strides = array<i32>} : memref<1168xi32, #tpu.memory_space<vmem>>, vector<16xi32>,
    tpu.vector_store %arg9[%swap3A_423], %add3A_420 {strides = array<i32>} : memref<1168xi32, #tpu.memory_space<vmem>>, vector<16xi32>,
    %add3A_425 = arith.constant 32 : i32
    %add3A_426 = arith.addi %scan3A_394, %add3A_425 : i32
    %swap3A_427 = arith.index_cast %add3A_426 : i32 to index
    %swap3A_428 = tpu.vector_load %arg8[%swap3A_427] {strides = array<i32>} : memref<1168xi32, #tpu.memory_space<vmem>>, vector<16xi32>,
    tpu.vector_store %arg8[%swap3A_427], %iota3A {strides = array<i32>} : memref<1168xi32, #tpu.memory_space<vmem>>, vector<16xi32>,
    %add3A_429 = arith.constant 10000 : i32
    %add3A_430 = vector.broadcast %add3A_429 : i32 to vector<16xi32>
    %add3A_431 = arith.addi %add3A_430, %iota3A : vector<16xi32>
    %add3A_432 = arith.constant 48 : i32
    %add3A_433 = arith.addi %scan3A_394, %add3A_432 : i32
    %swap3A_434 = arith.index_cast %add3A_433 : i32 to index
    %swap3A_435 = tpu.vector_load %arg9[%swap3A_434] {strides = array<i32>} : memref<1168xi32, #tpu.memory_space<vmem>>, vector<16xi32>,
    tpu.vector_store %arg9[%swap3A_434], %add3A_431 {strides = array<i32>} : memref<1168xi32, #tpu.memory_space<vmem>>, vector<16xi32>,
    %add3A_436 = arith.constant 48 : i32
    %add3A_437 = arith.addi %scan3A_394, %add3A_436 : i32
    %swap3A_438 = arith.index_cast %add3A_437 : i32 to index
    %swap3A_439 = tpu.vector_load %arg8[%swap3A_438] {strides = array<i32>} : memref<1168xi32, #tpu.memory_space<vmem>>, vector<16xi32>,
    tpu.vector_store %arg8[%swap3A_438], %iota3A {strides = array<i32>} : memref<1168xi32, #tpu.memory_space<vmem>>, vector<16xi32>,
    %add3A_440 = arith.constant 10000 : i32
    %add3A_441 = vector.broadcast %add3A_440 : i32 to vector<16xi32>
    %add3A_442 = arith.addi %add3A_441, %iota3A : vector<16xi32>
    %add3A_443 = arith.constant 64 : i32
    %add3A_444 = arith.addi %scan3A_394, %add3A_443 : i32
    %swap3A_445 = arith.index_cast %add3A_444 : i32 to index
    %swap3A_446 = tpu.vector_load %arg9[%swap3A_445] {strides = array<i32>} : memref<1168xi32, #tpu.memory_space<vmem>>, vector<16xi32>,
    tpu.vector_store %arg9[%swap3A_445], %add3A_442 {strides = array<i32>} : memref<1168xi32, #tpu.memory_space<vmem>>, vector<16xi32>,
    %add3A_447 = arith.constant 64 : i32
    %add3A_448 = arith.addi %scan3A_394, %add3A_447 : i32
    %swap3A_449 = arith.index_cast %add3A_448 : i32 to index
    %swap3A_450 = tpu.vector_load %arg8[%swap3A_449] {strides = array<i32>} : memref<1168xi32, #tpu.memory_space<vmem>>, vector<16xi32>,
    tpu.vector_store %arg8[%swap3A_449], %iota3A {strides = array<i32>} : memref<1168xi32, #tpu.memory_space<vmem>>, vector<16xi32>,
    %add3A_451 = arith.constant 10000 : i32
    %add3A_452 = vector.broadcast %add3A_451 : i32 to vector<16xi32>
    %add3A_453 = arith.addi %add3A_452, %iota3A : vector<16xi32>
    %add3A_454 = arith.constant 80 : i32
    %add3A_455 = arith.addi %scan3A_394, %add3A_454 : i32
    %swap3A_456 = arith.index_cast %add3A_455 : i32 to index
    %swap3A_457 = tpu.vector_load %arg9[%swap3A_456] {strides = array<i32>} : memref<1168xi32, #tpu.memory_space<vmem>>, vector<16xi32>,
    tpu.vector_store %arg9[%swap3A_456], %add3A_453 {strides = array<i32>} : memref<1168xi32, #tpu.memory_space<vmem>>, vector<16xi32>,
    %add3A_458 = arith.constant 80 : i32
    %add3A_459 = arith.addi %scan3A_394, %add3A_458 : i32
    %swap3A_460 = arith.index_cast %add3A_459 : i32 to index
    %swap3A_461 = tpu.vector_load %arg8[%swap3A_460] {strides = array<i32>} : memref<1168xi32, #tpu.memory_space<vmem>>, vector<16xi32>,
    tpu.vector_store %arg8[%swap3A_460], %iota3A {strides = array<i32>} : memref<1168xi32, #tpu.memory_space<vmem>>, vector<16xi32>,
    %add3A_462 = arith.constant 10000 : i32
    %add3A_463 = vector.broadcast %add3A_462 : i32 to vector<16xi32>
    %add3A_464 = arith.addi %add3A_463, %iota3A : vector<16xi32>
    %add3A_465 = arith.constant 96 : i32
    %add3A_466 = arith.addi %scan3A_394, %add3A_465 : i32
    %swap3A_467 = arith.index_cast %add3A_466 : i32 to index
    %swap3A_468 = tpu.vector_load %arg9[%swap3A_467] {strides = array<i32>} : memref<1168xi32, #tpu.memory_space<vmem>>, vector<16xi32>,
    tpu.vector_store %arg9[%swap3A_467], %add3A_464 {strides = array<i32>} : memref<1168xi32, #tpu.memory_space<vmem>>, vector<16xi32>,
    %add3A_469 = arith.constant 96 : i32
    %add3A_470 = arith.addi %scan3A_394, %add3A_469 : i32
    %swap3A_471 = arith.index_cast %add3A_470 : i32 to index
    %swap3A_472 = tpu.vector_load %arg8[%swap3A_471] {strides = array<i32>} : memref<1168xi32, #tpu.memory_space<vmem>>, vector<16xi32>,
    tpu.vector_store %arg8[%swap3A_471], %iota3A {strides = array<i32>} : memref<1168xi32, #tpu.memory_space<vmem>>, vector<16xi32>,
    %add3A_473 = arith.constant 10000 : i32
    %add3A_474 = vector.broadcast %add3A_473 : i32 to vector<16xi32>
    %add3A_475 = arith.addi %add3A_474, %iota3A : vector<16xi32>
    %add3A_476 = arith.constant 112 : i32
    %add3A_477 = arith.addi %scan3A_394, %add3A_476 : i32
    %swap3A_478 = arith.index_cast %add3A_477 : i32 to index
    %swap3A_479 = tpu.vector_load %arg9[%swap3A_478] {strides = array<i32>} : memref<1168xi32, #tpu.memory_space<vmem>>, vector<16xi32>,
    tpu.vector_store %arg9[%swap3A_478], %add3A_475 {strides = array<i32>} : memref<1168xi32, #tpu.memory_space<vmem>>, vector<16xi32>,
    %add3A_480 = arith.constant 112 : i32
    %add3A_481 = arith.addi %scan3A_394, %add3A_480 : i32
    %swap3A_482 = arith.index_cast %add3A_481 : i32 to index
    %swap3A_483 = tpu.vector_load %arg8[%swap3A_482] {strides = array<i32>} : memref<1168xi32, #tpu.memory_space<vmem>>, vector<16xi32>,
    tpu.vector_store %arg8[%swap3A_482], %iota3A {strides = array<i32>} : memref<1168xi32, #tpu.memory_space<vmem>>, vector<16xi32>,
    %add3A_484 = arith.constant 10000 : i32
    %add3A_485 = vector.broadcast %add3A_484 : i32 to vector<16xi32>
    %add3A_486 = arith.addi %add3A_485, %iota3A : vector<16xi32>
    %add3A_487 = arith.constant 128 : i32
    %add3A_488 = arith.addi %scan3A_394, %add3A_487 : i32
    %swap3A_489 = arith.index_cast %add3A_488 : i32 to index
    %swap3A_490 = tpu.vector_load %arg9[%swap3A_489] {strides = array<i32>} : memref<1168xi32, #tpu.memory_space<vmem>>, vector<16xi32>,
    tpu.vector_store %arg9[%swap3A_489], %add3A_486 {strides = array<i32>} : memref<1168xi32, #tpu.memory_space<vmem>>, vector<16xi32>,
    %add3A_491 = arith.constant 128 : i32
    %add3A_492 = arith.addi %scan3A_394, %add3A_491 : i32
    %swap3A_493 = arith.index_cast %add3A_492 : i32 to index
    %swap3A_494 = tpu.vector_load %arg8[%swap3A_493] {strides = array<i32>} : memref<1168xi32, #tpu.memory_space<vmem>>, vector<16xi32>,
    tpu.vector_store %arg8[%swap3A_493], %iota3A {strides = array<i32>} : memref<1168xi32, #tpu.memory_space<vmem>>, vector<16xi32>,
    %dma_wait3A_495 = arith.constant 0 : i32
    %dma_wait3A_496 = tpu.memref_slice %arg14[%mul3A_378, %dma_wait3A_495] : memref<10016x64xf32, #tpu.memory_space<vmem_shared>> -> memref<624x64xf32, #tpu.memory_space<vmem_shared>>
    %dma_wait3A_497 = arith.constant 0 : i32
    %dma_wait3A_498 = tpu.memref_slice %arg2[%multiple_of3A_376, %dma_wait3A_497] : memref<100000x64xf32, #tpu.memory_space<hbm>> -> memref<624x64xf32, #tpu.memory_space<hbm>>
    tpu.wait_dma2 semaphore(%arg16 : memref<!tpu.dma_semaphore, #tpu.memory_space<semaphore_mem>>) src(%dma_wait3A_498 : memref<624x64xf32, #tpu.memory_space<hbm>>) dst(%dma_wait3A_496 : memref<624x64xf32, #tpu.memory_space<vmem_shared>>)
    %eq3A_499 = arith.constant 0 : i32
    %eq3A_500 = arith.cmpi eq, %arg1, %eq3A_499 : i32
    %convert_element_type3A_501 = arith.extui %eq3A_500 : i1 to i32
    %cond3A_502 = arith.constant 0 : i32
    %cond3A_503 = arith.cmpi ne, %convert_element_type3A_501, %cond3A_502 : i32
    scf.if %cond3A_503 {
      %add3A_953 = arith.constant 9984 : i32
      %add3A_954 = arith.addi %mul3A_388, %add3A_953 : i32
      %multiple_of3A_955 = tpu.assume_multiple %add3A_954, 8 : i32
      "tpu.region"() ({
        %run_scoped3A = tpu.sem_alloc : memref<!tpu.dma_semaphore, #tpu.memory_space<semaphore_mem>>
        %dma_start3A_956 = arith.constant 9984 : i32
        %dma_start3A_957 = arith.constant 0 : i32
        %dma_start3A_958 = tpu.memref_slice %arg14[%dma_start3A_956, %dma_start3A_957] : memref<10016x64xf32, #tpu.memory_space<vmem_shared>> -> memref<16x64xf32, #tpu.memory_space<vmem_shared>>
        %dma_start3A_959 = arith.constant 0 : i32
        %dma_start3A_960 = tpu.memref_slice %arg2[%multiple_of3A_955, %dma_start3A_959] : memref<100000x64xf32, #tpu.memory_space<hbm>> -> memref<16x64xf32, #tpu.memory_space<hbm>>
        tpu.enqueue_dma source(%dma_start3A_960 : memref<16x64xf32, #tpu.memory_space<hbm>>) target(%dma_start3A_958 : memref<16x64xf32, #tpu.memory_space<vmem_shared>>) target_semaphore(%run_scoped3A : memref<!tpu.dma_semaphore, #tpu.memory_space<semaphore_mem>>)
        %dma_wait3A_961 = arith.constant 9984 : i32
        %dma_wait3A_962 = arith.constant 0 : i32
        %dma_wait3A_963 = tpu.memref_slice %arg14[%dma_wait3A_961, %dma_wait3A_962] : memref<10016x64xf32, #tpu.memory_space<vmem_shared>> -> memref<16x64xf32, #tpu.memory_space<vmem_shared>>
        %dma_wait3A_964 = arith.constant 0 : i32
        %dma_wait3A_965 = tpu.memref_slice %arg2[%multiple_of3A_955, %dma_wait3A_964] : memref<100000x64xf32, #tpu.memory_space<hbm>> -> memref<16x64xf32, #tpu.memory_space<hbm>>
        tpu.wait_dma2 semaphore(%run_scoped3A : memref<!tpu.dma_semaphore, #tpu.memory_space<semaphore_mem>>) src(%dma_wait3A_965 : memref<16x64xf32, #tpu.memory_space<hbm>>) dst(%dma_wait3A_963 : memref<16x64xf32, #tpu.memory_space<vmem_shared>>)
        tpu.yield
      }) : () -> ()
    } else {
    }
    %barrier3A_504 = arith.constant 0 : index
    tpu.barrier barrier_id(%barrier3A_504)
    %add3A_505 = arith.constant 127 : i32
    %add3A_506 = arith.addi %scan3A_394, %add3A_505 : i32
    %jit3A_507 = arith.constant 128 : i32
    %div3A_508 = arith.divsi %add3A_506, %jit3A_507 : i32
    %sign3A_509 = arith.constant 0 : i32
    %sign3A_510 = arith.cmpi sgt, %add3A_506, %sign3A_509 : i32
    %sign3A_511 = arith.extui %sign3A_510 : i1 to i32
    %sign3A_512 = arith.constant 0 : i32
    %sign3A_513 = arith.cmpi slt, %add3A_506, %sign3A_512 : i32
    %sign3A_514 = arith.extui %sign3A_513 : i1 to i32
    %sign3A_515 = arith.subi %sign3A_511, %sign3A_514 : i32
    %sign3A_516 = arith.constant 0 : i32
    %sign3A_517 = arith.cmpi sgt, %jit3A_507, %sign3A_516 : i32
    %sign3A_518 = arith.extui %sign3A_517 : i1 to i32
    %sign3A_519 = arith.constant 0 : i32
    %sign3A_520 = arith.cmpi slt, %jit3A_507, %sign3A_519 : i32
    %sign3A_521 = arith.extui %sign3A_520 : i1 to i32
    %sign3A_522 = arith.subi %sign3A_518, %sign3A_521 : i32
    %ne3A_523 = arith.cmpi ne, %sign3A_515, %sign3A_522 : i32
    %rem3A_524 = arith.remsi %add3A_506, %jit3A_507 : i32
    %ne3A_525 = arith.constant 0 : i32
    %ne3A_526 = arith.cmpi ne, %rem3A_524, %ne3A_525 : i32
    %and3A_527 = arith.andi %ne3A_523, %ne3A_526 : i1
    %sub3A_528 = arith.constant 1 : i32
    %sub3A_529 = arith.subi %div3A_508, %sub3A_528 : i32
    %select_n3A_530 = arith.select %and3A_527, %sub3A_529, %div3A_508 : i32
    %while3A_531 = arith.constant 0 : i32
    %while3A_532 = arith.constant 0 : i32
    %while3A_533 = arith.subi %select_n3A_530, %while3A_532 : i32
    %while3A_534 = arith.addi %while3A_532, %while3A_533 : i32
    %while3A_535 = arith.constant 1 : i32
    %while3A_536 = arith.divsi %while3A_533, %while3A_535 : i32
    %while3A_537 = arith.muli %while3A_536, %while3A_535 : i32
    %while3A_538 = arith.addi %while3A_532, %while3A_537 : i32
    %while3A_539 = arith.constant 1 : i32
    scf.for %while3A_953 = %while3A_532 to %while3A_538 step %while3A_539  : i32 {
      %mul3A_954 = arith.constant 128 : i32
      %mul3A_955 = arith.muli %while3A_953, %mul3A_954 : i32
      %add3A_956 = arith.constant 0 : i32
      %add3A_957 = arith.addi %mul3A_955, %add3A_956 : i32
      %get3A_958 = arith.index_cast %add3A_957 : i32 to index
      %get3A_959 = tpu.vector_load %arg8[%get3A_958] {strides = array<i32>} : memref<1168xi32, #tpu.memory_space<vmem>>, vector<16xi32>,
      %swap3A_960 = arith.constant 0 : index
      %swap3A_961 = tpu.vector_load %arg10[%swap3A_960] {strides = array<i32>} : memref<128xi32, #tpu.memory_space<vmem>>, vector<16xi32>,
      tpu.vector_store %arg10[%swap3A_960], %get3A_959 {strides = array<i32>} : memref<128xi32, #tpu.memory_space<vmem>>, vector<16xi32>,
      %mul3A_962 = arith.constant 128 : i32
      %mul3A_963 = arith.muli %while3A_953, %mul3A_962 : i32
      %add3A_964 = arith.constant 0 : i32
      %add3A_965 = arith.addi %mul3A_963, %add3A_964 : i32
      %get3A_966 = arith.index_cast %add3A_965 : i32 to index
      %get3A_967 = tpu.vector_load %arg9[%get3A_966] {strides = array<i32>} : memref<1168xi32, #tpu.memory_space<vmem>>, vector<16xi32>,
      %swap3A_968 = arith.constant 0 : index
      %swap3A_969 = tpu.vector_load %arg11[%swap3A_968] {strides = array<i32>} : memref<128xi32, #tpu.memory_space<vmem>>, vector<16xi32>,
      tpu.vector_store %arg11[%swap3A_968], %get3A_967 {strides = array<i32>} : memref<128xi32, #tpu.memory_space<vmem>>, vector<16xi32>,
      %mul3A_970 = arith.constant 128 : i32
      %mul3A_971 = arith.muli %while3A_953, %mul3A_970 : i32
      %add3A_972 = arith.constant 16 : i32
      %add3A_973 = arith.addi %mul3A_971, %add3A_972 : i32
      %get3A_974 = arith.index_cast %add3A_973 : i32 to index
      %get3A_975 = tpu.vector_load %arg8[%get3A_974] {strides = array<i32>} : memref<1168xi32, #tpu.memory_space<vmem>>, vector<16xi32>,
      %swap3A_976 = arith.constant 16 : index
      %swap3A_977 = tpu.vector_load %arg10[%swap3A_976] {strides = array<i32>} : memref<128xi32, #tpu.memory_space<vmem>>, vector<16xi32>,
      tpu.vector_store %arg10[%swap3A_976], %get3A_975 {strides = array<i32>} : memref<128xi32, #tpu.memory_space<vmem>>, vector<16xi32>,
      %mul3A_978 = arith.constant 128 : i32
      %mul3A_979 = arith.muli %while3A_953, %mul3A_978 : i32
      %add3A_980 = arith.constant 16 : i32
      %add3A_981 = arith.addi %mul3A_979, %add3A_980 : i32
      %get3A_982 = arith.index_cast %add3A_981 : i32 to index
      %get3A_983 = tpu.vector_load %arg9[%get3A_982] {strides = array<i32>} : memref<1168xi32, #tpu.memory_space<vmem>>, vector<16xi32>,
      %swap3A_984 = arith.constant 16 : index
      %swap3A_985 = tpu.vector_load %arg11[%swap3A_984] {strides = array<i32>} : memref<128xi32, #tpu.memory_space<vmem>>, vector<16xi32>,
      tpu.vector_store %arg11[%swap3A_984], %get3A_983 {strides = array<i32>} : memref<128xi32, #tpu.memory_space<vmem>>, vector<16xi32>,
      %mul3A_986 = arith.constant 128 : i32
      %mul3A_987 = arith.muli %while3A_953, %mul3A_986 : i32
      %add3A_988 = arith.constant 32 : i32
      %add3A_989 = arith.addi %mul3A_987, %add3A_988 : i32
      %get3A_990 = arith.index_cast %add3A_989 : i32 to index
      %get3A_991 = tpu.vector_load %arg8[%get3A_990] {strides = array<i32>} : memref<1168xi32, #tpu.memory_space<vmem>>, vector<16xi32>,
      %swap3A_992 = arith.constant 32 : index
      %swap3A_993 = tpu.vector_load %arg10[%swap3A_992] {strides = array<i32>} : memref<128xi32, #tpu.memory_space<vmem>>, vector<16xi32>,
      tpu.vector_store %arg10[%swap3A_992], %get3A_991 {strides = array<i32>} : memref<128xi32, #tpu.memory_space<vmem>>, vector<16xi32>,
      %mul3A_994 = arith.constant 128 : i32
      %mul3A_995 = arith.muli %while3A_953, %mul3A_994 : i32
      %add3A_996 = arith.constant 32 : i32
      %add3A_997 = arith.addi %mul3A_995, %add3A_996 : i32
      %get3A_998 = arith.index_cast %add3A_997 : i32 to index
      %get3A_999 = tpu.vector_load %arg9[%get3A_998] {strides = array<i32>} : memref<1168xi32, #tpu.memory_space<vmem>>, vector<16xi32>,
      %swap3A_1000 = arith.constant 32 : index
      %swap3A_1001 = tpu.vector_load %arg11[%swap3A_1000] {strides = array<i32>} : memref<128xi32, #tpu.memory_space<vmem>>, vector<16xi32>,
      tpu.vector_store %arg11[%swap3A_1000], %get3A_999 {strides = array<i32>} : memref<128xi32, #tpu.memory_space<vmem>>, vector<16xi32>,
      %mul3A_1002 = arith.constant 128 : i32
      %mul3A_1003 = arith.muli %while3A_953, %mul3A_1002 : i32
      %add3A_1004 = arith.constant 48 : i32
      %add3A_1005 = arith.addi %mul3A_1003, %add3A_1004 : i32
      %get3A_1006 = arith.index_cast %add3A_1005 : i32 to index
      %get3A_1007 = tpu.vector_load %arg8[%get3A_1006] {strides = array<i32>} : memref<1168xi32, #tpu.memory_space<vmem>>, vector<16xi32>,
      %swap3A_1008 = arith.constant 48 : index
      %swap3A_1009 = tpu.vector_load %arg10[%swap3A_1008] {strides = array<i32>} : memref<128xi32, #tpu.memory_space<vmem>>, vector<16xi32>,
      tpu.vector_store %arg10[%swap3A_1008], %get3A_1007 {strides = array<i32>} : memref<128xi32, #tpu.memory_space<vmem>>, vector<16xi32>,
      %mul3A_1010 = arith.constant 128 : i32
      %mul3A_1011 = arith.muli %while3A_953, %mul3A_1010 : i32
      %add3A_1012 = arith.constant 48 : i32
      %add3A_1013 = arith.addi %mul3A_1011, %add3A_1012 : i32
      %get3A_1014 = arith.index_cast %add3A_1013 : i32 to index
      %get3A_1015 = tpu.vector_load %arg9[%get3A_1014] {strides = array<i32>} : memref<1168xi32, #tpu.memory_space<vmem>>, vector<16xi32>,
      %swap3A_1016 = arith.constant 48 : index
      %swap3A_1017 = tpu.vector_load %arg11[%swap3A_1016] {strides = array<i32>} : memref<128xi32, #tpu.memory_space<vmem>>, vector<16xi32>,
      tpu.vector_store %arg11[%swap3A_1016], %get3A_1015 {strides = array<i32>} : memref<128xi32, #tpu.memory_space<vmem>>, vector<16xi32>,
      %mul3A_1018 = arith.constant 128 : i32
      %mul3A_1019 = arith.muli %while3A_953, %mul3A_1018 : i32
      %add3A_1020 = arith.constant 64 : i32
      %add3A_1021 = arith.addi %mul3A_1019, %add3A_1020 : i32
      %get3A_1022 = arith.index_cast %add3A_1021 : i32 to index
      %get3A_1023 = tpu.vector_load %arg8[%get3A_1022] {strides = array<i32>} : memref<1168xi32, #tpu.memory_space<vmem>>, vector<16xi32>,
      %swap3A_1024 = arith.constant 64 : index
      %swap3A_1025 = tpu.vector_load %arg10[%swap3A_1024] {strides = array<i32>} : memref<128xi32, #tpu.memory_space<vmem>>, vector<16xi32>,
      tpu.vector_store %arg10[%swap3A_1024], %get3A_1023 {strides = array<i32>} : memref<128xi32, #tpu.memory_space<vmem>>, vector<16xi32>,
      %mul3A_1026 = arith.constant 128 : i32
      %mul3A_1027 = arith.muli %while3A_953, %mul3A_1026 : i32
      %add3A_1028 = arith.constant 64 : i32
      %add3A_1029 = arith.addi %mul3A_1027, %add3A_1028 : i32
      %get3A_1030 = arith.index_cast %add3A_1029 : i32 to index
      %get3A_1031 = tpu.vector_load %arg9[%get3A_1030] {strides = array<i32>} : memref<1168xi32, #tpu.memory_space<vmem>>, vector<16xi32>,
      %swap3A_1032 = arith.constant 64 : index
      %swap3A_1033 = tpu.vector_load %arg11[%swap3A_1032] {strides = array<i32>} : memref<128xi32, #tpu.memory_space<vmem>>, vector<16xi32>,
      tpu.vector_store %arg11[%swap3A_1032], %get3A_1031 {strides = array<i32>} : memref<128xi32, #tpu.memory_space<vmem>>, vector<16xi32>,
      %mul3A_1034 = arith.constant 128 : i32
      %mul3A_1035 = arith.muli %while3A_953, %mul3A_1034 : i32
      %add3A_1036 = arith.constant 80 : i32
      %add3A_1037 = arith.addi %mul3A_1035, %add3A_1036 : i32
      %get3A_1038 = arith.index_cast %add3A_1037 : i32 to index
      %get3A_1039 = tpu.vector_load %arg8[%get3A_1038] {strides = array<i32>} : memref<1168xi32, #tpu.memory_space<vmem>>, vector<16xi32>,
      %swap3A_1040 = arith.constant 80 : index
      %swap3A_1041 = tpu.vector_load %arg10[%swap3A_1040] {strides = array<i32>} : memref<128xi32, #tpu.memory_space<vmem>>, vector<16xi32>,
      tpu.vector_store %arg10[%swap3A_1040], %get3A_1039 {strides = array<i32>} : memref<128xi32, #tpu.memory_space<vmem>>, vector<16xi32>,
      %mul3A_1042 = arith.constant 128 : i32
      %mul3A_1043 = arith.muli %while3A_953, %mul3A_1042 : i32
      %add3A_1044 = arith.constant 80 : i32
      %add3A_1045 = arith.addi %mul3A_1043, %add3A_1044 : i32
      %get3A_1046 = arith.index_cast %add3A_1045 : i32 to index
      %get3A_1047 = tpu.vector_load %arg9[%get3A_1046] {strides = array<i32>} : memref<1168xi32, #tpu.memory_space<vmem>>, vector<16xi32>,
      %swap3A_1048 = arith.constant 80 : index
      %swap3A_1049 = tpu.vector_load %arg11[%swap3A_1048] {strides = array<i32>} : memref<128xi32, #tpu.memory_space<vmem>>, vector<16xi32>,
      tpu.vector_store %arg11[%swap3A_1048], %get3A_1047 {strides = array<i32>} : memref<128xi32, #tpu.memory_space<vmem>>, vector<16xi32>,
      %mul3A_1050 = arith.constant 128 : i32
      %mul3A_1051 = arith.muli %while3A_953, %mul3A_1050 : i32
      %add3A_1052 = arith.constant 96 : i32
      %add3A_1053 = arith.addi %mul3A_1051, %add3A_1052 : i32
      %get3A_1054 = arith.index_cast %add3A_1053 : i32 to index
      %get3A_1055 = tpu.vector_load %arg8[%get3A_1054] {strides = array<i32>} : memref<1168xi32, #tpu.memory_space<vmem>>, vector<16xi32>,
      %swap3A_1056 = arith.constant 96 : index
      %swap3A_1057 = tpu.vector_load %arg10[%swap3A_1056] {strides = array<i32>} : memref<128xi32, #tpu.memory_space<vmem>>, vector<16xi32>,
      tpu.vector_store %arg10[%swap3A_1056], %get3A_1055 {strides = array<i32>} : memref<128xi32, #tpu.memory_space<vmem>>, vector<16xi32>,
      %mul3A_1058 = arith.constant 128 : i32
      %mul3A_1059 = arith.muli %while3A_953, %mul3A_1058 : i32
      %add3A_1060 = arith.constant 96 : i32
      %add3A_1061 = arith.addi %mul3A_1059, %add3A_1060 : i32
      %get3A_1062 = arith.index_cast %add3A_1061 : i32 to index
      %get3A_1063 = tpu.vector_load %arg9[%get3A_1062] {strides = array<i32>} : memref<1168xi32, #tpu.memory_space<vmem>>, vector<16xi32>,
      %swap3A_1064 = arith.constant 96 : index
      %swap3A_1065 = tpu.vector_load %arg11[%swap3A_1064] {strides = array<i32>} : memref<128xi32, #tpu.memory_space<vmem>>, vector<16xi32>,
      tpu.vector_store %arg11[%swap3A_1064], %get3A_1063 {strides = array<i32>} : memref<128xi32, #tpu.memory_space<vmem>>, vector<16xi32>,
      %mul3A_1066 = arith.constant 128 : i32
      %mul3A_1067 = arith.muli %while3A_953, %mul3A_1066 : i32
      %add3A_1068 = arith.constant 112 : i32
      %add3A_1069 = arith.addi %mul3A_1067, %add3A_1068 : i32
      %get3A_1070 = arith.index_cast %add3A_1069 : i32 to index
      %get3A_1071 = tpu.vector_load %arg8[%get3A_1070] {strides = array<i32>} : memref<1168xi32, #tpu.memory_space<vmem>>, vector<16xi32>,
      %swap3A_1072 = arith.constant 112 : index
      %swap3A_1073 = tpu.vector_load %arg10[%swap3A_1072] {strides = array<i32>} : memref<128xi32, #tpu.memory_space<vmem>>, vector<16xi32>,
      tpu.vector_store %arg10[%swap3A_1072], %get3A_1071 {strides = array<i32>} : memref<128xi32, #tpu.memory_space<vmem>>, vector<16xi32>,
      %mul3A_1074 = arith.constant 128 : i32
      %mul3A_1075 = arith.muli %while3A_953, %mul3A_1074 : i32
      %add3A_1076 = arith.constant 112 : i32
      %add3A_1077 = arith.addi %mul3A_1075, %add3A_1076 : i32
      %get3A_1078 = arith.index_cast %add3A_1077 : i32 to index
      %get3A_1079 = tpu.vector_load %arg9[%get3A_1078] {strides = array<i32>} : memref<1168xi32, #tpu.memory_space<vmem>>, vector<16xi32>,
      %swap3A_1080 = arith.constant 112 : index
      %swap3A_1081 = tpu.vector_load %arg11[%swap3A_1080] {strides = array<i32>} : memref<128xi32, #tpu.memory_space<vmem>>, vector<16xi32>,
      tpu.vector_store %arg11[%swap3A_1080], %get3A_1079 {strides = array<i32>} : memref<128xi32, #tpu.memory_space<vmem>>, vector<16xi32>,
      %dma_start3A_1082 = arith.constant 0 : i32
      %dma_start3A_1083 = arith.constant 0 : i32
      %dma_start3A_1084 = tpu.memref_slice %arg4[%dma_start3A_1082, %dma_start3A_1083] : memref<16384x64xf32, #tpu.memory_space<hbm>> -> memref<16384x64xf32, #tpu.memory_space<hbm>>
      tpu.enqueue_indirect_dma source(%dma_start3A_1084 : memref<16384x64xf32, #tpu.memory_space<hbm>>) target(%arg12 : memref<128x64xf32, #tpu.memory_space<vmem>>) offsets(%arg10 : memref<128xi32, #tpu.memory_space<vmem>>) semaphore(%arg17 : memref<!tpu.dma_semaphore, #tpu.memory_space<semaphore_mem>>)
      %dma_wait3A_1085 = arith.constant 0 : i32
      %dma_wait3A_1086 = arith.constant 0 : i32
      %dma_wait3A_1087 = tpu.memref_slice %arg4[%dma_wait3A_1085, %dma_wait3A_1086] : memref<16384x64xf32, #tpu.memory_space<hbm>> -> memref<16384x64xf32, #tpu.memory_space<hbm>>
      tpu.wait_indirect_dma semaphore(%arg17 : memref<!tpu.dma_semaphore, #tpu.memory_space<semaphore_mem>>) src(%dma_wait3A_1087 : memref<16384x64xf32, #tpu.memory_space<hbm>>) dst(%arg12 : memref<128x64xf32, #tpu.memory_space<vmem>>)
      %ne3A_1088 = arith.constant 1.000000e+00 : f32
      %ne3A_1089 = arith.cmpf one, %squeeze3A, %ne3A_1088 : f32
      %convert_element_type3A_1090 = arith.extui %ne3A_1089 : i1 to i32
      %cond3A_1091 = arith.constant 0 : i32
      %cond3A_1092 = arith.cmpi ne, %convert_element_type3A_1090, %cond3A_1091 : i32
      scf.if %cond3A_1092 {
        %scan3A_1093 = arith.constant 0 : i32
        %scan3A_1094 = arith.constant 0 : i32
        %scan3A_1095 = arith.constant 128 : i32
        %scan3A_1096 = arith.addi %scan3A_1094, %scan3A_1095 : i32
        %scan3A_1097 = arith.constant 1 : i32
        scf.for %scan3A_1099 = %scan3A_1094 to %scan3A_1096 step %scan3A_1097  : i32 {
          %get3A_1100 = arith.index_cast %scan3A_1099 : i32 to index
          %get3A_1101 = arith.constant 0 : index
          %get3A_1102 = tpu.vector_load %arg12[%get3A_1100, %get3A_1101] {strides = array<i32>} : memref<128x64xf32, #tpu.memory_space<vmem>>, vector<16xf32>,
          %mul3A_1103 = arith.mulf %get3A_1102, %get3A_1 : vector<16xf32>
          %swap3A_1104 = arith.index_cast %scan3A_1099 : i32 to index
          %swap3A_1105 = arith.constant 0 : index
          %swap3A_1106 = tpu.vector_load %arg12[%swap3A_1104, %swap3A_1105] {strides = array<i32>} : memref<128x64xf32, #tpu.memory_space<vmem>>, vector<16xf32>,
          tpu.vector_store %arg12[%swap3A_1104, %swap3A_1105], %mul3A_1103 {strides = array<i32>} : memref<128x64xf32, #tpu.memory_space<vmem>>, vector<16xf32>,
          %get3A_1107 = arith.index_cast %scan3A_1099 : i32 to index
          %get3A_1108 = arith.constant 16 : index
          %get3A_1109 = tpu.vector_load %arg12[%get3A_1107, %get3A_1108] {strides = array<i32>} : memref<128x64xf32, #tpu.memory_space<vmem>>, vector<16xf32>,
          %mul3A_1110 = arith.mulf %get3A_1109, %get3A_1 : vector<16xf32>
          %swap3A_1111 = arith.index_cast %scan3A_1099 : i32 to index
          %swap3A_1112 = arith.constant 16 : index
          %swap3A_1113 = tpu.vector_load %arg12[%swap3A_1111, %swap3A_1112] {strides = array<i32>} : memref<128x64xf32, #tpu.memory_space<vmem>>, vector<16xf32>,
          tpu.vector_store %arg12[%swap3A_1111, %swap3A_1112], %mul3A_1110 {strides = array<i32>} : memref<128x64xf32, #tpu.memory_space<vmem>>, vector<16xf32>,
          %get3A_1114 = arith.index_cast %scan3A_1099 : i32 to index
          %get3A_1115 = arith.constant 32 : index
          %get3A_1116 = tpu.vector_load %arg12[%get3A_1114, %get3A_1115] {strides = array<i32>} : memref<128x64xf32, #tpu.memory_space<vmem>>, vector<16xf32>,
          %mul3A_1117 = arith.mulf %get3A_1116, %get3A_1 : vector<16xf32>
          %swap3A_1118 = arith.index_cast %scan3A_1099 : i32 to index
          %swap3A_1119 = arith.constant 32 : index
          %swap3A_1120 = tpu.vector_load %arg12[%swap3A_1118, %swap3A_1119] {strides = array<i32>} : memref<128x64xf32, #tpu.memory_space<vmem>>, vector<16xf32>,
          tpu.vector_store %arg12[%swap3A_1118, %swap3A_1119], %mul3A_1117 {strides = array<i32>} : memref<128x64xf32, #tpu.memory_space<vmem>>, vector<16xf32>,
          %get3A_1121 = arith.index_cast %scan3A_1099 : i32 to index
          %get3A_1122 = arith.constant 48 : index
          %get3A_1123 = tpu.vector_load %arg12[%get3A_1121, %get3A_1122] {strides = array<i32>} : memref<128x64xf32, #tpu.memory_space<vmem>>, vector<16xf32>,
          %mul3A_1124 = arith.mulf %get3A_1123, %get3A_1 : vector<16xf32>
          %swap3A_1125 = arith.index_cast %scan3A_1099 : i32 to index
          %swap3A_1126 = arith.constant 48 : index
          %swap3A_1127 = tpu.vector_load %arg12[%swap3A_1125, %swap3A_1126] {strides = array<i32>} : memref<128x64xf32, #tpu.memory_space<vmem>>, vector<16xf32>,
          tpu.vector_store %arg12[%swap3A_1125, %swap3A_1126], %mul3A_1124 {strides = array<i32>} : memref<128x64xf32, #tpu.memory_space<vmem>>, vector<16xf32>,
        }
        %scan3A_1098 = arith.constant 128 : i32
      } else {
      }
      "tpu.region"() ({
        %run_scoped3A = tpu.sem_alloc : memref<!tpu.dma_semaphore, #tpu.memory_space<semaphore_mem>>
        %dma_start3A_1093 = arith.constant 0 : i32
        %dma_start3A_1094 = arith.constant 0 : i32
        %dma_start3A_1095 = tpu.memref_slice %arg14[%dma_start3A_1093, %dma_start3A_1094] : memref<10016x64xf32, #tpu.memory_space<vmem_shared>> -> memref<10016x64xf32, #tpu.memory_space<vmem_shared>>
        tpu.enqueue_indirect_dma source(%arg12 : memref<128x64xf32, #tpu.memory_space<vmem>>) target(%dma_start3A_1095 : memref<10016x64xf32, #tpu.memory_space<vmem_shared>>) offsets(%arg11 : memref<128xi32, #tpu.memory_space<vmem>>) semaphore(%run_scoped3A : memref<!tpu.dma_semaphore, #tpu.memory_space<semaphore_mem>>) {add = true}
        %dma_wait3A_1096 = arith.constant 0 : i32
        %dma_wait3A_1097 = arith.constant 0 : i32
        %dma_wait3A_1098 = tpu.memref_slice %arg14[%dma_wait3A_1096, %dma_wait3A_1097] : memref<10016x64xf32, #tpu.memory_space<vmem_shared>> -> memref<10016x64xf32, #tpu.memory_space<vmem_shared>>
        tpu.wait_indirect_dma semaphore(%run_scoped3A : memref<!tpu.dma_semaphore, #tpu.memory_space<semaphore_mem>>) src(%arg12 : memref<128x64xf32, #tpu.memory_space<vmem>>) dst(%dma_wait3A_1098 : memref<10016x64xf32, #tpu.memory_space<vmem_shared>>)
        tpu.yield
      }) : () -> ()
    }
    %while3A_540 = arith.constant 1 : i32
    scf.for %while3A_953 = %while3A_538 to %while3A_534 step %while3A_540  : i32 {
      %mul3A_954 = arith.constant 128 : i32
      %mul3A_955 = arith.muli %while3A_953, %mul3A_954 : i32
      %add3A_956 = arith.constant 0 : i32
      %add3A_957 = arith.addi %mul3A_955, %add3A_956 : i32
      %get3A_958 = arith.index_cast %add3A_957 : i32 to index
      %get3A_959 = tpu.vector_load %arg8[%get3A_958] {strides = array<i32>} : memref<1168xi32, #tpu.memory_space<vmem>>, vector<16xi32>,
      %swap3A_960 = arith.constant 0 : index
      %swap3A_961 = tpu.vector_load %arg10[%swap3A_960] {strides = array<i32>} : memref<128xi32, #tpu.memory_space<vmem>>, vector<16xi32>,
      tpu.vector_store %arg10[%swap3A_960], %get3A_959 {strides = array<i32>} : memref<128xi32, #tpu.memory_space<vmem>>, vector<16xi32>,
      %mul3A_962 = arith.constant 128 : i32
      %mul3A_963 = arith.muli %while3A_953, %mul3A_962 : i32
      %add3A_964 = arith.constant 0 : i32
      %add3A_965 = arith.addi %mul3A_963, %add3A_964 : i32
      %get3A_966 = arith.index_cast %add3A_965 : i32 to index
      %get3A_967 = tpu.vector_load %arg9[%get3A_966] {strides = array<i32>} : memref<1168xi32, #tpu.memory_space<vmem>>, vector<16xi32>,
      %swap3A_968 = arith.constant 0 : index
      %swap3A_969 = tpu.vector_load %arg11[%swap3A_968] {strides = array<i32>} : memref<128xi32, #tpu.memory_space<vmem>>, vector<16xi32>,
      tpu.vector_store %arg11[%swap3A_968], %get3A_967 {strides = array<i32>} : memref<128xi32, #tpu.memory_space<vmem>>, vector<16xi32>,
      %mul3A_970 = arith.constant 128 : i32
      %mul3A_971 = arith.muli %while3A_953, %mul3A_970 : i32
      %add3A_972 = arith.constant 16 : i32
      %add3A_973 = arith.addi %mul3A_971, %add3A_972 : i32
      %get3A_974 = arith.index_cast %add3A_973 : i32 to index
      %get3A_975 = tpu.vector_load %arg8[%get3A_974] {strides = array<i32>} : memref<1168xi32, #tpu.memory_space<vmem>>, vector<16xi32>,
      %swap3A_976 = arith.constant 16 : index
      %swap3A_977 = tpu.vector_load %arg10[%swap3A_976] {strides = array<i32>} : memref<128xi32, #tpu.memory_space<vmem>>, vector<16xi32>,
      tpu.vector_store %arg10[%swap3A_976], %get3A_975 {strides = array<i32>} : memref<128xi32, #tpu.memory_space<vmem>>, vector<16xi32>,
      %mul3A_978 = arith.constant 128 : i32
      %mul3A_979 = arith.muli %while3A_953, %mul3A_978 : i32
      %add3A_980 = arith.constant 16 : i32
      %add3A_981 = arith.addi %mul3A_979, %add3A_980 : i32
      %get3A_982 = arith.index_cast %add3A_981 : i32 to index
      %get3A_983 = tpu.vector_load %arg9[%get3A_982] {strides = array<i32>} : memref<1168xi32, #tpu.memory_space<vmem>>, vector<16xi32>,
      %swap3A_984 = arith.constant 16 : index
      %swap3A_985 = tpu.vector_load %arg11[%swap3A_984] {strides = array<i32>} : memref<128xi32, #tpu.memory_space<vmem>>, vector<16xi32>,
      tpu.vector_store %arg11[%swap3A_984], %get3A_983 {strides = array<i32>} : memref<128xi32, #tpu.memory_space<vmem>>, vector<16xi32>,
      %mul3A_986 = arith.constant 128 : i32
      %mul3A_987 = arith.muli %while3A_953, %mul3A_986 : i32
      %add3A_988 = arith.constant 32 : i32
      %add3A_989 = arith.addi %mul3A_987, %add3A_988 : i32
      %get3A_990 = arith.index_cast %add3A_989 : i32 to index
      %get3A_991 = tpu.vector_load %arg8[%get3A_990] {strides = array<i32>} : memref<1168xi32, #tpu.memory_space<vmem>>, vector<16xi32>,
      %swap3A_992 = arith.constant 32 : index
      %swap3A_993 = tpu.vector_load %arg10[%swap3A_992] {strides = array<i32>} : memref<128xi32, #tpu.memory_space<vmem>>, vector<16xi32>,
      tpu.vector_store %arg10[%swap3A_992], %get3A_991 {strides = array<i32>} : memref<128xi32, #tpu.memory_space<vmem>>, vector<16xi32>,
      %mul3A_994 = arith.constant 128 : i32
      %mul3A_995 = arith.muli %while3A_953, %mul3A_994 : i32
      %add3A_996 = arith.constant 32 : i32
      %add3A_997 = arith.addi %mul3A_995, %add3A_996 : i32
      %get3A_998 = arith.index_cast %add3A_997 : i32 to index
      %get3A_999 = tpu.vector_load %arg9[%get3A_998] {strides = array<i32>} : memref<1168xi32, #tpu.memory_space<vmem>>, vector<16xi32>,
      %swap3A_1000 = arith.constant 32 : index
      %swap3A_1001 = tpu.vector_load %arg11[%swap3A_1000] {strides = array<i32>} : memref<128xi32, #tpu.memory_space<vmem>>, vector<16xi32>,
      tpu.vector_store %arg11[%swap3A_1000], %get3A_999 {strides = array<i32>} : memref<128xi32, #tpu.memory_space<vmem>>, vector<16xi32>,
      %mul3A_1002 = arith.constant 128 : i32
      %mul3A_1003 = arith.muli %while3A_953, %mul3A_1002 : i32
      %add3A_1004 = arith.constant 48 : i32
      %add3A_1005 = arith.addi %mul3A_1003, %add3A_1004 : i32
      %get3A_1006 = arith.index_cast %add3A_1005 : i32 to index
      %get3A_1007 = tpu.vector_load %arg8[%get3A_1006] {strides = array<i32>} : memref<1168xi32, #tpu.memory_space<vmem>>, vector<16xi32>,
      %swap3A_1008 = arith.constant 48 : index
      %swap3A_1009 = tpu.vector_load %arg10[%swap3A_1008] {strides = array<i32>} : memref<128xi32, #tpu.memory_space<vmem>>, vector<16xi32>,
      tpu.vector_store %arg10[%swap3A_1008], %get3A_1007 {strides = array<i32>} : memref<128xi32, #tpu.memory_space<vmem>>, vector<16xi32>,
      %mul3A_1010 = arith.constant 128 : i32
      %mul3A_1011 = arith.muli %while3A_953, %mul3A_1010 : i32
      %add3A_1012 = arith.constant 48 : i32
      %add3A_1013 = arith.addi %mul3A_1011, %add3A_1012 : i32
      %get3A_1014 = arith.index_cast %add3A_1013 : i32 to index
      %get3A_1015 = tpu.vector_load %arg9[%get3A_1014] {strides = array<i32>} : memref<1168xi32, #tpu.memory_space<vmem>>, vector<16xi32>,
      %swap3A_1016 = arith.constant 48 : index
      %swap3A_1017 = tpu.vector_load %arg11[%swap3A_1016] {strides = array<i32>} : memref<128xi32, #tpu.memory_space<vmem>>, vector<16xi32>,
      tpu.vector_store %arg11[%swap3A_1016], %get3A_1015 {strides = array<i32>} : memref<128xi32, #tpu.memory_space<vmem>>, vector<16xi32>,
      %mul3A_1018 = arith.constant 128 : i32
      %mul3A_1019 = arith.muli %while3A_953, %mul3A_1018 : i32
      %add3A_1020 = arith.constant 64 : i32
      %add3A_1021 = arith.addi %mul3A_1019, %add3A_1020 : i32
      %get3A_1022 = arith.index_cast %add3A_1021 : i32 to index
      %get3A_1023 = tpu.vector_load %arg8[%get3A_1022] {strides = array<i32>} : memref<1168xi32, #tpu.memory_space<vmem>>, vector<16xi32>,
      %swap3A_1024 = arith.constant 64 : index
      %swap3A_1025 = tpu.vector_load %arg10[%swap3A_1024] {strides = array<i32>} : memref<128xi32, #tpu.memory_space<vmem>>, vector<16xi32>,
      tpu.vector_store %arg10[%swap3A_1024], %get3A_1023 {strides = array<i32>} : memref<128xi32, #tpu.memory_space<vmem>>, vector<16xi32>,
      %mul3A_1026 = arith.constant 128 : i32
      %mul3A_1027 = arith.muli %while3A_953, %mul3A_1026 : i32
      %add3A_1028 = arith.constant 64 : i32
      %add3A_1029 = arith.addi %mul3A_1027, %add3A_1028 : i32
      %get3A_1030 = arith.index_cast %add3A_1029 : i32 to index
      %get3A_1031 = tpu.vector_load %arg9[%get3A_1030] {strides = array<i32>} : memref<1168xi32, #tpu.memory_space<vmem>>, vector<16xi32>,
      %swap3A_1032 = arith.constant 64 : index
      %swap3A_1033 = tpu.vector_load %arg11[%swap3A_1032] {strides = array<i32>} : memref<128xi32, #tpu.memory_space<vmem>>, vector<16xi32>,
      tpu.vector_store %arg11[%swap3A_1032], %get3A_1031 {strides = array<i32>} : memref<128xi32, #tpu.memory_space<vmem>>, vector<16xi32>,
      %mul3A_1034 = arith.constant 128 : i32
      %mul3A_1035 = arith.muli %while3A_953, %mul3A_1034 : i32
      %add3A_1036 = arith.constant 80 : i32
      %add3A_1037 = arith.addi %mul3A_1035, %add3A_1036 : i32
      %get3A_1038 = arith.index_cast %add3A_1037 : i32 to index
      %get3A_1039 = tpu.vector_load %arg8[%get3A_1038] {strides = array<i32>} : memref<1168xi32, #tpu.memory_space<vmem>>, vector<16xi32>,
      %swap3A_1040 = arith.constant 80 : index
      %swap3A_1041 = tpu.vector_load %arg10[%swap3A_1040] {strides = array<i32>} : memref<128xi32, #tpu.memory_space<vmem>>, vector<16xi32>,
      tpu.vector_store %arg10[%swap3A_1040], %get3A_1039 {strides = array<i32>} : memref<128xi32, #tpu.memory_space<vmem>>, vector<16xi32>,
      %mul3A_1042 = arith.constant 128 : i32
      %mul3A_1043 = arith.muli %while3A_953, %mul3A_1042 : i32
      %add3A_1044 = arith.constant 80 : i32
      %add3A_1045 = arith.addi %mul3A_1043, %add3A_1044 : i32
      %get3A_1046 = arith.index_cast %add3A_1045 : i32 to index
      %get3A_1047 = tpu.vector_load %arg9[%get3A_1046] {strides = array<i32>} : memref<1168xi32, #tpu.memory_space<vmem>>, vector<16xi32>,
      %swap3A_1048 = arith.constant 80 : index
      %swap3A_1049 = tpu.vector_load %arg11[%swap3A_1048] {strides = array<i32>} : memref<128xi32, #tpu.memory_space<vmem>>, vector<16xi32>,
      tpu.vector_store %arg11[%swap3A_1048], %get3A_1047 {strides = array<i32>} : memref<128xi32, #tpu.memory_space<vmem>>, vector<16xi32>,
      %mul3A_1050 = arith.constant 128 : i32
      %mul3A_1051 = arith.muli %while3A_953, %mul3A_1050 : i32
      %add3A_1052 = arith.constant 96 : i32
      %add3A_1053 = arith.addi %mul3A_1051, %add3A_1052 : i32
      %get3A_1054 = arith.index_cast %add3A_1053 : i32 to index
      %get3A_1055 = tpu.vector_load %arg8[%get3A_1054] {strides = array<i32>} : memref<1168xi32, #tpu.memory_space<vmem>>, vector<16xi32>,
      %swap3A_1056 = arith.constant 96 : index
      %swap3A_1057 = tpu.vector_load %arg10[%swap3A_1056] {strides = array<i32>} : memref<128xi32, #tpu.memory_space<vmem>>, vector<16xi32>,
      tpu.vector_store %arg10[%swap3A_1056], %get3A_1055 {strides = array<i32>} : memref<128xi32, #tpu.memory_space<vmem>>, vector<16xi32>,
      %mul3A_1058 = arith.constant 128 : i32
      %mul3A_1059 = arith.muli %while3A_953, %mul3A_1058 : i32
      %add3A_1060 = arith.constant 96 : i32
      %add3A_1061 = arith.addi %mul3A_1059, %add3A_1060 : i32
      %get3A_1062 = arith.index_cast %add3A_1061 : i32 to index
      %get3A_1063 = tpu.vector_load %arg9[%get3A_1062] {strides = array<i32>} : memref<1168xi32, #tpu.memory_space<vmem>>, vector<16xi32>,
      %swap3A_1064 = arith.constant 96 : index
      %swap3A_1065 = tpu.vector_load %arg11[%swap3A_1064] {strides = array<i32>} : memref<128xi32, #tpu.memory_space<vmem>>, vector<16xi32>,
      tpu.vector_store %arg11[%swap3A_1064], %get3A_1063 {strides = array<i32>} : memref<128xi32, #tpu.memory_space<vmem>>, vector<16xi32>,
      %mul3A_1066 = arith.constant 128 : i32
      %mul3A_1067 = arith.muli %while3A_953, %mul3A_1066 : i32
      %add3A_1068 = arith.constant 112 : i32
      %add3A_1069 = arith.addi %mul3A_1067, %add3A_1068 : i32
      %get3A_1070 = arith.index_cast %add3A_1069 : i32 to index
      %get3A_1071 = tpu.vector_load %arg8[%get3A_1070] {strides = array<i32>} : memref<1168xi32, #tpu.memory_space<vmem>>, vector<16xi32>,
      %swap3A_1072 = arith.constant 112 : index
      %swap3A_1073 = tpu.vector_load %arg10[%swap3A_1072] {strides = array<i32>} : memref<128xi32, #tpu.memory_space<vmem>>, vector<16xi32>,
      tpu.vector_store %arg10[%swap3A_1072], %get3A_1071 {strides = array<i32>} : memref<128xi32, #tpu.memory_space<vmem>>, vector<16xi32>,
      %mul3A_1074 = arith.constant 128 : i32
      %mul3A_1075 = arith.muli %while3A_953, %mul3A_1074 : i32
      %add3A_1076 = arith.constant 112 : i32
      %add3A_1077 = arith.addi %mul3A_1075, %add3A_1076 : i32
      %get3A_1078 = arith.index_cast %add3A_1077 : i32 to index
      %get3A_1079 = tpu.vector_load %arg9[%get3A_1078] {strides = array<i32>} : memref<1168xi32, #tpu.memory_space<vmem>>, vector<16xi32>,
      %swap3A_1080 = arith.constant 112 : index
      %swap3A_1081 = tpu.vector_load %arg11[%swap3A_1080] {strides = array<i32>} : memref<128xi32, #tpu.memory_space<vmem>>, vector<16xi32>,
      tpu.vector_store %arg11[%swap3A_1080], %get3A_1079 {strides = array<i32>} : memref<128xi32, #tpu.memory_space<vmem>>, vector<16xi32>,
      %dma_start3A_1082 = arith.constant 0 : i32
      %dma_start3A_1083 = arith.constant 0 : i32
      %dma_start3A_1084 = tpu.memref_slice %arg4[%dma_start3A_1082, %dma_start3A_1083] : memref<16384x64xf32, #tpu.memory_space<hbm>> -> memref<16384x64xf32, #tpu.memory_space<hbm>>
      tpu.enqueue_indirect_dma source(%dma_start3A_1084 : memref<16384x64xf32, #tpu.memory_space<hbm>>) target(%arg12 : memref<128x64xf32, #tpu.memory_space<vmem>>) offsets(%arg10 : memref<128xi32, #tpu.memory_space<vmem>>) semaphore(%arg17 : memref<!tpu.dma_semaphore, #tpu.memory_space<semaphore_mem>>)
      %dma_wait3A_1085 = arith.constant 0 : i32
      %dma_wait3A_1086 = arith.constant 0 : i32
      %dma_wait3A_1087 = tpu.memref_slice %arg4[%dma_wait3A_1085, %dma_wait3A_1086] : memref<16384x64xf32, #tpu.memory_space<hbm>> -> memref<16384x64xf32, #tpu.memory_space<hbm>>
      tpu.wait_indirect_dma semaphore(%arg17 : memref<!tpu.dma_semaphore, #tpu.memory_space<semaphore_mem>>) src(%dma_wait3A_1087 : memref<16384x64xf32, #tpu.memory_space<hbm>>) dst(%arg12 : memref<128x64xf32, #tpu.memory_space<vmem>>)
      %ne3A_1088 = arith.constant 1.000000e+00 : f32
      %ne3A_1089 = arith.cmpf one, %squeeze3A, %ne3A_1088 : f32
      %convert_element_type3A_1090 = arith.extui %ne3A_1089 : i1 to i32
      %cond3A_1091 = arith.constant 0 : i32
      %cond3A_1092 = arith.cmpi ne, %convert_element_type3A_1090, %cond3A_1091 : i32
      scf.if %cond3A_1092 {
        %scan3A_1093 = arith.constant 0 : i32
        %scan3A_1094 = arith.constant 0 : i32
        %scan3A_1095 = arith.constant 128 : i32
        %scan3A_1096 = arith.addi %scan3A_1094, %scan3A_1095 : i32
        %scan3A_1097 = arith.constant 1 : i32
        scf.for %scan3A_1099 = %scan3A_1094 to %scan3A_1096 step %scan3A_1097  : i32 {
          %get3A_1100 = arith.index_cast %scan3A_1099 : i32 to index
          %get3A_1101 = arith.constant 0 : index
          %get3A_1102 = tpu.vector_load %arg12[%get3A_1100, %get3A_1101] {strides = array<i32>} : memref<128x64xf32, #tpu.memory_space<vmem>>, vector<16xf32>,
          %mul3A_1103 = arith.mulf %get3A_1102, %get3A_1 : vector<16xf32>
          %swap3A_1104 = arith.index_cast %scan3A_1099 : i32 to index
          %swap3A_1105 = arith.constant 0 : index
          %swap3A_1106 = tpu.vector_load %arg12[%swap3A_1104, %swap3A_1105] {strides = array<i32>} : memref<128x64xf32, #tpu.memory_space<vmem>>, vector<16xf32>,
          tpu.vector_store %arg12[%swap3A_1104, %swap3A_1105], %mul3A_1103 {strides = array<i32>} : memref<128x64xf32, #tpu.memory_space<vmem>>, vector<16xf32>,
          %get3A_1107 = arith.index_cast %scan3A_1099 : i32 to index
          %get3A_1108 = arith.constant 16 : index
          %get3A_1109 = tpu.vector_load %arg12[%get3A_1107, %get3A_1108] {strides = array<i32>} : memref<128x64xf32, #tpu.memory_space<vmem>>, vector<16xf32>,
          %mul3A_1110 = arith.mulf %get3A_1109, %get3A_1 : vector<16xf32>
          %swap3A_1111 = arith.index_cast %scan3A_1099 : i32 to index
          %swap3A_1112 = arith.constant 16 : index
          %swap3A_1113 = tpu.vector_load %arg12[%swap3A_1111, %swap3A_1112] {strides = array<i32>} : memref<128x64xf32, #tpu.memory_space<vmem>>, vector<16xf32>,
          tpu.vector_store %arg12[%swap3A_1111, %swap3A_1112], %mul3A_1110 {strides = array<i32>} : memref<128x64xf32, #tpu.memory_space<vmem>>, vector<16xf32>,
          %get3A_1114 = arith.index_cast %scan3A_1099 : i32 to index
          %get3A_1115 = arith.constant 32 : index
          %get3A_1116 = tpu.vector_load %arg12[%get3A_1114, %get3A_1115] {strides = array<i32>} : memref<128x64xf32, #tpu.memory_space<vmem>>, vector<16xf32>,
          %mul3A_1117 = arith.mulf %get3A_1116, %get3A_1 : vector<16xf32>
          %swap3A_1118 = arith.index_cast %scan3A_1099 : i32 to index
          %swap3A_1119 = arith.constant 32 : index
          %swap3A_1120 = tpu.vector_load %arg12[%swap3A_1118, %swap3A_1119] {strides = array<i32>} : memref<128x64xf32, #tpu.memory_space<vmem>>, vector<16xf32>,
          tpu.vector_store %arg12[%swap3A_1118, %swap3A_1119], %mul3A_1117 {strides = array<i32>} : memref<128x64xf32, #tpu.memory_space<vmem>>, vector<16xf32>,
          %get3A_1121 = arith.index_cast %scan3A_1099 : i32 to index
          %get3A_1122 = arith.constant 48 : index
          %get3A_1123 = tpu.vector_load %arg12[%get3A_1121, %get3A_1122] {strides = array<i32>} : memref<128x64xf32, #tpu.memory_space<vmem>>, vector<16xf32>,
          %mul3A_1124 = arith.mulf %get3A_1123, %get3A_1 : vector<16xf32>
          %swap3A_1125 = arith.index_cast %scan3A_1099 : i32 to index
          %swap3A_1126 = arith.constant 48 : index
          %swap3A_1127 = tpu.vector_load %arg12[%swap3A_1125, %swap3A_1126] {strides = array<i32>} : memref<128x64xf32, #tpu.memory_space<vmem>>, vector<16xf32>,
          tpu.vector_store %arg12[%swap3A_1125, %swap3A_1126], %mul3A_1124 {strides = array<i32>} : memref<128x64xf32, #tpu.memory_space<vmem>>, vector<16xf32>,
        }
        %scan3A_1098 = arith.constant 128 : i32
      } else {
      }
      "tpu.region"() ({
        %run_scoped3A = tpu.sem_alloc : memref<!tpu.dma_semaphore, #tpu.memory_space<semaphore_mem>>
        %dma_start3A_1093 = arith.constant 0 : i32
        %dma_start3A_1094 = arith.constant 0 : i32
        %dma_start3A_1095 = tpu.memref_slice %arg14[%dma_start3A_1093, %dma_start3A_1094] : memref<10016x64xf32, #tpu.memory_space<vmem_shared>> -> memref<10016x64xf32, #tpu.memory_space<vmem_shared>>
        tpu.enqueue_indirect_dma source(%arg12 : memref<128x64xf32, #tpu.memory_space<vmem>>) target(%dma_start3A_1095 : memref<10016x64xf32, #tpu.memory_space<vmem_shared>>) offsets(%arg11 : memref<128xi32, #tpu.memory_space<vmem>>) semaphore(%run_scoped3A : memref<!tpu.dma_semaphore, #tpu.memory_space<semaphore_mem>>) {add = true}
        %dma_wait3A_1096 = arith.constant 0 : i32
        %dma_wait3A_1097 = arith.constant 0 : i32
        %dma_wait3A_1098 = tpu.memref_slice %arg14[%dma_wait3A_1096, %dma_wait3A_1097] : memref<10016x64xf32, #tpu.memory_space<vmem_shared>> -> memref<10016x64xf32, #tpu.memory_space<vmem_shared>>
        tpu.wait_indirect_dma semaphore(%run_scoped3A : memref<!tpu.dma_semaphore, #tpu.memory_space<semaphore_mem>>) src(%arg12 : memref<128x64xf32, #tpu.memory_space<vmem>>) dst(%dma_wait3A_1098 : memref<10016x64xf32, #tpu.memory_space<vmem_shared>>)
        tpu.yield
      }) : () -> ()
    }
    %barrier3A_541 = arith.constant 0 : index
    tpu.barrier barrier_id(%barrier3A_541)
    %mul3A_542 = arith.constant 624 : i32
    %mul3A_543 = arith.muli %arg1, %mul3A_542 : i32
    %add3A_544 = arith.addi %mul3A_388, %mul3A_543 : i32
    %multiple_of3A_545 = tpu.assume_multiple %add3A_544, 8 : i32
    %mul3A_546 = arith.constant 624 : i32
    %mul3A_547 = arith.muli %arg1, %mul3A_546 : i32
    %dma_start3A_548 = arith.constant 0 : i32
    %dma_start3A_549 = tpu.memref_slice %arg6[%multiple_of3A_545, %dma_start3A_548] : memref<100000x64xf32, #tpu.memory_space<hbm>> -> memref<624x64xf32, #tpu.memory_space<hbm>>
    %dma_start3A_550 = arith.constant 0 : i32
    %dma_start3A_551 = tpu.memref_slice %arg14[%mul3A_547, %dma_start3A_550] : memref<10016x64xf32, #tpu.memory_space<vmem_shared>> -> memref<624x64xf32, #tpu.memory_space<vmem_shared>>
    tpu.enqueue_dma source(%dma_start3A_551 : memref<624x64xf32, #tpu.memory_space<vmem_shared>>) target(%dma_start3A_549 : memref<624x64xf32, #tpu.memory_space<hbm>>) target_semaphore(%arg18 : memref<!tpu.dma_semaphore, #tpu.memory_space<semaphore_mem>>)
    %eq3A_552 = arith.constant 0 : i32
    %eq3A_553 = arith.cmpi eq, %arg1, %eq3A_552 : i32
    %convert_element_type3A_554 = arith.extui %eq3A_553 : i1 to i32
    %cond3A_555 = arith.constant 0 : i32
    %cond3A_556 = arith.cmpi ne, %convert_element_type3A_554, %cond3A_555 : i32
    scf.if %cond3A_556 {
      %add3A_953 = arith.constant 9984 : i32
      %add3A_954 = arith.addi %mul3A_388, %add3A_953 : i32
      %multiple_of3A_955 = tpu.assume_multiple %add3A_954, 8 : i32
      "tpu.region"() ({
        %run_scoped3A = tpu.sem_alloc : memref<!tpu.dma_semaphore, #tpu.memory_space<semaphore_mem>>
        %dma_start3A_956 = arith.constant 0 : i32
        %dma_start3A_957 = tpu.memref_slice %arg6[%multiple_of3A_955, %dma_start3A_956] : memref<100000x64xf32, #tpu.memory_space<hbm>> -> memref<16x64xf32, #tpu.memory_space<hbm>>
        %dma_start3A_958 = arith.constant 9984 : i32
        %dma_start3A_959 = arith.constant 0 : i32
        %dma_start3A_960 = tpu.memref_slice %arg14[%dma_start3A_958, %dma_start3A_959] : memref<10016x64xf32, #tpu.memory_space<vmem_shared>> -> memref<16x64xf32, #tpu.memory_space<vmem_shared>>
        tpu.enqueue_dma source(%dma_start3A_960 : memref<16x64xf32, #tpu.memory_space<vmem_shared>>) target(%dma_start3A_957 : memref<16x64xf32, #tpu.memory_space<hbm>>) target_semaphore(%run_scoped3A : memref<!tpu.dma_semaphore, #tpu.memory_space<semaphore_mem>>)
        %dma_wait3A_961 = arith.constant 0 : i32
        %dma_wait3A_962 = tpu.memref_slice %arg6[%multiple_of3A_955, %dma_wait3A_961] : memref<100000x64xf32, #tpu.memory_space<hbm>> -> memref<16x64xf32, #tpu.memory_space<hbm>>
        %dma_wait3A_963 = arith.constant 9984 : i32
        %dma_wait3A_964 = arith.constant 0 : i32
        %dma_wait3A_965 = tpu.memref_slice %arg14[%dma_wait3A_963, %dma_wait3A_964] : memref<10016x64xf32, #tpu.memory_space<vmem_shared>> -> memref<16x64xf32, #tpu.memory_space<vmem_shared>>
        tpu.wait_dma2 semaphore(%run_scoped3A : memref<!tpu.dma_semaphore, #tpu.memory_space<semaphore_mem>>) src(%dma_wait3A_965 : memref<16x64xf32, #tpu.memory_space<vmem_shared>>) dst(%dma_wait3A_962 : memref<16x64xf32, #tpu.memory_space<hbm>>)
        tpu.yield
      }) : () -> ()
    } else {
    }
    %dma_wait3A_557 = arith.constant 0 : i32
    %dma_wait3A_558 = tpu.memref_slice %arg6[%multiple_of3A_351, %dma_wait3A_557] : memref<100000x64xf32, #tpu.memory_space<hbm>> -> memref<624x64xf32, #tpu.memory_space<hbm>>
    %dma_wait3A_559 = arith.constant 0 : i32
    %dma_wait3A_560 = tpu.memref_slice %arg15[%mul3A_353, %dma_wait3A_559] : memref<10016x64xf32, #tpu.memory_space<vmem_shared>> -> memref<624x64xf32, #tpu.memory_space<vmem_shared>>
    tpu.wait_dma2 semaphore(%arg19 : memref<!tpu.dma_semaphore, #tpu.memory_space<semaphore_mem>>) src(%dma_wait3A_560 : memref<624x64xf32, #tpu.memory_space<vmem_shared>>) dst(%dma_wait3A_558 : memref<624x64xf32, #tpu.memory_space<hbm>>)
    %mul3A_561 = arith.constant 5 : i32
    %mul3A_562 = arith.muli %arg0, %mul3A_561 : i32
    %add3A_563 = arith.constant 3 : i32
    %add3A_564 = arith.addi %mul3A_562, %add3A_563 : i32
    %mul3A_565 = arith.constant 10000 : i32
    %mul3A_566 = arith.muli %add3A_564, %mul3A_565 : i32
    %mul3A_567 = arith.constant 624 : i32
    %mul3A_568 = arith.muli %arg1, %mul3A_567 : i32
    %add3A_569 = arith.addi %mul3A_566, %mul3A_568 : i32
    %multiple_of3A_570 = tpu.assume_multiple %add3A_569, 8 : i32
    %mul3A_571 = arith.constant 624 : i32
    %mul3A_572 = arith.muli %arg1, %mul3A_571 : i32
    %dma_start3A_573 = arith.constant 0 : i32
    %dma_start3A_574 = tpu.memref_slice %arg15[%mul3A_572, %dma_start3A_573] : memref<10016x64xf32, #tpu.memory_space<vmem_shared>> -> memref<624x64xf32, #tpu.memory_space<vmem_shared>>
    %dma_start3A_575 = arith.constant 0 : i32
    %dma_start3A_576 = tpu.memref_slice %arg2[%multiple_of3A_570, %dma_start3A_575] : memref<100000x64xf32, #tpu.memory_space<hbm>> -> memref<624x64xf32, #tpu.memory_space<hbm>>
    tpu.enqueue_dma source(%dma_start3A_576 : memref<624x64xf32, #tpu.memory_space<hbm>>) target(%dma_start3A_574 : memref<624x64xf32, #tpu.memory_space<vmem_shared>>) target_semaphore(%arg16 : memref<!tpu.dma_semaphore, #tpu.memory_space<semaphore_mem>>)
    %mul3A_577 = arith.constant 5 : i32
    %mul3A_578 = arith.muli %arg0, %mul3A_577 : i32
    %add3A_579 = arith.constant 3 : i32
    %add3A_580 = arith.addi %mul3A_578, %add3A_579 : i32
    %mul3A_581 = arith.constant 10000 : i32
    %mul3A_582 = arith.muli %add3A_580, %mul3A_581 : i32
    %scan3A_583 = arith.constant 0 : i32
    %scan3A_584 = arith.constant 0 : i32
    %scan3A_585 = arith.constant 64 : i32
    %scan3A_586 = arith.addi %scan3A_584, %scan3A_585 : i32
    %scan3A_587 = arith.constant 1 : i32
    %scan3A_588 = scf.for %scan3A_953 = %scan3A_584 to %scan3A_586 step %scan3A_587 iter_args(%scan3A_954 = %scan3A_583) -> (i32)  : i32 {
      %mul3A_955 = arith.constant 16 : i32
      %mul3A_956 = arith.muli %scan3A_953, %mul3A_955 : i32
      %get3A_957 = arith.index_cast %mul3A_956 : i32 to index
      %get3A_958 = tpu.vector_load %arg7[%get3A_957] {strides = array<i32>} : memref<1024xi32, #tpu.memory_space<vmem>>, vector<16xi32>,
      %ge3A = vector.broadcast %mul3A_582 : i32 to vector<16xi32>
      %ge3A_959 = arith.cmpi sge, %get3A_958, %ge3A : vector<16xi32>
      %add3A_960 = arith.constant 10000 : i32
      %add3A_961 = arith.addi %mul3A_582, %add3A_960 : i32
      %lt3A = vector.broadcast %add3A_961 : i32 to vector<16xi32>
      %lt3A_962 = arith.cmpi slt, %get3A_958, %lt3A : vector<16xi32>
      %and3A_963 = arith.andi %ge3A_959, %lt3A_962 : vector<16xi1>
      %sub3A_964 = vector.broadcast %mul3A_582 : i32 to vector<16xi32>
      %sub3A_965 = arith.subi %get3A_958, %sub3A_964 : vector<16xi32>
      %swap3A_966 = arith.index_cast %scan3A_954 : i32 to index
      %swap3A_967 = tpu.vector_load %arg9[%swap3A_966] masked %and3A_963 {strides = array<i32>} : memref<1168xi32, #tpu.memory_space<vmem>>, vector<16xi32>, vector<16xi1>
      tpu.vector_store %arg9[%swap3A_966], %sub3A_965 masked %and3A_963 {strides = array<i32>} : memref<1168xi32, #tpu.memory_space<vmem>>, vector<16xi32>, vector<16xi1>
      %mul3A_968 = arith.constant 1024 : i32
      %mul3A_969 = arith.muli %arg1, %mul3A_968 : i32
      %mul3A_970 = arith.constant 16 : i32
      %mul3A_971 = arith.muli %scan3A_953, %mul3A_970 : i32
      %add3A_972 = arith.addi %mul3A_969, %mul3A_971 : i32
      %add3A_973 = vector.broadcast %add3A_972 : i32 to vector<16xi32>
      %add3A_974 = arith.addi %add3A_973, %iota3A : vector<16xi32>
      %swap3A_975 = arith.index_cast %scan3A_954 : i32 to index
      %swap3A_976 = tpu.vector_load %arg8[%swap3A_975] masked %and3A_963 {strides = array<i32>} : memref<1168xi32, #tpu.memory_space<vmem>>, vector<16xi32>, vector<16xi1>
      tpu.vector_store %arg8[%swap3A_975], %add3A_974 masked %and3A_963 {strides = array<i32>} : memref<1168xi32, #tpu.memory_space<vmem>>, vector<16xi32>, vector<16xi1>
      %convert_element_type3A_977 = arith.extui %and3A_963 : vector<16xi1> to vector<16xi32>
      %reduce_sum3A = arith.constant true
      %reduce_sum3A_978 = vector.broadcast %reduce_sum3A : i1 to vector<16xi1>
      %reduce_sum3A_979 = tpu.scan <sum>, %convert_element_type3A_977 masked %reduce_sum3A_978 : vector<16xi32>, vector<16xi1> -> vector<16xi32>
      %reduce_sum3A_980 = vector.extract %reduce_sum3A_979[15] : i32 from vector<16xi32>
      %add3A_981 = arith.addi %scan3A_954, %reduce_sum3A_980 : i32
      scf.yield %add3A_981 : i32
    }
    %scan3A_589 = arith.constant 64 : i32
    %add3A_590 = arith.constant 10000 : i32
    %add3A_591 = vector.broadcast %add3A_590 : i32 to vector<16xi32>
    %add3A_592 = arith.addi %add3A_591, %iota3A : vector<16xi32>
    %add3A_593 = arith.constant 0 : i32
    %add3A_594 = arith.addi %scan3A_588, %add3A_593 : i32
    %swap3A_595 = arith.index_cast %add3A_594 : i32 to index
    %swap3A_596 = tpu.vector_load %arg9[%swap3A_595] {strides = array<i32>} : memref<1168xi32, #tpu.memory_space<vmem>>, vector<16xi32>,
    tpu.vector_store %arg9[%swap3A_595], %add3A_592 {strides = array<i32>} : memref<1168xi32, #tpu.memory_space<vmem>>, vector<16xi32>,
    %add3A_597 = arith.constant 0 : i32
    %add3A_598 = arith.addi %scan3A_588, %add3A_597 : i32
    %swap3A_599 = arith.index_cast %add3A_598 : i32 to index
    %swap3A_600 = tpu.vector_load %arg8[%swap3A_599] {strides = array<i32>} : memref<1168xi32, #tpu.memory_space<vmem>>, vector<16xi32>,
    tpu.vector_store %arg8[%swap3A_599], %iota3A {strides = array<i32>} : memref<1168xi32, #tpu.memory_space<vmem>>, vector<16xi32>,
    %add3A_601 = arith.constant 10000 : i32
    %add3A_602 = vector.broadcast %add3A_601 : i32 to vector<16xi32>
    %add3A_603 = arith.addi %add3A_602, %iota3A : vector<16xi32>
    %add3A_604 = arith.constant 16 : i32
    %add3A_605 = arith.addi %scan3A_588, %add3A_604 : i32
    %swap3A_606 = arith.index_cast %add3A_605 : i32 to index
    %swap3A_607 = tpu.vector_load %arg9[%swap3A_606] {strides = array<i32>} : memref<1168xi32, #tpu.memory_space<vmem>>, vector<16xi32>,
    tpu.vector_store %arg9[%swap3A_606], %add3A_603 {strides = array<i32>} : memref<1168xi32, #tpu.memory_space<vmem>>, vector<16xi32>,
    %add3A_608 = arith.constant 16 : i32
    %add3A_609 = arith.addi %scan3A_588, %add3A_608 : i32
    %swap3A_610 = arith.index_cast %add3A_609 : i32 to index
    %swap3A_611 = tpu.vector_load %arg8[%swap3A_610] {strides = array<i32>} : memref<1168xi32, #tpu.memory_space<vmem>>, vector<16xi32>,
    tpu.vector_store %arg8[%swap3A_610], %iota3A {strides = array<i32>} : memref<1168xi32, #tpu.memory_space<vmem>>, vector<16xi32>,
    %add3A_612 = arith.constant 10000 : i32
    %add3A_613 = vector.broadcast %add3A_612 : i32 to vector<16xi32>
    %add3A_614 = arith.addi %add3A_613, %iota3A : vector<16xi32>
    %add3A_615 = arith.constant 32 : i32
    %add3A_616 = arith.addi %scan3A_588, %add3A_615 : i32
    %swap3A_617 = arith.index_cast %add3A_616 : i32 to index
    %swap3A_618 = tpu.vector_load %arg9[%swap3A_617] {strides = array<i32>} : memref<1168xi32, #tpu.memory_space<vmem>>, vector<16xi32>,
    tpu.vector_store %arg9[%swap3A_617], %add3A_614 {strides = array<i32>} : memref<1168xi32, #tpu.memory_space<vmem>>, vector<16xi32>,
    %add3A_619 = arith.constant 32 : i32
    %add3A_620 = arith.addi %scan3A_588, %add3A_619 : i32
    %swap3A_621 = arith.index_cast %add3A_620 : i32 to index
    %swap3A_622 = tpu.vector_load %arg8[%swap3A_621] {strides = array<i32>} : memref<1168xi32, #tpu.memory_space<vmem>>, vector<16xi32>,
    tpu.vector_store %arg8[%swap3A_621], %iota3A {strides = array<i32>} : memref<1168xi32, #tpu.memory_space<vmem>>, vector<16xi32>,
    %add3A_623 = arith.constant 10000 : i32
    %add3A_624 = vector.broadcast %add3A_623 : i32 to vector<16xi32>
    %add3A_625 = arith.addi %add3A_624, %iota3A : vector<16xi32>
    %add3A_626 = arith.constant 48 : i32
    %add3A_627 = arith.addi %scan3A_588, %add3A_626 : i32
    %swap3A_628 = arith.index_cast %add3A_627 : i32 to index
    %swap3A_629 = tpu.vector_load %arg9[%swap3A_628] {strides = array<i32>} : memref<1168xi32, #tpu.memory_space<vmem>>, vector<16xi32>,
    tpu.vector_store %arg9[%swap3A_628], %add3A_625 {strides = array<i32>} : memref<1168xi32, #tpu.memory_space<vmem>>, vector<16xi32>,
    %add3A_630 = arith.constant 48 : i32
    %add3A_631 = arith.addi %scan3A_588, %add3A_630 : i32
    %swap3A_632 = arith.index_cast %add3A_631 : i32 to index
    %swap3A_633 = tpu.vector_load %arg8[%swap3A_632] {strides = array<i32>} : memref<1168xi32, #tpu.memory_space<vmem>>, vector<16xi32>,
    tpu.vector_store %arg8[%swap3A_632], %iota3A {strides = array<i32>} : memref<1168xi32, #tpu.memory_space<vmem>>, vector<16xi32>,
    %add3A_634 = arith.constant 10000 : i32
    %add3A_635 = vector.broadcast %add3A_634 : i32 to vector<16xi32>
    %add3A_636 = arith.addi %add3A_635, %iota3A : vector<16xi32>
    %add3A_637 = arith.constant 64 : i32
    %add3A_638 = arith.addi %scan3A_588, %add3A_637 : i32
    %swap3A_639 = arith.index_cast %add3A_638 : i32 to index
    %swap3A_640 = tpu.vector_load %arg9[%swap3A_639] {strides = array<i32>} : memref<1168xi32, #tpu.memory_space<vmem>>, vector<16xi32>,
    tpu.vector_store %arg9[%swap3A_639], %add3A_636 {strides = array<i32>} : memref<1168xi32, #tpu.memory_space<vmem>>, vector<16xi32>,
    %add3A_641 = arith.constant 64 : i32
    %add3A_642 = arith.addi %scan3A_588, %add3A_641 : i32
    %swap3A_643 = arith.index_cast %add3A_642 : i32 to index
    %swap3A_644 = tpu.vector_load %arg8[%swap3A_643] {strides = array<i32>} : memref<1168xi32, #tpu.memory_space<vmem>>, vector<16xi32>,
    tpu.vector_store %arg8[%swap3A_643], %iota3A {strides = array<i32>} : memref<1168xi32, #tpu.memory_space<vmem>>, vector<16xi32>,
    %add3A_645 = arith.constant 10000 : i32
    %add3A_646 = vector.broadcast %add3A_645 : i32 to vector<16xi32>
    %add3A_647 = arith.addi %add3A_646, %iota3A : vector<16xi32>
    %add3A_648 = arith.constant 80 : i32
    %add3A_649 = arith.addi %scan3A_588, %add3A_648 : i32
    %swap3A_650 = arith.index_cast %add3A_649 : i32 to index
    %swap3A_651 = tpu.vector_load %arg9[%swap3A_650] {strides = array<i32>} : memref<1168xi32, #tpu.memory_space<vmem>>, vector<16xi32>,
    tpu.vector_store %arg9[%swap3A_650], %add3A_647 {strides = array<i32>} : memref<1168xi32, #tpu.memory_space<vmem>>, vector<16xi32>,
    %add3A_652 = arith.constant 80 : i32
    %add3A_653 = arith.addi %scan3A_588, %add3A_652 : i32
    %swap3A_654 = arith.index_cast %add3A_653 : i32 to index
    %swap3A_655 = tpu.vector_load %arg8[%swap3A_654] {strides = array<i32>} : memref<1168xi32, #tpu.memory_space<vmem>>, vector<16xi32>,
    tpu.vector_store %arg8[%swap3A_654], %iota3A {strides = array<i32>} : memref<1168xi32, #tpu.memory_space<vmem>>, vector<16xi32>,
    %add3A_656 = arith.constant 10000 : i32
    %add3A_657 = vector.broadcast %add3A_656 : i32 to vector<16xi32>
    %add3A_658 = arith.addi %add3A_657, %iota3A : vector<16xi32>
    %add3A_659 = arith.constant 96 : i32
    %add3A_660 = arith.addi %scan3A_588, %add3A_659 : i32
    %swap3A_661 = arith.index_cast %add3A_660 : i32 to index
    %swap3A_662 = tpu.vector_load %arg9[%swap3A_661] {strides = array<i32>} : memref<1168xi32, #tpu.memory_space<vmem>>, vector<16xi32>,
    tpu.vector_store %arg9[%swap3A_661], %add3A_658 {strides = array<i32>} : memref<1168xi32, #tpu.memory_space<vmem>>, vector<16xi32>,
    %add3A_663 = arith.constant 96 : i32
    %add3A_664 = arith.addi %scan3A_588, %add3A_663 : i32
    %swap3A_665 = arith.index_cast %add3A_664 : i32 to index
    %swap3A_666 = tpu.vector_load %arg8[%swap3A_665] {strides = array<i32>} : memref<1168xi32, #tpu.memory_space<vmem>>, vector<16xi32>,
    tpu.vector_store %arg8[%swap3A_665], %iota3A {strides = array<i32>} : memref<1168xi32, #tpu.memory_space<vmem>>, vector<16xi32>,
    %add3A_667 = arith.constant 10000 : i32
    %add3A_668 = vector.broadcast %add3A_667 : i32 to vector<16xi32>
    %add3A_669 = arith.addi %add3A_668, %iota3A : vector<16xi32>
    %add3A_670 = arith.constant 112 : i32
    %add3A_671 = arith.addi %scan3A_588, %add3A_670 : i32
    %swap3A_672 = arith.index_cast %add3A_671 : i32 to index
    %swap3A_673 = tpu.vector_load %arg9[%swap3A_672] {strides = array<i32>} : memref<1168xi32, #tpu.memory_space<vmem>>, vector<16xi32>,
    tpu.vector_store %arg9[%swap3A_672], %add3A_669 {strides = array<i32>} : memref<1168xi32, #tpu.memory_space<vmem>>, vector<16xi32>,
    %add3A_674 = arith.constant 112 : i32
    %add3A_675 = arith.addi %scan3A_588, %add3A_674 : i32
    %swap3A_676 = arith.index_cast %add3A_675 : i32 to index
    %swap3A_677 = tpu.vector_load %arg8[%swap3A_676] {strides = array<i32>} : memref<1168xi32, #tpu.memory_space<vmem>>, vector<16xi32>,
    tpu.vector_store %arg8[%swap3A_676], %iota3A {strides = array<i32>} : memref<1168xi32, #tpu.memory_space<vmem>>, vector<16xi32>,
    %add3A_678 = arith.constant 10000 : i32
    %add3A_679 = vector.broadcast %add3A_678 : i32 to vector<16xi32>
    %add3A_680 = arith.addi %add3A_679, %iota3A : vector<16xi32>
    %add3A_681 = arith.constant 128 : i32
    %add3A_682 = arith.addi %scan3A_588, %add3A_681 : i32
    %swap3A_683 = arith.index_cast %add3A_682 : i32 to index
    %swap3A_684 = tpu.vector_load %arg9[%swap3A_683] {strides = array<i32>} : memref<1168xi32, #tpu.memory_space<vmem>>, vector<16xi32>,
    tpu.vector_store %arg9[%swap3A_683], %add3A_680 {strides = array<i32>} : memref<1168xi32, #tpu.memory_space<vmem>>, vector<16xi32>,
    %add3A_685 = arith.constant 128 : i32
    %add3A_686 = arith.addi %scan3A_588, %add3A_685 : i32
    %swap3A_687 = arith.index_cast %add3A_686 : i32 to index
    %swap3A_688 = tpu.vector_load %arg8[%swap3A_687] {strides = array<i32>} : memref<1168xi32, #tpu.memory_space<vmem>>, vector<16xi32>,
    tpu.vector_store %arg8[%swap3A_687], %iota3A {strides = array<i32>} : memref<1168xi32, #tpu.memory_space<vmem>>, vector<16xi32>,
    %dma_wait3A_689 = arith.constant 0 : i32
    %dma_wait3A_690 = tpu.memref_slice %arg15[%mul3A_572, %dma_wait3A_689] : memref<10016x64xf32, #tpu.memory_space<vmem_shared>> -> memref<624x64xf32, #tpu.memory_space<vmem_shared>>
    %dma_wait3A_691 = arith.constant 0 : i32
    %dma_wait3A_692 = tpu.memref_slice %arg2[%multiple_of3A_570, %dma_wait3A_691] : memref<100000x64xf32, #tpu.memory_space<hbm>> -> memref<624x64xf32, #tpu.memory_space<hbm>>
    tpu.wait_dma2 semaphore(%arg16 : memref<!tpu.dma_semaphore, #tpu.memory_space<semaphore_mem>>) src(%dma_wait3A_692 : memref<624x64xf32, #tpu.memory_space<hbm>>) dst(%dma_wait3A_690 : memref<624x64xf32, #tpu.memory_space<vmem_shared>>)
    %eq3A_693 = arith.constant 0 : i32
    %eq3A_694 = arith.cmpi eq, %arg1, %eq3A_693 : i32
    %convert_element_type3A_695 = arith.extui %eq3A_694 : i1 to i32
    %cond3A_696 = arith.constant 0 : i32
    %cond3A_697 = arith.cmpi ne, %convert_element_type3A_695, %cond3A_696 : i32
    scf.if %cond3A_697 {
      %add3A_953 = arith.constant 9984 : i32
      %add3A_954 = arith.addi %mul3A_582, %add3A_953 : i32
      %multiple_of3A_955 = tpu.assume_multiple %add3A_954, 8 : i32
      "tpu.region"() ({
        %run_scoped3A = tpu.sem_alloc : memref<!tpu.dma_semaphore, #tpu.memory_space<semaphore_mem>>
        %dma_start3A_956 = arith.constant 9984 : i32
        %dma_start3A_957 = arith.constant 0 : i32
        %dma_start3A_958 = tpu.memref_slice %arg15[%dma_start3A_956, %dma_start3A_957] : memref<10016x64xf32, #tpu.memory_space<vmem_shared>> -> memref<16x64xf32, #tpu.memory_space<vmem_shared>>
        %dma_start3A_959 = arith.constant 0 : i32
        %dma_start3A_960 = tpu.memref_slice %arg2[%multiple_of3A_955, %dma_start3A_959] : memref<100000x64xf32, #tpu.memory_space<hbm>> -> memref<16x64xf32, #tpu.memory_space<hbm>>
        tpu.enqueue_dma source(%dma_start3A_960 : memref<16x64xf32, #tpu.memory_space<hbm>>) target(%dma_start3A_958 : memref<16x64xf32, #tpu.memory_space<vmem_shared>>) target_semaphore(%run_scoped3A : memref<!tpu.dma_semaphore, #tpu.memory_space<semaphore_mem>>)
        %dma_wait3A_961 = arith.constant 9984 : i32
        %dma_wait3A_962 = arith.constant 0 : i32
        %dma_wait3A_963 = tpu.memref_slice %arg15[%dma_wait3A_961, %dma_wait3A_962] : memref<10016x64xf32, #tpu.memory_space<vmem_shared>> -> memref<16x64xf32, #tpu.memory_space<vmem_shared>>
        %dma_wait3A_964 = arith.constant 0 : i32
        %dma_wait3A_965 = tpu.memref_slice %arg2[%multiple_of3A_955, %dma_wait3A_964] : memref<100000x64xf32, #tpu.memory_space<hbm>> -> memref<16x64xf32, #tpu.memory_space<hbm>>
        tpu.wait_dma2 semaphore(%run_scoped3A : memref<!tpu.dma_semaphore, #tpu.memory_space<semaphore_mem>>) src(%dma_wait3A_965 : memref<16x64xf32, #tpu.memory_space<hbm>>) dst(%dma_wait3A_963 : memref<16x64xf32, #tpu.memory_space<vmem_shared>>)
        tpu.yield
      }) : () -> ()
    } else {
    }
    %barrier3A_698 = arith.constant 0 : index
    tpu.barrier barrier_id(%barrier3A_698)
    %add3A_699 = arith.constant 127 : i32
    %add3A_700 = arith.addi %scan3A_588, %add3A_699 : i32
    %jit3A_701 = arith.constant 128 : i32
    %div3A_702 = arith.divsi %add3A_700, %jit3A_701 : i32
    %sign3A_703 = arith.constant 0 : i32
    %sign3A_704 = arith.cmpi sgt, %add3A_700, %sign3A_703 : i32
    %sign3A_705 = arith.extui %sign3A_704 : i1 to i32
    %sign3A_706 = arith.constant 0 : i32
    %sign3A_707 = arith.cmpi slt, %add3A_700, %sign3A_706 : i32
    %sign3A_708 = arith.extui %sign3A_707 : i1 to i32
    %sign3A_709 = arith.subi %sign3A_705, %sign3A_708 : i32
    %sign3A_710 = arith.constant 0 : i32
    %sign3A_711 = arith.cmpi sgt, %jit3A_701, %sign3A_710 : i32
    %sign3A_712 = arith.extui %sign3A_711 : i1 to i32
    %sign3A_713 = arith.constant 0 : i32
    %sign3A_714 = arith.cmpi slt, %jit3A_701, %sign3A_713 : i32
    %sign3A_715 = arith.extui %sign3A_714 : i1 to i32
    %sign3A_716 = arith.subi %sign3A_712, %sign3A_715 : i32
    %ne3A_717 = arith.cmpi ne, %sign3A_709, %sign3A_716 : i32
    %rem3A_718 = arith.remsi %add3A_700, %jit3A_701 : i32
    %ne3A_719 = arith.constant 0 : i32
    %ne3A_720 = arith.cmpi ne, %rem3A_718, %ne3A_719 : i32
    %and3A_721 = arith.andi %ne3A_717, %ne3A_720 : i1
    %sub3A_722 = arith.constant 1 : i32
    %sub3A_723 = arith.subi %div3A_702, %sub3A_722 : i32
    %select_n3A_724 = arith.select %and3A_721, %sub3A_723, %div3A_702 : i32
    %while3A_725 = arith.constant 0 : i32
    %while3A_726 = arith.constant 0 : i32
    %while3A_727 = arith.subi %select_n3A_724, %while3A_726 : i32
    %while3A_728 = arith.addi %while3A_726, %while3A_727 : i32
    %while3A_729 = arith.constant 1 : i32
    %while3A_730 = arith.divsi %while3A_727, %while3A_729 : i32
    %while3A_731 = arith.muli %while3A_730, %while3A_729 : i32
    %while3A_732 = arith.addi %while3A_726, %while3A_731 : i32
    %while3A_733 = arith.constant 1 : i32
    scf.for %while3A_953 = %while3A_726 to %while3A_732 step %while3A_733  : i32 {
      %mul3A_954 = arith.constant 128 : i32
      %mul3A_955 = arith.muli %while3A_953, %mul3A_954 : i32
      %add3A_956 = arith.constant 0 : i32
      %add3A_957 = arith.addi %mul3A_955, %add3A_956 : i32
      %get3A_958 = arith.index_cast %add3A_957 : i32 to index
      %get3A_959 = tpu.vector_load %arg8[%get3A_958] {strides = array<i32>} : memref<1168xi32, #tpu.memory_space<vmem>>, vector<16xi32>,
      %swap3A_960 = arith.constant 0 : index
      %swap3A_961 = tpu.vector_load %arg10[%swap3A_960] {strides = array<i32>} : memref<128xi32, #tpu.memory_space<vmem>>, vector<16xi32>,
      tpu.vector_store %arg10[%swap3A_960], %get3A_959 {strides = array<i32>} : memref<128xi32, #tpu.memory_space<vmem>>, vector<16xi32>,
      %mul3A_962 = arith.constant 128 : i32
      %mul3A_963 = arith.muli %while3A_953, %mul3A_962 : i32
      %add3A_964 = arith.constant 0 : i32
      %add3A_965 = arith.addi %mul3A_963, %add3A_964 : i32
      %get3A_966 = arith.index_cast %add3A_965 : i32 to index
      %get3A_967 = tpu.vector_load %arg9[%get3A_966] {strides = array<i32>} : memref<1168xi32, #tpu.memory_space<vmem>>, vector<16xi32>,
      %swap3A_968 = arith.constant 0 : index
      %swap3A_969 = tpu.vector_load %arg11[%swap3A_968] {strides = array<i32>} : memref<128xi32, #tpu.memory_space<vmem>>, vector<16xi32>,
      tpu.vector_store %arg11[%swap3A_968], %get3A_967 {strides = array<i32>} : memref<128xi32, #tpu.memory_space<vmem>>, vector<16xi32>,
      %mul3A_970 = arith.constant 128 : i32
      %mul3A_971 = arith.muli %while3A_953, %mul3A_970 : i32
      %add3A_972 = arith.constant 16 : i32
      %add3A_973 = arith.addi %mul3A_971, %add3A_972 : i32
      %get3A_974 = arith.index_cast %add3A_973 : i32 to index
      %get3A_975 = tpu.vector_load %arg8[%get3A_974] {strides = array<i32>} : memref<1168xi32, #tpu.memory_space<vmem>>, vector<16xi32>,
      %swap3A_976 = arith.constant 16 : index
      %swap3A_977 = tpu.vector_load %arg10[%swap3A_976] {strides = array<i32>} : memref<128xi32, #tpu.memory_space<vmem>>, vector<16xi32>,
      tpu.vector_store %arg10[%swap3A_976], %get3A_975 {strides = array<i32>} : memref<128xi32, #tpu.memory_space<vmem>>, vector<16xi32>,
      %mul3A_978 = arith.constant 128 : i32
      %mul3A_979 = arith.muli %while3A_953, %mul3A_978 : i32
      %add3A_980 = arith.constant 16 : i32
      %add3A_981 = arith.addi %mul3A_979, %add3A_980 : i32
      %get3A_982 = arith.index_cast %add3A_981 : i32 to index
      %get3A_983 = tpu.vector_load %arg9[%get3A_982] {strides = array<i32>} : memref<1168xi32, #tpu.memory_space<vmem>>, vector<16xi32>,
      %swap3A_984 = arith.constant 16 : index
      %swap3A_985 = tpu.vector_load %arg11[%swap3A_984] {strides = array<i32>} : memref<128xi32, #tpu.memory_space<vmem>>, vector<16xi32>,
      tpu.vector_store %arg11[%swap3A_984], %get3A_983 {strides = array<i32>} : memref<128xi32, #tpu.memory_space<vmem>>, vector<16xi32>,
      %mul3A_986 = arith.constant 128 : i32
      %mul3A_987 = arith.muli %while3A_953, %mul3A_986 : i32
      %add3A_988 = arith.constant 32 : i32
      %add3A_989 = arith.addi %mul3A_987, %add3A_988 : i32
      %get3A_990 = arith.index_cast %add3A_989 : i32 to index
      %get3A_991 = tpu.vector_load %arg8[%get3A_990] {strides = array<i32>} : memref<1168xi32, #tpu.memory_space<vmem>>, vector<16xi32>,
      %swap3A_992 = arith.constant 32 : index
      %swap3A_993 = tpu.vector_load %arg10[%swap3A_992] {strides = array<i32>} : memref<128xi32, #tpu.memory_space<vmem>>, vector<16xi32>,
      tpu.vector_store %arg10[%swap3A_992], %get3A_991 {strides = array<i32>} : memref<128xi32, #tpu.memory_space<vmem>>, vector<16xi32>,
      %mul3A_994 = arith.constant 128 : i32
      %mul3A_995 = arith.muli %while3A_953, %mul3A_994 : i32
      %add3A_996 = arith.constant 32 : i32
      %add3A_997 = arith.addi %mul3A_995, %add3A_996 : i32
      %get3A_998 = arith.index_cast %add3A_997 : i32 to index
      %get3A_999 = tpu.vector_load %arg9[%get3A_998] {strides = array<i32>} : memref<1168xi32, #tpu.memory_space<vmem>>, vector<16xi32>,
      %swap3A_1000 = arith.constant 32 : index
      %swap3A_1001 = tpu.vector_load %arg11[%swap3A_1000] {strides = array<i32>} : memref<128xi32, #tpu.memory_space<vmem>>, vector<16xi32>,
      tpu.vector_store %arg11[%swap3A_1000], %get3A_999 {strides = array<i32>} : memref<128xi32, #tpu.memory_space<vmem>>, vector<16xi32>,
      %mul3A_1002 = arith.constant 128 : i32
      %mul3A_1003 = arith.muli %while3A_953, %mul3A_1002 : i32
      %add3A_1004 = arith.constant 48 : i32
      %add3A_1005 = arith.addi %mul3A_1003, %add3A_1004 : i32
      %get3A_1006 = arith.index_cast %add3A_1005 : i32 to index
      %get3A_1007 = tpu.vector_load %arg8[%get3A_1006] {strides = array<i32>} : memref<1168xi32, #tpu.memory_space<vmem>>, vector<16xi32>,
      %swap3A_1008 = arith.constant 48 : index
      %swap3A_1009 = tpu.vector_load %arg10[%swap3A_1008] {strides = array<i32>} : memref<128xi32, #tpu.memory_space<vmem>>, vector<16xi32>,
      tpu.vector_store %arg10[%swap3A_1008], %get3A_1007 {strides = array<i32>} : memref<128xi32, #tpu.memory_space<vmem>>, vector<16xi32>,
      %mul3A_1010 = arith.constant 128 : i32
      %mul3A_1011 = arith.muli %while3A_953, %mul3A_1010 : i32
      %add3A_1012 = arith.constant 48 : i32
      %add3A_1013 = arith.addi %mul3A_1011, %add3A_1012 : i32
      %get3A_1014 = arith.index_cast %add3A_1013 : i32 to index
      %get3A_1015 = tpu.vector_load %arg9[%get3A_1014] {strides = array<i32>} : memref<1168xi32, #tpu.memory_space<vmem>>, vector<16xi32>,
      %swap3A_1016 = arith.constant 48 : index
      %swap3A_1017 = tpu.vector_load %arg11[%swap3A_1016] {strides = array<i32>} : memref<128xi32, #tpu.memory_space<vmem>>, vector<16xi32>,
      tpu.vector_store %arg11[%swap3A_1016], %get3A_1015 {strides = array<i32>} : memref<128xi32, #tpu.memory_space<vmem>>, vector<16xi32>,
      %mul3A_1018 = arith.constant 128 : i32
      %mul3A_1019 = arith.muli %while3A_953, %mul3A_1018 : i32
      %add3A_1020 = arith.constant 64 : i32
      %add3A_1021 = arith.addi %mul3A_1019, %add3A_1020 : i32
      %get3A_1022 = arith.index_cast %add3A_1021 : i32 to index
      %get3A_1023 = tpu.vector_load %arg8[%get3A_1022] {strides = array<i32>} : memref<1168xi32, #tpu.memory_space<vmem>>, vector<16xi32>,
      %swap3A_1024 = arith.constant 64 : index
      %swap3A_1025 = tpu.vector_load %arg10[%swap3A_1024] {strides = array<i32>} : memref<128xi32, #tpu.memory_space<vmem>>, vector<16xi32>,
      tpu.vector_store %arg10[%swap3A_1024], %get3A_1023 {strides = array<i32>} : memref<128xi32, #tpu.memory_space<vmem>>, vector<16xi32>,
      %mul3A_1026 = arith.constant 128 : i32
      %mul3A_1027 = arith.muli %while3A_953, %mul3A_1026 : i32
      %add3A_1028 = arith.constant 64 : i32
      %add3A_1029 = arith.addi %mul3A_1027, %add3A_1028 : i32
      %get3A_1030 = arith.index_cast %add3A_1029 : i32 to index
      %get3A_1031 = tpu.vector_load %arg9[%get3A_1030] {strides = array<i32>} : memref<1168xi32, #tpu.memory_space<vmem>>, vector<16xi32>,
      %swap3A_1032 = arith.constant 64 : index
      %swap3A_1033 = tpu.vector_load %arg11[%swap3A_1032] {strides = array<i32>} : memref<128xi32, #tpu.memory_space<vmem>>, vector<16xi32>,
      tpu.vector_store %arg11[%swap3A_1032], %get3A_1031 {strides = array<i32>} : memref<128xi32, #tpu.memory_space<vmem>>, vector<16xi32>,
      %mul3A_1034 = arith.constant 128 : i32
      %mul3A_1035 = arith.muli %while3A_953, %mul3A_1034 : i32
      %add3A_1036 = arith.constant 80 : i32
      %add3A_1037 = arith.addi %mul3A_1035, %add3A_1036 : i32
      %get3A_1038 = arith.index_cast %add3A_1037 : i32 to index
      %get3A_1039 = tpu.vector_load %arg8[%get3A_1038] {strides = array<i32>} : memref<1168xi32, #tpu.memory_space<vmem>>, vector<16xi32>,
      %swap3A_1040 = arith.constant 80 : index
      %swap3A_1041 = tpu.vector_load %arg10[%swap3A_1040] {strides = array<i32>} : memref<128xi32, #tpu.memory_space<vmem>>, vector<16xi32>,
      tpu.vector_store %arg10[%swap3A_1040], %get3A_1039 {strides = array<i32>} : memref<128xi32, #tpu.memory_space<vmem>>, vector<16xi32>,
      %mul3A_1042 = arith.constant 128 : i32
      %mul3A_1043 = arith.muli %while3A_953, %mul3A_1042 : i32
      %add3A_1044 = arith.constant 80 : i32
      %add3A_1045 = arith.addi %mul3A_1043, %add3A_1044 : i32
      %get3A_1046 = arith.index_cast %add3A_1045 : i32 to index
      %get3A_1047 = tpu.vector_load %arg9[%get3A_1046] {strides = array<i32>} : memref<1168xi32, #tpu.memory_space<vmem>>, vector<16xi32>,
      %swap3A_1048 = arith.constant 80 : index
      %swap3A_1049 = tpu.vector_load %arg11[%swap3A_1048] {strides = array<i32>} : memref<128xi32, #tpu.memory_space<vmem>>, vector<16xi32>,
      tpu.vector_store %arg11[%swap3A_1048], %get3A_1047 {strides = array<i32>} : memref<128xi32, #tpu.memory_space<vmem>>, vector<16xi32>,
      %mul3A_1050 = arith.constant 128 : i32
      %mul3A_1051 = arith.muli %while3A_953, %mul3A_1050 : i32
      %add3A_1052 = arith.constant 96 : i32
      %add3A_1053 = arith.addi %mul3A_1051, %add3A_1052 : i32
      %get3A_1054 = arith.index_cast %add3A_1053 : i32 to index
      %get3A_1055 = tpu.vector_load %arg8[%get3A_1054] {strides = array<i32>} : memref<1168xi32, #tpu.memory_space<vmem>>, vector<16xi32>,
      %swap3A_1056 = arith.constant 96 : index
      %swap3A_1057 = tpu.vector_load %arg10[%swap3A_1056] {strides = array<i32>} : memref<128xi32, #tpu.memory_space<vmem>>, vector<16xi32>,
      tpu.vector_store %arg10[%swap3A_1056], %get3A_1055 {strides = array<i32>} : memref<128xi32, #tpu.memory_space<vmem>>, vector<16xi32>,
      %mul3A_1058 = arith.constant 128 : i32
      %mul3A_1059 = arith.muli %while3A_953, %mul3A_1058 : i32
      %add3A_1060 = arith.constant 96 : i32
      %add3A_1061 = arith.addi %mul3A_1059, %add3A_1060 : i32
      %get3A_1062 = arith.index_cast %add3A_1061 : i32 to index
      %get3A_1063 = tpu.vector_load %arg9[%get3A_1062] {strides = array<i32>} : memref<1168xi32, #tpu.memory_space<vmem>>, vector<16xi32>,
      %swap3A_1064 = arith.constant 96 : index
      %swap3A_1065 = tpu.vector_load %arg11[%swap3A_1064] {strides = array<i32>} : memref<128xi32, #tpu.memory_space<vmem>>, vector<16xi32>,
      tpu.vector_store %arg11[%swap3A_1064], %get3A_1063 {strides = array<i32>} : memref<128xi32, #tpu.memory_space<vmem>>, vector<16xi32>,
      %mul3A_1066 = arith.constant 128 : i32
      %mul3A_1067 = arith.muli %while3A_953, %mul3A_1066 : i32
      %add3A_1068 = arith.constant 112 : i32
      %add3A_1069 = arith.addi %mul3A_1067, %add3A_1068 : i32
      %get3A_1070 = arith.index_cast %add3A_1069 : i32 to index
      %get3A_1071 = tpu.vector_load %arg8[%get3A_1070] {strides = array<i32>} : memref<1168xi32, #tpu.memory_space<vmem>>, vector<16xi32>,
      %swap3A_1072 = arith.constant 112 : index
      %swap3A_1073 = tpu.vector_load %arg10[%swap3A_1072] {strides = array<i32>} : memref<128xi32, #tpu.memory_space<vmem>>, vector<16xi32>,
      tpu.vector_store %arg10[%swap3A_1072], %get3A_1071 {strides = array<i32>} : memref<128xi32, #tpu.memory_space<vmem>>, vector<16xi32>,
      %mul3A_1074 = arith.constant 128 : i32
      %mul3A_1075 = arith.muli %while3A_953, %mul3A_1074 : i32
      %add3A_1076 = arith.constant 112 : i32
      %add3A_1077 = arith.addi %mul3A_1075, %add3A_1076 : i32
      %get3A_1078 = arith.index_cast %add3A_1077 : i32 to index
      %get3A_1079 = tpu.vector_load %arg9[%get3A_1078] {strides = array<i32>} : memref<1168xi32, #tpu.memory_space<vmem>>, vector<16xi32>,
      %swap3A_1080 = arith.constant 112 : index
      %swap3A_1081 = tpu.vector_load %arg11[%swap3A_1080] {strides = array<i32>} : memref<128xi32, #tpu.memory_space<vmem>>, vector<16xi32>,
      tpu.vector_store %arg11[%swap3A_1080], %get3A_1079 {strides = array<i32>} : memref<128xi32, #tpu.memory_space<vmem>>, vector<16xi32>,
      %dma_start3A_1082 = arith.constant 0 : i32
      %dma_start3A_1083 = arith.constant 0 : i32
      %dma_start3A_1084 = tpu.memref_slice %arg4[%dma_start3A_1082, %dma_start3A_1083] : memref<16384x64xf32, #tpu.memory_space<hbm>> -> memref<16384x64xf32, #tpu.memory_space<hbm>>
      tpu.enqueue_indirect_dma source(%dma_start3A_1084 : memref<16384x64xf32, #tpu.memory_space<hbm>>) target(%arg12 : memref<128x64xf32, #tpu.memory_space<vmem>>) offsets(%arg10 : memref<128xi32, #tpu.memory_space<vmem>>) semaphore(%arg17 : memref<!tpu.dma_semaphore, #tpu.memory_space<semaphore_mem>>)
      %dma_wait3A_1085 = arith.constant 0 : i32
      %dma_wait3A_1086 = arith.constant 0 : i32
      %dma_wait3A_1087 = tpu.memref_slice %arg4[%dma_wait3A_1085, %dma_wait3A_1086] : memref<16384x64xf32, #tpu.memory_space<hbm>> -> memref<16384x64xf32, #tpu.memory_space<hbm>>
      tpu.wait_indirect_dma semaphore(%arg17 : memref<!tpu.dma_semaphore, #tpu.memory_space<semaphore_mem>>) src(%dma_wait3A_1087 : memref<16384x64xf32, #tpu.memory_space<hbm>>) dst(%arg12 : memref<128x64xf32, #tpu.memory_space<vmem>>)
      %ne3A_1088 = arith.constant 1.000000e+00 : f32
      %ne3A_1089 = arith.cmpf one, %squeeze3A, %ne3A_1088 : f32
      %convert_element_type3A_1090 = arith.extui %ne3A_1089 : i1 to i32
      %cond3A_1091 = arith.constant 0 : i32
      %cond3A_1092 = arith.cmpi ne, %convert_element_type3A_1090, %cond3A_1091 : i32
      scf.if %cond3A_1092 {
        %scan3A_1093 = arith.constant 0 : i32
        %scan3A_1094 = arith.constant 0 : i32
        %scan3A_1095 = arith.constant 128 : i32
        %scan3A_1096 = arith.addi %scan3A_1094, %scan3A_1095 : i32
        %scan3A_1097 = arith.constant 1 : i32
        scf.for %scan3A_1099 = %scan3A_1094 to %scan3A_1096 step %scan3A_1097  : i32 {
          %get3A_1100 = arith.index_cast %scan3A_1099 : i32 to index
          %get3A_1101 = arith.constant 0 : index
          %get3A_1102 = tpu.vector_load %arg12[%get3A_1100, %get3A_1101] {strides = array<i32>} : memref<128x64xf32, #tpu.memory_space<vmem>>, vector<16xf32>,
          %mul3A_1103 = arith.mulf %get3A_1102, %get3A_1 : vector<16xf32>
          %swap3A_1104 = arith.index_cast %scan3A_1099 : i32 to index
          %swap3A_1105 = arith.constant 0 : index
          %swap3A_1106 = tpu.vector_load %arg12[%swap3A_1104, %swap3A_1105] {strides = array<i32>} : memref<128x64xf32, #tpu.memory_space<vmem>>, vector<16xf32>,
          tpu.vector_store %arg12[%swap3A_1104, %swap3A_1105], %mul3A_1103 {strides = array<i32>} : memref<128x64xf32, #tpu.memory_space<vmem>>, vector<16xf32>,
          %get3A_1107 = arith.index_cast %scan3A_1099 : i32 to index
          %get3A_1108 = arith.constant 16 : index
          %get3A_1109 = tpu.vector_load %arg12[%get3A_1107, %get3A_1108] {strides = array<i32>} : memref<128x64xf32, #tpu.memory_space<vmem>>, vector<16xf32>,
          %mul3A_1110 = arith.mulf %get3A_1109, %get3A_1 : vector<16xf32>
          %swap3A_1111 = arith.index_cast %scan3A_1099 : i32 to index
          %swap3A_1112 = arith.constant 16 : index
          %swap3A_1113 = tpu.vector_load %arg12[%swap3A_1111, %swap3A_1112] {strides = array<i32>} : memref<128x64xf32, #tpu.memory_space<vmem>>, vector<16xf32>,
          tpu.vector_store %arg12[%swap3A_1111, %swap3A_1112], %mul3A_1110 {strides = array<i32>} : memref<128x64xf32, #tpu.memory_space<vmem>>, vector<16xf32>,
          %get3A_1114 = arith.index_cast %scan3A_1099 : i32 to index
          %get3A_1115 = arith.constant 32 : index
          %get3A_1116 = tpu.vector_load %arg12[%get3A_1114, %get3A_1115] {strides = array<i32>} : memref<128x64xf32, #tpu.memory_space<vmem>>, vector<16xf32>,
          %mul3A_1117 = arith.mulf %get3A_1116, %get3A_1 : vector<16xf32>
          %swap3A_1118 = arith.index_cast %scan3A_1099 : i32 to index
          %swap3A_1119 = arith.constant 32 : index
          %swap3A_1120 = tpu.vector_load %arg12[%swap3A_1118, %swap3A_1119] {strides = array<i32>} : memref<128x64xf32, #tpu.memory_space<vmem>>, vector<16xf32>,
          tpu.vector_store %arg12[%swap3A_1118, %swap3A_1119], %mul3A_1117 {strides = array<i32>} : memref<128x64xf32, #tpu.memory_space<vmem>>, vector<16xf32>,
          %get3A_1121 = arith.index_cast %scan3A_1099 : i32 to index
          %get3A_1122 = arith.constant 48 : index
          %get3A_1123 = tpu.vector_load %arg12[%get3A_1121, %get3A_1122] {strides = array<i32>} : memref<128x64xf32, #tpu.memory_space<vmem>>, vector<16xf32>,
          %mul3A_1124 = arith.mulf %get3A_1123, %get3A_1 : vector<16xf32>
          %swap3A_1125 = arith.index_cast %scan3A_1099 : i32 to index
          %swap3A_1126 = arith.constant 48 : index
          %swap3A_1127 = tpu.vector_load %arg12[%swap3A_1125, %swap3A_1126] {strides = array<i32>} : memref<128x64xf32, #tpu.memory_space<vmem>>, vector<16xf32>,
          tpu.vector_store %arg12[%swap3A_1125, %swap3A_1126], %mul3A_1124 {strides = array<i32>} : memref<128x64xf32, #tpu.memory_space<vmem>>, vector<16xf32>,
        }
        %scan3A_1098 = arith.constant 128 : i32
      } else {
      }
      "tpu.region"() ({
        %run_scoped3A = tpu.sem_alloc : memref<!tpu.dma_semaphore, #tpu.memory_space<semaphore_mem>>
        %dma_start3A_1093 = arith.constant 0 : i32
        %dma_start3A_1094 = arith.constant 0 : i32
        %dma_start3A_1095 = tpu.memref_slice %arg15[%dma_start3A_1093, %dma_start3A_1094] : memref<10016x64xf32, #tpu.memory_space<vmem_shared>> -> memref<10016x64xf32, #tpu.memory_space<vmem_shared>>
        tpu.enqueue_indirect_dma source(%arg12 : memref<128x64xf32, #tpu.memory_space<vmem>>) target(%dma_start3A_1095 : memref<10016x64xf32, #tpu.memory_space<vmem_shared>>) offsets(%arg11 : memref<128xi32, #tpu.memory_space<vmem>>) semaphore(%run_scoped3A : memref<!tpu.dma_semaphore, #tpu.memory_space<semaphore_mem>>) {add = true}
        %dma_wait3A_1096 = arith.constant 0 : i32
        %dma_wait3A_1097 = arith.constant 0 : i32
        %dma_wait3A_1098 = tpu.memref_slice %arg15[%dma_wait3A_1096, %dma_wait3A_1097] : memref<10016x64xf32, #tpu.memory_space<vmem_shared>> -> memref<10016x64xf32, #tpu.memory_space<vmem_shared>>
        tpu.wait_indirect_dma semaphore(%run_scoped3A : memref<!tpu.dma_semaphore, #tpu.memory_space<semaphore_mem>>) src(%arg12 : memref<128x64xf32, #tpu.memory_space<vmem>>) dst(%dma_wait3A_1098 : memref<10016x64xf32, #tpu.memory_space<vmem_shared>>)
        tpu.yield
      }) : () -> ()
    }
    %while3A_734 = arith.constant 1 : i32
    scf.for %while3A_953 = %while3A_732 to %while3A_728 step %while3A_734  : i32 {
      %mul3A_954 = arith.constant 128 : i32
      %mul3A_955 = arith.muli %while3A_953, %mul3A_954 : i32
      %add3A_956 = arith.constant 0 : i32
      %add3A_957 = arith.addi %mul3A_955, %add3A_956 : i32
      %get3A_958 = arith.index_cast %add3A_957 : i32 to index
      %get3A_959 = tpu.vector_load %arg8[%get3A_958] {strides = array<i32>} : memref<1168xi32, #tpu.memory_space<vmem>>, vector<16xi32>,
      %swap3A_960 = arith.constant 0 : index
      %swap3A_961 = tpu.vector_load %arg10[%swap3A_960] {strides = array<i32>} : memref<128xi32, #tpu.memory_space<vmem>>, vector<16xi32>,
      tpu.vector_store %arg10[%swap3A_960], %get3A_959 {strides = array<i32>} : memref<128xi32, #tpu.memory_space<vmem>>, vector<16xi32>,
      %mul3A_962 = arith.constant 128 : i32
      %mul3A_963 = arith.muli %while3A_953, %mul3A_962 : i32
      %add3A_964 = arith.constant 0 : i32
      %add3A_965 = arith.addi %mul3A_963, %add3A_964 : i32
      %get3A_966 = arith.index_cast %add3A_965 : i32 to index
      %get3A_967 = tpu.vector_load %arg9[%get3A_966] {strides = array<i32>} : memref<1168xi32, #tpu.memory_space<vmem>>, vector<16xi32>,
      %swap3A_968 = arith.constant 0 : index
      %swap3A_969 = tpu.vector_load %arg11[%swap3A_968] {strides = array<i32>} : memref<128xi32, #tpu.memory_space<vmem>>, vector<16xi32>,
      tpu.vector_store %arg11[%swap3A_968], %get3A_967 {strides = array<i32>} : memref<128xi32, #tpu.memory_space<vmem>>, vector<16xi32>,
      %mul3A_970 = arith.constant 128 : i32
      %mul3A_971 = arith.muli %while3A_953, %mul3A_970 : i32
      %add3A_972 = arith.constant 16 : i32
      %add3A_973 = arith.addi %mul3A_971, %add3A_972 : i32
      %get3A_974 = arith.index_cast %add3A_973 : i32 to index
      %get3A_975 = tpu.vector_load %arg8[%get3A_974] {strides = array<i32>} : memref<1168xi32, #tpu.memory_space<vmem>>, vector<16xi32>,
      %swap3A_976 = arith.constant 16 : index
      %swap3A_977 = tpu.vector_load %arg10[%swap3A_976] {strides = array<i32>} : memref<128xi32, #tpu.memory_space<vmem>>, vector<16xi32>,
      tpu.vector_store %arg10[%swap3A_976], %get3A_975 {strides = array<i32>} : memref<128xi32, #tpu.memory_space<vmem>>, vector<16xi32>,
      %mul3A_978 = arith.constant 128 : i32
      %mul3A_979 = arith.muli %while3A_953, %mul3A_978 : i32
      %add3A_980 = arith.constant 16 : i32
      %add3A_981 = arith.addi %mul3A_979, %add3A_980 : i32
      %get3A_982 = arith.index_cast %add3A_981 : i32 to index
      %get3A_983 = tpu.vector_load %arg9[%get3A_982] {strides = array<i32>} : memref<1168xi32, #tpu.memory_space<vmem>>, vector<16xi32>,
      %swap3A_984 = arith.constant 16 : index
      %swap3A_985 = tpu.vector_load %arg11[%swap3A_984] {strides = array<i32>} : memref<128xi32, #tpu.memory_space<vmem>>, vector<16xi32>,
      tpu.vector_store %arg11[%swap3A_984], %get3A_983 {strides = array<i32>} : memref<128xi32, #tpu.memory_space<vmem>>, vector<16xi32>,
      %mul3A_986 = arith.constant 128 : i32
      %mul3A_987 = arith.muli %while3A_953, %mul3A_986 : i32
      %add3A_988 = arith.constant 32 : i32
      %add3A_989 = arith.addi %mul3A_987, %add3A_988 : i32
      %get3A_990 = arith.index_cast %add3A_989 : i32 to index
      %get3A_991 = tpu.vector_load %arg8[%get3A_990] {strides = array<i32>} : memref<1168xi32, #tpu.memory_space<vmem>>, vector<16xi32>,
      %swap3A_992 = arith.constant 32 : index
      %swap3A_993 = tpu.vector_load %arg10[%swap3A_992] {strides = array<i32>} : memref<128xi32, #tpu.memory_space<vmem>>, vector<16xi32>,
      tpu.vector_store %arg10[%swap3A_992], %get3A_991 {strides = array<i32>} : memref<128xi32, #tpu.memory_space<vmem>>, vector<16xi32>,
      %mul3A_994 = arith.constant 128 : i32
      %mul3A_995 = arith.muli %while3A_953, %mul3A_994 : i32
      %add3A_996 = arith.constant 32 : i32
      %add3A_997 = arith.addi %mul3A_995, %add3A_996 : i32
      %get3A_998 = arith.index_cast %add3A_997 : i32 to index
      %get3A_999 = tpu.vector_load %arg9[%get3A_998] {strides = array<i32>} : memref<1168xi32, #tpu.memory_space<vmem>>, vector<16xi32>,
      %swap3A_1000 = arith.constant 32 : index
      %swap3A_1001 = tpu.vector_load %arg11[%swap3A_1000] {strides = array<i32>} : memref<128xi32, #tpu.memory_space<vmem>>, vector<16xi32>,
      tpu.vector_store %arg11[%swap3A_1000], %get3A_999 {strides = array<i32>} : memref<128xi32, #tpu.memory_space<vmem>>, vector<16xi32>,
      %mul3A_1002 = arith.constant 128 : i32
      %mul3A_1003 = arith.muli %while3A_953, %mul3A_1002 : i32
      %add3A_1004 = arith.constant 48 : i32
      %add3A_1005 = arith.addi %mul3A_1003, %add3A_1004 : i32
      %get3A_1006 = arith.index_cast %add3A_1005 : i32 to index
      %get3A_1007 = tpu.vector_load %arg8[%get3A_1006] {strides = array<i32>} : memref<1168xi32, #tpu.memory_space<vmem>>, vector<16xi32>,
      %swap3A_1008 = arith.constant 48 : index
      %swap3A_1009 = tpu.vector_load %arg10[%swap3A_1008] {strides = array<i32>} : memref<128xi32, #tpu.memory_space<vmem>>, vector<16xi32>,
      tpu.vector_store %arg10[%swap3A_1008], %get3A_1007 {strides = array<i32>} : memref<128xi32, #tpu.memory_space<vmem>>, vector<16xi32>,
      %mul3A_1010 = arith.constant 128 : i32
      %mul3A_1011 = arith.muli %while3A_953, %mul3A_1010 : i32
      %add3A_1012 = arith.constant 48 : i32
      %add3A_1013 = arith.addi %mul3A_1011, %add3A_1012 : i32
      %get3A_1014 = arith.index_cast %add3A_1013 : i32 to index
      %get3A_1015 = tpu.vector_load %arg9[%get3A_1014] {strides = array<i32>} : memref<1168xi32, #tpu.memory_space<vmem>>, vector<16xi32>,
      %swap3A_1016 = arith.constant 48 : index
      %swap3A_1017 = tpu.vector_load %arg11[%swap3A_1016] {strides = array<i32>} : memref<128xi32, #tpu.memory_space<vmem>>, vector<16xi32>,
      tpu.vector_store %arg11[%swap3A_1016], %get3A_1015 {strides = array<i32>} : memref<128xi32, #tpu.memory_space<vmem>>, vector<16xi32>,
      %mul3A_1018 = arith.constant 128 : i32
      %mul3A_1019 = arith.muli %while3A_953, %mul3A_1018 : i32
      %add3A_1020 = arith.constant 64 : i32
      %add3A_1021 = arith.addi %mul3A_1019, %add3A_1020 : i32
      %get3A_1022 = arith.index_cast %add3A_1021 : i32 to index
      %get3A_1023 = tpu.vector_load %arg8[%get3A_1022] {strides = array<i32>} : memref<1168xi32, #tpu.memory_space<vmem>>, vector<16xi32>,
      %swap3A_1024 = arith.constant 64 : index
      %swap3A_1025 = tpu.vector_load %arg10[%swap3A_1024] {strides = array<i32>} : memref<128xi32, #tpu.memory_space<vmem>>, vector<16xi32>,
      tpu.vector_store %arg10[%swap3A_1024], %get3A_1023 {strides = array<i32>} : memref<128xi32, #tpu.memory_space<vmem>>, vector<16xi32>,
      %mul3A_1026 = arith.constant 128 : i32
      %mul3A_1027 = arith.muli %while3A_953, %mul3A_1026 : i32
      %add3A_1028 = arith.constant 64 : i32
      %add3A_1029 = arith.addi %mul3A_1027, %add3A_1028 : i32
      %get3A_1030 = arith.index_cast %add3A_1029 : i32 to index
      %get3A_1031 = tpu.vector_load %arg9[%get3A_1030] {strides = array<i32>} : memref<1168xi32, #tpu.memory_space<vmem>>, vector<16xi32>,
      %swap3A_1032 = arith.constant 64 : index
      %swap3A_1033 = tpu.vector_load %arg11[%swap3A_1032] {strides = array<i32>} : memref<128xi32, #tpu.memory_space<vmem>>, vector<16xi32>,
      tpu.vector_store %arg11[%swap3A_1032], %get3A_1031 {strides = array<i32>} : memref<128xi32, #tpu.memory_space<vmem>>, vector<16xi32>,
      %mul3A_1034 = arith.constant 128 : i32
      %mul3A_1035 = arith.muli %while3A_953, %mul3A_1034 : i32
      %add3A_1036 = arith.constant 80 : i32
      %add3A_1037 = arith.addi %mul3A_1035, %add3A_1036 : i32
      %get3A_1038 = arith.index_cast %add3A_1037 : i32 to index
      %get3A_1039 = tpu.vector_load %arg8[%get3A_1038] {strides = array<i32>} : memref<1168xi32, #tpu.memory_space<vmem>>, vector<16xi32>,
      %swap3A_1040 = arith.constant 80 : index
      %swap3A_1041 = tpu.vector_load %arg10[%swap3A_1040] {strides = array<i32>} : memref<128xi32, #tpu.memory_space<vmem>>, vector<16xi32>,
      tpu.vector_store %arg10[%swap3A_1040], %get3A_1039 {strides = array<i32>} : memref<128xi32, #tpu.memory_space<vmem>>, vector<16xi32>,
      %mul3A_1042 = arith.constant 128 : i32
      %mul3A_1043 = arith.muli %while3A_953, %mul3A_1042 : i32
      %add3A_1044 = arith.constant 80 : i32
      %add3A_1045 = arith.addi %mul3A_1043, %add3A_1044 : i32
      %get3A_1046 = arith.index_cast %add3A_1045 : i32 to index
      %get3A_1047 = tpu.vector_load %arg9[%get3A_1046] {strides = array<i32>} : memref<1168xi32, #tpu.memory_space<vmem>>, vector<16xi32>,
      %swap3A_1048 = arith.constant 80 : index
      %swap3A_1049 = tpu.vector_load %arg11[%swap3A_1048] {strides = array<i32>} : memref<128xi32, #tpu.memory_space<vmem>>, vector<16xi32>,
      tpu.vector_store %arg11[%swap3A_1048], %get3A_1047 {strides = array<i32>} : memref<128xi32, #tpu.memory_space<vmem>>, vector<16xi32>,
      %mul3A_1050 = arith.constant 128 : i32
      %mul3A_1051 = arith.muli %while3A_953, %mul3A_1050 : i32
      %add3A_1052 = arith.constant 96 : i32
      %add3A_1053 = arith.addi %mul3A_1051, %add3A_1052 : i32
      %get3A_1054 = arith.index_cast %add3A_1053 : i32 to index
      %get3A_1055 = tpu.vector_load %arg8[%get3A_1054] {strides = array<i32>} : memref<1168xi32, #tpu.memory_space<vmem>>, vector<16xi32>,
      %swap3A_1056 = arith.constant 96 : index
      %swap3A_1057 = tpu.vector_load %arg10[%swap3A_1056] {strides = array<i32>} : memref<128xi32, #tpu.memory_space<vmem>>, vector<16xi32>,
      tpu.vector_store %arg10[%swap3A_1056], %get3A_1055 {strides = array<i32>} : memref<128xi32, #tpu.memory_space<vmem>>, vector<16xi32>,
      %mul3A_1058 = arith.constant 128 : i32
      %mul3A_1059 = arith.muli %while3A_953, %mul3A_1058 : i32
      %add3A_1060 = arith.constant 96 : i32
      %add3A_1061 = arith.addi %mul3A_1059, %add3A_1060 : i32
      %get3A_1062 = arith.index_cast %add3A_1061 : i32 to index
      %get3A_1063 = tpu.vector_load %arg9[%get3A_1062] {strides = array<i32>} : memref<1168xi32, #tpu.memory_space<vmem>>, vector<16xi32>,
      %swap3A_1064 = arith.constant 96 : index
      %swap3A_1065 = tpu.vector_load %arg11[%swap3A_1064] {strides = array<i32>} : memref<128xi32, #tpu.memory_space<vmem>>, vector<16xi32>,
      tpu.vector_store %arg11[%swap3A_1064], %get3A_1063 {strides = array<i32>} : memref<128xi32, #tpu.memory_space<vmem>>, vector<16xi32>,
      %mul3A_1066 = arith.constant 128 : i32
      %mul3A_1067 = arith.muli %while3A_953, %mul3A_1066 : i32
      %add3A_1068 = arith.constant 112 : i32
      %add3A_1069 = arith.addi %mul3A_1067, %add3A_1068 : i32
      %get3A_1070 = arith.index_cast %add3A_1069 : i32 to index
      %get3A_1071 = tpu.vector_load %arg8[%get3A_1070] {strides = array<i32>} : memref<1168xi32, #tpu.memory_space<vmem>>, vector<16xi32>,
      %swap3A_1072 = arith.constant 112 : index
      %swap3A_1073 = tpu.vector_load %arg10[%swap3A_1072] {strides = array<i32>} : memref<128xi32, #tpu.memory_space<vmem>>, vector<16xi32>,
      tpu.vector_store %arg10[%swap3A_1072], %get3A_1071 {strides = array<i32>} : memref<128xi32, #tpu.memory_space<vmem>>, vector<16xi32>,
      %mul3A_1074 = arith.constant 128 : i32
      %mul3A_1075 = arith.muli %while3A_953, %mul3A_1074 : i32
      %add3A_1076 = arith.constant 112 : i32
      %add3A_1077 = arith.addi %mul3A_1075, %add3A_1076 : i32
      %get3A_1078 = arith.index_cast %add3A_1077 : i32 to index
      %get3A_1079 = tpu.vector_load %arg9[%get3A_1078] {strides = array<i32>} : memref<1168xi32, #tpu.memory_space<vmem>>, vector<16xi32>,
      %swap3A_1080 = arith.constant 112 : index
      %swap3A_1081 = tpu.vector_load %arg11[%swap3A_1080] {strides = array<i32>} : memref<128xi32, #tpu.memory_space<vmem>>, vector<16xi32>,
      tpu.vector_store %arg11[%swap3A_1080], %get3A_1079 {strides = array<i32>} : memref<128xi32, #tpu.memory_space<vmem>>, vector<16xi32>,
      %dma_start3A_1082 = arith.constant 0 : i32
      %dma_start3A_1083 = arith.constant 0 : i32
      %dma_start3A_1084 = tpu.memref_slice %arg4[%dma_start3A_1082, %dma_start3A_1083] : memref<16384x64xf32, #tpu.memory_space<hbm>> -> memref<16384x64xf32, #tpu.memory_space<hbm>>
      tpu.enqueue_indirect_dma source(%dma_start3A_1084 : memref<16384x64xf32, #tpu.memory_space<hbm>>) target(%arg12 : memref<128x64xf32, #tpu.memory_space<vmem>>) offsets(%arg10 : memref<128xi32, #tpu.memory_space<vmem>>) semaphore(%arg17 : memref<!tpu.dma_semaphore, #tpu.memory_space<semaphore_mem>>)
      %dma_wait3A_1085 = arith.constant 0 : i32
      %dma_wait3A_1086 = arith.constant 0 : i32
      %dma_wait3A_1087 = tpu.memref_slice %arg4[%dma_wait3A_1085, %dma_wait3A_1086] : memref<16384x64xf32, #tpu.memory_space<hbm>> -> memref<16384x64xf32, #tpu.memory_space<hbm>>
      tpu.wait_indirect_dma semaphore(%arg17 : memref<!tpu.dma_semaphore, #tpu.memory_space<semaphore_mem>>) src(%dma_wait3A_1087 : memref<16384x64xf32, #tpu.memory_space<hbm>>) dst(%arg12 : memref<128x64xf32, #tpu.memory_space<vmem>>)
      %ne3A_1088 = arith.constant 1.000000e+00 : f32
      %ne3A_1089 = arith.cmpf one, %squeeze3A, %ne3A_1088 : f32
      %convert_element_type3A_1090 = arith.extui %ne3A_1089 : i1 to i32
      %cond3A_1091 = arith.constant 0 : i32
      %cond3A_1092 = arith.cmpi ne, %convert_element_type3A_1090, %cond3A_1091 : i32
      scf.if %cond3A_1092 {
        %scan3A_1093 = arith.constant 0 : i32
        %scan3A_1094 = arith.constant 0 : i32
        %scan3A_1095 = arith.constant 128 : i32
        %scan3A_1096 = arith.addi %scan3A_1094, %scan3A_1095 : i32
        %scan3A_1097 = arith.constant 1 : i32
        scf.for %scan3A_1099 = %scan3A_1094 to %scan3A_1096 step %scan3A_1097  : i32 {
          %get3A_1100 = arith.index_cast %scan3A_1099 : i32 to index
          %get3A_1101 = arith.constant 0 : index
          %get3A_1102 = tpu.vector_load %arg12[%get3A_1100, %get3A_1101] {strides = array<i32>} : memref<128x64xf32, #tpu.memory_space<vmem>>, vector<16xf32>,
          %mul3A_1103 = arith.mulf %get3A_1102, %get3A_1 : vector<16xf32>
          %swap3A_1104 = arith.index_cast %scan3A_1099 : i32 to index
          %swap3A_1105 = arith.constant 0 : index
          %swap3A_1106 = tpu.vector_load %arg12[%swap3A_1104, %swap3A_1105] {strides = array<i32>} : memref<128x64xf32, #tpu.memory_space<vmem>>, vector<16xf32>,
          tpu.vector_store %arg12[%swap3A_1104, %swap3A_1105], %mul3A_1103 {strides = array<i32>} : memref<128x64xf32, #tpu.memory_space<vmem>>, vector<16xf32>,
          %get3A_1107 = arith.index_cast %scan3A_1099 : i32 to index
          %get3A_1108 = arith.constant 16 : index
          %get3A_1109 = tpu.vector_load %arg12[%get3A_1107, %get3A_1108] {strides = array<i32>} : memref<128x64xf32, #tpu.memory_space<vmem>>, vector<16xf32>,
          %mul3A_1110 = arith.mulf %get3A_1109, %get3A_1 : vector<16xf32>
          %swap3A_1111 = arith.index_cast %scan3A_1099 : i32 to index
          %swap3A_1112 = arith.constant 16 : index
          %swap3A_1113 = tpu.vector_load %arg12[%swap3A_1111, %swap3A_1112] {strides = array<i32>} : memref<128x64xf32, #tpu.memory_space<vmem>>, vector<16xf32>,
          tpu.vector_store %arg12[%swap3A_1111, %swap3A_1112], %mul3A_1110 {strides = array<i32>} : memref<128x64xf32, #tpu.memory_space<vmem>>, vector<16xf32>,
          %get3A_1114 = arith.index_cast %scan3A_1099 : i32 to index
          %get3A_1115 = arith.constant 32 : index
          %get3A_1116 = tpu.vector_load %arg12[%get3A_1114, %get3A_1115] {strides = array<i32>} : memref<128x64xf32, #tpu.memory_space<vmem>>, vector<16xf32>,
          %mul3A_1117 = arith.mulf %get3A_1116, %get3A_1 : vector<16xf32>
          %swap3A_1118 = arith.index_cast %scan3A_1099 : i32 to index
          %swap3A_1119 = arith.constant 32 : index
          %swap3A_1120 = tpu.vector_load %arg12[%swap3A_1118, %swap3A_1119] {strides = array<i32>} : memref<128x64xf32, #tpu.memory_space<vmem>>, vector<16xf32>,
          tpu.vector_store %arg12[%swap3A_1118, %swap3A_1119], %mul3A_1117 {strides = array<i32>} : memref<128x64xf32, #tpu.memory_space<vmem>>, vector<16xf32>,
          %get3A_1121 = arith.index_cast %scan3A_1099 : i32 to index
          %get3A_1122 = arith.constant 48 : index
          %get3A_1123 = tpu.vector_load %arg12[%get3A_1121, %get3A_1122] {strides = array<i32>} : memref<128x64xf32, #tpu.memory_space<vmem>>, vector<16xf32>,
          %mul3A_1124 = arith.mulf %get3A_1123, %get3A_1 : vector<16xf32>
          %swap3A_1125 = arith.index_cast %scan3A_1099 : i32 to index
          %swap3A_1126 = arith.constant 48 : index
          %swap3A_1127 = tpu.vector_load %arg12[%swap3A_1125, %swap3A_1126] {strides = array<i32>} : memref<128x64xf32, #tpu.memory_space<vmem>>, vector<16xf32>,
          tpu.vector_store %arg12[%swap3A_1125, %swap3A_1126], %mul3A_1124 {strides = array<i32>} : memref<128x64xf32, #tpu.memory_space<vmem>>, vector<16xf32>,
        }
        %scan3A_1098 = arith.constant 128 : i32
      } else {
      }
      "tpu.region"() ({
        %run_scoped3A = tpu.sem_alloc : memref<!tpu.dma_semaphore, #tpu.memory_space<semaphore_mem>>
        %dma_start3A_1093 = arith.constant 0 : i32
        %dma_start3A_1094 = arith.constant 0 : i32
        %dma_start3A_1095 = tpu.memref_slice %arg15[%dma_start3A_1093, %dma_start3A_1094] : memref<10016x64xf32, #tpu.memory_space<vmem_shared>> -> memref<10016x64xf32, #tpu.memory_space<vmem_shared>>
        tpu.enqueue_indirect_dma source(%arg12 : memref<128x64xf32, #tpu.memory_space<vmem>>) target(%dma_start3A_1095 : memref<10016x64xf32, #tpu.memory_space<vmem_shared>>) offsets(%arg11 : memref<128xi32, #tpu.memory_space<vmem>>) semaphore(%run_scoped3A : memref<!tpu.dma_semaphore, #tpu.memory_space<semaphore_mem>>) {add = true}
        %dma_wait3A_1096 = arith.constant 0 : i32
        %dma_wait3A_1097 = arith.constant 0 : i32
        %dma_wait3A_1098 = tpu.memref_slice %arg15[%dma_wait3A_1096, %dma_wait3A_1097] : memref<10016x64xf32, #tpu.memory_space<vmem_shared>> -> memref<10016x64xf32, #tpu.memory_space<vmem_shared>>
        tpu.wait_indirect_dma semaphore(%run_scoped3A : memref<!tpu.dma_semaphore, #tpu.memory_space<semaphore_mem>>) src(%arg12 : memref<128x64xf32, #tpu.memory_space<vmem>>) dst(%dma_wait3A_1098 : memref<10016x64xf32, #tpu.memory_space<vmem_shared>>)
        tpu.yield
      }) : () -> ()
    }
    %barrier3A_735 = arith.constant 0 : index
    tpu.barrier barrier_id(%barrier3A_735)
    %mul3A_736 = arith.constant 624 : i32
    %mul3A_737 = arith.muli %arg1, %mul3A_736 : i32
    %add3A_738 = arith.addi %mul3A_582, %mul3A_737 : i32
    %multiple_of3A_739 = tpu.assume_multiple %add3A_738, 8 : i32
    %mul3A_740 = arith.constant 624 : i32
    %mul3A_741 = arith.muli %arg1, %mul3A_740 : i32
    %dma_start3A_742 = arith.constant 0 : i32
    %dma_start3A_743 = tpu.memref_slice %arg6[%multiple_of3A_739, %dma_start3A_742] : memref<100000x64xf32, #tpu.memory_space<hbm>> -> memref<624x64xf32, #tpu.memory_space<hbm>>
    %dma_start3A_744 = arith.constant 0 : i32
    %dma_start3A_745 = tpu.memref_slice %arg15[%mul3A_741, %dma_start3A_744] : memref<10016x64xf32, #tpu.memory_space<vmem_shared>> -> memref<624x64xf32, #tpu.memory_space<vmem_shared>>
    tpu.enqueue_dma source(%dma_start3A_745 : memref<624x64xf32, #tpu.memory_space<vmem_shared>>) target(%dma_start3A_743 : memref<624x64xf32, #tpu.memory_space<hbm>>) target_semaphore(%arg19 : memref<!tpu.dma_semaphore, #tpu.memory_space<semaphore_mem>>)
    %eq3A_746 = arith.constant 0 : i32
    %eq3A_747 = arith.cmpi eq, %arg1, %eq3A_746 : i32
    %convert_element_type3A_748 = arith.extui %eq3A_747 : i1 to i32
    %cond3A_749 = arith.constant 0 : i32
    %cond3A_750 = arith.cmpi ne, %convert_element_type3A_748, %cond3A_749 : i32
    scf.if %cond3A_750 {
      %add3A_953 = arith.constant 9984 : i32
      %add3A_954 = arith.addi %mul3A_582, %add3A_953 : i32
      %multiple_of3A_955 = tpu.assume_multiple %add3A_954, 8 : i32
      "tpu.region"() ({
        %run_scoped3A = tpu.sem_alloc : memref<!tpu.dma_semaphore, #tpu.memory_space<semaphore_mem>>
        %dma_start3A_956 = arith.constant 0 : i32
        %dma_start3A_957 = tpu.memref_slice %arg6[%multiple_of3A_955, %dma_start3A_956] : memref<100000x64xf32, #tpu.memory_space<hbm>> -> memref<16x64xf32, #tpu.memory_space<hbm>>
        %dma_start3A_958 = arith.constant 9984 : i32
        %dma_start3A_959 = arith.constant 0 : i32
        %dma_start3A_960 = tpu.memref_slice %arg15[%dma_start3A_958, %dma_start3A_959] : memref<10016x64xf32, #tpu.memory_space<vmem_shared>> -> memref<16x64xf32, #tpu.memory_space<vmem_shared>>
        tpu.enqueue_dma source(%dma_start3A_960 : memref<16x64xf32, #tpu.memory_space<vmem_shared>>) target(%dma_start3A_957 : memref<16x64xf32, #tpu.memory_space<hbm>>) target_semaphore(%run_scoped3A : memref<!tpu.dma_semaphore, #tpu.memory_space<semaphore_mem>>)
        %dma_wait3A_961 = arith.constant 0 : i32
        %dma_wait3A_962 = tpu.memref_slice %arg6[%multiple_of3A_955, %dma_wait3A_961] : memref<100000x64xf32, #tpu.memory_space<hbm>> -> memref<16x64xf32, #tpu.memory_space<hbm>>
        %dma_wait3A_963 = arith.constant 9984 : i32
        %dma_wait3A_964 = arith.constant 0 : i32
        %dma_wait3A_965 = tpu.memref_slice %arg15[%dma_wait3A_963, %dma_wait3A_964] : memref<10016x64xf32, #tpu.memory_space<vmem_shared>> -> memref<16x64xf32, #tpu.memory_space<vmem_shared>>
        tpu.wait_dma2 semaphore(%run_scoped3A : memref<!tpu.dma_semaphore, #tpu.memory_space<semaphore_mem>>) src(%dma_wait3A_965 : memref<16x64xf32, #tpu.memory_space<vmem_shared>>) dst(%dma_wait3A_962 : memref<16x64xf32, #tpu.memory_space<hbm>>)
        tpu.yield
      }) : () -> ()
    } else {
    }
    %dma_wait3A_751 = arith.constant 0 : i32
    %dma_wait3A_752 = tpu.memref_slice %arg6[%multiple_of3A_545, %dma_wait3A_751] : memref<100000x64xf32, #tpu.memory_space<hbm>> -> memref<624x64xf32, #tpu.memory_space<hbm>>
    %dma_wait3A_753 = arith.constant 0 : i32
    %dma_wait3A_754 = tpu.memref_slice %arg14[%mul3A_547, %dma_wait3A_753] : memref<10016x64xf32, #tpu.memory_space<vmem_shared>> -> memref<624x64xf32, #tpu.memory_space<vmem_shared>>
    tpu.wait_dma2 semaphore(%arg18 : memref<!tpu.dma_semaphore, #tpu.memory_space<semaphore_mem>>) src(%dma_wait3A_754 : memref<624x64xf32, #tpu.memory_space<vmem_shared>>) dst(%dma_wait3A_752 : memref<624x64xf32, #tpu.memory_space<hbm>>)
    %mul3A_755 = arith.constant 5 : i32
    %mul3A_756 = arith.muli %arg0, %mul3A_755 : i32
    %add3A_757 = arith.constant 4 : i32
    %add3A_758 = arith.addi %mul3A_756, %add3A_757 : i32
    %mul3A_759 = arith.constant 10000 : i32
    %mul3A_760 = arith.muli %add3A_758, %mul3A_759 : i32
    %mul3A_761 = arith.constant 624 : i32
    %mul3A_762 = arith.muli %arg1, %mul3A_761 : i32
    %add3A_763 = arith.addi %mul3A_760, %mul3A_762 : i32
    %multiple_of3A_764 = tpu.assume_multiple %add3A_763, 8 : i32
    %mul3A_765 = arith.constant 624 : i32
    %mul3A_766 = arith.muli %arg1, %mul3A_765 : i32
    %dma_start3A_767 = arith.constant 0 : i32
    %dma_start3A_768 = tpu.memref_slice %arg14[%mul3A_766, %dma_start3A_767] : memref<10016x64xf32, #tpu.memory_space<vmem_shared>> -> memref<624x64xf32, #tpu.memory_space<vmem_shared>>
    %dma_start3A_769 = arith.constant 0 : i32
    %dma_start3A_770 = tpu.memref_slice %arg2[%multiple_of3A_764, %dma_start3A_769] : memref<100000x64xf32, #tpu.memory_space<hbm>> -> memref<624x64xf32, #tpu.memory_space<hbm>>
    tpu.enqueue_dma source(%dma_start3A_770 : memref<624x64xf32, #tpu.memory_space<hbm>>) target(%dma_start3A_768 : memref<624x64xf32, #tpu.memory_space<vmem_shared>>) target_semaphore(%arg16 : memref<!tpu.dma_semaphore, #tpu.memory_space<semaphore_mem>>)
    %mul3A_771 = arith.constant 5 : i32
    %mul3A_772 = arith.muli %arg0, %mul3A_771 : i32
    %add3A_773 = arith.constant 4 : i32
    %add3A_774 = arith.addi %mul3A_772, %add3A_773 : i32
    %mul3A_775 = arith.constant 10000 : i32
    %mul3A_776 = arith.muli %add3A_774, %mul3A_775 : i32
    %scan3A_777 = arith.constant 0 : i32
    %scan3A_778 = arith.constant 0 : i32
    %scan3A_779 = arith.constant 64 : i32
    %scan3A_780 = arith.addi %scan3A_778, %scan3A_779 : i32
    %scan3A_781 = arith.constant 1 : i32
    %scan3A_782 = scf.for %scan3A_953 = %scan3A_778 to %scan3A_780 step %scan3A_781 iter_args(%scan3A_954 = %scan3A_777) -> (i32)  : i32 {
      %mul3A_955 = arith.constant 16 : i32
      %mul3A_956 = arith.muli %scan3A_953, %mul3A_955 : i32
      %get3A_957 = arith.index_cast %mul3A_956 : i32 to index
      %get3A_958 = tpu.vector_load %arg7[%get3A_957] {strides = array<i32>} : memref<1024xi32, #tpu.memory_space<vmem>>, vector<16xi32>,
      %ge3A = vector.broadcast %mul3A_776 : i32 to vector<16xi32>
      %ge3A_959 = arith.cmpi sge, %get3A_958, %ge3A : vector<16xi32>
      %add3A_960 = arith.constant 10000 : i32
      %add3A_961 = arith.addi %mul3A_776, %add3A_960 : i32
      %lt3A = vector.broadcast %add3A_961 : i32 to vector<16xi32>
      %lt3A_962 = arith.cmpi slt, %get3A_958, %lt3A : vector<16xi32>
      %and3A_963 = arith.andi %ge3A_959, %lt3A_962 : vector<16xi1>
      %sub3A_964 = vector.broadcast %mul3A_776 : i32 to vector<16xi32>
      %sub3A_965 = arith.subi %get3A_958, %sub3A_964 : vector<16xi32>
      %swap3A_966 = arith.index_cast %scan3A_954 : i32 to index
      %swap3A_967 = tpu.vector_load %arg9[%swap3A_966] masked %and3A_963 {strides = array<i32>} : memref<1168xi32, #tpu.memory_space<vmem>>, vector<16xi32>, vector<16xi1>
      tpu.vector_store %arg9[%swap3A_966], %sub3A_965 masked %and3A_963 {strides = array<i32>} : memref<1168xi32, #tpu.memory_space<vmem>>, vector<16xi32>, vector<16xi1>
      %mul3A_968 = arith.constant 1024 : i32
      %mul3A_969 = arith.muli %arg1, %mul3A_968 : i32
      %mul3A_970 = arith.constant 16 : i32
      %mul3A_971 = arith.muli %scan3A_953, %mul3A_970 : i32
      %add3A_972 = arith.addi %mul3A_969, %mul3A_971 : i32
      %add3A_973 = vector.broadcast %add3A_972 : i32 to vector<16xi32>
      %add3A_974 = arith.addi %add3A_973, %iota3A : vector<16xi32>
      %swap3A_975 = arith.index_cast %scan3A_954 : i32 to index
      %swap3A_976 = tpu.vector_load %arg8[%swap3A_975] masked %and3A_963 {strides = array<i32>} : memref<1168xi32, #tpu.memory_space<vmem>>, vector<16xi32>, vector<16xi1>
      tpu.vector_store %arg8[%swap3A_975], %add3A_974 masked %and3A_963 {strides = array<i32>} : memref<1168xi32, #tpu.memory_space<vmem>>, vector<16xi32>, vector<16xi1>
      %convert_element_type3A_977 = arith.extui %and3A_963 : vector<16xi1> to vector<16xi32>
      %reduce_sum3A = arith.constant true
      %reduce_sum3A_978 = vector.broadcast %reduce_sum3A : i1 to vector<16xi1>
      %reduce_sum3A_979 = tpu.scan <sum>, %convert_element_type3A_977 masked %reduce_sum3A_978 : vector<16xi32>, vector<16xi1> -> vector<16xi32>
      %reduce_sum3A_980 = vector.extract %reduce_sum3A_979[15] : i32 from vector<16xi32>
      %add3A_981 = arith.addi %scan3A_954, %reduce_sum3A_980 : i32
      scf.yield %add3A_981 : i32
    }
    %scan3A_783 = arith.constant 64 : i32
    %add3A_784 = arith.constant 10000 : i32
    %add3A_785 = vector.broadcast %add3A_784 : i32 to vector<16xi32>
    %add3A_786 = arith.addi %add3A_785, %iota3A : vector<16xi32>
    %add3A_787 = arith.constant 0 : i32
    %add3A_788 = arith.addi %scan3A_782, %add3A_787 : i32
    %swap3A_789 = arith.index_cast %add3A_788 : i32 to index
    %swap3A_790 = tpu.vector_load %arg9[%swap3A_789] {strides = array<i32>} : memref<1168xi32, #tpu.memory_space<vmem>>, vector<16xi32>,
    tpu.vector_store %arg9[%swap3A_789], %add3A_786 {strides = array<i32>} : memref<1168xi32, #tpu.memory_space<vmem>>, vector<16xi32>,
    %add3A_791 = arith.constant 0 : i32
    %add3A_792 = arith.addi %scan3A_782, %add3A_791 : i32
    %swap3A_793 = arith.index_cast %add3A_792 : i32 to index
    %swap3A_794 = tpu.vector_load %arg8[%swap3A_793] {strides = array<i32>} : memref<1168xi32, #tpu.memory_space<vmem>>, vector<16xi32>,
    tpu.vector_store %arg8[%swap3A_793], %iota3A {strides = array<i32>} : memref<1168xi32, #tpu.memory_space<vmem>>, vector<16xi32>,
    %add3A_795 = arith.constant 10000 : i32
    %add3A_796 = vector.broadcast %add3A_795 : i32 to vector<16xi32>
    %add3A_797 = arith.addi %add3A_796, %iota3A : vector<16xi32>
    %add3A_798 = arith.constant 16 : i32
    %add3A_799 = arith.addi %scan3A_782, %add3A_798 : i32
    %swap3A_800 = arith.index_cast %add3A_799 : i32 to index
    %swap3A_801 = tpu.vector_load %arg9[%swap3A_800] {strides = array<i32>} : memref<1168xi32, #tpu.memory_space<vmem>>, vector<16xi32>,
    tpu.vector_store %arg9[%swap3A_800], %add3A_797 {strides = array<i32>} : memref<1168xi32, #tpu.memory_space<vmem>>, vector<16xi32>,
    %add3A_802 = arith.constant 16 : i32
    %add3A_803 = arith.addi %scan3A_782, %add3A_802 : i32
    %swap3A_804 = arith.index_cast %add3A_803 : i32 to index
    %swap3A_805 = tpu.vector_load %arg8[%swap3A_804] {strides = array<i32>} : memref<1168xi32, #tpu.memory_space<vmem>>, vector<16xi32>,
    tpu.vector_store %arg8[%swap3A_804], %iota3A {strides = array<i32>} : memref<1168xi32, #tpu.memory_space<vmem>>, vector<16xi32>,
    %add3A_806 = arith.constant 10000 : i32
    %add3A_807 = vector.broadcast %add3A_806 : i32 to vector<16xi32>
    %add3A_808 = arith.addi %add3A_807, %iota3A : vector<16xi32>
    %add3A_809 = arith.constant 32 : i32
    %add3A_810 = arith.addi %scan3A_782, %add3A_809 : i32
    %swap3A_811 = arith.index_cast %add3A_810 : i32 to index
    %swap3A_812 = tpu.vector_load %arg9[%swap3A_811] {strides = array<i32>} : memref<1168xi32, #tpu.memory_space<vmem>>, vector<16xi32>,
    tpu.vector_store %arg9[%swap3A_811], %add3A_808 {strides = array<i32>} : memref<1168xi32, #tpu.memory_space<vmem>>, vector<16xi32>,
    %add3A_813 = arith.constant 32 : i32
    %add3A_814 = arith.addi %scan3A_782, %add3A_813 : i32
    %swap3A_815 = arith.index_cast %add3A_814 : i32 to index
    %swap3A_816 = tpu.vector_load %arg8[%swap3A_815] {strides = array<i32>} : memref<1168xi32, #tpu.memory_space<vmem>>, vector<16xi32>,
    tpu.vector_store %arg8[%swap3A_815], %iota3A {strides = array<i32>} : memref<1168xi32, #tpu.memory_space<vmem>>, vector<16xi32>,
    %add3A_817 = arith.constant 10000 : i32
    %add3A_818 = vector.broadcast %add3A_817 : i32 to vector<16xi32>
    %add3A_819 = arith.addi %add3A_818, %iota3A : vector<16xi32>
    %add3A_820 = arith.constant 48 : i32
    %add3A_821 = arith.addi %scan3A_782, %add3A_820 : i32
    %swap3A_822 = arith.index_cast %add3A_821 : i32 to index
    %swap3A_823 = tpu.vector_load %arg9[%swap3A_822] {strides = array<i32>} : memref<1168xi32, #tpu.memory_space<vmem>>, vector<16xi32>,
    tpu.vector_store %arg9[%swap3A_822], %add3A_819 {strides = array<i32>} : memref<1168xi32, #tpu.memory_space<vmem>>, vector<16xi32>,
    %add3A_824 = arith.constant 48 : i32
    %add3A_825 = arith.addi %scan3A_782, %add3A_824 : i32
    %swap3A_826 = arith.index_cast %add3A_825 : i32 to index
    %swap3A_827 = tpu.vector_load %arg8[%swap3A_826] {strides = array<i32>} : memref<1168xi32, #tpu.memory_space<vmem>>, vector<16xi32>,
    tpu.vector_store %arg8[%swap3A_826], %iota3A {strides = array<i32>} : memref<1168xi32, #tpu.memory_space<vmem>>, vector<16xi32>,
    %add3A_828 = arith.constant 10000 : i32
    %add3A_829 = vector.broadcast %add3A_828 : i32 to vector<16xi32>
    %add3A_830 = arith.addi %add3A_829, %iota3A : vector<16xi32>
    %add3A_831 = arith.constant 64 : i32
    %add3A_832 = arith.addi %scan3A_782, %add3A_831 : i32
    %swap3A_833 = arith.index_cast %add3A_832 : i32 to index
    %swap3A_834 = tpu.vector_load %arg9[%swap3A_833] {strides = array<i32>} : memref<1168xi32, #tpu.memory_space<vmem>>, vector<16xi32>,
    tpu.vector_store %arg9[%swap3A_833], %add3A_830 {strides = array<i32>} : memref<1168xi32, #tpu.memory_space<vmem>>, vector<16xi32>,
    %add3A_835 = arith.constant 64 : i32
    %add3A_836 = arith.addi %scan3A_782, %add3A_835 : i32
    %swap3A_837 = arith.index_cast %add3A_836 : i32 to index
    %swap3A_838 = tpu.vector_load %arg8[%swap3A_837] {strides = array<i32>} : memref<1168xi32, #tpu.memory_space<vmem>>, vector<16xi32>,
    tpu.vector_store %arg8[%swap3A_837], %iota3A {strides = array<i32>} : memref<1168xi32, #tpu.memory_space<vmem>>, vector<16xi32>,
    %add3A_839 = arith.constant 10000 : i32
    %add3A_840 = vector.broadcast %add3A_839 : i32 to vector<16xi32>
    %add3A_841 = arith.addi %add3A_840, %iota3A : vector<16xi32>
    %add3A_842 = arith.constant 80 : i32
    %add3A_843 = arith.addi %scan3A_782, %add3A_842 : i32
    %swap3A_844 = arith.index_cast %add3A_843 : i32 to index
    %swap3A_845 = tpu.vector_load %arg9[%swap3A_844] {strides = array<i32>} : memref<1168xi32, #tpu.memory_space<vmem>>, vector<16xi32>,
    tpu.vector_store %arg9[%swap3A_844], %add3A_841 {strides = array<i32>} : memref<1168xi32, #tpu.memory_space<vmem>>, vector<16xi32>,
    %add3A_846 = arith.constant 80 : i32
    %add3A_847 = arith.addi %scan3A_782, %add3A_846 : i32
    %swap3A_848 = arith.index_cast %add3A_847 : i32 to index
    %swap3A_849 = tpu.vector_load %arg8[%swap3A_848] {strides = array<i32>} : memref<1168xi32, #tpu.memory_space<vmem>>, vector<16xi32>,
    tpu.vector_store %arg8[%swap3A_848], %iota3A {strides = array<i32>} : memref<1168xi32, #tpu.memory_space<vmem>>, vector<16xi32>,
    %add3A_850 = arith.constant 10000 : i32
    %add3A_851 = vector.broadcast %add3A_850 : i32 to vector<16xi32>
    %add3A_852 = arith.addi %add3A_851, %iota3A : vector<16xi32>
    %add3A_853 = arith.constant 96 : i32
    %add3A_854 = arith.addi %scan3A_782, %add3A_853 : i32
    %swap3A_855 = arith.index_cast %add3A_854 : i32 to index
    %swap3A_856 = tpu.vector_load %arg9[%swap3A_855] {strides = array<i32>} : memref<1168xi32, #tpu.memory_space<vmem>>, vector<16xi32>,
    tpu.vector_store %arg9[%swap3A_855], %add3A_852 {strides = array<i32>} : memref<1168xi32, #tpu.memory_space<vmem>>, vector<16xi32>,
    %add3A_857 = arith.constant 96 : i32
    %add3A_858 = arith.addi %scan3A_782, %add3A_857 : i32
    %swap3A_859 = arith.index_cast %add3A_858 : i32 to index
    %swap3A_860 = tpu.vector_load %arg8[%swap3A_859] {strides = array<i32>} : memref<1168xi32, #tpu.memory_space<vmem>>, vector<16xi32>,
    tpu.vector_store %arg8[%swap3A_859], %iota3A {strides = array<i32>} : memref<1168xi32, #tpu.memory_space<vmem>>, vector<16xi32>,
    %add3A_861 = arith.constant 10000 : i32
    %add3A_862 = vector.broadcast %add3A_861 : i32 to vector<16xi32>
    %add3A_863 = arith.addi %add3A_862, %iota3A : vector<16xi32>
    %add3A_864 = arith.constant 112 : i32
    %add3A_865 = arith.addi %scan3A_782, %add3A_864 : i32
    %swap3A_866 = arith.index_cast %add3A_865 : i32 to index
    %swap3A_867 = tpu.vector_load %arg9[%swap3A_866] {strides = array<i32>} : memref<1168xi32, #tpu.memory_space<vmem>>, vector<16xi32>,
    tpu.vector_store %arg9[%swap3A_866], %add3A_863 {strides = array<i32>} : memref<1168xi32, #tpu.memory_space<vmem>>, vector<16xi32>,
    %add3A_868 = arith.constant 112 : i32
    %add3A_869 = arith.addi %scan3A_782, %add3A_868 : i32
    %swap3A_870 = arith.index_cast %add3A_869 : i32 to index
    %swap3A_871 = tpu.vector_load %arg8[%swap3A_870] {strides = array<i32>} : memref<1168xi32, #tpu.memory_space<vmem>>, vector<16xi32>,
    tpu.vector_store %arg8[%swap3A_870], %iota3A {strides = array<i32>} : memref<1168xi32, #tpu.memory_space<vmem>>, vector<16xi32>,
    %add3A_872 = arith.constant 10000 : i32
    %add3A_873 = vector.broadcast %add3A_872 : i32 to vector<16xi32>
    %add3A_874 = arith.addi %add3A_873, %iota3A : vector<16xi32>
    %add3A_875 = arith.constant 128 : i32
    %add3A_876 = arith.addi %scan3A_782, %add3A_875 : i32
    %swap3A_877 = arith.index_cast %add3A_876 : i32 to index
    %swap3A_878 = tpu.vector_load %arg9[%swap3A_877] {strides = array<i32>} : memref<1168xi32, #tpu.memory_space<vmem>>, vector<16xi32>,
    tpu.vector_store %arg9[%swap3A_877], %add3A_874 {strides = array<i32>} : memref<1168xi32, #tpu.memory_space<vmem>>, vector<16xi32>,
    %add3A_879 = arith.constant 128 : i32
    %add3A_880 = arith.addi %scan3A_782, %add3A_879 : i32
    %swap3A_881 = arith.index_cast %add3A_880 : i32 to index
    %swap3A_882 = tpu.vector_load %arg8[%swap3A_881] {strides = array<i32>} : memref<1168xi32, #tpu.memory_space<vmem>>, vector<16xi32>,
    tpu.vector_store %arg8[%swap3A_881], %iota3A {strides = array<i32>} : memref<1168xi32, #tpu.memory_space<vmem>>, vector<16xi32>,
    %dma_wait3A_883 = arith.constant 0 : i32
    %dma_wait3A_884 = tpu.memref_slice %arg14[%mul3A_766, %dma_wait3A_883] : memref<10016x64xf32, #tpu.memory_space<vmem_shared>> -> memref<624x64xf32, #tpu.memory_space<vmem_shared>>
    %dma_wait3A_885 = arith.constant 0 : i32
    %dma_wait3A_886 = tpu.memref_slice %arg2[%multiple_of3A_764, %dma_wait3A_885] : memref<100000x64xf32, #tpu.memory_space<hbm>> -> memref<624x64xf32, #tpu.memory_space<hbm>>
    tpu.wait_dma2 semaphore(%arg16 : memref<!tpu.dma_semaphore, #tpu.memory_space<semaphore_mem>>) src(%dma_wait3A_886 : memref<624x64xf32, #tpu.memory_space<hbm>>) dst(%dma_wait3A_884 : memref<624x64xf32, #tpu.memory_space<vmem_shared>>)
    %eq3A_887 = arith.constant 0 : i32
    %eq3A_888 = arith.cmpi eq, %arg1, %eq3A_887 : i32
    %convert_element_type3A_889 = arith.extui %eq3A_888 : i1 to i32
    %cond3A_890 = arith.constant 0 : i32
    %cond3A_891 = arith.cmpi ne, %convert_element_type3A_889, %cond3A_890 : i32
    scf.if %cond3A_891 {
      %add3A_953 = arith.constant 9984 : i32
      %add3A_954 = arith.addi %mul3A_776, %add3A_953 : i32
      %multiple_of3A_955 = tpu.assume_multiple %add3A_954, 8 : i32
      "tpu.region"() ({
        %run_scoped3A = tpu.sem_alloc : memref<!tpu.dma_semaphore, #tpu.memory_space<semaphore_mem>>
        %dma_start3A_956 = arith.constant 9984 : i32
        %dma_start3A_957 = arith.constant 0 : i32
        %dma_start3A_958 = tpu.memref_slice %arg14[%dma_start3A_956, %dma_start3A_957] : memref<10016x64xf32, #tpu.memory_space<vmem_shared>> -> memref<16x64xf32, #tpu.memory_space<vmem_shared>>
        %dma_start3A_959 = arith.constant 0 : i32
        %dma_start3A_960 = tpu.memref_slice %arg2[%multiple_of3A_955, %dma_start3A_959] : memref<100000x64xf32, #tpu.memory_space<hbm>> -> memref<16x64xf32, #tpu.memory_space<hbm>>
        tpu.enqueue_dma source(%dma_start3A_960 : memref<16x64xf32, #tpu.memory_space<hbm>>) target(%dma_start3A_958 : memref<16x64xf32, #tpu.memory_space<vmem_shared>>) target_semaphore(%run_scoped3A : memref<!tpu.dma_semaphore, #tpu.memory_space<semaphore_mem>>)
        %dma_wait3A_961 = arith.constant 9984 : i32
        %dma_wait3A_962 = arith.constant 0 : i32
        %dma_wait3A_963 = tpu.memref_slice %arg14[%dma_wait3A_961, %dma_wait3A_962] : memref<10016x64xf32, #tpu.memory_space<vmem_shared>> -> memref<16x64xf32, #tpu.memory_space<vmem_shared>>
        %dma_wait3A_964 = arith.constant 0 : i32
        %dma_wait3A_965 = tpu.memref_slice %arg2[%multiple_of3A_955, %dma_wait3A_964] : memref<100000x64xf32, #tpu.memory_space<hbm>> -> memref<16x64xf32, #tpu.memory_space<hbm>>
        tpu.wait_dma2 semaphore(%run_scoped3A : memref<!tpu.dma_semaphore, #tpu.memory_space<semaphore_mem>>) src(%dma_wait3A_965 : memref<16x64xf32, #tpu.memory_space<hbm>>) dst(%dma_wait3A_963 : memref<16x64xf32, #tpu.memory_space<vmem_shared>>)
        tpu.yield
      }) : () -> ()
    } else {
    }
    %barrier3A_892 = arith.constant 0 : index
    tpu.barrier barrier_id(%barrier3A_892)
    %add3A_893 = arith.constant 127 : i32
    %add3A_894 = arith.addi %scan3A_782, %add3A_893 : i32
    %jit3A_895 = arith.constant 128 : i32
    %div3A_896 = arith.divsi %add3A_894, %jit3A_895 : i32
    %sign3A_897 = arith.constant 0 : i32
    %sign3A_898 = arith.cmpi sgt, %add3A_894, %sign3A_897 : i32
    %sign3A_899 = arith.extui %sign3A_898 : i1 to i32
    %sign3A_900 = arith.constant 0 : i32
    %sign3A_901 = arith.cmpi slt, %add3A_894, %sign3A_900 : i32
    %sign3A_902 = arith.extui %sign3A_901 : i1 to i32
    %sign3A_903 = arith.subi %sign3A_899, %sign3A_902 : i32
    %sign3A_904 = arith.constant 0 : i32
    %sign3A_905 = arith.cmpi sgt, %jit3A_895, %sign3A_904 : i32
    %sign3A_906 = arith.extui %sign3A_905 : i1 to i32
    %sign3A_907 = arith.constant 0 : i32
    %sign3A_908 = arith.cmpi slt, %jit3A_895, %sign3A_907 : i32
    %sign3A_909 = arith.extui %sign3A_908 : i1 to i32
    %sign3A_910 = arith.subi %sign3A_906, %sign3A_909 : i32
    %ne3A_911 = arith.cmpi ne, %sign3A_903, %sign3A_910 : i32
    %rem3A_912 = arith.remsi %add3A_894, %jit3A_895 : i32
    %ne3A_913 = arith.constant 0 : i32
    %ne3A_914 = arith.cmpi ne, %rem3A_912, %ne3A_913 : i32
    %and3A_915 = arith.andi %ne3A_911, %ne3A_914 : i1
    %sub3A_916 = arith.constant 1 : i32
    %sub3A_917 = arith.subi %div3A_896, %sub3A_916 : i32
    %select_n3A_918 = arith.select %and3A_915, %sub3A_917, %div3A_896 : i32
    %while3A_919 = arith.constant 0 : i32
    %while3A_920 = arith.constant 0 : i32
    %while3A_921 = arith.subi %select_n3A_918, %while3A_920 : i32
    %while3A_922 = arith.addi %while3A_920, %while3A_921 : i32
    %while3A_923 = arith.constant 1 : i32
    %while3A_924 = arith.divsi %while3A_921, %while3A_923 : i32
    %while3A_925 = arith.muli %while3A_924, %while3A_923 : i32
    %while3A_926 = arith.addi %while3A_920, %while3A_925 : i32
    %while3A_927 = arith.constant 1 : i32
    scf.for %while3A_953 = %while3A_920 to %while3A_926 step %while3A_927  : i32 {
      %mul3A_954 = arith.constant 128 : i32
      %mul3A_955 = arith.muli %while3A_953, %mul3A_954 : i32
      %add3A_956 = arith.constant 0 : i32
      %add3A_957 = arith.addi %mul3A_955, %add3A_956 : i32
      %get3A_958 = arith.index_cast %add3A_957 : i32 to index
      %get3A_959 = tpu.vector_load %arg8[%get3A_958] {strides = array<i32>} : memref<1168xi32, #tpu.memory_space<vmem>>, vector<16xi32>,
      %swap3A_960 = arith.constant 0 : index
      %swap3A_961 = tpu.vector_load %arg10[%swap3A_960] {strides = array<i32>} : memref<128xi32, #tpu.memory_space<vmem>>, vector<16xi32>,
      tpu.vector_store %arg10[%swap3A_960], %get3A_959 {strides = array<i32>} : memref<128xi32, #tpu.memory_space<vmem>>, vector<16xi32>,
      %mul3A_962 = arith.constant 128 : i32
      %mul3A_963 = arith.muli %while3A_953, %mul3A_962 : i32
      %add3A_964 = arith.constant 0 : i32
      %add3A_965 = arith.addi %mul3A_963, %add3A_964 : i32
      %get3A_966 = arith.index_cast %add3A_965 : i32 to index
      %get3A_967 = tpu.vector_load %arg9[%get3A_966] {strides = array<i32>} : memref<1168xi32, #tpu.memory_space<vmem>>, vector<16xi32>,
      %swap3A_968 = arith.constant 0 : index
      %swap3A_969 = tpu.vector_load %arg11[%swap3A_968] {strides = array<i32>} : memref<128xi32, #tpu.memory_space<vmem>>, vector<16xi32>,
      tpu.vector_store %arg11[%swap3A_968], %get3A_967 {strides = array<i32>} : memref<128xi32, #tpu.memory_space<vmem>>, vector<16xi32>,
      %mul3A_970 = arith.constant 128 : i32
      %mul3A_971 = arith.muli %while3A_953, %mul3A_970 : i32
      %add3A_972 = arith.constant 16 : i32
      %add3A_973 = arith.addi %mul3A_971, %add3A_972 : i32
      %get3A_974 = arith.index_cast %add3A_973 : i32 to index
      %get3A_975 = tpu.vector_load %arg8[%get3A_974] {strides = array<i32>} : memref<1168xi32, #tpu.memory_space<vmem>>, vector<16xi32>,
      %swap3A_976 = arith.constant 16 : index
      %swap3A_977 = tpu.vector_load %arg10[%swap3A_976] {strides = array<i32>} : memref<128xi32, #tpu.memory_space<vmem>>, vector<16xi32>,
      tpu.vector_store %arg10[%swap3A_976], %get3A_975 {strides = array<i32>} : memref<128xi32, #tpu.memory_space<vmem>>, vector<16xi32>,
      %mul3A_978 = arith.constant 128 : i32
      %mul3A_979 = arith.muli %while3A_953, %mul3A_978 : i32
      %add3A_980 = arith.constant 16 : i32
      %add3A_981 = arith.addi %mul3A_979, %add3A_980 : i32
      %get3A_982 = arith.index_cast %add3A_981 : i32 to index
      %get3A_983 = tpu.vector_load %arg9[%get3A_982] {strides = array<i32>} : memref<1168xi32, #tpu.memory_space<vmem>>, vector<16xi32>,
      %swap3A_984 = arith.constant 16 : index
      %swap3A_985 = tpu.vector_load %arg11[%swap3A_984] {strides = array<i32>} : memref<128xi32, #tpu.memory_space<vmem>>, vector<16xi32>,
      tpu.vector_store %arg11[%swap3A_984], %get3A_983 {strides = array<i32>} : memref<128xi32, #tpu.memory_space<vmem>>, vector<16xi32>,
      %mul3A_986 = arith.constant 128 : i32
      %mul3A_987 = arith.muli %while3A_953, %mul3A_986 : i32
      %add3A_988 = arith.constant 32 : i32
      %add3A_989 = arith.addi %mul3A_987, %add3A_988 : i32
      %get3A_990 = arith.index_cast %add3A_989 : i32 to index
      %get3A_991 = tpu.vector_load %arg8[%get3A_990] {strides = array<i32>} : memref<1168xi32, #tpu.memory_space<vmem>>, vector<16xi32>,
      %swap3A_992 = arith.constant 32 : index
      %swap3A_993 = tpu.vector_load %arg10[%swap3A_992] {strides = array<i32>} : memref<128xi32, #tpu.memory_space<vmem>>, vector<16xi32>,
      tpu.vector_store %arg10[%swap3A_992], %get3A_991 {strides = array<i32>} : memref<128xi32, #tpu.memory_space<vmem>>, vector<16xi32>,
      %mul3A_994 = arith.constant 128 : i32
      %mul3A_995 = arith.muli %while3A_953, %mul3A_994 : i32
      %add3A_996 = arith.constant 32 : i32
      %add3A_997 = arith.addi %mul3A_995, %add3A_996 : i32
      %get3A_998 = arith.index_cast %add3A_997 : i32 to index
      %get3A_999 = tpu.vector_load %arg9[%get3A_998] {strides = array<i32>} : memref<1168xi32, #tpu.memory_space<vmem>>, vector<16xi32>,
      %swap3A_1000 = arith.constant 32 : index
      %swap3A_1001 = tpu.vector_load %arg11[%swap3A_1000] {strides = array<i32>} : memref<128xi32, #tpu.memory_space<vmem>>, vector<16xi32>,
      tpu.vector_store %arg11[%swap3A_1000], %get3A_999 {strides = array<i32>} : memref<128xi32, #tpu.memory_space<vmem>>, vector<16xi32>,
      %mul3A_1002 = arith.constant 128 : i32
      %mul3A_1003 = arith.muli %while3A_953, %mul3A_1002 : i32
      %add3A_1004 = arith.constant 48 : i32
      %add3A_1005 = arith.addi %mul3A_1003, %add3A_1004 : i32
      %get3A_1006 = arith.index_cast %add3A_1005 : i32 to index
      %get3A_1007 = tpu.vector_load %arg8[%get3A_1006] {strides = array<i32>} : memref<1168xi32, #tpu.memory_space<vmem>>, vector<16xi32>,
      %swap3A_1008 = arith.constant 48 : index
      %swap3A_1009 = tpu.vector_load %arg10[%swap3A_1008] {strides = array<i32>} : memref<128xi32, #tpu.memory_space<vmem>>, vector<16xi32>,
      tpu.vector_store %arg10[%swap3A_1008], %get3A_1007 {strides = array<i32>} : memref<128xi32, #tpu.memory_space<vmem>>, vector<16xi32>,
      %mul3A_1010 = arith.constant 128 : i32
      %mul3A_1011 = arith.muli %while3A_953, %mul3A_1010 : i32
      %add3A_1012 = arith.constant 48 : i32
      %add3A_1013 = arith.addi %mul3A_1011, %add3A_1012 : i32
      %get3A_1014 = arith.index_cast %add3A_1013 : i32 to index
      %get3A_1015 = tpu.vector_load %arg9[%get3A_1014] {strides = array<i32>} : memref<1168xi32, #tpu.memory_space<vmem>>, vector<16xi32>,
      %swap3A_1016 = arith.constant 48 : index
      %swap3A_1017 = tpu.vector_load %arg11[%swap3A_1016] {strides = array<i32>} : memref<128xi32, #tpu.memory_space<vmem>>, vector<16xi32>,
      tpu.vector_store %arg11[%swap3A_1016], %get3A_1015 {strides = array<i32>} : memref<128xi32, #tpu.memory_space<vmem>>, vector<16xi32>,
      %mul3A_1018 = arith.constant 128 : i32
      %mul3A_1019 = arith.muli %while3A_953, %mul3A_1018 : i32
      %add3A_1020 = arith.constant 64 : i32
      %add3A_1021 = arith.addi %mul3A_1019, %add3A_1020 : i32
      %get3A_1022 = arith.index_cast %add3A_1021 : i32 to index
      %get3A_1023 = tpu.vector_load %arg8[%get3A_1022] {strides = array<i32>} : memref<1168xi32, #tpu.memory_space<vmem>>, vector<16xi32>,
      %swap3A_1024 = arith.constant 64 : index
      %swap3A_1025 = tpu.vector_load %arg10[%swap3A_1024] {strides = array<i32>} : memref<128xi32, #tpu.memory_space<vmem>>, vector<16xi32>,
      tpu.vector_store %arg10[%swap3A_1024], %get3A_1023 {strides = array<i32>} : memref<128xi32, #tpu.memory_space<vmem>>, vector<16xi32>,
      %mul3A_1026 = arith.constant 128 : i32
      %mul3A_1027 = arith.muli %while3A_953, %mul3A_1026 : i32
      %add3A_1028 = arith.constant 64 : i32
      %add3A_1029 = arith.addi %mul3A_1027, %add3A_1028 : i32
      %get3A_1030 = arith.index_cast %add3A_1029 : i32 to index
      %get3A_1031 = tpu.vector_load %arg9[%get3A_1030] {strides = array<i32>} : memref<1168xi32, #tpu.memory_space<vmem>>, vector<16xi32>,
      %swap3A_1032 = arith.constant 64 : index
      %swap3A_1033 = tpu.vector_load %arg11[%swap3A_1032] {strides = array<i32>} : memref<128xi32, #tpu.memory_space<vmem>>, vector<16xi32>,
      tpu.vector_store %arg11[%swap3A_1032], %get3A_1031 {strides = array<i32>} : memref<128xi32, #tpu.memory_space<vmem>>, vector<16xi32>,
      %mul3A_1034 = arith.constant 128 : i32
      %mul3A_1035 = arith.muli %while3A_953, %mul3A_1034 : i32
      %add3A_1036 = arith.constant 80 : i32
      %add3A_1037 = arith.addi %mul3A_1035, %add3A_1036 : i32
      %get3A_1038 = arith.index_cast %add3A_1037 : i32 to index
      %get3A_1039 = tpu.vector_load %arg8[%get3A_1038] {strides = array<i32>} : memref<1168xi32, #tpu.memory_space<vmem>>, vector<16xi32>,
      %swap3A_1040 = arith.constant 80 : index
      %swap3A_1041 = tpu.vector_load %arg10[%swap3A_1040] {strides = array<i32>} : memref<128xi32, #tpu.memory_space<vmem>>, vector<16xi32>,
      tpu.vector_store %arg10[%swap3A_1040], %get3A_1039 {strides = array<i32>} : memref<128xi32, #tpu.memory_space<vmem>>, vector<16xi32>,
      %mul3A_1042 = arith.constant 128 : i32
      %mul3A_1043 = arith.muli %while3A_953, %mul3A_1042 : i32
      %add3A_1044 = arith.constant 80 : i32
      %add3A_1045 = arith.addi %mul3A_1043, %add3A_1044 : i32
      %get3A_1046 = arith.index_cast %add3A_1045 : i32 to index
      %get3A_1047 = tpu.vector_load %arg9[%get3A_1046] {strides = array<i32>} : memref<1168xi32, #tpu.memory_space<vmem>>, vector<16xi32>,
      %swap3A_1048 = arith.constant 80 : index
      %swap3A_1049 = tpu.vector_load %arg11[%swap3A_1048] {strides = array<i32>} : memref<128xi32, #tpu.memory_space<vmem>>, vector<16xi32>,
      tpu.vector_store %arg11[%swap3A_1048], %get3A_1047 {strides = array<i32>} : memref<128xi32, #tpu.memory_space<vmem>>, vector<16xi32>,
      %mul3A_1050 = arith.constant 128 : i32
      %mul3A_1051 = arith.muli %while3A_953, %mul3A_1050 : i32
      %add3A_1052 = arith.constant 96 : i32
      %add3A_1053 = arith.addi %mul3A_1051, %add3A_1052 : i32
      %get3A_1054 = arith.index_cast %add3A_1053 : i32 to index
      %get3A_1055 = tpu.vector_load %arg8[%get3A_1054] {strides = array<i32>} : memref<1168xi32, #tpu.memory_space<vmem>>, vector<16xi32>,
      %swap3A_1056 = arith.constant 96 : index
      %swap3A_1057 = tpu.vector_load %arg10[%swap3A_1056] {strides = array<i32>} : memref<128xi32, #tpu.memory_space<vmem>>, vector<16xi32>,
      tpu.vector_store %arg10[%swap3A_1056], %get3A_1055 {strides = array<i32>} : memref<128xi32, #tpu.memory_space<vmem>>, vector<16xi32>,
      %mul3A_1058 = arith.constant 128 : i32
      %mul3A_1059 = arith.muli %while3A_953, %mul3A_1058 : i32
      %add3A_1060 = arith.constant 96 : i32
      %add3A_1061 = arith.addi %mul3A_1059, %add3A_1060 : i32
      %get3A_1062 = arith.index_cast %add3A_1061 : i32 to index
      %get3A_1063 = tpu.vector_load %arg9[%get3A_1062] {strides = array<i32>} : memref<1168xi32, #tpu.memory_space<vmem>>, vector<16xi32>,
      %swap3A_1064 = arith.constant 96 : index
      %swap3A_1065 = tpu.vector_load %arg11[%swap3A_1064] {strides = array<i32>} : memref<128xi32, #tpu.memory_space<vmem>>, vector<16xi32>,
      tpu.vector_store %arg11[%swap3A_1064], %get3A_1063 {strides = array<i32>} : memref<128xi32, #tpu.memory_space<vmem>>, vector<16xi32>,
      %mul3A_1066 = arith.constant 128 : i32
      %mul3A_1067 = arith.muli %while3A_953, %mul3A_1066 : i32
      %add3A_1068 = arith.constant 112 : i32
      %add3A_1069 = arith.addi %mul3A_1067, %add3A_1068 : i32
      %get3A_1070 = arith.index_cast %add3A_1069 : i32 to index
      %get3A_1071 = tpu.vector_load %arg8[%get3A_1070] {strides = array<i32>} : memref<1168xi32, #tpu.memory_space<vmem>>, vector<16xi32>,
      %swap3A_1072 = arith.constant 112 : index
      %swap3A_1073 = tpu.vector_load %arg10[%swap3A_1072] {strides = array<i32>} : memref<128xi32, #tpu.memory_space<vmem>>, vector<16xi32>,
      tpu.vector_store %arg10[%swap3A_1072], %get3A_1071 {strides = array<i32>} : memref<128xi32, #tpu.memory_space<vmem>>, vector<16xi32>,
      %mul3A_1074 = arith.constant 128 : i32
      %mul3A_1075 = arith.muli %while3A_953, %mul3A_1074 : i32
      %add3A_1076 = arith.constant 112 : i32
      %add3A_1077 = arith.addi %mul3A_1075, %add3A_1076 : i32
      %get3A_1078 = arith.index_cast %add3A_1077 : i32 to index
      %get3A_1079 = tpu.vector_load %arg9[%get3A_1078] {strides = array<i32>} : memref<1168xi32, #tpu.memory_space<vmem>>, vector<16xi32>,
      %swap3A_1080 = arith.constant 112 : index
      %swap3A_1081 = tpu.vector_load %arg11[%swap3A_1080] {strides = array<i32>} : memref<128xi32, #tpu.memory_space<vmem>>, vector<16xi32>,
      tpu.vector_store %arg11[%swap3A_1080], %get3A_1079 {strides = array<i32>} : memref<128xi32, #tpu.memory_space<vmem>>, vector<16xi32>,
      %dma_start3A_1082 = arith.constant 0 : i32
      %dma_start3A_1083 = arith.constant 0 : i32
      %dma_start3A_1084 = tpu.memref_slice %arg4[%dma_start3A_1082, %dma_start3A_1083] : memref<16384x64xf32, #tpu.memory_space<hbm>> -> memref<16384x64xf32, #tpu.memory_space<hbm>>
      tpu.enqueue_indirect_dma source(%dma_start3A_1084 : memref<16384x64xf32, #tpu.memory_space<hbm>>) target(%arg12 : memref<128x64xf32, #tpu.memory_space<vmem>>) offsets(%arg10 : memref<128xi32, #tpu.memory_space<vmem>>) semaphore(%arg17 : memref<!tpu.dma_semaphore, #tpu.memory_space<semaphore_mem>>)
      %dma_wait3A_1085 = arith.constant 0 : i32
      %dma_wait3A_1086 = arith.constant 0 : i32
      %dma_wait3A_1087 = tpu.memref_slice %arg4[%dma_wait3A_1085, %dma_wait3A_1086] : memref<16384x64xf32, #tpu.memory_space<hbm>> -> memref<16384x64xf32, #tpu.memory_space<hbm>>
      tpu.wait_indirect_dma semaphore(%arg17 : memref<!tpu.dma_semaphore, #tpu.memory_space<semaphore_mem>>) src(%dma_wait3A_1087 : memref<16384x64xf32, #tpu.memory_space<hbm>>) dst(%arg12 : memref<128x64xf32, #tpu.memory_space<vmem>>)
      %ne3A_1088 = arith.constant 1.000000e+00 : f32
      %ne3A_1089 = arith.cmpf one, %squeeze3A, %ne3A_1088 : f32
      %convert_element_type3A_1090 = arith.extui %ne3A_1089 : i1 to i32
      %cond3A_1091 = arith.constant 0 : i32
      %cond3A_1092 = arith.cmpi ne, %convert_element_type3A_1090, %cond3A_1091 : i32
      scf.if %cond3A_1092 {
        %scan3A_1093 = arith.constant 0 : i32
        %scan3A_1094 = arith.constant 0 : i32
        %scan3A_1095 = arith.constant 128 : i32
        %scan3A_1096 = arith.addi %scan3A_1094, %scan3A_1095 : i32
        %scan3A_1097 = arith.constant 1 : i32
        scf.for %scan3A_1099 = %scan3A_1094 to %scan3A_1096 step %scan3A_1097  : i32 {
          %get3A_1100 = arith.index_cast %scan3A_1099 : i32 to index
          %get3A_1101 = arith.constant 0 : index
          %get3A_1102 = tpu.vector_load %arg12[%get3A_1100, %get3A_1101] {strides = array<i32>} : memref<128x64xf32, #tpu.memory_space<vmem>>, vector<16xf32>,
          %mul3A_1103 = arith.mulf %get3A_1102, %get3A_1 : vector<16xf32>
          %swap3A_1104 = arith.index_cast %scan3A_1099 : i32 to index
          %swap3A_1105 = arith.constant 0 : index
          %swap3A_1106 = tpu.vector_load %arg12[%swap3A_1104, %swap3A_1105] {strides = array<i32>} : memref<128x64xf32, #tpu.memory_space<vmem>>, vector<16xf32>,
          tpu.vector_store %arg12[%swap3A_1104, %swap3A_1105], %mul3A_1103 {strides = array<i32>} : memref<128x64xf32, #tpu.memory_space<vmem>>, vector<16xf32>,
          %get3A_1107 = arith.index_cast %scan3A_1099 : i32 to index
          %get3A_1108 = arith.constant 16 : index
          %get3A_1109 = tpu.vector_load %arg12[%get3A_1107, %get3A_1108] {strides = array<i32>} : memref<128x64xf32, #tpu.memory_space<vmem>>, vector<16xf32>,
          %mul3A_1110 = arith.mulf %get3A_1109, %get3A_1 : vector<16xf32>
          %swap3A_1111 = arith.index_cast %scan3A_1099 : i32 to index
          %swap3A_1112 = arith.constant 16 : index
          %swap3A_1113 = tpu.vector_load %arg12[%swap3A_1111, %swap3A_1112] {strides = array<i32>} : memref<128x64xf32, #tpu.memory_space<vmem>>, vector<16xf32>,
          tpu.vector_store %arg12[%swap3A_1111, %swap3A_1112], %mul3A_1110 {strides = array<i32>} : memref<128x64xf32, #tpu.memory_space<vmem>>, vector<16xf32>,
          %get3A_1114 = arith.index_cast %scan3A_1099 : i32 to index
          %get3A_1115 = arith.constant 32 : index
          %get3A_1116 = tpu.vector_load %arg12[%get3A_1114, %get3A_1115] {strides = array<i32>} : memref<128x64xf32, #tpu.memory_space<vmem>>, vector<16xf32>,
          %mul3A_1117 = arith.mulf %get3A_1116, %get3A_1 : vector<16xf32>
          %swap3A_1118 = arith.index_cast %scan3A_1099 : i32 to index
          %swap3A_1119 = arith.constant 32 : index
          %swap3A_1120 = tpu.vector_load %arg12[%swap3A_1118, %swap3A_1119] {strides = array<i32>} : memref<128x64xf32, #tpu.memory_space<vmem>>, vector<16xf32>,
          tpu.vector_store %arg12[%swap3A_1118, %swap3A_1119], %mul3A_1117 {strides = array<i32>} : memref<128x64xf32, #tpu.memory_space<vmem>>, vector<16xf32>,
          %get3A_1121 = arith.index_cast %scan3A_1099 : i32 to index
          %get3A_1122 = arith.constant 48 : index
          %get3A_1123 = tpu.vector_load %arg12[%get3A_1121, %get3A_1122] {strides = array<i32>} : memref<128x64xf32, #tpu.memory_space<vmem>>, vector<16xf32>,
          %mul3A_1124 = arith.mulf %get3A_1123, %get3A_1 : vector<16xf32>
          %swap3A_1125 = arith.index_cast %scan3A_1099 : i32 to index
          %swap3A_1126 = arith.constant 48 : index
          %swap3A_1127 = tpu.vector_load %arg12[%swap3A_1125, %swap3A_1126] {strides = array<i32>} : memref<128x64xf32, #tpu.memory_space<vmem>>, vector<16xf32>,
          tpu.vector_store %arg12[%swap3A_1125, %swap3A_1126], %mul3A_1124 {strides = array<i32>} : memref<128x64xf32, #tpu.memory_space<vmem>>, vector<16xf32>,
        }
        %scan3A_1098 = arith.constant 128 : i32
      } else {
      }
      "tpu.region"() ({
        %run_scoped3A = tpu.sem_alloc : memref<!tpu.dma_semaphore, #tpu.memory_space<semaphore_mem>>
        %dma_start3A_1093 = arith.constant 0 : i32
        %dma_start3A_1094 = arith.constant 0 : i32
        %dma_start3A_1095 = tpu.memref_slice %arg14[%dma_start3A_1093, %dma_start3A_1094] : memref<10016x64xf32, #tpu.memory_space<vmem_shared>> -> memref<10016x64xf32, #tpu.memory_space<vmem_shared>>
        tpu.enqueue_indirect_dma source(%arg12 : memref<128x64xf32, #tpu.memory_space<vmem>>) target(%dma_start3A_1095 : memref<10016x64xf32, #tpu.memory_space<vmem_shared>>) offsets(%arg11 : memref<128xi32, #tpu.memory_space<vmem>>) semaphore(%run_scoped3A : memref<!tpu.dma_semaphore, #tpu.memory_space<semaphore_mem>>) {add = true}
        %dma_wait3A_1096 = arith.constant 0 : i32
        %dma_wait3A_1097 = arith.constant 0 : i32
        %dma_wait3A_1098 = tpu.memref_slice %arg14[%dma_wait3A_1096, %dma_wait3A_1097] : memref<10016x64xf32, #tpu.memory_space<vmem_shared>> -> memref<10016x64xf32, #tpu.memory_space<vmem_shared>>
        tpu.wait_indirect_dma semaphore(%run_scoped3A : memref<!tpu.dma_semaphore, #tpu.memory_space<semaphore_mem>>) src(%arg12 : memref<128x64xf32, #tpu.memory_space<vmem>>) dst(%dma_wait3A_1098 : memref<10016x64xf32, #tpu.memory_space<vmem_shared>>)
        tpu.yield
      }) : () -> ()
    }
    %while3A_928 = arith.constant 1 : i32
    scf.for %while3A_953 = %while3A_926 to %while3A_922 step %while3A_928  : i32 {
      %mul3A_954 = arith.constant 128 : i32
      %mul3A_955 = arith.muli %while3A_953, %mul3A_954 : i32
      %add3A_956 = arith.constant 0 : i32
      %add3A_957 = arith.addi %mul3A_955, %add3A_956 : i32
      %get3A_958 = arith.index_cast %add3A_957 : i32 to index
      %get3A_959 = tpu.vector_load %arg8[%get3A_958] {strides = array<i32>} : memref<1168xi32, #tpu.memory_space<vmem>>, vector<16xi32>,
      %swap3A_960 = arith.constant 0 : index
      %swap3A_961 = tpu.vector_load %arg10[%swap3A_960] {strides = array<i32>} : memref<128xi32, #tpu.memory_space<vmem>>, vector<16xi32>,
      tpu.vector_store %arg10[%swap3A_960], %get3A_959 {strides = array<i32>} : memref<128xi32, #tpu.memory_space<vmem>>, vector<16xi32>,
      %mul3A_962 = arith.constant 128 : i32
      %mul3A_963 = arith.muli %while3A_953, %mul3A_962 : i32
      %add3A_964 = arith.constant 0 : i32
      %add3A_965 = arith.addi %mul3A_963, %add3A_964 : i32
      %get3A_966 = arith.index_cast %add3A_965 : i32 to index
      %get3A_967 = tpu.vector_load %arg9[%get3A_966] {strides = array<i32>} : memref<1168xi32, #tpu.memory_space<vmem>>, vector<16xi32>,
      %swap3A_968 = arith.constant 0 : index
      %swap3A_969 = tpu.vector_load %arg11[%swap3A_968] {strides = array<i32>} : memref<128xi32, #tpu.memory_space<vmem>>, vector<16xi32>,
      tpu.vector_store %arg11[%swap3A_968], %get3A_967 {strides = array<i32>} : memref<128xi32, #tpu.memory_space<vmem>>, vector<16xi32>,
      %mul3A_970 = arith.constant 128 : i32
      %mul3A_971 = arith.muli %while3A_953, %mul3A_970 : i32
      %add3A_972 = arith.constant 16 : i32
      %add3A_973 = arith.addi %mul3A_971, %add3A_972 : i32
      %get3A_974 = arith.index_cast %add3A_973 : i32 to index
      %get3A_975 = tpu.vector_load %arg8[%get3A_974] {strides = array<i32>} : memref<1168xi32, #tpu.memory_space<vmem>>, vector<16xi32>,
      %swap3A_976 = arith.constant 16 : index
      %swap3A_977 = tpu.vector_load %arg10[%swap3A_976] {strides = array<i32>} : memref<128xi32, #tpu.memory_space<vmem>>, vector<16xi32>,
      tpu.vector_store %arg10[%swap3A_976], %get3A_975 {strides = array<i32>} : memref<128xi32, #tpu.memory_space<vmem>>, vector<16xi32>,
      %mul3A_978 = arith.constant 128 : i32
      %mul3A_979 = arith.muli %while3A_953, %mul3A_978 : i32
      %add3A_980 = arith.constant 16 : i32
      %add3A_981 = arith.addi %mul3A_979, %add3A_980 : i32
      %get3A_982 = arith.index_cast %add3A_981 : i32 to index
      %get3A_983 = tpu.vector_load %arg9[%get3A_982] {strides = array<i32>} : memref<1168xi32, #tpu.memory_space<vmem>>, vector<16xi32>,
      %swap3A_984 = arith.constant 16 : index
      %swap3A_985 = tpu.vector_load %arg11[%swap3A_984] {strides = array<i32>} : memref<128xi32, #tpu.memory_space<vmem>>, vector<16xi32>,
      tpu.vector_store %arg11[%swap3A_984], %get3A_983 {strides = array<i32>} : memref<128xi32, #tpu.memory_space<vmem>>, vector<16xi32>,
      %mul3A_986 = arith.constant 128 : i32
      %mul3A_987 = arith.muli %while3A_953, %mul3A_986 : i32
      %add3A_988 = arith.constant 32 : i32
      %add3A_989 = arith.addi %mul3A_987, %add3A_988 : i32
      %get3A_990 = arith.index_cast %add3A_989 : i32 to index
      %get3A_991 = tpu.vector_load %arg8[%get3A_990] {strides = array<i32>} : memref<1168xi32, #tpu.memory_space<vmem>>, vector<16xi32>,
      %swap3A_992 = arith.constant 32 : index
      %swap3A_993 = tpu.vector_load %arg10[%swap3A_992] {strides = array<i32>} : memref<128xi32, #tpu.memory_space<vmem>>, vector<16xi32>,
      tpu.vector_store %arg10[%swap3A_992], %get3A_991 {strides = array<i32>} : memref<128xi32, #tpu.memory_space<vmem>>, vector<16xi32>,
      %mul3A_994 = arith.constant 128 : i32
      %mul3A_995 = arith.muli %while3A_953, %mul3A_994 : i32
      %add3A_996 = arith.constant 32 : i32
      %add3A_997 = arith.addi %mul3A_995, %add3A_996 : i32
      %get3A_998 = arith.index_cast %add3A_997 : i32 to index
      %get3A_999 = tpu.vector_load %arg9[%get3A_998] {strides = array<i32>} : memref<1168xi32, #tpu.memory_space<vmem>>, vector<16xi32>,
      %swap3A_1000 = arith.constant 32 : index
      %swap3A_1001 = tpu.vector_load %arg11[%swap3A_1000] {strides = array<i32>} : memref<128xi32, #tpu.memory_space<vmem>>, vector<16xi32>,
      tpu.vector_store %arg11[%swap3A_1000], %get3A_999 {strides = array<i32>} : memref<128xi32, #tpu.memory_space<vmem>>, vector<16xi32>,
      %mul3A_1002 = arith.constant 128 : i32
      %mul3A_1003 = arith.muli %while3A_953, %mul3A_1002 : i32
      %add3A_1004 = arith.constant 48 : i32
      %add3A_1005 = arith.addi %mul3A_1003, %add3A_1004 : i32
      %get3A_1006 = arith.index_cast %add3A_1005 : i32 to index
      %get3A_1007 = tpu.vector_load %arg8[%get3A_1006] {strides = array<i32>} : memref<1168xi32, #tpu.memory_space<vmem>>, vector<16xi32>,
      %swap3A_1008 = arith.constant 48 : index
      %swap3A_1009 = tpu.vector_load %arg10[%swap3A_1008] {strides = array<i32>} : memref<128xi32, #tpu.memory_space<vmem>>, vector<16xi32>,
      tpu.vector_store %arg10[%swap3A_1008], %get3A_1007 {strides = array<i32>} : memref<128xi32, #tpu.memory_space<vmem>>, vector<16xi32>,
      %mul3A_1010 = arith.constant 128 : i32
      %mul3A_1011 = arith.muli %while3A_953, %mul3A_1010 : i32
      %add3A_1012 = arith.constant 48 : i32
      %add3A_1013 = arith.addi %mul3A_1011, %add3A_1012 : i32
      %get3A_1014 = arith.index_cast %add3A_1013 : i32 to index
      %get3A_1015 = tpu.vector_load %arg9[%get3A_1014] {strides = array<i32>} : memref<1168xi32, #tpu.memory_space<vmem>>, vector<16xi32>,
      %swap3A_1016 = arith.constant 48 : index
      %swap3A_1017 = tpu.vector_load %arg11[%swap3A_1016] {strides = array<i32>} : memref<128xi32, #tpu.memory_space<vmem>>, vector<16xi32>,
      tpu.vector_store %arg11[%swap3A_1016], %get3A_1015 {strides = array<i32>} : memref<128xi32, #tpu.memory_space<vmem>>, vector<16xi32>,
      %mul3A_1018 = arith.constant 128 : i32
      %mul3A_1019 = arith.muli %while3A_953, %mul3A_1018 : i32
      %add3A_1020 = arith.constant 64 : i32
      %add3A_1021 = arith.addi %mul3A_1019, %add3A_1020 : i32
      %get3A_1022 = arith.index_cast %add3A_1021 : i32 to index
      %get3A_1023 = tpu.vector_load %arg8[%get3A_1022] {strides = array<i32>} : memref<1168xi32, #tpu.memory_space<vmem>>, vector<16xi32>,
      %swap3A_1024 = arith.constant 64 : index
      %swap3A_1025 = tpu.vector_load %arg10[%swap3A_1024] {strides = array<i32>} : memref<128xi32, #tpu.memory_space<vmem>>, vector<16xi32>,
      tpu.vector_store %arg10[%swap3A_1024], %get3A_1023 {strides = array<i32>} : memref<128xi32, #tpu.memory_space<vmem>>, vector<16xi32>,
      %mul3A_1026 = arith.constant 128 : i32
      %mul3A_1027 = arith.muli %while3A_953, %mul3A_1026 : i32
      %add3A_1028 = arith.constant 64 : i32
      %add3A_1029 = arith.addi %mul3A_1027, %add3A_1028 : i32
      %get3A_1030 = arith.index_cast %add3A_1029 : i32 to index
      %get3A_1031 = tpu.vector_load %arg9[%get3A_1030] {strides = array<i32>} : memref<1168xi32, #tpu.memory_space<vmem>>, vector<16xi32>,
      %swap3A_1032 = arith.constant 64 : index
      %swap3A_1033 = tpu.vector_load %arg11[%swap3A_1032] {strides = array<i32>} : memref<128xi32, #tpu.memory_space<vmem>>, vector<16xi32>,
      tpu.vector_store %arg11[%swap3A_1032], %get3A_1031 {strides = array<i32>} : memref<128xi32, #tpu.memory_space<vmem>>, vector<16xi32>,
      %mul3A_1034 = arith.constant 128 : i32
      %mul3A_1035 = arith.muli %while3A_953, %mul3A_1034 : i32
      %add3A_1036 = arith.constant 80 : i32
      %add3A_1037 = arith.addi %mul3A_1035, %add3A_1036 : i32
      %get3A_1038 = arith.index_cast %add3A_1037 : i32 to index
      %get3A_1039 = tpu.vector_load %arg8[%get3A_1038] {strides = array<i32>} : memref<1168xi32, #tpu.memory_space<vmem>>, vector<16xi32>,
      %swap3A_1040 = arith.constant 80 : index
      %swap3A_1041 = tpu.vector_load %arg10[%swap3A_1040] {strides = array<i32>} : memref<128xi32, #tpu.memory_space<vmem>>, vector<16xi32>,
      tpu.vector_store %arg10[%swap3A_1040], %get3A_1039 {strides = array<i32>} : memref<128xi32, #tpu.memory_space<vmem>>, vector<16xi32>,
      %mul3A_1042 = arith.constant 128 : i32
      %mul3A_1043 = arith.muli %while3A_953, %mul3A_1042 : i32
      %add3A_1044 = arith.constant 80 : i32
      %add3A_1045 = arith.addi %mul3A_1043, %add3A_1044 : i32
      %get3A_1046 = arith.index_cast %add3A_1045 : i32 to index
      %get3A_1047 = tpu.vector_load %arg9[%get3A_1046] {strides = array<i32>} : memref<1168xi32, #tpu.memory_space<vmem>>, vector<16xi32>,
      %swap3A_1048 = arith.constant 80 : index
      %swap3A_1049 = tpu.vector_load %arg11[%swap3A_1048] {strides = array<i32>} : memref<128xi32, #tpu.memory_space<vmem>>, vector<16xi32>,
      tpu.vector_store %arg11[%swap3A_1048], %get3A_1047 {strides = array<i32>} : memref<128xi32, #tpu.memory_space<vmem>>, vector<16xi32>,
      %mul3A_1050 = arith.constant 128 : i32
      %mul3A_1051 = arith.muli %while3A_953, %mul3A_1050 : i32
      %add3A_1052 = arith.constant 96 : i32
      %add3A_1053 = arith.addi %mul3A_1051, %add3A_1052 : i32
      %get3A_1054 = arith.index_cast %add3A_1053 : i32 to index
      %get3A_1055 = tpu.vector_load %arg8[%get3A_1054] {strides = array<i32>} : memref<1168xi32, #tpu.memory_space<vmem>>, vector<16xi32>,
      %swap3A_1056 = arith.constant 96 : index
      %swap3A_1057 = tpu.vector_load %arg10[%swap3A_1056] {strides = array<i32>} : memref<128xi32, #tpu.memory_space<vmem>>, vector<16xi32>,
      tpu.vector_store %arg10[%swap3A_1056], %get3A_1055 {strides = array<i32>} : memref<128xi32, #tpu.memory_space<vmem>>, vector<16xi32>,
      %mul3A_1058 = arith.constant 128 : i32
      %mul3A_1059 = arith.muli %while3A_953, %mul3A_1058 : i32
      %add3A_1060 = arith.constant 96 : i32
      %add3A_1061 = arith.addi %mul3A_1059, %add3A_1060 : i32
      %get3A_1062 = arith.index_cast %add3A_1061 : i32 to index
      %get3A_1063 = tpu.vector_load %arg9[%get3A_1062] {strides = array<i32>} : memref<1168xi32, #tpu.memory_space<vmem>>, vector<16xi32>,
      %swap3A_1064 = arith.constant 96 : index
      %swap3A_1065 = tpu.vector_load %arg11[%swap3A_1064] {strides = array<i32>} : memref<128xi32, #tpu.memory_space<vmem>>, vector<16xi32>,
      tpu.vector_store %arg11[%swap3A_1064], %get3A_1063 {strides = array<i32>} : memref<128xi32, #tpu.memory_space<vmem>>, vector<16xi32>,
      %mul3A_1066 = arith.constant 128 : i32
      %mul3A_1067 = arith.muli %while3A_953, %mul3A_1066 : i32
      %add3A_1068 = arith.constant 112 : i32
      %add3A_1069 = arith.addi %mul3A_1067, %add3A_1068 : i32
      %get3A_1070 = arith.index_cast %add3A_1069 : i32 to index
      %get3A_1071 = tpu.vector_load %arg8[%get3A_1070] {strides = array<i32>} : memref<1168xi32, #tpu.memory_space<vmem>>, vector<16xi32>,
      %swap3A_1072 = arith.constant 112 : index
      %swap3A_1073 = tpu.vector_load %arg10[%swap3A_1072] {strides = array<i32>} : memref<128xi32, #tpu.memory_space<vmem>>, vector<16xi32>,
      tpu.vector_store %arg10[%swap3A_1072], %get3A_1071 {strides = array<i32>} : memref<128xi32, #tpu.memory_space<vmem>>, vector<16xi32>,
      %mul3A_1074 = arith.constant 128 : i32
      %mul3A_1075 = arith.muli %while3A_953, %mul3A_1074 : i32
      %add3A_1076 = arith.constant 112 : i32
      %add3A_1077 = arith.addi %mul3A_1075, %add3A_1076 : i32
      %get3A_1078 = arith.index_cast %add3A_1077 : i32 to index
      %get3A_1079 = tpu.vector_load %arg9[%get3A_1078] {strides = array<i32>} : memref<1168xi32, #tpu.memory_space<vmem>>, vector<16xi32>,
      %swap3A_1080 = arith.constant 112 : index
      %swap3A_1081 = tpu.vector_load %arg11[%swap3A_1080] {strides = array<i32>} : memref<128xi32, #tpu.memory_space<vmem>>, vector<16xi32>,
      tpu.vector_store %arg11[%swap3A_1080], %get3A_1079 {strides = array<i32>} : memref<128xi32, #tpu.memory_space<vmem>>, vector<16xi32>,
      %dma_start3A_1082 = arith.constant 0 : i32
      %dma_start3A_1083 = arith.constant 0 : i32
      %dma_start3A_1084 = tpu.memref_slice %arg4[%dma_start3A_1082, %dma_start3A_1083] : memref<16384x64xf32, #tpu.memory_space<hbm>> -> memref<16384x64xf32, #tpu.memory_space<hbm>>
      tpu.enqueue_indirect_dma source(%dma_start3A_1084 : memref<16384x64xf32, #tpu.memory_space<hbm>>) target(%arg12 : memref<128x64xf32, #tpu.memory_space<vmem>>) offsets(%arg10 : memref<128xi32, #tpu.memory_space<vmem>>) semaphore(%arg17 : memref<!tpu.dma_semaphore, #tpu.memory_space<semaphore_mem>>)
      %dma_wait3A_1085 = arith.constant 0 : i32
      %dma_wait3A_1086 = arith.constant 0 : i32
      %dma_wait3A_1087 = tpu.memref_slice %arg4[%dma_wait3A_1085, %dma_wait3A_1086] : memref<16384x64xf32, #tpu.memory_space<hbm>> -> memref<16384x64xf32, #tpu.memory_space<hbm>>
      tpu.wait_indirect_dma semaphore(%arg17 : memref<!tpu.dma_semaphore, #tpu.memory_space<semaphore_mem>>) src(%dma_wait3A_1087 : memref<16384x64xf32, #tpu.memory_space<hbm>>) dst(%arg12 : memref<128x64xf32, #tpu.memory_space<vmem>>)
      %ne3A_1088 = arith.constant 1.000000e+00 : f32
      %ne3A_1089 = arith.cmpf one, %squeeze3A, %ne3A_1088 : f32
      %convert_element_type3A_1090 = arith.extui %ne3A_1089 : i1 to i32
      %cond3A_1091 = arith.constant 0 : i32
      %cond3A_1092 = arith.cmpi ne, %convert_element_type3A_1090, %cond3A_1091 : i32
      scf.if %cond3A_1092 {
        %scan3A_1093 = arith.constant 0 : i32
        %scan3A_1094 = arith.constant 0 : i32
        %scan3A_1095 = arith.constant 128 : i32
        %scan3A_1096 = arith.addi %scan3A_1094, %scan3A_1095 : i32
        %scan3A_1097 = arith.constant 1 : i32
        scf.for %scan3A_1099 = %scan3A_1094 to %scan3A_1096 step %scan3A_1097  : i32 {
          %get3A_1100 = arith.index_cast %scan3A_1099 : i32 to index
          %get3A_1101 = arith.constant 0 : index
          %get3A_1102 = tpu.vector_load %arg12[%get3A_1100, %get3A_1101] {strides = array<i32>} : memref<128x64xf32, #tpu.memory_space<vmem>>, vector<16xf32>,
          %mul3A_1103 = arith.mulf %get3A_1102, %get3A_1 : vector<16xf32>
          %swap3A_1104 = arith.index_cast %scan3A_1099 : i32 to index
          %swap3A_1105 = arith.constant 0 : index
          %swap3A_1106 = tpu.vector_load %arg12[%swap3A_1104, %swap3A_1105] {strides = array<i32>} : memref<128x64xf32, #tpu.memory_space<vmem>>, vector<16xf32>,
          tpu.vector_store %arg12[%swap3A_1104, %swap3A_1105], %mul3A_1103 {strides = array<i32>} : memref<128x64xf32, #tpu.memory_space<vmem>>, vector<16xf32>,
          %get3A_1107 = arith.index_cast %scan3A_1099 : i32 to index
          %get3A_1108 = arith.constant 16 : index
          %get3A_1109 = tpu.vector_load %arg12[%get3A_1107, %get3A_1108] {strides = array<i32>} : memref<128x64xf32, #tpu.memory_space<vmem>>, vector<16xf32>,
          %mul3A_1110 = arith.mulf %get3A_1109, %get3A_1 : vector<16xf32>
          %swap3A_1111 = arith.index_cast %scan3A_1099 : i32 to index
          %swap3A_1112 = arith.constant 16 : index
          %swap3A_1113 = tpu.vector_load %arg12[%swap3A_1111, %swap3A_1112] {strides = array<i32>} : memref<128x64xf32, #tpu.memory_space<vmem>>, vector<16xf32>,
          tpu.vector_store %arg12[%swap3A_1111, %swap3A_1112], %mul3A_1110 {strides = array<i32>} : memref<128x64xf32, #tpu.memory_space<vmem>>, vector<16xf32>,
          %get3A_1114 = arith.index_cast %scan3A_1099 : i32 to index
          %get3A_1115 = arith.constant 32 : index
          %get3A_1116 = tpu.vector_load %arg12[%get3A_1114, %get3A_1115] {strides = array<i32>} : memref<128x64xf32, #tpu.memory_space<vmem>>, vector<16xf32>,
          %mul3A_1117 = arith.mulf %get3A_1116, %get3A_1 : vector<16xf32>
          %swap3A_1118 = arith.index_cast %scan3A_1099 : i32 to index
          %swap3A_1119 = arith.constant 32 : index
          %swap3A_1120 = tpu.vector_load %arg12[%swap3A_1118, %swap3A_1119] {strides = array<i32>} : memref<128x64xf32, #tpu.memory_space<vmem>>, vector<16xf32>,
          tpu.vector_store %arg12[%swap3A_1118, %swap3A_1119], %mul3A_1117 {strides = array<i32>} : memref<128x64xf32, #tpu.memory_space<vmem>>, vector<16xf32>,
          %get3A_1121 = arith.index_cast %scan3A_1099 : i32 to index
          %get3A_1122 = arith.constant 48 : index
          %get3A_1123 = tpu.vector_load %arg12[%get3A_1121, %get3A_1122] {strides = array<i32>} : memref<128x64xf32, #tpu.memory_space<vmem>>, vector<16xf32>,
          %mul3A_1124 = arith.mulf %get3A_1123, %get3A_1 : vector<16xf32>
          %swap3A_1125 = arith.index_cast %scan3A_1099 : i32 to index
          %swap3A_1126 = arith.constant 48 : index
          %swap3A_1127 = tpu.vector_load %arg12[%swap3A_1125, %swap3A_1126] {strides = array<i32>} : memref<128x64xf32, #tpu.memory_space<vmem>>, vector<16xf32>,
          tpu.vector_store %arg12[%swap3A_1125, %swap3A_1126], %mul3A_1124 {strides = array<i32>} : memref<128x64xf32, #tpu.memory_space<vmem>>, vector<16xf32>,
        }
        %scan3A_1098 = arith.constant 128 : i32
      } else {
      }
      "tpu.region"() ({
        %run_scoped3A = tpu.sem_alloc : memref<!tpu.dma_semaphore, #tpu.memory_space<semaphore_mem>>
        %dma_start3A_1093 = arith.constant 0 : i32
        %dma_start3A_1094 = arith.constant 0 : i32
        %dma_start3A_1095 = tpu.memref_slice %arg14[%dma_start3A_1093, %dma_start3A_1094] : memref<10016x64xf32, #tpu.memory_space<vmem_shared>> -> memref<10016x64xf32, #tpu.memory_space<vmem_shared>>
        tpu.enqueue_indirect_dma source(%arg12 : memref<128x64xf32, #tpu.memory_space<vmem>>) target(%dma_start3A_1095 : memref<10016x64xf32, #tpu.memory_space<vmem_shared>>) offsets(%arg11 : memref<128xi32, #tpu.memory_space<vmem>>) semaphore(%run_scoped3A : memref<!tpu.dma_semaphore, #tpu.memory_space<semaphore_mem>>) {add = true}
        %dma_wait3A_1096 = arith.constant 0 : i32
        %dma_wait3A_1097 = arith.constant 0 : i32
        %dma_wait3A_1098 = tpu.memref_slice %arg14[%dma_wait3A_1096, %dma_wait3A_1097] : memref<10016x64xf32, #tpu.memory_space<vmem_shared>> -> memref<10016x64xf32, #tpu.memory_space<vmem_shared>>
        tpu.wait_indirect_dma semaphore(%run_scoped3A : memref<!tpu.dma_semaphore, #tpu.memory_space<semaphore_mem>>) src(%arg12 : memref<128x64xf32, #tpu.memory_space<vmem>>) dst(%dma_wait3A_1098 : memref<10016x64xf32, #tpu.memory_space<vmem_shared>>)
        tpu.yield
      }) : () -> ()
    }
    %barrier3A_929 = arith.constant 0 : index
    tpu.barrier barrier_id(%barrier3A_929)
    %mul3A_930 = arith.constant 624 : i32
    %mul3A_931 = arith.muli %arg1, %mul3A_930 : i32
    %add3A_932 = arith.addi %mul3A_776, %mul3A_931 : i32
    %multiple_of3A_933 = tpu.assume_multiple %add3A_932, 8 : i32
    %mul3A_934 = arith.constant 624 : i32
    %mul3A_935 = arith.muli %arg1, %mul3A_934 : i32
    %dma_start3A_936 = arith.constant 0 : i32
    %dma_start3A_937 = tpu.memref_slice %arg6[%multiple_of3A_933, %dma_start3A_936] : memref<100000x64xf32, #tpu.memory_space<hbm>> -> memref<624x64xf32, #tpu.memory_space<hbm>>
    %dma_start3A_938 = arith.constant 0 : i32
    %dma_start3A_939 = tpu.memref_slice %arg14[%mul3A_935, %dma_start3A_938] : memref<10016x64xf32, #tpu.memory_space<vmem_shared>> -> memref<624x64xf32, #tpu.memory_space<vmem_shared>>
    tpu.enqueue_dma source(%dma_start3A_939 : memref<624x64xf32, #tpu.memory_space<vmem_shared>>) target(%dma_start3A_937 : memref<624x64xf32, #tpu.memory_space<hbm>>) target_semaphore(%arg18 : memref<!tpu.dma_semaphore, #tpu.memory_space<semaphore_mem>>)
    %eq3A_940 = arith.constant 0 : i32
    %eq3A_941 = arith.cmpi eq, %arg1, %eq3A_940 : i32
    %convert_element_type3A_942 = arith.extui %eq3A_941 : i1 to i32
    %cond3A_943 = arith.constant 0 : i32
    %cond3A_944 = arith.cmpi ne, %convert_element_type3A_942, %cond3A_943 : i32
    scf.if %cond3A_944 {
      %add3A_953 = arith.constant 9984 : i32
      %add3A_954 = arith.addi %mul3A_776, %add3A_953 : i32
      %multiple_of3A_955 = tpu.assume_multiple %add3A_954, 8 : i32
      "tpu.region"() ({
        %run_scoped3A = tpu.sem_alloc : memref<!tpu.dma_semaphore, #tpu.memory_space<semaphore_mem>>
        %dma_start3A_956 = arith.constant 0 : i32
        %dma_start3A_957 = tpu.memref_slice %arg6[%multiple_of3A_955, %dma_start3A_956] : memref<100000x64xf32, #tpu.memory_space<hbm>> -> memref<16x64xf32, #tpu.memory_space<hbm>>
        %dma_start3A_958 = arith.constant 9984 : i32
        %dma_start3A_959 = arith.constant 0 : i32
        %dma_start3A_960 = tpu.memref_slice %arg14[%dma_start3A_958, %dma_start3A_959] : memref<10016x64xf32, #tpu.memory_space<vmem_shared>> -> memref<16x64xf32, #tpu.memory_space<vmem_shared>>
        tpu.enqueue_dma source(%dma_start3A_960 : memref<16x64xf32, #tpu.memory_space<vmem_shared>>) target(%dma_start3A_957 : memref<16x64xf32, #tpu.memory_space<hbm>>) target_semaphore(%run_scoped3A : memref<!tpu.dma_semaphore, #tpu.memory_space<semaphore_mem>>)
        %dma_wait3A_961 = arith.constant 0 : i32
        %dma_wait3A_962 = tpu.memref_slice %arg6[%multiple_of3A_955, %dma_wait3A_961] : memref<100000x64xf32, #tpu.memory_space<hbm>> -> memref<16x64xf32, #tpu.memory_space<hbm>>
        %dma_wait3A_963 = arith.constant 9984 : i32
        %dma_wait3A_964 = arith.constant 0 : i32
        %dma_wait3A_965 = tpu.memref_slice %arg14[%dma_wait3A_963, %dma_wait3A_964] : memref<10016x64xf32, #tpu.memory_space<vmem_shared>> -> memref<16x64xf32, #tpu.memory_space<vmem_shared>>
        tpu.wait_dma2 semaphore(%run_scoped3A : memref<!tpu.dma_semaphore, #tpu.memory_space<semaphore_mem>>) src(%dma_wait3A_965 : memref<16x64xf32, #tpu.memory_space<vmem_shared>>) dst(%dma_wait3A_962 : memref<16x64xf32, #tpu.memory_space<hbm>>)
        tpu.yield
      }) : () -> ()
    } else {
    }
    %dma_wait3A_945 = arith.constant 0 : i32
    %dma_wait3A_946 = tpu.memref_slice %arg6[%multiple_of3A_739, %dma_wait3A_945] : memref<100000x64xf32, #tpu.memory_space<hbm>> -> memref<624x64xf32, #tpu.memory_space<hbm>>
    %dma_wait3A_947 = arith.constant 0 : i32
    %dma_wait3A_948 = tpu.memref_slice %arg15[%mul3A_741, %dma_wait3A_947] : memref<10016x64xf32, #tpu.memory_space<vmem_shared>> -> memref<624x64xf32, #tpu.memory_space<vmem_shared>>
    tpu.wait_dma2 semaphore(%arg19 : memref<!tpu.dma_semaphore, #tpu.memory_space<semaphore_mem>>) src(%dma_wait3A_948 : memref<624x64xf32, #tpu.memory_space<vmem_shared>>) dst(%dma_wait3A_946 : memref<624x64xf32, #tpu.memory_space<hbm>>)
    %dma_wait3A_949 = arith.constant 0 : i32
    %dma_wait3A_950 = tpu.memref_slice %arg6[%multiple_of3A_933, %dma_wait3A_949] : memref<100000x64xf32, #tpu.memory_space<hbm>> -> memref<624x64xf32, #tpu.memory_space<hbm>>
    %dma_wait3A_951 = arith.constant 0 : i32
    %dma_wait3A_952 = tpu.memref_slice %arg14[%mul3A_935, %dma_wait3A_951] : memref<10016x64xf32, #tpu.memory_space<vmem_shared>> -> memref<624x64xf32, #tpu.memory_space<vmem_shared>>
    tpu.wait_dma2 semaphore(%arg18 : memref<!tpu.dma_semaphore, #tpu.memory_space<semaphore_mem>>) src(%dma_wait3A_952 : memref<624x64xf32, #tpu.memory_space<vmem_shared>>) dst(%dma_wait3A_950 : memref<624x64xf32, #tpu.memory_space<hbm>>)
    return
  }
}

</mosaic_0001>

<sc_bundles>
// kernel: kernel.3.cloned.1.call-start
scs
__scs_entry_jumppad:
0x0: {  	(pc) =	sbr.rel $0x88, $3  }
0x1: {  	(tag) =	ssettag $0x0;
	lr =	simm.s32 $0x1  }
0x2: {  	[smem:$0x3F9C] =	sst lr;
	_ =	strace $0xD0000000  }
0x3: {  	_ = 	snop  }
0x4: {  	_ = 	snop  }
0x5: {  	_ = 	snop  }
0x6: {  	_ = 	snop  }
0x7: {  	_ = 	snop  }
__scs_overlays_trampoline_lowered:
0x8: {  	[smem:$0x3FAB] =	sst s0  }
0x9: {  	[smem:$0x3FAC] =	sst s1  }
0xa: {  	[smem:$0x3FAD] =	sst s2  }
0xb: {  	[smem:$0x3FAE] =	sst s3  }
0xc: {  	[smem:$0x3FAF] =	sst s4  }
0xd: {  	[smem:$0x3FB0] =	sst s5  }
0xe: {  	[smem:$0x3FB1] =	sst s6  }
0xf: {  	[smem:$0x3FB2] =	sst s7  }
0x10: {  	[smem:$0x3FB3] =	sst s8  }
0x11: {  	[smem:$0x3FB4] =	sst s9;
	s0 =	simm.s32 @!p0 $0x0  }
0x12: {  	s1 =	sld [smem:$0x3F9A];
	s0 =	simm.s32 @p0 $0x1  }
0x13: {  	[smem:$0x3FB5] =	sst s0;
	s0 =	simm.s32 @!p1 $0x0  }
0x14: {  	s2 =	sld [smem:$0x3F99];
	s0 =	simm.s32 @p1 $0x1  }
0x15: {  	[smem:$0x3FB6] =	sst s0;
	s0 =	simm.s32 @!p2 $0x0  }
0x16: {  	s3 =	sld [smem:$0x3FDB];
	s0 =	simm.s32 @p2 $0x1  }
0x17: {  	s4 =	simm.s32 $0x1BF5;
	[smem:$0x3FB8] =	sst s0  }
0x18: {  	s0 =	sld [smem:$0x3F9B];
	_ =	swait.ge [sflag:s4], $0x0  }
0x19: {  	s7 =	sld [smem:$0x3F9C]  }
0x1a: {  	s8 =	sadd.s32 $0xFFFFE003, lr  }
0x1b: {  	s9 =	sadd.s32 $0xFFFFFEF7, lr;
	s5 =	simm.s32 $0xFFFFFFFF;
	p2 =	slt.u32 s8, $0xFFFFF086  }
0x1c: {  	p1 =	slt.u32 s9, $0xF7A;
	s5 =	simm.s32 @!p2 $0x0  }
0x1d: {  	s5 =	simm.s32 @p1 $0x1;
	p0 =	seq.s32 s7, s2  }
0x1e: {  	s7 =	smul.u32 @!p0 $0xF7A, s2;
	p2 =	seq.s32 @!p0 s5, $0x0  }
0x1f: {  	s9 =	smul.u32 $0xF7A, s1;
	s8 =	simm.s32 @!p0 $0x1BF5;
	p2 =	por !p2, p0  }
0x20: {  	[sflag:s8] =	ssyncset.s32 @!p0 $0xFFFFF086;
	s6 =	sadd.s32 @!p0 s3, s7;
	s7 =	simm.s32 @!p0 $0x108  }
0x21: {  	s3 =	sadd.s32 s3, s9;
	s6 =	sadd.s32 @!p0 $0x88, s6;
	s7 =	simm.s32 @p2 $0x1082  }
0x22: {  	[simem:s7], [sflag:s8] =	dma.local @!p0 [hbm:s6], $0xF7A  }
0x23: {  	s9 =	sor.u32 $0xD0000000, s2;
	s6 =	simm.s32 $0x108;
	_ =	swait.ge @!p0 [sflag:s8], $0x0  }
0x24: {  	s3 =	sadd.s32 $0x88, s3;
	s6 =	simm.s32 @!p1 $0x1082;
	[sflag:s4] =	ssyncset.s32 $0xFFFFF086  }
0x25: {  	[simem:s6], [sflag:s4] =	dma.local [hbm:s3], $0xF7A  }
0x26: {  	[smem:$0x3F9C] =	sst s1;
	(tag) =	ssettag s2;
	_ =	strace s9  }
0x27: {  	s1 =	sld [smem:$0x3FAC]  }
0x28: {  	s2 =	sld [smem:$0x3FAD]  }
0x29: {  	s4 =	sld [smem:$0x3FAF]  }
0x2a: {  	p0 =	seq.s32 s5, $0x0;
	s5 =	sld [smem:$0x3FB0]  }
0x2b: {  	s6 =	sld [smem:$0x3FB1]  }
0x2c: {  	s7 =	sld [smem:$0x3FB2]  }
0x2d: {  	s3 =	simm.s32 $0x108;
	s8 =	sld [smem:$0x3FB3]  }
0x2e: {  	s3 =	simm.s32 @!p0 $0x1082;
	s9 =	sld [smem:$0x3FB4]  }
0x2f: {  	lr =	sadd.s32 s0, s3;
	s0 =	sld [smem:$0x3FAB]  }
0x30: {  	s3 =	sld [smem:$0x3FAE]  }
0x31: {  	[smem:$0x3FB7] =	sst s10  }
0x32: {  	s10 =	sld [smem:$0x3FB5];
	_ =	sdelay $0x3  }
0x33: {  	p0 =	seq.s32 s10, $0x1;
	s10 =	sld [smem:$0x3FB7];
	_ =	sdelay $0x3  }
0x34: {  	[smem:$0x3FB7] =	sst s10  }
0x35: {  	s10 =	sld [smem:$0x3FB6];
	_ =	sdelay $0x3  }
0x36: {  	p1 =	seq.s32 s10, $0x1;
	s10 =	sld [smem:$0x3FB7];
	_ =	sdelay $0x3  }
0x37: {  	[smem:$0x3FB7] =	sst s10  }
0x38: {  	s10 =	sld [smem:$0x3FB8]  }
0x39: {  	_ = 	snop;
	(pc) =	sbr.ind lr, $3  }
0x3a: {  	_ = 	snop  }
0x3b: {  	_ = 	snop  }
0x3c: {  	p2 =	seq.s32 s10, $0x1;
	s10 =	sld [smem:$0x3FB7]  }
0x3d: {  	_ =	shalt  }
0x3e: {  	_ =	shalt  }
0x3f: {  	_ =	shalt  }
0x40: {  	_ =	shalt  }
0x41: {  	_ =	shalt  }
0x42: {  	_ =	shalt  }
0x43: {  	_ =	shalt  }
0x44: {  	_ =	shalt  }
0x45: {  	_ =	shalt  }
0x46: {  	_ =	shalt  }
0x47: {  	_ =	shalt  }
0x48: {  	_ =	shalt  }
0x49: {  	_ =	shalt  }
0x4a: {  	_ =	shalt  }
0x4b: {  	_ =	shalt  }
0x4c: {  	_ =	shalt  }
0x4d: {  	_ =	shalt  }
0x4e: {  	_ =	shalt  }
0x4f: {  	_ =	shalt  }
0x50: {  	_ =	shalt  }
0x51: {  	_ =	shalt  }
0x52: {  	_ =	shalt  }
0x53: {  	_ =	shalt  }
0x54: {  	_ =	shalt  }
0x55: {  	_ =	shalt  }
0x56: {  	_ =	shalt  }
0x57: {  	_ =	shalt  }
0x58: {  	_ =	shalt  }
0x59: {  	_ =	shalt  }
0x5a: {  	_ =	shalt  }
0x5b: {  	_ =	shalt  }
0x5c: {  	_ =	shalt  }
0x5d: {  	_ =	shalt  }
0x5e: {  	_ =	shalt  }
0x5f: {  	_ =	shalt  }
0x60: {  	_ =	shalt  }
0x61: {  	_ =	shalt  }
0x62: {  	_ =	shalt  }
0x63: {  	_ =	shalt  }
0x64: {  	_ =	shalt  }
0x65: {  	_ =	shalt  }
0x66: {  	_ =	shalt  }
0x67: {  	_ =	shalt  }
0x68: {  	_ =	shalt  }
0x69: {  	_ =	shalt  }
0x6a: {  	_ =	shalt  }
0x6b: {  	_ =	shalt  }
0x6c: {  	_ =	shalt  }
0x6d: {  	_ =	shalt  }
0x6e: {  	_ =	shalt  }
0x6f: {  	_ =	shalt  }
0x70: {  	_ =	shalt  }
0x71: {  	_ =	shalt  }
0x72: {  	_ =	shalt  }
0x73: {  	_ =	shalt  }
0x74: {  	_ =	shalt  }
0x75: {  	_ =	shalt  }
0x76: {  	_ =	shalt  }
0x77: {  	_ =	shalt  }
0x78: {  	_ =	shalt  }
0x79: {  	_ =	shalt  }
0x7a: {  	_ =	shalt  }
0x7b: {  	_ =	shalt  }
0x7c: {  	_ =	shalt  }
0x7d: {  	_ =	shalt  }
0x7e: {  	_ =	shalt  }
0x7f: {  	_ =	shalt  }
0x80: {  	_ =	shalt  }
0x81: {  	_ =	shalt  }
0x82: {  	_ =	shalt  }
0x83: {  	_ =	shalt  }
0x84: {  	_ =	shalt  }
0x85: {  	_ =	shalt  }
0x86: {  	_ =	shalt  }
0x87: {  	_ =	shalt  }
.Lfunc_end0:
.L_simem_size_0:
called_computation_lowered:
.L_overlay_start_0:
0x88: {  	s2 =	sld [smem:$0x3FD9]  }
0x89: {  	s3 =	sld [smem:$0x3FFE];
	_ =	sdelay $0x1  }
0x8a: {  	s1 =	srdreg.scid  }
0x8b: {  	s0 =	sand.u32 $0x1, s1  }
0x8c: {  	s17 =	sshll.u32 s0, $0xA;
	s2 =	sadd.s32 s3, s2  }
0x8d: {  	s2 =	sadd.s32 s2, s17  }
0x8e: {  	[smem:$0x3FC3] =	sst s2  }
0x8f: {  	_ = 	snop  }
0x90: {  	s2 =	sld [smem:$0x3FD0];
	(tm) =	ssettm $0x1  }
0x91: {  	s18 =	sld [smem:$0x3FFB];
	_ =	sdelay $0x3  }
0x92: {  	_ =	strace s18  }
0x93: {  	s3 =	sld [smem:$0x3FFC];
	_ =	sdelay $0x3  }
0x94: {  	_ =	strace s3  }
0x95: {  	s3 =	sld [smem:$0x3FFD];
	_ =	sdelay $0x3  }
0x96: {  	_ =	strace s3  }
0x97: {  	_ =	strace $0x8FFFFFFF  }
0x98: {  	s19 =	sld [smem:$0x3FDB];
	_ =	sdelay $0x1  }
0x99: {  	s4 =	simm.s32 $_scs_section_size  }
0x9a: {  	s5 =	simm.s32 $_size__tile_overlayer_lowered;
	s6 =	simm.s32 $_tile_overlayer_lowered  }
0x9b: {  	s22 =	simm.s32 $0x1BFF;
	s21 =	sshll.u32 s6, $0x1;
	s3 =	sadd.s32 s4, s19  }
0x9c: {  	s7 =	simm.s32 $0x0;
	s20 =	sshll.u32 s5, $0x1;
	s5 =	sadd.s32 s21, s3  }
0x9d: {  	[timem:s7], [sflag:s22] =	dma.local [hbm:s5], s20  }
0x9e: {  	_ =	swait.ge [sflag:s22], s20  }
0x9f: {  	s4 =	ssub.s32 $0x0, s20;
	[sflag:s22] =	ssyncset.done $0x0  }
0xa0: {  	[sflag:s22] =	ssyncadd.s32 s4;
	_ =	sdelay $0x1  }
0xa1: {  	s23 =	simm.s32 $0x1B8B  }
0xa2: {  	_ =	swait.ge [sflag:s23], $0x1  }
0xa3: {  	[sflag:s23] =	ssyncset.done $0x0  }
0xa4: {  	s25 =	simm.s32 $0x1B8E;
	s24 =	sld [smem:$0x3FFE];
	[sflag:s23] =	ssyncadd.s32 $0xFFFFFFFF  }
0xa5: {  	s26 =	simm.s32 $execute0_lowered;
	[smem:$0x3FD2] =	sst s25  }
0xa6: {  	s5 =	sshll.u32 s26, $0x1;
	_ =	strace $0x80000046;
	[dreg:$0x1] =	wrdreg $0xFFFFFFFF  }
0xa7: {  	s28 =	simm.s32 $_size_execute0_lowered;
	s3 =	sadd.s32 s3, s5;
	[dreg:$0x0] =	wrdreg $0x0  }
0xa8: {  	s5 =	sshll.u32 s28, $0x1;
	[dreg:$0x2] =	wrdreg s3  }
0xa9: {  	[dreg:$0x3] =	wrdreg s5  }
0xaa: {  	[dreg:$0x4] =	wrdreg $0xC0  }
0xab: {  	_ =	task [dreg:s7], $0x5FFFF  }
0xac: {  	[dreg:$0x1] =	wrdreg $0xFFFFFFFF  }
0xad: {  	[dreg:$0x0] =	wrdreg $0x60  }
0xae: {  	[dreg:$0x2] =	wrdreg s2  }
0xaf: {  	[dreg:$0x3] =	wrdreg s24  }
0xb0: {  	[dreg:$0x4] =	wrdreg $0x2E300  }
0xb1: {  	[dreg:$0x5] =	wrdreg $0xCAB00  }
0xb2: {  	[dreg:$0x6] =	wrdreg $0x9  }
0xb3: {  	_ =	task.clear_ibuf [dreg:s7], $0x7FFFF;
	_ =	strace $0x90000046  }
0xb4: {  	s29 =	simm.s32 $0x9;
	_ =	strace $0x80000048  }
0xb5: {  	_ =	swait.ge [sflag:s29], $0x1  }
0xb6: {  	[sflag:s29] =	ssyncadd.s32 $0xFFFFFFFF  }
0xb7: {  	_ =	strace $0x90000048  }
0xb8: {  	_ =	sfence  }
0xb9: {  	s30 =	sld [smem:$0x0];
	_ =	sdelay $0x2  }
0xba: {  	s31 =	sshll.u32 s1, $0xD;
	s1 =	sshrl.u32 s1, $0x2  }
0xbb: {  	s3 =	sand.u32 $0x4000, s31;
	s1 =	sadd.s32 s1, s30  }
0xbc: {  	s0 =	sor.u32 s3, s0;
	s1 =	sshll.u32 s1, $0x11  }
0xbd: {  	s0 =	sor.u32 s1, s0  }
0xbe: {  	s0 =	sadd.s32 $0x8F2B, s0  }
0xbf: {  	[sflag:s0] =	ssyncadd.remote.s32 $0x1  }
0xc0: {  	_ =	sfence.sel $0xFFFF  }
0xc1: {  	[dreg:$0x0] =	wrdreg $0xFFFFFFFF;
	(pc) =	sbr.abs _section_cstart, $3  }
0xc2: {  	[dreg:$0x1] =	wrdreg $0xFFFFFFFF  }
0xc3: {  	_ =	task.clear_ibuf [dreg:s7], $0x2FFFF;
	_ =	strace $0x9FFFFFFF  }
0xc4: {  	(tm) =	ssettm $0x7FFFFFFF  }
0xc5: {  	_ =	shalt  }
tec
execute0_lowered:
.L_overlay_start_1:
0x0: {  	(tag) =	ssettag $0x1  }
0x1: {  	s0 =	srdreg.scid;
	s14 =	stileid.u32  }
0x2: {  	s2 =	rddreg [dreg:$0x0];
	s0 =	sand.u32 $0x1, s0;
	s5 =	smul.u32 $0x270, s14  }
0x3: {  	s3 =	rddreg [dreg:$0x1];
	s4 =	smul.u32 $0xC350, s0  }
0x4: {  	s1 =	simm.s32 $0x0;
	s6 =	ssub.s32 $0x2, s0;
	s0 =	smul.u32 $0x30D400, s0  }
0x5: {  	[smem:$0x7FF] =	sst s1;
	s9 =	sadd.s32 s5, s4  }
0x6: {  	s7 =	sadd.s32 $0x21200, s3;
	s0 =	sshrl.u32 s0, $0x3;
	s20 =	sshll.u32 s9, $0x3  }
0x7: {  	p0 =	sne.s32 s14, $0x0;
	s10 =	sadd.s32 $0x13800, s0;
	s9 =	sadd.s32 s2, s20  }
0x8: {  	s8 =	sshrl.u32 s6, $0x1;
	s11 =	sadd.s32 s2, s10;
	[dreg:$0x5] =	wrdreg s9  }
0x9: {  	s6 =	ssub.s32 s6, s8;
	s8 =	sadd.s32 s7, s20;
	[dreg:$0x6] =	wrdreg s11  }
0xa: {  	s22 =	sadd.s32 $0x27080, s0;
	s10 =	sadd.s32 s7, s10;
	[dreg:$0x7] =	wrdreg s8  }
0xb: {  	s15 =	sadd.s32 $0x9C40, s4;
	s12 =	sadd.s32 s2, s22;
	[dreg:$0x8] =	wrdreg s10  }
0xc: {  	s26 =	sadd.s32 $0x3A900, s0;
	s24 =	sadd.s32 s7, s22;
	[dreg:$0xa] =	wrdreg s12  }
0xd: {  	s16 =	sadd.s32 $0x4E180, s0;
	s28 =	sadd.s32 s2, s26;
	[dreg:$0xc] =	wrdreg s24  }
0xe: {  	s0 =	sadd.s32 $0x61A00, s0;
	s30 =	sadd.s32 s7, s26;
	[dreg:$0xe] =	wrdreg s28  }
0xf: {  	s17 =	sadd.s32 s2, s16;
	s18 =	sadd.s32 s7, s16;
	[dreg:$0x10] =	wrdreg s30  }
0x10: {  	s22 =	sshll.u32 s14, $0x7;
	s9 =	sadd.s32 $0x2710, s4;
	[dreg:$0x13] =	wrdreg s17  }
0x11: {  	s11 =	sadd.s32 $0x4E20, s4;
	s10 =	sadd.s32 $0x7530, s4;
	[dreg:$0x14] =	wrdreg s18  }
0x12: {  	s24 =	rddreg [dreg:$0x3];
	s12 =	simm.s32 $0x0;
	s21 =	sadd.s32 s5, s9  }
0x13: {  	s25 =	sadd.s32 s5, s11;
	s29 =	sadd.s32 s5, s10;
	s5 =	sadd.s32 s5, s15  }
0x14: {  	v1 =	vmov s9;
	v3 =	vmov s10;
	s9 =	simm.s32 $0xDA0;
	s10 =	simm.s32 $0x3;
	s8 =	sshll.u32 s21, $0x3  }
0x15: {  	v2 =	vmov s11;
	s11 =	simm.s32 $0x4;
	s21 =	rddreg [dreg:$0x2];
	s23 =	sadd.s32 s2, s8  }
0x16: {  	s5 =	sshll.u32 s5, $0x3;
	s8 =	sadd.s32 s7, s8;
	[dreg:$0x9] =	wrdreg s23  }
0x17: {  	s31 =	sshll.u32 s29, $0x3;
	s19 =	sadd.s32 s2, s5;
	[dreg:$0xb] =	wrdreg s8  }
0x18: {  	s20 =	sadd.s32 s7, s5;
	s8 =	sshll.u32 s25, $0x3;
	[dreg:$0x15] =	wrdreg s19  }
0x19: {  	s29 =	smax.u32 s6, $0x1;
	[dreg:$0x17] =	wrdreg s20;
	s13 =	sadd.s32 s2, s8  }
0x1a: {  	s6 =	simm.s32 $0xD20;
	s8 =	sadd.s32 s7, s8;
	[dreg:$0xd] =	wrdreg s13  }
0x1b: {  	s30 =	sadd.s32 $0x9C000, s21;
	[dreg:$0xf] =	wrdreg s8;
	s13 =	sadd.s32 s2, s31  }
0x1c: {  	s5 =	simm.s32 $0x80;
	s8 =	sadd.s32 s7, s31;
	[dreg:$0x11] =	wrdreg s13  }
0x1d: {  	s23 =	smul.u32 $0x9C00, s14;
	s2 =	sadd.s32 s2, s0;
	[dreg:$0x12] =	wrdreg s8  }
0x1e: {  	s25 =	sadd.s32 $0x800, s3;
	s0 =	sadd.s32 s7, s0;
	[dreg:$0x16] =	wrdreg s2  }
0x1f: {  	[dreg:$0x18] =	wrdreg s0;
	s0 =	sadd.s32 s22, s3;
	s3 =	sadd.s32 $0x21000, s3  }
0x20: {  	s26 =	sadd.s32 s23, s21;
	_ =	strace $0x80000047;
	[dreg:$0x19] =	wrdreg s3  }
.Ltmp0:
0x21: {  	s28 =	sadd.s32 s23, s24;
	[dreg:$0x1b] =	wrdreg s26;
	(pc) =	sbr.rel .LBB2_1-.Ltmp0, $4  }
0x22: {  	s19 =	sshll.u32 s14, $0xA;
	s31 =	sadd.s32 $0xC350, s4;
	[dreg:$0x1c] =	wrdreg s28  }
0x23: {  	v0 =	vmov s4;
	s4 =	simm.s32 $0x1;
	s7 =	simm.s32 $0xE20;
	[dreg:$0x1d] =	wrdreg s29  }
0x24: {  	v5 =	vlaneseq.u32;
	v7 =	vimm.s32 $0x0;
	s2 =	sadd.s32 $0x9C000, s24;
	s0 =	sadd.s32 $0x20800, s0;
	[dreg:$0x1e] =	wrdreg s30  }
0x25: {  	v8 =	vor.u32 $0x2710, v5;
	v4 =	vmov s15;
	s8 =	simm.s32 $0x2;
	v6 =	vmov s31;
	s3 =	simm.s32 $0x5;
	[dreg:$0x1a] =	wrdreg s0  }
.LBB2_41:
0x26: {  	[bflag:$0x0] =	sbarrier.arrive $0xFFFF  }
0x27: {  	s0 =	rddreg [dreg:$0x17]  }
0x28: {  	[hbm:s0], [sflag:s17] =	dma.local [spmem:s13], $0x1380  }
0x29: {  	s0 =	rddreg [dreg:$0x18]  }
0x2a: {  	[hbm:s0], [sflag:s16] =	dma.local @!p0 [spmem:s15], $0x80  }
0x2b: {  	_ =	swait.ge @!p0 [sflag:s18], $0x80  }
0x2c: {  	[sflag:s18] =	ssyncset.done @!p0 $0x0  }
0x2d: {  	[sflag:s18] =	ssyncadd.s32 @!p0 $0xFFFFFF80  }
0x2e: {  	_ =	swait.ge [sflag:s11], $0x1380  }
0x2f: {  	[sflag:s11] =	ssyncset.done $0x0  }
0x30: {  	[sflag:s11] =	ssyncadd.s32 $0xFFFFEC80  }
0x31: {  	_ =	swait.ge [sflag:s10], $0x1380  }
0x32: {  	s12 =	sadd.s32 $0x1, s12;
	s31 =	rddreg [dreg:$0x1d]  }
0x33: {  	p1 =	sne.s32 s12, s31  }
.Ltmp1:
0x34: {  	_ = 	snop;
	(pc) =	sbr.rel @!p1 .LBB2_42-.Ltmp1, $3  }
0x35: {  	_ =	sdelay $0x1  }
0x36: {  	[sflag:s10] =	ssyncset.done $0x0  }
0x37: {  	[sflag:s10] =	ssyncadd.s32 $0xFFFFEC80  }
.LBB2_1:
0x38: {  	s0 =	rddreg [dreg:$0x1a]  }
0x39: {  	[tilespmem:s1], [sflag:$0x5] =	stream.linear.gather [hbm4b:s0+s1], $0x400, $0x38;
	[tilespmem:$0x16730] =	vst v63  }
0x3a: {  	_ =	swait.ge [sflag:s3], $0x400  }
0x3b: {  	s13 =	simm.s32 $0x2E20;
	[sflag:s3] =	ssyncset.done $0x0  }
0x3c: {  	s29 =	stileid.u32;
	s28 =	rddreg [dreg:$0x19];
	[sflag:s3] =	ssyncadd.s32 $0xFFFFFC00  }
0x3d: {  	[tilespmem:s13], [sflag:$0x5] =	stream.linear.gather [hbm4b:s28+s1], $0x10, $0x38;
	[tilespmem:$0x16730] =	vst v63  }
0x3e: {  	s14 =	simm.s32 $0x0;
	s22 =	sshll.u32 s29, $0x6;
	_ =	swait.ge [sflag:s3], $0x10  }
0x3f: {  	s16 =	sor.u32 $0x1C01, s22;
	[sflag:s3] =	ssyncset.done $0x0;
	s30 =	rddreg [dreg:$0x1b]  }
0x40: {  	s31 =	rddreg [dreg:$0x5];
	[sflag:s3] =	ssyncadd.s32 $0xFFFFFFF0;
	s13 =	sshrl.u32 s30, $0x3  }
0x41: {  	v9 =	vld [tilespmem:$0x2E20];
	[spmem:s13], [sflag:s16] =	dma.local [hbm:s31], $0x1380  }
0x42: {  	v10 =	vld [tilespmem:s14+$0x0];
	_ =	sdelay $0x4  }
0x43: {  	vm0 =	vge.s32 v10, v0;
	vm1 =	vlt.s32 v10, v1  }
0x44: {  	vm0 =	vmand vm0, vm1  }
0x45: {  	v11 =	vsel vm0, $0x1, v7  }
0x46: {  	(xrf0) =	vadd.scan.msk.s32 $0xffff, v11;
	_ =	sdelay $0x5  }
0x47: {  	v10 =	vsub.s32 v10, v0;
	v11, _, _ =	vpop (xrf0)  }
0x48: {  	s18 =	simm.s32 $0x10;
	[tilespmem:s1+$0x890] =	vst.msk vm0, v10;
	v10 =	vor.u32 s19, v5;
	(v2sf) =	vpush v11, $0xF  }
0x49: {  	s17 =	simm.s32 $0x80;
	s15 =	smov.u32 s19;
	s14 =	simm.s32 $0x0;
	[tilespmem:s1+$0x400] =	vst.msk vm0, v10  }
.LBB2_2:
0x4a: {  	p1 =	sne.s32 s17, $0xFC0;
	v11 =	vld [tilespmem:s18+$0x0];
	_ =	sdelay $0x4  }
0x4b: {  	vm0 =	vge.s32 v11, v0;
	vm1 =	vlt.s32 v11, v1;
	v11 =	vsub.s32 v11, v0  }
0x4c: {  	vm0 =	vmand vm0, vm1  }
0x4d: {  	v12 =	vsel vm0, $0x1, v7  }
0x4e: {  	(xrf0) =	vadd.scan.msk.s32 $0xffff, v12;
	_ =	sdelay $0x3  }
.Ltmp2:
0x4f: {  	(pc) =	sbr.rel @p1 .LBB2_2-.Ltmp2, $4  }
0x50: {  	s18 =	spop (v2sf)  }
0x51: {  	s15 =	sadd.s32 $0x10, s15;
	v12, _, _ =	vpop (xrf0);
	s14 =	sadd.s32 s14, s18  }
0x52: {  	[tilespmem:s14+$0x890] =	vst.msk vm0, v11;
	v11 =	vor.u32 s15, v5;
	(v2sf) =	vpush v12, $0xF  }
0x53: {  	s18 =	sshra.s32 s17, $0x2;
	s17 =	sadd.s32 $0x40, s17;
	[tilespmem:s14+$0x400] =	vst.msk vm0, v11  }
0x54: {  	v11 =	vld [tilespmem:s18+$0x0];
	_ =	sdelay $0x4  }
0x55: {  	vm0 =	vge.s32 v11, v0;
	vm1 =	vlt.s32 v11, v1  }
0x56: {  	vm0 =	vmand vm0, vm1  }
0x57: {  	v12 =	vsel vm0, $0x1, v7  }
0x58: {  	(xrf0) =	vadd.scan.msk.s32 $0xffff, v12;
	_ =	sdelay $0x5  }
0x59: {  	v12, _, _ =	vpop (xrf0)  }
0x5a: {  	(v2sf) =	vpush v12, $0xF;
	_ =	sdelay $0xc  }
0x5b: {  	s17 =	spop (v2sf)  }
0x5c: {  	s15 =	sadd.s32 $0x10, s15;
	v11 =	vsub.s32 v11, v0;
	s14 =	sadd.s32 s14, s17  }
0x5d: {  	[tilespmem:s14+$0x890] =	vst.msk vm0, v11;
	v11 =	vor.u32 s15, v5;
	s31 =	spop (v2sf)  }
0x5e: {  	[tilespmem:s14+$0x400] =	vst.msk vm0, v11;
	s17 =	sadd.s32 s14, s31  }
0x5f: {  	[tilespmem:s17+$0x890] =	vst v8  }
0x60: {  	[tilespmem:s17+$0x400] =	vst v5  }
0x61: {  	(v2sf) =	vpush v9, $0x0;
	[tilespmem:s17+$0x8A0] =	vst v8  }
0x62: {  	[tilespmem:s17+$0x410] =	vst v5  }
0x63: {  	[tilespmem:s17+$0x8B0] =	vst v8  }
0x64: {  	[tilespmem:s17+$0x420] =	vst v5  }
0x65: {  	[tilespmem:s17+$0x8C0] =	vst v8  }
0x66: {  	[tilespmem:s17+$0x430] =	vst v5  }
0x67: {  	[tilespmem:s17+$0x8D0] =	vst v8  }
0x68: {  	[tilespmem:s17+$0x440] =	vst v5  }
0x69: {  	[tilespmem:s17+$0x8E0] =	vst v8  }
0x6a: {  	[tilespmem:s17+$0x450] =	vst v5  }
0x6b: {  	[tilespmem:s17+$0x8F0] =	vst v8  }
0x6c: {  	[tilespmem:s17+$0x460] =	vst v5  }
0x6d: {  	[tilespmem:s17+$0x900] =	vst v8  }
0x6e: {  	[tilespmem:s17+$0x470] =	vst v5  }
0x6f: {  	[tilespmem:s17+$0x910] =	vst v8  }
0x70: {  	s18 =	simm.s32 @!p0 $0x1C05;
	s14 =	spop (v2sf);
	[tilespmem:s17+$0x480] =	vst v5;
	s17 =	sadd.s32 $0x7F, s17  }
0x71: {  	_ =	swait.ge [sflag:s4], $0x1380;
	s20 =	sand.u32 $0x7F, s17;
	s23 =	sshra.s32 s17, $0x1F  }
0x72: {  	p1 =	slt.s32 s17, $0x1;
	[sflag:s4] =	ssyncset.done $0x0;
	s0 =	rddreg [dreg:$0x1e]  }
0x73: {  	p2 =	sne.s32 s20, $0x0;
	s23 =	sshrl.u32 s23, $0x19;
	[sflag:s4] =	ssyncadd.s32 $0xFFFFEC80  }
0x74: {  	s15 =	sshrl.u32 @!p0 s0, $0x3;
	s0 =	rddreg [dreg:$0x6];
	p1 =	por !p1, !p2  }
0x75: {  	[spmem:s15], [sflag:s18] =	dma.local @!p0 [hbm:s0], $0x80  }
0x76: {  	s17 =	sadd.s32 s23, s17;
	s23 =	simm.s32 $0x1;
	p1 =	por !p1, !p1  }
0x77: {  	s17 =	sshra.s32 s17, $0x7;
	s23 =	simm.s32 @!p1 $0x0  }
0x78: {  	s17 =	ssub.s32 s17, s23  }
0x79: {  	s20 =	simm.s32 @!p0 $0x5;
	p1 =	slt.s32 s17, $0x1  }
.Ltmp3:
0x7a: {  	_ =	swait.ge @!p0 [sflag:s20], $0x80;
	(pc) =	sbr.rel @!p1 .LBB2_4-.Ltmp3, $4  }
0x7b: {  	[sflag:s20] =	ssyncset.done @!p0 $0x0  }
0x7c: {  	[sflag:s20] =	ssyncadd.s32 @!p0 $0xFFFFFF80  }
0x7d: {  	[bflag:$0x0] =	sbarrier.arrive $0xFFFF  }
0x7e: {  	s23 =	simm.s32 $0x0  }
.LBB2_9:
0x7f: {  	[bflag:$0x0] =	sbarrier.arrive $0xFFFF  }
0x80: {  	s17 =	sor.u32 $0x1C03, s22;
	s0 =	rddreg [dreg:$0x7]  }
0x81: {  	[hbm:s0], [sflag:s17] =	dma.local [spmem:s13], $0x1380  }
0x82: {  	s0 =	rddreg [dreg:$0x8]  }
0x83: {  	[hbm:s0], [sflag:s18] =	dma.local @!p0 [spmem:s15], $0x80  }
0x84: {  	_ =	swait.ge @!p0 [sflag:s20], $0x80  }
0x85: {  	s31 =	simm.s32 $0x0;
	[sflag:s20] =	ssyncset.done @!p0 $0x0;
	s29 =	rddreg [dreg:$0x1c]  }
0x86: {  	s30 =	rddreg [dreg:$0x9];
	[sflag:s20] =	ssyncadd.s32 @!p0 $0xFFFFFF80;
	s18 =	sshrl.u32 s29, $0x3  }
0x87: {  	[spmem:s18], [sflag:s16] =	dma.local [hbm:s30], $0x1380  }
0x88: {  	v11 =	vld [tilespmem:s31+$0x0];
	_ =	sdelay $0x4  }
0x89: {  	vm0 =	vge.s32 v11, v1;
	vm1 =	vlt.s32 v11, v2  }
0x8a: {  	vm0 =	vmand vm0, vm1  }
0x8b: {  	v12 =	vsel vm0, $0x1, v7  }
0x8c: {  	(xrf0) =	vadd.scan.msk.s32 $0xffff, v12;
	_ =	sdelay $0x5  }
0x8d: {  	s20 =	simm.s32 $0x0;
	v11 =	vsub.s32 v11, v1;
	v12, _, _ =	vpop (xrf0)  }
0x8e: {  	[tilespmem:s20+$0x890] =	vst.msk vm0, v11;
	(v2sf) =	vpush v12, $0xF  }
0x8f: {  	s28 =	simm.s32 $0x10;
	s26 =	simm.s32 $0x80;
	s23 =	smov.u32 s19;
	[tilespmem:s20+$0x400] =	vst.msk vm0, v10  }
.LBB2_10:
0x90: {  	p1 =	sne.s32 s26, $0xFC0;
	v11 =	vld [tilespmem:s28+$0x0];
	_ =	sdelay $0x4  }
0x91: {  	vm0 =	vge.s32 v11, v1;
	vm1 =	vlt.s32 v11, v2;
	v11 =	vsub.s32 v11, v1  }
0x92: {  	vm0 =	vmand vm0, vm1  }
0x93: {  	v12 =	vsel vm0, $0x1, v7  }
0x94: {  	(xrf0) =	vadd.scan.msk.s32 $0xffff, v12;
	_ =	sdelay $0x3  }
.Ltmp4:
0x95: {  	(pc) =	sbr.rel @p1 .LBB2_10-.Ltmp4, $4  }
0x96: {  	s28 =	spop (v2sf)  }
0x97: {  	s23 =	sadd.s32 $0x10, s23;
	v12, _, _ =	vpop (xrf0);
	s20 =	sadd.s32 s20, s28  }
0x98: {  	[tilespmem:s20+$0x890] =	vst.msk vm0, v11;
	v11 =	vor.u32 s23, v5;
	(v2sf) =	vpush v12, $0xF  }
0x99: {  	s28 =	sshra.s32 s26, $0x2;
	s26 =	sadd.s32 $0x40, s26;
	[tilespmem:s20+$0x400] =	vst.msk vm0, v11  }
0x9a: {  	v11 =	vld [tilespmem:s28+$0x0];
	_ =	sdelay $0x4  }
0x9b: {  	vm0 =	vge.s32 v11, v1;
	vm1 =	vlt.s32 v11, v2  }
0x9c: {  	vm0 =	vmand vm0, vm1  }
0x9d: {  	v12 =	vsel vm0, $0x1, v7  }
0x9e: {  	(xrf0) =	vadd.scan.msk.s32 $0xffff, v12;
	_ =	sdelay $0x5  }
0x9f: {  	v12, _, _ =	vpop (xrf0)  }
0xa0: {  	(v2sf) =	vpush v12, $0xF;
	_ =	sdelay $0xc  }
0xa1: {  	s26 =	spop (v2sf)  }
0xa2: {  	s23 =	sadd.s32 $0x10, s23;
	v11 =	vsub.s32 v11, v1;
	s20 =	sadd.s32 s20, s26  }
0xa3: {  	[tilespmem:s20+$0x890] =	vst.msk vm0, v11;
	v11 =	vor.u32 s23, v5;
	s31 =	spop (v2sf)  }
0xa4: {  	[tilespmem:s20+$0x400] =	vst.msk vm0, v11;
	s26 =	sadd.s32 s20, s31  }
0xa5: {  	[tilespmem:s26+$0x890] =	vst v8  }
0xa6: {  	[tilespmem:s26+$0x400] =	vst v5  }
0xa7: {  	[tilespmem:s26+$0x8A0] =	vst v8  }
0xa8: {  	[tilespmem:s26+$0x410] =	vst v5  }
0xa9: {  	[tilespmem:s26+$0x8B0] =	vst v8  }
0xaa: {  	[tilespmem:s26+$0x420] =	vst v5  }
0xab: {  	[tilespmem:s26+$0x8C0] =	vst v8  }
0xac: {  	[tilespmem:s26+$0x430] =	vst v5  }
0xad: {  	[tilespmem:s26+$0x8D0] =	vst v8  }
0xae: {  	[tilespmem:s26+$0x440] =	vst v5  }
0xaf: {  	[tilespmem:s26+$0x8E0] =	vst v8  }
0xb0: {  	[tilespmem:s26+$0x450] =	vst v5  }
0xb1: {  	[tilespmem:s26+$0x8F0] =	vst v8  }
0xb2: {  	[tilespmem:s26+$0x460] =	vst v5  }
0xb3: {  	[tilespmem:s26+$0x900] =	vst v8  }
0xb4: {  	[tilespmem:s26+$0x470] =	vst v5  }
0xb5: {  	[tilespmem:s26+$0x910] =	vst v8  }
0xb6: {  	s23 =	simm.s32 @!p0 $0x1C05;
	[tilespmem:s26+$0x480] =	vst v5  }
0xb7: {  	s20 =	sshrl.u32 @!p0 s2, $0x3;
	s28 =	sadd.s32 $0x7F, s26;
	_ =	swait.ge [sflag:s4], $0x1380  }
0xb8: {  	s26 =	sand.u32 $0x7F, s28;
	s29 =	sshra.s32 s28, $0x1F;
	p1 =	slt.s32 s28, $0x1  }
0xb9: {  	[sflag:s4] =	ssyncset.done $0x0;
	s0 =	rddreg [dreg:$0xa];
	p2 =	sne.s32 s26, $0x0  }
0xba: {  	s29 =	sshrl.u32 s29, $0x19;
	[sflag:s4] =	ssyncadd.s32 $0xFFFFEC80;
	p1 =	por !p1, !p2  }
0xbb: {  	[spmem:s20], [sflag:s23] =	dma.local @!p0 [hbm:s0], $0x80  }
0xbc: {  	s28 =	sadd.s32 s29, s28;
	s29 =	simm.s32 $0x1;
	p1 =	por !p1, !p1  }
0xbd: {  	s28 =	sshra.s32 s28, $0x7;
	s29 =	simm.s32 @!p1 $0x0  }
0xbe: {  	s28 =	ssub.s32 s28, s29  }
0xbf: {  	s26 =	simm.s32 @!p0 $0x5;
	p1 =	slt.s32 s28, $0x1  }
.Ltmp5:
0xc0: {  	_ =	swait.ge @!p0 [sflag:s26], $0x80;
	(pc) =	sbr.rel @!p1 .LBB2_12-.Ltmp5, $4  }
0xc1: {  	[sflag:s26] =	ssyncset.done @!p0 $0x0  }
0xc2: {  	[sflag:s26] =	ssyncadd.s32 @!p0 $0xFFFFFF80  }
0xc3: {  	[bflag:$0x0] =	sbarrier.arrive $0xFFFF  }
0xc4: {  	s29 =	simm.s32 $0x0  }
.LBB2_17:
0xc5: {  	[bflag:$0x0] =	sbarrier.arrive $0xFFFF  }
0xc6: {  	s22 =	sor.u32 $0x1C04, s22;
	s0 =	rddreg [dreg:$0xb]  }
0xc7: {  	[hbm:s0], [sflag:s22] =	dma.local [spmem:s18], $0x1380  }
0xc8: {  	s0 =	rddreg [dreg:$0xc]  }
0xc9: {  	[hbm:s0], [sflag:s23] =	dma.local @!p0 [spmem:s20], $0x80  }
0xca: {  	_ =	swait.ge @!p0 [sflag:s26], $0x80  }
0xcb: {  	[sflag:s26] =	ssyncset.done @!p0 $0x0  }
0xcc: {  	[sflag:s26] =	ssyncadd.s32 @!p0 $0xFFFFFF80  }
0xcd: {  	_ =	swait.ge [sflag:s10], $0x1380  }
0xce: {  	[sflag:s10] =	ssyncset.done $0x0  }
0xcf: {  	s31 =	simm.s32 $0x0;
	s30 =	rddreg [dreg:$0xd];
	[sflag:s10] =	ssyncadd.s32 $0xFFFFEC80  }
0xd0: {  	[spmem:s13], [sflag:s16] =	dma.local [hbm:s30], $0x1380  }
0xd1: {  	v11 =	vld [tilespmem:s31+$0x0];
	_ =	sdelay $0x4  }
0xd2: {  	vm0 =	vge.s32 v11, v2;
	vm1 =	vlt.s32 v11, v3  }
0xd3: {  	vm0 =	vmand vm0, vm1  }
0xd4: {  	v12 =	vsel vm0, $0x1, v7  }
0xd5: {  	(xrf0) =	vadd.scan.msk.s32 $0xffff, v12;
	_ =	sdelay $0x5  }
0xd6: {  	s23 =	simm.s32 $0x0;
	v11 =	vsub.s32 v11, v2;
	v12, _, _ =	vpop (xrf0)  }
0xd7: {  	[tilespmem:s23+$0x890] =	vst.msk vm0, v11;
	(v2sf) =	vpush v12, $0xF  }
0xd8: {  	s29 =	simm.s32 $0x10;
	s28 =	simm.s32 $0x80;
	s26 =	smov.u32 s19;
	[tilespmem:s23+$0x400] =	vst.msk vm0, v10  }
.LBB2_18:
0xd9: {  	p1 =	sne.s32 s28, $0xFC0;
	v11 =	vld [tilespmem:s29+$0x0];
	_ =	sdelay $0x4  }
0xda: {  	vm0 =	vge.s32 v11, v2;
	vm1 =	vlt.s32 v11, v3;
	v11 =	vsub.s32 v11, v2  }
0xdb: {  	vm0 =	vmand vm0, vm1  }
0xdc: {  	v12 =	vsel vm0, $0x1, v7  }
0xdd: {  	(xrf0) =	vadd.scan.msk.s32 $0xffff, v12;
	_ =	sdelay $0x3  }
.Ltmp6:
0xde: {  	(pc) =	sbr.rel @p1 .LBB2_18-.Ltmp6, $4  }
0xdf: {  	s0 =	spop (v2sf)  }
0xe0: {  	s26 =	sadd.s32 $0x10, s26;
	v12, _, _ =	vpop (xrf0);
	s23 =	sadd.s32 s23, s0  }
0xe1: {  	[tilespmem:s23+$0x890] =	vst.msk vm0, v11;
	v11 =	vor.u32 s26, v5;
	(v2sf) =	vpush v12, $0xF  }
0xe2: {  	s29 =	sshra.s32 s28, $0x2;
	s28 =	sadd.s32 $0x40, s28;
	[tilespmem:s23+$0x400] =	vst.msk vm0, v11  }
0xe3: {  	v11 =	vld [tilespmem:s29+$0x0];
	_ =	sdelay $0x4  }
0xe4: {  	vm0 =	vge.s32 v11, v2;
	vm1 =	vlt.s32 v11, v3  }
0xe5: {  	vm0 =	vmand vm0, vm1  }
0xe6: {  	v12 =	vsel vm0, $0x1, v7  }
0xe7: {  	(xrf0) =	vadd.scan.msk.s32 $0xffff, v12;
	_ =	sdelay $0x5  }
0xe8: {  	v12, _, _ =	vpop (xrf0)  }
0xe9: {  	(v2sf) =	vpush v12, $0xF;
	_ =	sdelay $0xc  }
0xea: {  	s0 =	spop (v2sf)  }
0xeb: {  	s26 =	sadd.s32 $0x10, s26;
	v11 =	vsub.s32 v11, v2;
	s0 =	sadd.s32 s23, s0  }
0xec: {  	[tilespmem:s0+$0x890] =	vst.msk vm0, v11;
	v11 =	vor.u32 s26, v5;
	s30 =	spop (v2sf)  }
0xed: {  	[tilespmem:s0+$0x400] =	vst.msk vm0, v11;
	s0 =	sadd.s32 s0, s30  }
0xee: {  	[tilespmem:s0+$0x890] =	vst v8  }
0xef: {  	[tilespmem:s0+$0x400] =	vst v5  }
0xf0: {  	[tilespmem:s0+$0x8A0] =	vst v8  }
0xf1: {  	[tilespmem:s0+$0x410] =	vst v5  }
0xf2: {  	[tilespmem:s0+$0x8B0] =	vst v8  }
0xf3: {  	[tilespmem:s0+$0x420] =	vst v5  }
0xf4: {  	[tilespmem:s0+$0x8C0] =	vst v8  }
0xf5: {  	[tilespmem:s0+$0x430] =	vst v5  }
0xf6: {  	[tilespmem:s0+$0x8D0] =	vst v8  }
0xf7: {  	[tilespmem:s0+$0x440] =	vst v5  }
0xf8: {  	[tilespmem:s0+$0x8E0] =	vst v8  }
0xf9: {  	[tilespmem:s0+$0x450] =	vst v5  }
0xfa: {  	[tilespmem:s0+$0x8F0] =	vst v8  }
0xfb: {  	[tilespmem:s0+$0x460] =	vst v5  }
0xfc: {  	[tilespmem:s0+$0x900] =	vst v8  }
0xfd: {  	[tilespmem:s0+$0x470] =	vst v5  }
0xfe: {  	[tilespmem:s0+$0x910] =	vst v8  }
0xff: {  	[tilespmem:s0+$0x480] =	vst v5  }
0x100: {  	s23 =	simm.s32 @!p0 $0x1C05;
	s0 =	sadd.s32 $0x7F, s0;
	_ =	swait.ge [sflag:s4], $0x1380  }
0x101: {  	s31 =	sand.u32 $0x7F, s0;
	s28 =	sshra.s32 s0, $0x1F;
	p1 =	slt.s32 s0, $0x1  }
0x102: {  	[sflag:s4] =	ssyncset.done $0x0;
	s26 =	rddreg [dreg:$0xe];
	p2 =	sne.s32 s31, $0x0  }
0x103: {  	s28 =	sshrl.u32 s28, $0x19;
	[sflag:s4] =	ssyncadd.s32 $0xFFFFEC80;
	p1 =	por !p1, !p2  }
0x104: {  	[spmem:s15], [sflag:s23] =	dma.local @!p0 [hbm:s26], $0x80  }
0x105: {  	s0 =	sadd.s32 s28, s0;
	s28 =	simm.s32 $0x1;
	p1 =	por !p1, !p1  }
0x106: {  	s0 =	sshra.s32 s0, $0x7;
	s28 =	simm.s32 @!p1 $0x0  }
0x107: {  	s28 =	ssub.s32 s0, s28  }
0x108: {  	s26 =	simm.s32 @!p0 $0x5;
	p1 =	slt.s32 s28, $0x1  }
.Ltmp7:
0x109: {  	_ =	swait.ge @!p0 [sflag:s26], $0x80;
	(pc) =	sbr.rel @!p1 .LBB2_20-.Ltmp7, $4  }
0x10a: {  	[sflag:s26] =	ssyncset.done @!p0 $0x0  }
0x10b: {  	[sflag:s26] =	ssyncadd.s32 @!p0 $0xFFFFFF80  }
0x10c: {  	[bflag:$0x0] =	sbarrier.arrive $0xFFFF  }
0x10d: {  	s29 =	simm.s32 $0x0  }
.LBB2_25:
0x10e: {  	[bflag:$0x0] =	sbarrier.arrive $0xFFFF  }
0x10f: {  	s0 =	rddreg [dreg:$0xf]  }
0x110: {  	[hbm:s0], [sflag:s17] =	dma.local [spmem:s13], $0x1380  }
0x111: {  	s0 =	rddreg [dreg:$0x10]  }
0x112: {  	[hbm:s0], [sflag:s23] =	dma.local @!p0 [spmem:s15], $0x80  }
0x113: {  	_ =	swait.ge @!p0 [sflag:s26], $0x80  }
0x114: {  	[sflag:s26] =	ssyncset.done @!p0 $0x0  }
0x115: {  	[sflag:s26] =	ssyncadd.s32 @!p0 $0xFFFFFF80  }
0x116: {  	_ =	swait.ge [sflag:s11], $0x1380  }
0x117: {  	[sflag:s11] =	ssyncset.done $0x0  }
0x118: {  	s31 =	simm.s32 $0x0;
	s30 =	rddreg [dreg:$0x11];
	[sflag:s11] =	ssyncadd.s32 $0xFFFFEC80  }
0x119: {  	[spmem:s18], [sflag:s16] =	dma.local [hbm:s30], $0x1380  }
0x11a: {  	v11 =	vld [tilespmem:s31+$0x0];
	_ =	sdelay $0x4  }
0x11b: {  	vm0 =	vge.s32 v11, v3;
	vm1 =	vlt.s32 v11, v4  }
0x11c: {  	vm0 =	vmand vm0, vm1  }
0x11d: {  	v12 =	vsel vm0, $0x1, v7  }
0x11e: {  	(xrf0) =	vadd.scan.msk.s32 $0xffff, v12;
	_ =	sdelay $0x5  }
0x11f: {  	s23 =	simm.s32 $0x0;
	v11 =	vsub.s32 v11, v3;
	v12, _, _ =	vpop (xrf0)  }
0x120: {  	[tilespmem:s23+$0x890] =	vst.msk vm0, v11;
	(v2sf) =	vpush v12, $0xF  }
0x121: {  	s29 =	simm.s32 $0x10;
	s28 =	simm.s32 $0x80;
	s26 =	smov.u32 s19;
	[tilespmem:s23+$0x400] =	vst.msk vm0, v10  }
.LBB2_26:
0x122: {  	p1 =	sne.s32 s28, $0xFC0;
	v11 =	vld [tilespmem:s29+$0x0];
	_ =	sdelay $0x4  }
0x123: {  	vm0 =	vge.s32 v11, v3;
	vm1 =	vlt.s32 v11, v4;
	v11 =	vsub.s32 v11, v3  }
0x124: {  	vm0 =	vmand vm0, vm1  }
0x125: {  	v12 =	vsel vm0, $0x1, v7  }
0x126: {  	(xrf0) =	vadd.scan.msk.s32 $0xffff, v12;
	_ =	sdelay $0x3  }
.Ltmp8:
0x127: {  	(pc) =	sbr.rel @p1 .LBB2_26-.Ltmp8, $4  }
0x128: {  	s0 =	spop (v2sf)  }
0x129: {  	s26 =	sadd.s32 $0x10, s26;
	v12, _, _ =	vpop (xrf0);
	s23 =	sadd.s32 s23, s0  }
0x12a: {  	[tilespmem:s23+$0x890] =	vst.msk vm0, v11;
	v11 =	vor.u32 s26, v5;
	(v2sf) =	vpush v12, $0xF  }
0x12b: {  	s29 =	sshra.s32 s28, $0x2;
	s28 =	sadd.s32 $0x40, s28;
	[tilespmem:s23+$0x400] =	vst.msk vm0, v11  }
0x12c: {  	v11 =	vld [tilespmem:s29+$0x0];
	_ =	sdelay $0x4  }
0x12d: {  	vm0 =	vge.s32 v11, v3;
	vm1 =	vlt.s32 v11, v4  }
0x12e: {  	vm0 =	vmand vm0, vm1  }
0x12f: {  	v12 =	vsel vm0, $0x1, v7  }
0x130: {  	(xrf0) =	vadd.scan.msk.s32 $0xffff, v12;
	_ =	sdelay $0x5  }
0x131: {  	v12, _, _ =	vpop (xrf0)  }
0x132: {  	(v2sf) =	vpush v12, $0xF;
	_ =	sdelay $0xc  }
0x133: {  	s0 =	spop (v2sf)  }
0x134: {  	s26 =	sadd.s32 $0x10, s26;
	v11 =	vsub.s32 v11, v3;
	s0 =	sadd.s32 s23, s0  }
0x135: {  	[tilespmem:s0+$0x890] =	vst.msk vm0, v11;
	v11 =	vor.u32 s26, v5;
	s30 =	spop (v2sf)  }
0x136: {  	[tilespmem:s0+$0x400] =	vst.msk vm0, v11;
	s0 =	sadd.s32 s0, s30  }
0x137: {  	[tilespmem:s0+$0x890] =	vst v8  }
0x138: {  	[tilespmem:s0+$0x400] =	vst v5  }
0x139: {  	[tilespmem:s0+$0x8A0] =	vst v8  }
0x13a: {  	[tilespmem:s0+$0x410] =	vst v5  }
0x13b: {  	[tilespmem:s0+$0x8B0] =	vst v8  }
0x13c: {  	[tilespmem:s0+$0x420] =	vst v5  }
0x13d: {  	[tilespmem:s0+$0x8C0] =	vst v8  }
0x13e: {  	[tilespmem:s0+$0x430] =	vst v5  }
0x13f: {  	[tilespmem:s0+$0x8D0] =	vst v8  }
0x140: {  	[tilespmem:s0+$0x440] =	vst v5  }
0x141: {  	[tilespmem:s0+$0x8E0] =	vst v8  }
0x142: {  	[tilespmem:s0+$0x450] =	vst v5  }
0x143: {  	[tilespmem:s0+$0x8F0] =	vst v8  }
0x144: {  	[tilespmem:s0+$0x460] =	vst v5  }
0x145: {  	[tilespmem:s0+$0x900] =	vst v8  }
0x146: {  	[tilespmem:s0+$0x470] =	vst v5  }
0x147: {  	[tilespmem:s0+$0x910] =	vst v8  }
0x148: {  	[tilespmem:s0+$0x480] =	vst v5  }
0x149: {  	s23 =	simm.s32 @!p0 $0x1C05;
	s0 =	sadd.s32 $0x7F, s0;
	_ =	swait.ge [sflag:s4], $0x1380  }
0x14a: {  	s31 =	sand.u32 $0x7F, s0;
	s28 =	sshra.s32 s0, $0x1F;
	p1 =	slt.s32 s0, $0x1  }
0x14b: {  	[sflag:s4] =	ssyncset.done $0x0;
	s26 =	rddreg [dreg:$0x13];
	p2 =	sne.s32 s31, $0x0  }
0x14c: {  	s28 =	sshrl.u32 s28, $0x19;
	[sflag:s4] =	ssyncadd.s32 $0xFFFFEC80;
	p1 =	por !p1, !p2  }
0x14d: {  	[spmem:s20], [sflag:s23] =	dma.local @!p0 [hbm:s26], $0x80  }
0x14e: {  	s0 =	sadd.s32 s28, s0;
	s28 =	simm.s32 $0x1;
	p1 =	por !p1, !p1  }
0x14f: {  	s0 =	sshra.s32 s0, $0x7;
	s28 =	simm.s32 @!p1 $0x0  }
0x150: {  	s28 =	ssub.s32 s0, s28  }
0x151: {  	s26 =	simm.s32 @!p0 $0x5;
	p1 =	slt.s32 s28, $0x1  }
.Ltmp9:
0x152: {  	_ =	swait.ge @!p0 [sflag:s26], $0x80;
	(pc) =	sbr.rel @!p1 .LBB2_28-.Ltmp9, $4  }
0x153: {  	[sflag:s26] =	ssyncset.done @!p0 $0x0  }
0x154: {  	[sflag:s26] =	ssyncadd.s32 @!p0 $0xFFFFFF80  }
0x155: {  	[bflag:$0x0] =	sbarrier.arrive $0xFFFF  }
0x156: {  	s29 =	simm.s32 $0x0  }
.LBB2_33:
0x157: {  	[bflag:$0x0] =	sbarrier.arrive $0xFFFF  }
0x158: {  	s0 =	rddreg [dreg:$0x12]  }
0x159: {  	[hbm:s0], [sflag:s22] =	dma.local [spmem:s18], $0x1380  }
0x15a: {  	s0 =	rddreg [dreg:$0x14]  }
0x15b: {  	[hbm:s0], [sflag:s23] =	dma.local @!p0 [spmem:s20], $0x80  }
0x15c: {  	_ =	swait.ge @!p0 [sflag:s26], $0x80  }
0x15d: {  	[sflag:s26] =	ssyncset.done @!p0 $0x0  }
0x15e: {  	[sflag:s26] =	ssyncadd.s32 @!p0 $0xFFFFFF80  }
0x15f: {  	_ =	swait.ge [sflag:s10], $0x1380  }
0x160: {  	[sflag:s10] =	ssyncset.done $0x0  }
0x161: {  	s31 =	simm.s32 $0x0;
	s30 =	rddreg [dreg:$0x15];
	[sflag:s10] =	ssyncadd.s32 $0xFFFFEC80  }
0x162: {  	[spmem:s13], [sflag:s16] =	dma.local [hbm:s30], $0x1380  }
0x163: {  	v11 =	vld [tilespmem:s31+$0x0];
	_ =	sdelay $0x4  }
0x164: {  	vm0 =	vge.s32 v11, v4;
	vm1 =	vlt.s32 v11, v6  }
0x165: {  	vm0 =	vmand vm0, vm1  }
0x166: {  	v12 =	vsel vm0, $0x1, v7  }
0x167: {  	(xrf0) =	vadd.scan.msk.s32 $0xffff, v12;
	_ =	sdelay $0x5  }
0x168: {  	s16 =	simm.s32 $0x0;
	v11 =	vsub.s32 v11, v4;
	v12, _, _ =	vpop (xrf0)  }
0x169: {  	[tilespmem:s16+$0x890] =	vst.msk vm0, v11;
	(v2sf) =	vpush v12, $0xF  }
0x16a: {  	s22 =	simm.s32 $0x10;
	s18 =	smov.u32 s19;
	s20 =	simm.s32 $0x80;
	[tilespmem:s16+$0x400] =	vst.msk vm0, v10  }
.LBB2_34:
0x16b: {  	p1 =	sne.s32 s20, $0xFC0;
	v10 =	vld [tilespmem:s22+$0x0];
	_ =	sdelay $0x4  }
0x16c: {  	vm0 =	vge.s32 v10, v4;
	vm1 =	vlt.s32 v10, v6;
	v10 =	vsub.s32 v10, v4  }
0x16d: {  	vm0 =	vmand vm0, vm1  }
0x16e: {  	v11 =	vsel vm0, $0x1, v7  }
0x16f: {  	(xrf0) =	vadd.scan.msk.s32 $0xffff, v11;
	_ =	sdelay $0x3  }
.Ltmp10:
0x170: {  	(pc) =	sbr.rel @p1 .LBB2_34-.Ltmp10, $4  }
0x171: {  	s0 =	spop (v2sf)  }
0x172: {  	s18 =	sadd.s32 $0x10, s18;
	v11, _, _ =	vpop (xrf0);
	s16 =	sadd.s32 s16, s0  }
0x173: {  	[tilespmem:s16+$0x890] =	vst.msk vm0, v10;
	v10 =	vor.u32 s18, v5;
	(v2sf) =	vpush v11, $0xF  }
0x174: {  	s22 =	sshra.s32 s20, $0x2;
	s20 =	sadd.s32 $0x40, s20;
	[tilespmem:s16+$0x400] =	vst.msk vm0, v10  }
0x175: {  	v10 =	vld [tilespmem:s22+$0x0];
	_ =	sdelay $0x4  }
0x176: {  	vm0 =	vge.s32 v10, v4;
	vm1 =	vlt.s32 v10, v6  }
0x177: {  	vm0 =	vmand vm0, vm1  }
0x178: {  	v11 =	vsel vm0, $0x1, v7  }
0x179: {  	(xrf0) =	vadd.scan.msk.s32 $0xffff, v11;
	_ =	sdelay $0x5  }
0x17a: {  	v11, _, _ =	vpop (xrf0)  }
0x17b: {  	(v2sf) =	vpush v11, $0xF;
	_ =	sdelay $0xc  }
0x17c: {  	s0 =	spop (v2sf)  }
0x17d: {  	s29 =	sadd.s32 $0x10, s18;
	v10 =	vsub.s32 v10, v4;
	s0 =	sadd.s32 s16, s0  }
0x17e: {  	[tilespmem:s0+$0x890] =	vst.msk vm0, v10;
	v10 =	vor.u32 s29, v5;
	s30 =	spop (v2sf)  }
0x17f: {  	[tilespmem:s0+$0x400] =	vst.msk vm0, v10;
	s0 =	sadd.s32 s0, s30  }
0x180: {  	[tilespmem:s0+$0x890] =	vst v8  }
0x181: {  	[tilespmem:s0+$0x400] =	vst v5  }
0x182: {  	[tilespmem:s0+$0x8A0] =	vst v8  }
0x183: {  	[tilespmem:s0+$0x410] =	vst v5  }
0x184: {  	[tilespmem:s0+$0x8B0] =	vst v8  }
0x185: {  	[tilespmem:s0+$0x420] =	vst v5  }
0x186: {  	[tilespmem:s0+$0x8C0] =	vst v8  }
0x187: {  	[tilespmem:s0+$0x430] =	vst v5  }
0x188: {  	[tilespmem:s0+$0x8D0] =	vst v8  }
0x189: {  	[tilespmem:s0+$0x440] =	vst v5  }
0x18a: {  	[tilespmem:s0+$0x8E0] =	vst v8  }
0x18b: {  	[tilespmem:s0+$0x450] =	vst v5  }
0x18c: {  	[tilespmem:s0+$0x8F0] =	vst v8  }
0x18d: {  	[tilespmem:s0+$0x460] =	vst v5  }
0x18e: {  	[tilespmem:s0+$0x900] =	vst v8  }
0x18f: {  	[tilespmem:s0+$0x470] =	vst v5  }
0x190: {  	[tilespmem:s0+$0x910] =	vst v8  }
0x191: {  	[tilespmem:s0+$0x480] =	vst v5  }
0x192: {  	s16 =	simm.s32 @!p0 $0x1C05;
	s0 =	sadd.s32 $0x7F, s0;
	_ =	swait.ge [sflag:s4], $0x1380  }
0x193: {  	s31 =	sand.u32 $0x7F, s0;
	s20 =	sshra.s32 s0, $0x1F;
	p1 =	slt.s32 s0, $0x1  }
0x194: {  	[sflag:s4] =	ssyncset.done $0x0;
	s18 =	rddreg [dreg:$0x16];
	p2 =	sne.s32 s31, $0x0  }
0x195: {  	s20 =	sshrl.u32 s20, $0x19;
	[sflag:s4] =	ssyncadd.s32 $0xFFFFEC80;
	p1 =	por !p1, !p2  }
0x196: {  	[spmem:s15], [sflag:s16] =	dma.local @!p0 [hbm:s18], $0x80  }
0x197: {  	s0 =	sadd.s32 s20, s0;
	s20 =	simm.s32 $0x1;
	p1 =	por !p1, !p1  }
0x198: {  	s0 =	sshra.s32 s0, $0x7;
	s20 =	simm.s32 @!p1 $0x0  }
0x199: {  	s20 =	ssub.s32 s0, s20  }
0x19a: {  	s18 =	simm.s32 @!p0 $0x5;
	p1 =	slt.s32 s20, $0x1  }
.Ltmp11:
0x19b: {  	_ =	swait.ge @!p0 [sflag:s18], $0x80;
	(pc) =	sbr.rel @!p1 .LBB2_36-.Ltmp11, $4  }
.Ltmp12:
0x19c: {  	[sflag:s18] =	ssyncset.done @!p0 $0x0;
	(pc) =	sbr.rel @p1 .LBB2_41-.Ltmp12, $4  }
0x19d: {  	[sflag:s18] =	ssyncadd.s32 @!p0 $0xFFFFFF80  }
0x19e: {  	[bflag:$0x0] =	sbarrier.arrive $0xFFFF  }
0x19f: {  	s22 =	simm.s32 $0x0  }
0x1a0: {  	_ = 	snop  }
.LBB2_8:
0x1a1: {  	s23 =	sadd.s32 $0x1, s23  }
0x1a2: {  	p1 =	sne.s32 s23, s17  }
.Ltmp13:
0x1a3: {  	_ = 	snop;
	(pc) =	sbr.rel @!p1 .LBB2_9-.Ltmp13, $4  }
0x1a4: {  	[spmem:s21] =	stream.indirect.scatter.add.f32 [tilespmem:s7], [sflag:$0x5], $0x40, s9, s5, $0xb8;
	[tilespmem:$0x16730] =	vst v63  }
0x1a5: {  	_ =	swait.ge [sflag:s3], $0x2000  }
0x1a6: {  	[sflag:s3] =	ssyncset.done $0x0  }
0x1a7: {  	[sflag:s3] =	ssyncadd.s32 $0xFFFFE000  }
.LBB2_4:
0x1a8: {  	s26 =	sshll.u32 s23, $0x7  }
0x1a9: {  	v11 =	vld [tilespmem:s26+$0x400];
	_ =	sdelay $0x4  }
0x1aa: {  	[tilespmem:$0xD20] =	vst v11  }
0x1ab: {  	v11 =	vld [tilespmem:s26+$0x890];
	_ =	sdelay $0x4  }
0x1ac: {  	[tilespmem:$0xDA0] =	vst v11  }
0x1ad: {  	v11 =	vld [tilespmem:s26+$0x410];
	_ =	sdelay $0x4  }
0x1ae: {  	[tilespmem:$0xD30] =	vst v11  }
0x1af: {  	v11 =	vld [tilespmem:s26+$0x8A0];
	_ =	sdelay $0x4  }
0x1b0: {  	[tilespmem:$0xDB0] =	vst v11  }
0x1b1: {  	v11 =	vld [tilespmem:s26+$0x420];
	_ =	sdelay $0x4  }
0x1b2: {  	[tilespmem:$0xD40] =	vst v11  }
0x1b3: {  	v11 =	vld [tilespmem:s26+$0x8B0];
	_ =	sdelay $0x4  }
0x1b4: {  	[tilespmem:$0xDC0] =	vst v11  }
0x1b5: {  	v11 =	vld [tilespmem:s26+$0x430];
	_ =	sdelay $0x4  }
0x1b6: {  	[tilespmem:$0xD50] =	vst v11  }
0x1b7: {  	v11 =	vld [tilespmem:s26+$0x8C0];
	_ =	sdelay $0x4  }
0x1b8: {  	[tilespmem:$0xDD0] =	vst v11  }
0x1b9: {  	v11 =	vld [tilespmem:s26+$0x440];
	_ =	sdelay $0x4  }
0x1ba: {  	[tilespmem:$0xD60] =	vst v11  }
0x1bb: {  	v11 =	vld [tilespmem:s26+$0x8D0];
	_ =	sdelay $0x4  }
0x1bc: {  	[tilespmem:$0xDE0] =	vst v11  }
0x1bd: {  	v11 =	vld [tilespmem:s26+$0x450];
	_ =	sdelay $0x4  }
0x1be: {  	[tilespmem:$0xD70] =	vst v11  }
0x1bf: {  	v11 =	vld [tilespmem:s26+$0x8E0];
	_ =	sdelay $0x4  }
0x1c0: {  	[tilespmem:$0xDF0] =	vst v11  }
0x1c1: {  	v11 =	vld [tilespmem:s26+$0x460];
	_ =	sdelay $0x4  }
0x1c2: {  	[tilespmem:$0xD80] =	vst v11  }
0x1c3: {  	v11 =	vld [tilespmem:s26+$0x8F0];
	_ =	sdelay $0x4  }
0x1c4: {  	[tilespmem:$0xE00] =	vst v11  }
0x1c5: {  	v11 =	vld [tilespmem:s26+$0x470];
	_ =	sdelay $0x4  }
0x1c6: {  	[tilespmem:$0xD90] =	vst v11  }
0x1c7: {  	v11 =	vld [tilespmem:s26+$0x900]  }
0x1c8: {  	p1 =	slt.f32 s14, $1.000000000e+00;
	p2 =	sgt.f32 s14, $1.000000000e+00  }
0x1c9: {  	_ = 	snop  }
0x1ca: {  	p1 =	por p2, p1  }
0x1cb: {  	p1 =	por !p1, !p1  }
.Ltmp14:
0x1cc: {  	[tilespmem:$0xE10] =	vst v11;
	(pc) =	sbr.rel @p1 .LBB2_8-.Ltmp14, $4  }
0x1cd: {  	[tilespmem:s7], [sflag:$0x2] =	stream.indirect.gather [hbm4b:s25+s5], $0x40, s6, s5, $0xb8;
	[tilespmem:$0x16730] =	vst v63  }
0x1ce: {  	_ =	swait.ge [sflag:s8], $0x2000  }
0x1cf: {  	[sflag:s8] =	ssyncset.done $0x0  }
0x1d0: {  	[sflag:s8] =	ssyncadd.s32 $0xFFFFE000  }
0x1d1: {  	s26 =	simm.s32 $0x0  }
0x1d2: {  	v11 =	vld [tilespmem:s26+$0xE20]  }
0x1d3: {  	v13 =	vld [tilespmem:s26+$0xE30]  }
0x1d4: {  	s28 =	simm.s32 $0x100;
	v12 =	vld [tilespmem:s26+$0xE40]  }
.LBB2_6:
0x1d5: {  	p1 =	sne.s32 s28, $0x7F00;
	v14 =	vld [tilespmem:s26+$0xE50];
	_ =	sdelay $0x1  }
0x1d6: {  	v11 =	vmul.f32 v11, v9  }
.Ltmp15:
0x1d7: {  	v13 =	vmul.f32 v13, v9;
	(pc) =	sbr.rel @p1 .LBB2_6-.Ltmp15, $4  }
0x1d8: {  	s29 =	sshra.s32 s28, $0x2;
	[tilespmem:s26+$0xE20] =	vst v11;
	v12 =	vmul.f32 v12, v9  }
0x1d9: {  	v11 =	vld [tilespmem:s29+$0xE20];
	[tilespmem:s26+$0xE30] =	vst v13;
	v14 =	vmul.f32 v14, v9  }
0x1da: {  	v13 =	vld [tilespmem:s29+$0xE30];
	[tilespmem:s26+$0xE40] =	vst v12  }
0x1db: {  	s28 =	sadd.s32 $0x100, s28;
	v12 =	vld [tilespmem:s29+$0xE40];
	[tilespmem:s26+$0xE50] =	vst v14;
	s26 =	smov.u32 s29  }
0x1dc: {  	v14 =	vld [tilespmem:s26+$0xE50];
	_ =	sdelay $0x1  }
0x1dd: {  	v11 =	vmul.f32 v11, v9  }
.Ltmp16:
0x1de: {  	v13 =	vmul.f32 v13, v9;
	(pc) =	sbr.rel .LBB2_8-.Ltmp16, $4  }
0x1df: {  	[tilespmem:s26+$0xE20] =	vst v11;
	v11 =	vmul.f32 v12, v9  }
0x1e0: {  	[tilespmem:s26+$0xE30] =	vst v13;
	v63 =	vmul.f32 v14, v9  }
0x1e1: {  	[tilespmem:s26+$0xE40] =	vst v11  }
0x1e2: {  	[tilespmem:s26+$0xE50] =	vst v63  }
.LBB2_16:
0x1e3: {  	s29 =	sadd.s32 $0x1, s29  }
0x1e4: {  	p1 =	sne.s32 s29, s28  }
.Ltmp17:
0x1e5: {  	_ = 	snop;
	(pc) =	sbr.rel @!p1 .LBB2_17-.Ltmp17, $4  }
0x1e6: {  	[spmem:s24] =	stream.indirect.scatter.add.f32 [tilespmem:s7], [sflag:$0x5], $0x40, s9, s5, $0xb8;
	[tilespmem:$0x16730] =	vst v63  }
0x1e7: {  	_ =	swait.ge [sflag:s3], $0x2000  }
0x1e8: {  	[sflag:s3] =	ssyncset.done $0x0  }
0x1e9: {  	[sflag:s3] =	ssyncadd.s32 $0xFFFFE000  }
.LBB2_12:
0x1ea: {  	s30 =	sshll.u32 s29, $0x7  }
0x1eb: {  	v11 =	vld [tilespmem:s30+$0x400];
	_ =	sdelay $0x4  }
0x1ec: {  	[tilespmem:$0xD20] =	vst v11  }
0x1ed: {  	v11 =	vld [tilespmem:s30+$0x890];
	_ =	sdelay $0x4  }
0x1ee: {  	[tilespmem:$0xDA0] =	vst v11  }
0x1ef: {  	v11 =	vld [tilespmem:s30+$0x410];
	_ =	sdelay $0x4  }
0x1f0: {  	[tilespmem:$0xD30] =	vst v11  }
0x1f1: {  	v11 =	vld [tilespmem:s30+$0x8A0];
	_ =	sdelay $0x4  }
0x1f2: {  	[tilespmem:$0xDB0] =	vst v11  }
0x1f3: {  	v11 =	vld [tilespmem:s30+$0x420];
	_ =	sdelay $0x4  }
0x1f4: {  	[tilespmem:$0xD40] =	vst v11  }
0x1f5: {  	v11 =	vld [tilespmem:s30+$0x8B0];
	_ =	sdelay $0x4  }
0x1f6: {  	[tilespmem:$0xDC0] =	vst v11  }
0x1f7: {  	v11 =	vld [tilespmem:s30+$0x430];
	_ =	sdelay $0x4  }
0x1f8: {  	[tilespmem:$0xD50] =	vst v11  }
0x1f9: {  	v11 =	vld [tilespmem:s30+$0x8C0];
	_ =	sdelay $0x4  }
0x1fa: {  	[tilespmem:$0xDD0] =	vst v11  }
0x1fb: {  	v11 =	vld [tilespmem:s30+$0x440];
	_ =	sdelay $0x4  }
0x1fc: {  	[tilespmem:$0xD60] =	vst v11  }
0x1fd: {  	v11 =	vld [tilespmem:s30+$0x8D0];
	_ =	sdelay $0x4  }
0x1fe: {  	[tilespmem:$0xDE0] =	vst v11  }
0x1ff: {  	v11 =	vld [tilespmem:s30+$0x450];
	_ =	sdelay $0x4  }
0x200: {  	[tilespmem:$0xD70] =	vst v11  }
0x201: {  	v11 =	vld [tilespmem:s30+$0x8E0];
	_ =	sdelay $0x4  }
0x202: {  	[tilespmem:$0xDF0] =	vst v11  }
0x203: {  	v11 =	vld [tilespmem:s30+$0x460];
	_ =	sdelay $0x4  }
0x204: {  	[tilespmem:$0xD80] =	vst v11  }
0x205: {  	v11 =	vld [tilespmem:s30+$0x8F0];
	_ =	sdelay $0x4  }
0x206: {  	[tilespmem:$0xE00] =	vst v11  }
0x207: {  	v11 =	vld [tilespmem:s30+$0x470];
	_ =	sdelay $0x4  }
0x208: {  	[tilespmem:$0xD90] =	vst v11  }
0x209: {  	v11 =	vld [tilespmem:s30+$0x900]  }
0x20a: {  	p1 =	slt.f32 s14, $1.000000000e+00;
	p2 =	sgt.f32 s14, $1.000000000e+00  }
0x20b: {  	_ = 	snop  }
0x20c: {  	p1 =	por p2, p1  }
0x20d: {  	p1 =	por !p1, !p1  }
.Ltmp18:
0x20e: {  	[tilespmem:$0xE10] =	vst v11;
	(pc) =	sbr.rel @p1 .LBB2_16-.Ltmp18, $4  }
0x20f: {  	[tilespmem:s7], [sflag:$0x2] =	stream.indirect.gather [hbm4b:s25+s5], $0x40, s6, s5, $0xb8;
	[tilespmem:$0x16730] =	vst v63  }
0x210: {  	_ =	swait.ge [sflag:s8], $0x2000  }
0x211: {  	[sflag:s8] =	ssyncset.done $0x0  }
0x212: {  	[sflag:s8] =	ssyncadd.s32 $0xFFFFE000  }
0x213: {  	s30 =	simm.s32 $0x0  }
0x214: {  	v11 =	vld [tilespmem:s30+$0xE20]  }
0x215: {  	v13 =	vld [tilespmem:s30+$0xE30]  }
0x216: {  	s31 =	simm.s32 $0x100;
	v12 =	vld [tilespmem:s30+$0xE40]  }
.LBB2_14:
0x217: {  	p1 =	sne.s32 s31, $0x7F00;
	v14 =	vld [tilespmem:s30+$0xE50];
	_ =	sdelay $0x1  }
0x218: {  	v11 =	vmul.f32 v11, v9  }
.Ltmp19:
0x219: {  	v13 =	vmul.f32 v13, v9;
	(pc) =	sbr.rel @p1 .LBB2_14-.Ltmp19, $4  }
0x21a: {  	s0 =	sshra.s32 s31, $0x2;
	[tilespmem:s30+$0xE20] =	vst v11;
	v12 =	vmul.f32 v12, v9  }
0x21b: {  	v11 =	vld [tilespmem:s0+$0xE20];
	[tilespmem:s30+$0xE30] =	vst v13;
	v14 =	vmul.f32 v14, v9  }
0x21c: {  	v13 =	vld [tilespmem:s0+$0xE30];
	[tilespmem:s30+$0xE40] =	vst v12  }
0x21d: {  	s31 =	sadd.s32 $0x100, s31;
	v12 =	vld [tilespmem:s0+$0xE40];
	[tilespmem:s30+$0xE50] =	vst v14;
	s30 =	smov.u32 s0  }
0x21e: {  	v14 =	vld [tilespmem:s30+$0xE50];
	_ =	sdelay $0x1  }
0x21f: {  	v11 =	vmul.f32 v11, v9  }
.Ltmp20:
0x220: {  	v13 =	vmul.f32 v13, v9;
	(pc) =	sbr.rel .LBB2_16-.Ltmp20, $4  }
0x221: {  	[tilespmem:s30+$0xE20] =	vst v11;
	v11 =	vmul.f32 v12, v9  }
0x222: {  	[tilespmem:s30+$0xE30] =	vst v13;
	v63 =	vmul.f32 v14, v9  }
0x223: {  	[tilespmem:s30+$0xE40] =	vst v11  }
0x224: {  	[tilespmem:s30+$0xE50] =	vst v63  }
.LBB2_24:
0x225: {  	s29 =	sadd.s32 $0x1, s29  }
0x226: {  	p1 =	sne.s32 s29, s28  }
.Ltmp21:
0x227: {  	_ = 	snop;
	(pc) =	sbr.rel @!p1 .LBB2_25-.Ltmp21, $4  }
0x228: {  	[spmem:s21] =	stream.indirect.scatter.add.f32 [tilespmem:s7], [sflag:$0x5], $0x40, s9, s5, $0xb8;
	[tilespmem:$0x16730] =	vst v63  }
0x229: {  	_ =	swait.ge [sflag:s3], $0x2000  }
0x22a: {  	[sflag:s3] =	ssyncset.done $0x0  }
0x22b: {  	[sflag:s3] =	ssyncadd.s32 $0xFFFFE000  }
.LBB2_20:
0x22c: {  	s0 =	sshll.u32 s29, $0x7  }
0x22d: {  	v11 =	vld [tilespmem:s0+$0x400];
	_ =	sdelay $0x4  }
0x22e: {  	[tilespmem:$0xD20] =	vst v11  }
0x22f: {  	v11 =	vld [tilespmem:s0+$0x890];
	_ =	sdelay $0x4  }
0x230: {  	[tilespmem:$0xDA0] =	vst v11  }
0x231: {  	v11 =	vld [tilespmem:s0+$0x410];
	_ =	sdelay $0x4  }
0x232: {  	[tilespmem:$0xD30] =	vst v11  }
0x233: {  	v11 =	vld [tilespmem:s0+$0x8A0];
	_ =	sdelay $0x4  }
0x234: {  	[tilespmem:$0xDB0] =	vst v11  }
0x235: {  	v11 =	vld [tilespmem:s0+$0x420];
	_ =	sdelay $0x4  }
0x236: {  	[tilespmem:$0xD40] =	vst v11  }
0x237: {  	v11 =	vld [tilespmem:s0+$0x8B0];
	_ =	sdelay $0x4  }
0x238: {  	[tilespmem:$0xDC0] =	vst v11  }
0x239: {  	v11 =	vld [tilespmem:s0+$0x430];
	_ =	sdelay $0x4  }
0x23a: {  	[tilespmem:$0xD50] =	vst v11  }
0x23b: {  	v11 =	vld [tilespmem:s0+$0x8C0];
	_ =	sdelay $0x4  }
0x23c: {  	[tilespmem:$0xDD0] =	vst v11  }
0x23d: {  	v11 =	vld [tilespmem:s0+$0x440];
	_ =	sdelay $0x4  }
0x23e: {  	[tilespmem:$0xD60] =	vst v11  }
0x23f: {  	v11 =	vld [tilespmem:s0+$0x8D0];
	_ =	sdelay $0x4  }
0x240: {  	[tilespmem:$0xDE0] =	vst v11  }
0x241: {  	v11 =	vld [tilespmem:s0+$0x450];
	_ =	sdelay $0x4  }
0x242: {  	[tilespmem:$0xD70] =	vst v11  }
0x243: {  	v11 =	vld [tilespmem:s0+$0x8E0];
	_ =	sdelay $0x4  }
0x244: {  	[tilespmem:$0xDF0] =	vst v11  }
0x245: {  	v11 =	vld [tilespmem:s0+$0x460];
	_ =	sdelay $0x4  }
0x246: {  	[tilespmem:$0xD80] =	vst v11  }
0x247: {  	v11 =	vld [tilespmem:s0+$0x8F0];
	_ =	sdelay $0x4  }
0x248: {  	[tilespmem:$0xE00] =	vst v11  }
0x249: {  	v11 =	vld [tilespmem:s0+$0x470];
	_ =	sdelay $0x4  }
0x24a: {  	[tilespmem:$0xD90] =	vst v11  }
0x24b: {  	v11 =	vld [tilespmem:s0+$0x900]  }
0x24c: {  	p1 =	slt.f32 s14, $1.000000000e+00;
	p2 =	sgt.f32 s14, $1.000000000e+00  }
0x24d: {  	_ = 	snop  }
0x24e: {  	p1 =	por p2, p1  }
0x24f: {  	p1 =	por !p1, !p1  }
.Ltmp22:
0x250: {  	[tilespmem:$0xE10] =	vst v11;
	(pc) =	sbr.rel @p1 .LBB2_24-.Ltmp22, $4  }
0x251: {  	[tilespmem:s7], [sflag:$0x2] =	stream.indirect.gather [hbm4b:s25+s5], $0x40, s6, s5, $0xb8;
	[tilespmem:$0x16730] =	vst v63  }
0x252: {  	_ =	swait.ge [sflag:s8], $0x2000  }
0x253: {  	[sflag:s8] =	ssyncset.done $0x0  }
0x254: {  	[sflag:s8] =	ssyncadd.s32 $0xFFFFE000  }
0x255: {  	s30 =	simm.s32 $0x0  }
0x256: {  	v11 =	vld [tilespmem:s30+$0xE20]  }
0x257: {  	v13 =	vld [tilespmem:s30+$0xE30]  }
0x258: {  	s31 =	simm.s32 $0x100;
	v12 =	vld [tilespmem:s30+$0xE40]  }
.LBB2_22:
0x259: {  	p1 =	sne.s32 s31, $0x7F00;
	v14 =	vld [tilespmem:s30+$0xE50];
	_ =	sdelay $0x1  }
0x25a: {  	v11 =	vmul.f32 v11, v9  }
.Ltmp23:
0x25b: {  	v13 =	vmul.f32 v13, v9;
	(pc) =	sbr.rel @p1 .LBB2_22-.Ltmp23, $4  }
0x25c: {  	s0 =	sshra.s32 s31, $0x2;
	[tilespmem:s30+$0xE20] =	vst v11;
	v12 =	vmul.f32 v12, v9  }
0x25d: {  	v11 =	vld [tilespmem:s0+$0xE20];
	[tilespmem:s30+$0xE30] =	vst v13;
	v14 =	vmul.f32 v14, v9  }
0x25e: {  	v13 =	vld [tilespmem:s0+$0xE30];
	[tilespmem:s30+$0xE40] =	vst v12  }
0x25f: {  	s31 =	sadd.s32 $0x100, s31;
	v12 =	vld [tilespmem:s0+$0xE40];
	[tilespmem:s30+$0xE50] =	vst v14;
	s30 =	smov.u32 s0  }
0x260: {  	v14 =	vld [tilespmem:s30+$0xE50];
	_ =	sdelay $0x1  }
0x261: {  	v11 =	vmul.f32 v11, v9  }
.Ltmp24:
0x262: {  	v13 =	vmul.f32 v13, v9;
	(pc) =	sbr.rel .LBB2_24-.Ltmp24, $4  }
0x263: {  	[tilespmem:s30+$0xE20] =	vst v11;
	v11 =	vmul.f32 v12, v9  }
0x264: {  	[tilespmem:s30+$0xE30] =	vst v13;
	v63 =	vmul.f32 v14, v9  }
0x265: {  	[tilespmem:s30+$0xE40] =	vst v11  }
0x266: {  	[tilespmem:s30+$0xE50] =	vst v63  }
.LBB2_32:
0x267: {  	s29 =	sadd.s32 $0x1, s29  }
0x268: {  	p1 =	sne.s32 s29, s28  }
.Ltmp25:
0x269: {  	_ = 	snop;
	(pc) =	sbr.rel @!p1 .LBB2_33-.Ltmp25, $4  }
0x26a: {  	[spmem:s24] =	stream.indirect.scatter.add.f32 [tilespmem:s7], [sflag:$0x5], $0x40, s9, s5, $0xb8;
	[tilespmem:$0x16730] =	vst v63  }
0x26b: {  	_ =	swait.ge [sflag:s3], $0x2000  }
0x26c: {  	[sflag:s3] =	ssyncset.done $0x0  }
0x26d: {  	[sflag:s3] =	ssyncadd.s32 $0xFFFFE000  }
.LBB2_28:
0x26e: {  	s0 =	sshll.u32 s29, $0x7  }
0x26f: {  	v11 =	vld [tilespmem:s0+$0x400];
	_ =	sdelay $0x4  }
0x270: {  	[tilespmem:$0xD20] =	vst v11  }
0x271: {  	v11 =	vld [tilespmem:s0+$0x890];
	_ =	sdelay $0x4  }
0x272: {  	[tilespmem:$0xDA0] =	vst v11  }
0x273: {  	v11 =	vld [tilespmem:s0+$0x410];
	_ =	sdelay $0x4  }
0x274: {  	[tilespmem:$0xD30] =	vst v11  }
0x275: {  	v11 =	vld [tilespmem:s0+$0x8A0];
	_ =	sdelay $0x4  }
0x276: {  	[tilespmem:$0xDB0] =	vst v11  }
0x277: {  	v11 =	vld [tilespmem:s0+$0x420];
	_ =	sdelay $0x4  }
0x278: {  	[tilespmem:$0xD40] =	vst v11  }
0x279: {  	v11 =	vld [tilespmem:s0+$0x8B0];
	_ =	sdelay $0x4  }
0x27a: {  	[tilespmem:$0xDC0] =	vst v11  }
0x27b: {  	v11 =	vld [tilespmem:s0+$0x430];
	_ =	sdelay $0x4  }
0x27c: {  	[tilespmem:$0xD50] =	vst v11  }
0x27d: {  	v11 =	vld [tilespmem:s0+$0x8C0];
	_ =	sdelay $0x4  }
0x27e: {  	[tilespmem:$0xDD0] =	vst v11  }
0x27f: {  	v11 =	vld [tilespmem:s0+$0x440];
	_ =	sdelay $0x4  }
0x280: {  	[tilespmem:$0xD60] =	vst v11  }
0x281: {  	v11 =	vld [tilespmem:s0+$0x8D0];
	_ =	sdelay $0x4  }
0x282: {  	[tilespmem:$0xDE0] =	vst v11  }
0x283: {  	v11 =	vld [tilespmem:s0+$0x450];
	_ =	sdelay $0x4  }
0x284: {  	[tilespmem:$0xD70] =	vst v11  }
0x285: {  	v11 =	vld [tilespmem:s0+$0x8E0];
	_ =	sdelay $0x4  }
0x286: {  	[tilespmem:$0xDF0] =	vst v11  }
0x287: {  	v11 =	vld [tilespmem:s0+$0x460];
	_ =	sdelay $0x4  }
0x288: {  	[tilespmem:$0xD80] =	vst v11  }
0x289: {  	v11 =	vld [tilespmem:s0+$0x8F0];
	_ =	sdelay $0x4  }
0x28a: {  	[tilespmem:$0xE00] =	vst v11  }
0x28b: {  	v11 =	vld [tilespmem:s0+$0x470];
	_ =	sdelay $0x4  }
0x28c: {  	[tilespmem:$0xD90] =	vst v11  }
0x28d: {  	v11 =	vld [tilespmem:s0+$0x900]  }
0x28e: {  	p1 =	slt.f32 s14, $1.000000000e+00;
	p2 =	sgt.f32 s14, $1.000000000e+00  }
0x28f: {  	_ = 	snop  }
0x290: {  	p1 =	por p2, p1  }
0x291: {  	p1 =	por !p1, !p1  }
.Ltmp26:
0x292: {  	[tilespmem:$0xE10] =	vst v11;
	(pc) =	sbr.rel @p1 .LBB2_32-.Ltmp26, $4  }
0x293: {  	[tilespmem:s7], [sflag:$0x2] =	stream.indirect.gather [hbm4b:s25+s5], $0x40, s6, s5, $0xb8;
	[tilespmem:$0x16730] =	vst v63  }
0x294: {  	_ =	swait.ge [sflag:s8], $0x2000  }
0x295: {  	[sflag:s8] =	ssyncset.done $0x0  }
0x296: {  	[sflag:s8] =	ssyncadd.s32 $0xFFFFE000  }
0x297: {  	s30 =	simm.s32 $0x0  }
0x298: {  	v11 =	vld [tilespmem:s30+$0xE20]  }
0x299: {  	v13 =	vld [tilespmem:s30+$0xE30]  }
0x29a: {  	s31 =	simm.s32 $0x100;
	v12 =	vld [tilespmem:s30+$0xE40]  }
.LBB2_30:
0x29b: {  	p1 =	sne.s32 s31, $0x7F00;
	v14 =	vld [tilespmem:s30+$0xE50];
	_ =	sdelay $0x1  }
0x29c: {  	v11 =	vmul.f32 v11, v9  }
.Ltmp27:
0x29d: {  	v13 =	vmul.f32 v13, v9;
	(pc) =	sbr.rel @p1 .LBB2_30-.Ltmp27, $4  }
0x29e: {  	s0 =	sshra.s32 s31, $0x2;
	[tilespmem:s30+$0xE20] =	vst v11;
	v12 =	vmul.f32 v12, v9  }
0x29f: {  	v11 =	vld [tilespmem:s0+$0xE20];
	[tilespmem:s30+$0xE30] =	vst v13;
	v14 =	vmul.f32 v14, v9  }
0x2a0: {  	v13 =	vld [tilespmem:s0+$0xE30];
	[tilespmem:s30+$0xE40] =	vst v12  }
0x2a1: {  	s31 =	sadd.s32 $0x100, s31;
	v12 =	vld [tilespmem:s0+$0xE40];
	[tilespmem:s30+$0xE50] =	vst v14;
	s30 =	smov.u32 s0  }
0x2a2: {  	v14 =	vld [tilespmem:s30+$0xE50];
	_ =	sdelay $0x1  }
0x2a3: {  	v11 =	vmul.f32 v11, v9  }
.Ltmp28:
0x2a4: {  	v13 =	vmul.f32 v13, v9;
	(pc) =	sbr.rel .LBB2_32-.Ltmp28, $4  }
0x2a5: {  	[tilespmem:s30+$0xE20] =	vst v11;
	v11 =	vmul.f32 v12, v9  }
0x2a6: {  	[tilespmem:s30+$0xE30] =	vst v13;
	v63 =	vmul.f32 v14, v9  }
0x2a7: {  	[tilespmem:s30+$0xE40] =	vst v11  }
0x2a8: {  	[tilespmem:s30+$0xE50] =	vst v63  }
.LBB2_40:
0x2a9: {  	s22 =	sadd.s32 $0x1, s22  }
0x2aa: {  	p1 =	sne.s32 s22, s20  }
.Ltmp29:
0x2ab: {  	_ = 	snop;
	(pc) =	sbr.rel @!p1 .LBB2_41-.Ltmp29, $4  }
0x2ac: {  	[spmem:s21] =	stream.indirect.scatter.add.f32 [tilespmem:s7], [sflag:$0x5], $0x40, s9, s5, $0xb8;
	[tilespmem:$0x16730] =	vst v63  }
0x2ad: {  	_ =	swait.ge [sflag:s3], $0x2000  }
0x2ae: {  	[sflag:s3] =	ssyncset.done $0x0  }
0x2af: {  	[sflag:s3] =	ssyncadd.s32 $0xFFFFE000  }
.LBB2_36:
0x2b0: {  	s0 =	sshll.u32 s22, $0x7  }
0x2b1: {  	v10 =	vld [tilespmem:s0+$0x400];
	_ =	sdelay $0x4  }
0x2b2: {  	[tilespmem:$0xD20] =	vst v10  }
0x2b3: {  	v10 =	vld [tilespmem:s0+$0x890];
	_ =	sdelay $0x4  }
0x2b4: {  	[tilespmem:$0xDA0] =	vst v10  }
0x2b5: {  	v10 =	vld [tilespmem:s0+$0x410];
	_ =	sdelay $0x4  }
0x2b6: {  	[tilespmem:$0xD30] =	vst v10  }
0x2b7: {  	v10 =	vld [tilespmem:s0+$0x8A0];
	_ =	sdelay $0x4  }
0x2b8: {  	[tilespmem:$0xDB0] =	vst v10  }
0x2b9: {  	v10 =	vld [tilespmem:s0+$0x420];
	_ =	sdelay $0x4  }
0x2ba: {  	[tilespmem:$0xD40] =	vst v10  }
0x2bb: {  	v10 =	vld [tilespmem:s0+$0x8B0];
	_ =	sdelay $0x4  }
0x2bc: {  	[tilespmem:$0xDC0] =	vst v10  }
0x2bd: {  	v10 =	vld [tilespmem:s0+$0x430];
	_ =	sdelay $0x4  }
0x2be: {  	[tilespmem:$0xD50] =	vst v10  }
0x2bf: {  	v10 =	vld [tilespmem:s0+$0x8C0];
	_ =	sdelay $0x4  }
0x2c0: {  	[tilespmem:$0xDD0] =	vst v10  }
0x2c1: {  	v10 =	vld [tilespmem:s0+$0x440];
	_ =	sdelay $0x4  }
0x2c2: {  	[tilespmem:$0xD60] =	vst v10  }
0x2c3: {  	v10 =	vld [tilespmem:s0+$0x8D0];
	_ =	sdelay $0x4  }
0x2c4: {  	[tilespmem:$0xDE0] =	vst v10  }
0x2c5: {  	v10 =	vld [tilespmem:s0+$0x450];
	_ =	sdelay $0x4  }
0x2c6: {  	[tilespmem:$0xD70] =	vst v10  }
0x2c7: {  	v10 =	vld [tilespmem:s0+$0x8E0];
	_ =	sdelay $0x4  }
0x2c8: {  	[tilespmem:$0xDF0] =	vst v10  }
0x2c9: {  	v10 =	vld [tilespmem:s0+$0x460];
	_ =	sdelay $0x4  }
0x2ca: {  	[tilespmem:$0xD80] =	vst v10  }
0x2cb: {  	v10 =	vld [tilespmem:s0+$0x8F0];
	_ =	sdelay $0x4  }
0x2cc: {  	[tilespmem:$0xE00] =	vst v10  }
0x2cd: {  	v10 =	vld [tilespmem:s0+$0x470];
	_ =	sdelay $0x4  }
0x2ce: {  	[tilespmem:$0xD90] =	vst v10  }
0x2cf: {  	v10 =	vld [tilespmem:s0+$0x900]  }
0x2d0: {  	p1 =	slt.f32 s14, $1.000000000e+00;
	p2 =	sgt.f32 s14, $1.000000000e+00  }
0x2d1: {  	_ = 	snop  }
0x2d2: {  	p1 =	por p2, p1  }
0x2d3: {  	p1 =	por !p1, !p1  }
.Ltmp30:
0x2d4: {  	[tilespmem:$0xE10] =	vst v10;
	(pc) =	sbr.rel @p1 .LBB2_40-.Ltmp30, $4  }
0x2d5: {  	[tilespmem:s7], [sflag:$0x2] =	stream.indirect.gather [hbm4b:s25+s5], $0x40, s6, s5, $0xb8;
	[tilespmem:$0x16730] =	vst v63  }
0x2d6: {  	_ =	swait.ge [sflag:s8], $0x2000  }
0x2d7: {  	[sflag:s8] =	ssyncset.done $0x0  }
0x2d8: {  	[sflag:s8] =	ssyncadd.s32 $0xFFFFE000  }
0x2d9: {  	s23 =	simm.s32 $0x0  }
0x2da: {  	v10 =	vld [tilespmem:s23+$0xE20]  }
0x2db: {  	v12 =	vld [tilespmem:s23+$0xE30]  }
0x2dc: {  	s26 =	simm.s32 $0x100;
	v11 =	vld [tilespmem:s23+$0xE40]  }
.LBB2_38:
0x2dd: {  	p1 =	sne.s32 s26, $0x7F00;
	v13 =	vld [tilespmem:s23+$0xE50];
	_ =	sdelay $0x1  }
0x2de: {  	v10 =	vmul.f32 v10, v9  }
.Ltmp31:
0x2df: {  	v12 =	vmul.f32 v12, v9;
	(pc) =	sbr.rel @p1 .LBB2_38-.Ltmp31, $4  }
0x2e0: {  	s0 =	sshra.s32 s26, $0x2;
	[tilespmem:s23+$0xE20] =	vst v10;
	v11 =	vmul.f32 v11, v9  }
0x2e1: {  	v10 =	vld [tilespmem:s0+$0xE20];
	[tilespmem:s23+$0xE30] =	vst v12;
	v13 =	vmul.f32 v13, v9  }
0x2e2: {  	v12 =	vld [tilespmem:s0+$0xE30];
	[tilespmem:s23+$0xE40] =	vst v11  }
0x2e3: {  	s26 =	sadd.s32 $0x100, s26;
	v11 =	vld [tilespmem:s0+$0xE40];
	[tilespmem:s23+$0xE50] =	vst v13;
	s23 =	smov.u32 s0  }
0x2e4: {  	v13 =	vld [tilespmem:s23+$0xE50];
	_ =	sdelay $0x1  }
0x2e5: {  	v10 =	vmul.f32 v10, v9  }
.Ltmp32:
0x2e6: {  	v12 =	vmul.f32 v12, v9;
	(pc) =	sbr.rel .LBB2_40-.Ltmp32, $4  }
0x2e7: {  	[tilespmem:s23+$0xE20] =	vst v10;
	v10 =	vmul.f32 v11, v9  }
0x2e8: {  	[tilespmem:s23+$0xE30] =	vst v12;
	v11 =	vmul.f32 v13, v9  }
0x2e9: {  	[tilespmem:s23+$0xE40] =	vst v10  }
0x2ea: {  	[tilespmem:s23+$0xE50] =	vst v11  }
.LBB2_42:
0x2eb: {  	_ =	sfence.sel $0x180000  }
0x2ec: {  	[bflag:$0x0] =	sbarrier.arrive $0xFFFF  }
0x2ed: {  	_ =	strace $0x90000047  }
0x2ee: {  	[bflag:$0x2] =	sbarrier.arrive $0xFFFF  }
0x2ef: {  	s0 =	rddreg [dreg:$0x4]  }
0x2f0: {  	s0 =	sadd.s32 @!p0 $0x100000, s0  }
0x2f1: {  	[sflag:s0] =	ssyncadd.tile.s32 @!p0 $0x1;
	_ =	shalt  }
.Lfunc_end2:
_tile_overlayer_lowered:
.L_overlay_start_2:
0x2f2: {  	(tag) =	ssettag $0x2  }
0x2f3: {  	s0 =	rddreg [dreg:$0x0];
	s2 =	stileid.u32  }
0x2f4: {  	s1 =	rddreg [dreg:$0x1];
	p0 =	sne.s32 s2, $0x0  }
0x2f5: {  	s3 =	rddreg [dreg:$0x2];
	[bflag:$0x3] =	sbarrier.arrive $0xFFFF;
	s2 =	simm.s32 @!p0 $0x1C05  }
0x2f6: {  	[timem:s3], [sflag:s2] =	dma.local @!p0 [hbm:s0], s1  }
0x2f7: {  	s0 =	simm.s32 @!p0 $0x5  }
0x2f8: {  	_ =	swait.ge @!p0 [sflag:s0], s1  }
0x2f9: {  	s1 =	ssub.s32 @!p0 $0x0, s1;
	[sflag:s0] =	ssyncset.done @!p0 $0x0  }
0x2fa: {  	[sflag:s0] =	ssyncadd.s32 @!p0 s1  }
0x2fb: {  	[bflag:$0x3] =	sbarrier.arrive $0xFFFF  }
0x2fc: {  	_ =	shalt  }

</sc_bundles>
